<compile_context>
chip_gen: v7x
topology: tpu7x:2x2x1
jax: 0.10.2.dev20260603
libtpu: 0.0.44.dev20260713+nightly
codegen_flags: <defaults>
</compile_context>

<pallas_src>
import functools

import jax
import jax.numpy as jnp
from jax import lax
from jax.experimental import pallas as pl
from jax.experimental.pallas import tpu as pltpu
from jax.experimental.pallas import tpu_sc as plsc

N = 10000
E = 320000
F_IN = 128
HID = 64
C = 64

NC = 2
NS = 16
NW = NC * NS
EPT = E // NW
KB = 128
NFULL = EPT // KB
TAIL = EPT - NFULL * KB
NBUF = 6
NRINGS = NFULL // NBUF
NSTR = 10
SPL = N // NSTR

_mesh = plsc.VectorSubcoreMesh(core_axis_name="c", subcore_axis_name="s")



def _deg_body(ei_hbm, zeros_hbm, deg_out, dst_all, ones_v, sem, acc_sh):
    c = lax.axis_index("c")
    s = lax.axis_index("s")
    wid = c * NS + s

    @pl.when(s == 0)
    def _zero():
        pltpu.sync_copy(zeros_hbm, acc_sh)

    for j in range(KB // 16):
        ones_v[pl.ds(16 * j, 16)] = jnp.ones((16,), jnp.float32)

    pltpu.sync_copy(ei_hbm.at[1, pl.ds(wid * EPT, EPT)], dst_all)
    plsc.subcore_barrier()

    @pl.loop(0, NFULL)
    def _fire(i):
        pltpu.async_copy(ones_v, acc_sh.at[dst_all.at[pl.ds(i * KB, KB)]],
                         sem, add=True)

    pltpu.async_copy(ones_v.at[pl.ds(0, TAIL)],
                     acc_sh.at[dst_all.at[pl.ds(NFULL * KB, TAIL)]],
                     sem, add=True)

    @pl.loop(0, NFULL)
    def _drain(i):
        pltpu.make_async_copy(ones_v, acc_sh.at[dst_all.at[pl.ds(0, KB)]],
                              sem).wait()

    pltpu.make_async_copy(ones_v.at[pl.ds(0, TAIL)],
                          acc_sh.at[dst_all.at[pl.ds(0, TAIL)]], sem).wait()

    plsc.subcore_barrier()

    @pl.when(s == 0)
    def _out():
        pltpu.sync_copy(acc_sh, deg_out.at[c])


_deg_call = pl.kernel(
    _deg_body,
    out_type=jax.ShapeDtypeStruct((NC, N), jnp.float32),
    mesh=_mesh,
    compiler_params=pltpu.CompilerParams(use_tc_tiling_on_sc=False),
    scratch_types=[
        pltpu.VMEM((EPT,), jnp.int32),
        pltpu.VMEM((KB,), jnp.float32),
        pltpu.SemaphoreType.DMA,
        pltpu.VMEM_SHARED((N,), jnp.float32),
    ],
)


def _agg_body(hs_hbm, ei_hbm, zeros_hbm, out_hbm,
              src_all, dst_all, rows, gsem, ssem, acc_sh):
    c = lax.axis_index("c")
    s = lax.axis_index("s")
    wid = c * NS + s

    @pl.when(s < NSTR)
    def _zero():
        pltpu.sync_copy(zeros_hbm.at[pl.ds(s * SPL, SPL)],
                        acc_sh.at[pl.ds(s * SPL, SPL)])

    pltpu.sync_copy(ei_hbm.at[0, pl.ds(wid * EPT, EPT)], src_all)
    pltpu.sync_copy(ei_hbm.at[1, pl.ds(wid * EPT, EPT)], dst_all)
    plsc.subcore_barrier()

    def gather_start(i, b):
        pltpu.async_copy(hs_hbm.at[src_all.at[pl.ds(i * KB, KB)]],
                         rows.at[b], gsem.at[b])

    def gather_wait(b):
        pltpu.make_async_copy(hs_hbm.at[src_all.at[pl.ds(0, KB)]],
                              rows.at[b], gsem.at[b]).wait()

    def scatter_start(i, b):
        pltpu.async_copy(rows.at[b], acc_sh.at[dst_all.at[pl.ds(i * KB, KB)]],
                         ssem.at[b], add=True)

    def scatter_wait(b):
        pltpu.make_async_copy(rows.at[b], acc_sh.at[dst_all.at[pl.ds(0, KB)]],
                              ssem.at[b]).wait()

    for b in range(NBUF):
        gather_start(b, b)

    @pl.loop(0, NRINGS)
    def _ring(g):
        i0 = g * NBUF
        for b in range(NBUF):
            gather_wait(b)
            scatter_start(i0 + b, b)
        for b in range(NBUF):
            nxt = i0 + NBUF + b

            @pl.when(nxt < NFULL)
            def _prefetch(nxt=nxt, b=b):
                scatter_wait(b)
                gather_start(nxt, b)

    for b in range(NBUF):
        scatter_wait(b)

    pltpu.async_copy(hs_hbm.at[src_all.at[pl.ds(NFULL * KB, TAIL)]],
                     rows.at[0, pl.ds(0, TAIL)], gsem.at[0])
    pltpu.make_async_copy(hs_hbm.at[src_all.at[pl.ds(0, TAIL)]],
                          rows.at[0, pl.ds(0, TAIL)], gsem.at[0]).wait()
    pltpu.async_copy(rows.at[0, pl.ds(0, TAIL)],
                     acc_sh.at[dst_all.at[pl.ds(NFULL * KB, TAIL)]],
                     ssem.at[0], add=True)
    pltpu.make_async_copy(rows.at[0, pl.ds(0, TAIL)],
                          acc_sh.at[dst_all.at[pl.ds(0, TAIL)]],
                          ssem.at[0]).wait()

    plsc.subcore_barrier()

    @pl.when(s < NSTR)
    def _out():
        pltpu.sync_copy(acc_sh.at[pl.ds(s * SPL, SPL)],
                        out_hbm.at[c, pl.ds(s * SPL, SPL)])


_agg_call = pl.kernel(
    _agg_body,
    out_type=jax.ShapeDtypeStruct((NC, N, HID), jnp.float32),
    mesh=_mesh,
    compiler_params=pltpu.CompilerParams(use_tc_tiling_on_sc=False),
    scratch_types=[
        pltpu.VMEM((EPT,), jnp.int32),
        pltpu.VMEM((EPT,), jnp.int32),
        pltpu.VMEM((NBUF, KB, HID), jnp.float32),
        pltpu.SemaphoreType.DMA((NBUF,)),
        pltpu.SemaphoreType.DMA((NBUF,)),
        pltpu.VMEM_SHARED((N, HID), jnp.float32),
    ],
)



NP = N // 2
PB = 1000
PW = 2 * HID


def _mm1_body(xp_ref, w_ref, dinv_ref, hs_ref):
    h = jnp.dot(xp_ref[...], w_ref[...], preferred_element_type=jnp.float32)
    hs_ref[...] = h * dinv_ref[...]


def _mid_body(a0_ref, a1_ref, hs_ref, dinv_ref, b_ref, w_ref, out_ref):
    dinv = dinv_ref[...]
    z = dinv * (a0_ref[...] + a1_ref[...] + hs_ref[...]) + b_ref[...]
    a = jnp.maximum(z, 0.0)
    out_ref[...] = dinv * jnp.dot(a, w_ref[...],
                                  preferred_element_type=jnp.float32)


def _fin_body(a0_ref, a1_ref, hs_ref, dinv_ref, b_ref, out_ref):
    z = dinv_ref[...] * (a0_ref[...] + a1_ref[...] + hs_ref[...]) + b_ref[...]
    z1 = z[:, :HID]
    z2 = z[:, HID:]

    def lsm(zz):
        m = jnp.max(zz, axis=1, keepdims=True)
        e = jnp.exp(zz - m)
        return zz - (jnp.log(jnp.sum(e, axis=1, keepdims=True)) + m)

    out_ref[...] = jnp.concatenate([lsm(z1), lsm(z2)], axis=1)


def _pspec(cols=PW):
    return pl.BlockSpec((PB, cols), lambda i: (i, 0))


def _wspec(rows, cols):
    return pl.BlockSpec((rows, cols), lambda i: (0, 0))


_a1spec = pl.BlockSpec((PB, PW), lambda i: (i + NP // PB, 0))

_mm1 = pl.pallas_call(
    _mm1_body,
    grid=(NP // PB,),
    in_specs=[_pspec(2 * F_IN), _wspec(2 * F_IN, PW), _pspec()],
    out_specs=_pspec(),
    out_shape=jax.ShapeDtypeStruct((NP, PW), jnp.float32),
)

_mid = pl.pallas_call(
    _mid_body,
    grid=(NP // PB,),
    in_specs=[_pspec(), _a1spec, _pspec(), _pspec(),
              _wspec(1, PW), _wspec(PW, PW)],
    out_specs=_pspec(),
    out_shape=jax.ShapeDtypeStruct((NP, PW), jnp.float32),
)

_fin = pl.pallas_call(
    _fin_body,
    grid=(NP // PB,),
    in_specs=[_pspec(), _a1spec, _pspec(), _pspec(), _wspec(1, PW)],
    out_specs=_pspec(),
    out_shape=jax.ShapeDtypeStruct((NP, PW), jnp.float32),
)


def _blockdiag(w):
    z = jnp.zeros_like(w)
    return jnp.concatenate(
        [jnp.concatenate([w, z], axis=1), jnp.concatenate([z, w], axis=1)],
        axis=0)



def kernel(x, edge_index, W1, b1, W2, b2, W3, b3):
    zeros_n = jnp.zeros((N,), jnp.float32)
    zeros_nh = jnp.zeros((N, HID), jnp.float32)

    xp = x.reshape(NP, 2 * F_IN)
    W1b = _blockdiag(W1)
    W2b = _blockdiag(W2)
    W3b = _blockdiag(W3)
    b1p = jnp.concatenate([b1, b1]).reshape(1, PW)
    b2p = jnp.concatenate([b2, b2]).reshape(1, PW)
    b3p = jnp.concatenate([b3, b3]).reshape(1, PW)

    deg_pair = _deg_call(edge_index, zeros_n)
    dinv = lax.rsqrt(deg_pair[0] + deg_pair[1] + 1.0)
    dinv_p = jnp.repeat(dinv, HID).reshape(NP, PW)

    hs1p = _mm1(xp, W1b, dinv_p)
    agg1 = _agg_call(hs1p.reshape(N, HID), edge_index, zeros_nh)
    aggv1 = agg1.reshape(N, PW)
    hs2p = _mid(aggv1, aggv1, hs1p, dinv_p, b1p, W2b)
    agg2 = _agg_call(hs2p.reshape(N, HID), edge_index, zeros_nh)
    aggv2 = agg2.reshape(N, PW)
    hs3p = _mid(aggv2, aggv2, hs2p, dinv_p, b2p, W3b)
    agg3 = _agg_call(hs3p.reshape(N, HID), edge_index, zeros_nh)
    aggv3 = agg3.reshape(N, PW)
    outp = _fin(aggv3, aggv3, hs3p, dinv_p, b3p)
    return outp.reshape(N, C)

# --- scband reference (transcript-rebuilt; emitter-appended) ---
"""Pipeline reference for scband-deep-gcn-3453153706770 (READ-ONLY COPY).

The authoritative reference and input builder live on the scoring server;
editing this copy changes nothing except your own understanding.
"""

import jax, jax.numpy as jnp
import numpy as np

N = 10000
E = 320000
F_IN = 128
HID = 64
C = 64


def glorot(key, shape):
    fan_in, fan_out = shape[0], shape[1]
    lim = float(np.sqrt(6.0 / (fan_in + fan_out)))
    return jax.random.uniform(key, shape, dtype=jnp.float32, minval=-lim, maxval=lim)


def setup_inputs(seed: int = 0) -> dict:
    key = jax.random.key(seed)
    ks = jax.random.split(key, 8)
    x = jax.random.normal(ks[0], (N, F_IN), dtype=jnp.float32)
    edge_index = jax.random.randint(ks[1], (2, E), 0, N, dtype=jnp.int32)
    W1 = glorot(ks[2], (F_IN, HID))
    b1 = jnp.zeros((HID,), dtype=jnp.float32)
    W2 = glorot(ks[3], (HID, HID))
    b2 = jnp.zeros((HID,), dtype=jnp.float32)
    W3 = glorot(ks[4], (HID, C))
    b3 = jnp.zeros((C,), dtype=jnp.float32)
    return {"x": x, "edge_index": edge_index, "W1": W1, "b1": b1, "W2": W2, "b2": b2, "W3": W3, "b3": b3}


def gcn_conv(x, src, dst, W, b):
    # GCNConv: D^{-1/2} (A + I) D^{-1/2} X W + b
    n = x.shape[0]
    h = x @ W
    loop = jnp.arange(n, dtype=src.dtype)
    s = jnp.concatenate([src, loop])
    d = jnp.concatenate([dst, loop])
    deg = jnp.zeros((n,), dtype=jnp.float32).at[d].add(1.0)
    dinv = jax.lax.rsqrt(jnp.maximum(deg, 1.0))
    norm = dinv[s] * dinv[d]
    msg = h[s] * norm[:, None]
    out = jnp.zeros((n, h.shape[1]), dtype=h.dtype).at[d].add(msg)
    return out + b


def reference(x, edge_index, W1, b1, W2, b2, W3, b3):
    src = edge_index[0]
    dst = edge_index[1]
    h = gcn_conv(x, src, dst, W1, b1)
    h = jax.nn.relu(h)
    # dropout is identity in eval mode (training=False)
    h = gcn_conv(h, src, dst, W2, b2)
    h = jax.nn.relu(h)
    h = gcn_conv(h, src, dst, W3, b3)
    return jax.nn.log_softmax(h, axis=1)

if __name__ == "__main__":
    import jax
    _d = setup_inputs()
    print(jax.jit(kernel)(*tuple(_d.values())))

</pallas_src>

<mosaic_0001>
#map = affine_map<(d0, d1) -> (0, 0)>
#map1 = affine_map<(d0, d1) -> (0, 0, 0)>
module attributes {stable_mosaic.version = 14 : i64} {
  func.func @_agg_body(%arg0: i32, %arg1: i32, %arg2: memref<10000x64xf32, #tpu.memory_space<hbm>>, %arg3: memref<2x320000xi32, #tpu.memory_space<hbm>>, %arg4: memref<10000x64xf32, #tpu.memory_space<hbm>>, %arg5: memref<2x10000x64xf32, #tpu.memory_space<hbm>>, %arg6: memref<10000xi32, #tpu.memory_space<vmem>>, %arg7: memref<10000xi32, #tpu.memory_space<vmem>>, %arg8: memref<6x128x64xf32, #tpu.memory_space<vmem>>, %arg9: memref<6x!tpu.dma_semaphore, #tpu.memory_space<semaphore_mem>>, %arg10: memref<6x!tpu.dma_semaphore, #tpu.memory_space<semaphore_mem>>, %arg11: memref<10000x64xf32, #tpu.memory_space<vmem_shared>>) attributes {dimension_semantics = [#tpu.dimension_semantics<core_parallel>, #tpu.dimension_semantics<subcore_parallel>], iteration_bounds = array<i64: 2, 16>, scalar_prefetch = 0 : i64, scratch_operands = 6 : i64, tpu.core_type = #tpu.core_type<sc_vector_subcore>, window_params = [{transform_indices = #map}, {transform_indices = #map}, {transform_indices = #map}, {transform_indices = #map1}]} {
    %mul3A = arith.constant 16 : i32
    %mul3A_0 = arith.muli %arg0, %mul3A : i32
    %add3A = arith.addi %mul3A_0, %arg1 : i32
    %lt3A = arith.constant 10 : i32
    %lt3A_1 = arith.cmpi slt, %arg1, %lt3A : i32
    %convert_element_type3A = arith.extui %lt3A_1 : i1 to i32
    %cond3A = arith.constant 0 : i32
    %cond3A_2 = arith.cmpi ne, %convert_element_type3A, %cond3A : i32
    scf.if %cond3A_2 {
      %mul3A_224 = arith.constant 1000 : i32
      %mul3A_225 = arith.muli %arg1, %mul3A_224 : i32
      %mul3A_226 = arith.constant 1000 : i32
      %mul3A_227 = arith.muli %arg1, %mul3A_226 : i32
      "tpu.region"() ({
        %run_scoped3A_228 = tpu.sem_alloc : memref<!tpu.dma_semaphore, #tpu.memory_space<semaphore_mem>>
        %dma_start3A_229 = arith.constant 0 : i32
        %dma_start3A_230 = tpu.memref_slice %arg11[%mul3A_227, %dma_start3A_229] : memref<10000x64xf32, #tpu.memory_space<vmem_shared>> -> memref<1000x64xf32, #tpu.memory_space<vmem_shared>>
        %dma_start3A_231 = arith.constant 0 : i32
        %dma_start3A_232 = tpu.memref_slice %arg4[%mul3A_225, %dma_start3A_231] : memref<10000x64xf32, #tpu.memory_space<hbm>> -> memref<1000x64xf32, #tpu.memory_space<hbm>>
        tpu.enqueue_dma source(%dma_start3A_232 : memref<1000x64xf32, #tpu.memory_space<hbm>>) target(%dma_start3A_230 : memref<1000x64xf32, #tpu.memory_space<vmem_shared>>) target_semaphore(%run_scoped3A_228 : memref<!tpu.dma_semaphore, #tpu.memory_space<semaphore_mem>>)
        %dma_wait3A_233 = arith.constant 0 : i32
        %dma_wait3A_234 = tpu.memref_slice %arg11[%mul3A_227, %dma_wait3A_233] : memref<10000x64xf32, #tpu.memory_space<vmem_shared>> -> memref<1000x64xf32, #tpu.memory_space<vmem_shared>>
        %dma_wait3A_235 = arith.constant 0 : i32
        %dma_wait3A_236 = tpu.memref_slice %arg4[%mul3A_225, %dma_wait3A_235] : memref<10000x64xf32, #tpu.memory_space<hbm>> -> memref<1000x64xf32, #tpu.memory_space<hbm>>
        tpu.wait_dma2 semaphore(%run_scoped3A_228 : memref<!tpu.dma_semaphore, #tpu.memory_space<semaphore_mem>>) src(%dma_wait3A_236 : memref<1000x64xf32, #tpu.memory_space<hbm>>) dst(%dma_wait3A_234 : memref<1000x64xf32, #tpu.memory_space<vmem_shared>>)
        tpu.yield
      }) : () -> ()
    } else {
    }
    %mul3A_3 = arith.constant 10000 : i32
    %mul3A_4 = arith.muli %add3A, %mul3A_3 : i32
    %run_scoped3A = arith.constant 0 : i32
    "tpu.region"() ({
      %run_scoped3A_224 = tpu.sem_alloc : memref<!tpu.dma_semaphore, #tpu.memory_space<semaphore_mem>>
      %dma_start3A_225 = tpu.memref_slice %arg3[%run_scoped3A, %mul3A_4] : memref<2x320000xi32, #tpu.memory_space<hbm>> -> memref<1x10000xi32, #tpu.memory_space<hbm>>
      %dma_start3A_226 = tpu.memref_squeeze %dma_start3A_225 : memref<1x10000xi32, #tpu.memory_space<hbm>> -> memref<10000xi32, #tpu.memory_space<hbm>>
      %dma_start3A_227 = tpu.memref_slice %arg3[%run_scoped3A, %mul3A_4] : memref<2x320000xi32, #tpu.memory_space<hbm>> -> memref<1x10000xi32, #tpu.memory_space<hbm>>
      %dma_start3A_228 = tpu.memref_squeeze %dma_start3A_227 : memref<1x10000xi32, #tpu.memory_space<hbm>> -> memref<10000xi32, #tpu.memory_space<hbm>>
      tpu.enqueue_dma source(%dma_start3A_228 : memref<10000xi32, #tpu.memory_space<hbm>>) target(%arg6 : memref<10000xi32, #tpu.memory_space<vmem>>) target_semaphore(%run_scoped3A_224 : memref<!tpu.dma_semaphore, #tpu.memory_space<semaphore_mem>>)
      %dma_wait3A_229 = tpu.memref_slice %arg3[%run_scoped3A, %mul3A_4] : memref<2x320000xi32, #tpu.memory_space<hbm>> -> memref<1x10000xi32, #tpu.memory_space<hbm>>
      %dma_wait3A_230 = tpu.memref_squeeze %dma_wait3A_229 : memref<1x10000xi32, #tpu.memory_space<hbm>> -> memref<10000xi32, #tpu.memory_space<hbm>>
      %dma_wait3A_231 = tpu.memref_slice %arg3[%run_scoped3A, %mul3A_4] : memref<2x320000xi32, #tpu.memory_space<hbm>> -> memref<1x10000xi32, #tpu.memory_space<hbm>>
      %dma_wait3A_232 = tpu.memref_squeeze %dma_wait3A_231 : memref<1x10000xi32, #tpu.memory_space<hbm>> -> memref<10000xi32, #tpu.memory_space<hbm>>
      tpu.wait_dma2 semaphore(%run_scoped3A_224 : memref<!tpu.dma_semaphore, #tpu.memory_space<semaphore_mem>>) src(%dma_wait3A_232 : memref<10000xi32, #tpu.memory_space<hbm>>) dst(%arg6 : memref<10000xi32, #tpu.memory_space<vmem>>)
      tpu.yield
    }) : () -> ()
    %mul3A_5 = arith.constant 10000 : i32
    %mul3A_6 = arith.muli %add3A, %mul3A_5 : i32
    %run_scoped3A_7 = arith.constant 1 : i32
    "tpu.region"() ({
      %run_scoped3A_224 = tpu.sem_alloc : memref<!tpu.dma_semaphore, #tpu.memory_space<semaphore_mem>>
      %dma_start3A_225 = tpu.memref_slice %arg3[%run_scoped3A_7, %mul3A_6] : memref<2x320000xi32, #tpu.memory_space<hbm>> -> memref<1x10000xi32, #tpu.memory_space<hbm>>
      %dma_start3A_226 = tpu.memref_squeeze %dma_start3A_225 : memref<1x10000xi32, #tpu.memory_space<hbm>> -> memref<10000xi32, #tpu.memory_space<hbm>>
      %dma_start3A_227 = tpu.memref_slice %arg3[%run_scoped3A_7, %mul3A_6] : memref<2x320000xi32, #tpu.memory_space<hbm>> -> memref<1x10000xi32, #tpu.memory_space<hbm>>
      %dma_start3A_228 = tpu.memref_squeeze %dma_start3A_227 : memref<1x10000xi32, #tpu.memory_space<hbm>> -> memref<10000xi32, #tpu.memory_space<hbm>>
      tpu.enqueue_dma source(%dma_start3A_228 : memref<10000xi32, #tpu.memory_space<hbm>>) target(%arg7 : memref<10000xi32, #tpu.memory_space<vmem>>) target_semaphore(%run_scoped3A_224 : memref<!tpu.dma_semaphore, #tpu.memory_space<semaphore_mem>>)
      %dma_wait3A_229 = tpu.memref_slice %arg3[%run_scoped3A_7, %mul3A_6] : memref<2x320000xi32, #tpu.memory_space<hbm>> -> memref<1x10000xi32, #tpu.memory_space<hbm>>
      %dma_wait3A_230 = tpu.memref_squeeze %dma_wait3A_229 : memref<1x10000xi32, #tpu.memory_space<hbm>> -> memref<10000xi32, #tpu.memory_space<hbm>>
      %dma_wait3A_231 = tpu.memref_slice %arg3[%run_scoped3A_7, %mul3A_6] : memref<2x320000xi32, #tpu.memory_space<hbm>> -> memref<1x10000xi32, #tpu.memory_space<hbm>>
      %dma_wait3A_232 = tpu.memref_squeeze %dma_wait3A_231 : memref<1x10000xi32, #tpu.memory_space<hbm>> -> memref<10000xi32, #tpu.memory_space<hbm>>
      tpu.wait_dma2 semaphore(%run_scoped3A_224 : memref<!tpu.dma_semaphore, #tpu.memory_space<semaphore_mem>>) src(%dma_wait3A_232 : memref<10000xi32, #tpu.memory_space<hbm>>) dst(%arg7 : memref<10000xi32, #tpu.memory_space<vmem>>)
      tpu.yield
    }) : () -> ()
    %barrier3A = arith.constant 0 : index
    tpu.barrier barrier_id(%barrier3A)
    %dma_start3A = arith.constant 0 : i32
    %dma_start3A_8 = arith.constant 0 : i32
    %dma_start3A_9 = arith.constant 0 : i32
    %dma_start3A_10 = arith.constant 0 : i32
    %dma_start3A_11 = tpu.memref_slice %arg8[%dma_start3A, %dma_start3A_9, %dma_start3A_10] : memref<6x128x64xf32, #tpu.memory_space<vmem>> -> memref<1x128x64xf32, #tpu.memory_space<vmem>>
    %dma_start3A_12 = tpu.memref_squeeze %dma_start3A_11 : memref<1x128x64xf32, #tpu.memory_space<vmem>> -> memref<128x64xf32, #tpu.memory_space<vmem>>
    %dma_start3A_13 = arith.constant 0 : i32
    %dma_start3A_14 = tpu.memref_slice %arg6[%dma_start3A_13] : memref<10000xi32, #tpu.memory_space<vmem>> -> memref<128xi32, #tpu.memory_space<vmem>>
    %dma_start3A_15 = arith.constant 0 : i32
    %dma_start3A_16 = arith.constant 0 : i32
    %dma_start3A_17 = tpu.memref_slice %arg2[%dma_start3A_15, %dma_start3A_16] : memref<10000x64xf32, #tpu.memory_space<hbm>> -> memref<10000x64xf32, #tpu.memory_space<hbm>>
    %dma_start3A_18 = tpu.memref_slice %arg9[%dma_start3A_8] : memref<6x!tpu.dma_semaphore, #tpu.memory_space<semaphore_mem>> -> memref<1x!tpu.dma_semaphore, #tpu.memory_space<semaphore_mem>>
    %dma_start3A_19 = tpu.memref_squeeze %dma_start3A_18 : memref<1x!tpu.dma_semaphore, #tpu.memory_space<semaphore_mem>> -> memref<!tpu.dma_semaphore, #tpu.memory_space<semaphore_mem>>
    tpu.enqueue_indirect_dma source(%dma_start3A_17 : memref<10000x64xf32, #tpu.memory_space<hbm>>) target(%dma_start3A_12 : memref<128x64xf32, #tpu.memory_space<vmem>>) offsets(%dma_start3A_14 : memref<128xi32, #tpu.memory_space<vmem>>) semaphore(%dma_start3A_19 : memref<!tpu.dma_semaphore, #tpu.memory_space<semaphore_mem>>)
    %dma_start3A_20 = arith.constant 1 : i32
    %dma_start3A_21 = arith.constant 1 : i32
    %dma_start3A_22 = arith.constant 0 : i32
    %dma_start3A_23 = arith.constant 0 : i32
    %dma_start3A_24 = tpu.memref_slice %arg8[%dma_start3A_20, %dma_start3A_22, %dma_start3A_23] : memref<6x128x64xf32, #tpu.memory_space<vmem>> -> memref<1x128x64xf32, #tpu.memory_space<vmem>>
    %dma_start3A_25 = tpu.memref_squeeze %dma_start3A_24 : memref<1x128x64xf32, #tpu.memory_space<vmem>> -> memref<128x64xf32, #tpu.memory_space<vmem>>
    %dma_start3A_26 = arith.constant 128 : i32
    %dma_start3A_27 = tpu.memref_slice %arg6[%dma_start3A_26] : memref<10000xi32, #tpu.memory_space<vmem>> -> memref<128xi32, #tpu.memory_space<vmem>>
    %dma_start3A_28 = arith.constant 0 : i32
    %dma_start3A_29 = arith.constant 0 : i32
    %dma_start3A_30 = tpu.memref_slice %arg2[%dma_start3A_28, %dma_start3A_29] : memref<10000x64xf32, #tpu.memory_space<hbm>> -> memref<10000x64xf32, #tpu.memory_space<hbm>>
    %dma_start3A_31 = tpu.memref_slice %arg9[%dma_start3A_21] : memref<6x!tpu.dma_semaphore, #tpu.memory_space<semaphore_mem>> -> memref<1x!tpu.dma_semaphore, #tpu.memory_space<semaphore_mem>>
    %dma_start3A_32 = tpu.memref_squeeze %dma_start3A_31 : memref<1x!tpu.dma_semaphore, #tpu.memory_space<semaphore_mem>> -> memref<!tpu.dma_semaphore, #tpu.memory_space<semaphore_mem>>
    tpu.enqueue_indirect_dma source(%dma_start3A_30 : memref<10000x64xf32, #tpu.memory_space<hbm>>) target(%dma_start3A_25 : memref<128x64xf32, #tpu.memory_space<vmem>>) offsets(%dma_start3A_27 : memref<128xi32, #tpu.memory_space<vmem>>) semaphore(%dma_start3A_32 : memref<!tpu.dma_semaphore, #tpu.memory_space<semaphore_mem>>)
    %dma_start3A_33 = arith.constant 2 : i32
    %dma_start3A_34 = arith.constant 2 : i32
    %dma_start3A_35 = arith.constant 0 : i32
    %dma_start3A_36 = arith.constant 0 : i32
    %dma_start3A_37 = tpu.memref_slice %arg8[%dma_start3A_33, %dma_start3A_35, %dma_start3A_36] : memref<6x128x64xf32, #tpu.memory_space<vmem>> -> memref<1x128x64xf32, #tpu.memory_space<vmem>>
    %dma_start3A_38 = tpu.memref_squeeze %dma_start3A_37 : memref<1x128x64xf32, #tpu.memory_space<vmem>> -> memref<128x64xf32, #tpu.memory_space<vmem>>
    %dma_start3A_39 = arith.constant 256 : i32
    %dma_start3A_40 = tpu.memref_slice %arg6[%dma_start3A_39] : memref<10000xi32, #tpu.memory_space<vmem>> -> memref<128xi32, #tpu.memory_space<vmem>>
    %dma_start3A_41 = arith.constant 0 : i32
    %dma_start3A_42 = arith.constant 0 : i32
    %dma_start3A_43 = tpu.memref_slice %arg2[%dma_start3A_41, %dma_start3A_42] : memref<10000x64xf32, #tpu.memory_space<hbm>> -> memref<10000x64xf32, #tpu.memory_space<hbm>>
    %dma_start3A_44 = tpu.memref_slice %arg9[%dma_start3A_34] : memref<6x!tpu.dma_semaphore, #tpu.memory_space<semaphore_mem>> -> memref<1x!tpu.dma_semaphore, #tpu.memory_space<semaphore_mem>>
    %dma_start3A_45 = tpu.memref_squeeze %dma_start3A_44 : memref<1x!tpu.dma_semaphore, #tpu.memory_space<semaphore_mem>> -> memref<!tpu.dma_semaphore, #tpu.memory_space<semaphore_mem>>
    tpu.enqueue_indirect_dma source(%dma_start3A_43 : memref<10000x64xf32, #tpu.memory_space<hbm>>) target(%dma_start3A_38 : memref<128x64xf32, #tpu.memory_space<vmem>>) offsets(%dma_start3A_40 : memref<128xi32, #tpu.memory_space<vmem>>) semaphore(%dma_start3A_45 : memref<!tpu.dma_semaphore, #tpu.memory_space<semaphore_mem>>)
    %dma_start3A_46 = arith.constant 3 : i32
    %dma_start3A_47 = arith.constant 3 : i32
    %dma_start3A_48 = arith.constant 0 : i32
    %dma_start3A_49 = arith.constant 0 : i32
    %dma_start3A_50 = tpu.memref_slice %arg8[%dma_start3A_46, %dma_start3A_48, %dma_start3A_49] : memref<6x128x64xf32, #tpu.memory_space<vmem>> -> memref<1x128x64xf32, #tpu.memory_space<vmem>>
    %dma_start3A_51 = tpu.memref_squeeze %dma_start3A_50 : memref<1x128x64xf32, #tpu.memory_space<vmem>> -> memref<128x64xf32, #tpu.memory_space<vmem>>
    %dma_start3A_52 = arith.constant 384 : i32
    %dma_start3A_53 = tpu.memref_slice %arg6[%dma_start3A_52] : memref<10000xi32, #tpu.memory_space<vmem>> -> memref<128xi32, #tpu.memory_space<vmem>>
    %dma_start3A_54 = arith.constant 0 : i32
    %dma_start3A_55 = arith.constant 0 : i32
    %dma_start3A_56 = tpu.memref_slice %arg2[%dma_start3A_54, %dma_start3A_55] : memref<10000x64xf32, #tpu.memory_space<hbm>> -> memref<10000x64xf32, #tpu.memory_space<hbm>>
    %dma_start3A_57 = tpu.memref_slice %arg9[%dma_start3A_47] : memref<6x!tpu.dma_semaphore, #tpu.memory_space<semaphore_mem>> -> memref<1x!tpu.dma_semaphore, #tpu.memory_space<semaphore_mem>>
    %dma_start3A_58 = tpu.memref_squeeze %dma_start3A_57 : memref<1x!tpu.dma_semaphore, #tpu.memory_space<semaphore_mem>> -> memref<!tpu.dma_semaphore, #tpu.memory_space<semaphore_mem>>
    tpu.enqueue_indirect_dma source(%dma_start3A_56 : memref<10000x64xf32, #tpu.memory_space<hbm>>) target(%dma_start3A_51 : memref<128x64xf32, #tpu.memory_space<vmem>>) offsets(%dma_start3A_53 : memref<128xi32, #tpu.memory_space<vmem>>) semaphore(%dma_start3A_58 : memref<!tpu.dma_semaphore, #tpu.memory_space<semaphore_mem>>)
    %dma_start3A_59 = arith.constant 4 : i32
    %dma_start3A_60 = arith.constant 4 : i32
    %dma_start3A_61 = arith.constant 0 : i32
    %dma_start3A_62 = arith.constant 0 : i32
    %dma_start3A_63 = tpu.memref_slice %arg8[%dma_start3A_59, %dma_start3A_61, %dma_start3A_62] : memref<6x128x64xf32, #tpu.memory_space<vmem>> -> memref<1x128x64xf32, #tpu.memory_space<vmem>>
    %dma_start3A_64 = tpu.memref_squeeze %dma_start3A_63 : memref<1x128x64xf32, #tpu.memory_space<vmem>> -> memref<128x64xf32, #tpu.memory_space<vmem>>
    %dma_start3A_65 = arith.constant 512 : i32
    %dma_start3A_66 = tpu.memref_slice %arg6[%dma_start3A_65] : memref<10000xi32, #tpu.memory_space<vmem>> -> memref<128xi32, #tpu.memory_space<vmem>>
    %dma_start3A_67 = arith.constant 0 : i32
    %dma_start3A_68 = arith.constant 0 : i32
    %dma_start3A_69 = tpu.memref_slice %arg2[%dma_start3A_67, %dma_start3A_68] : memref<10000x64xf32, #tpu.memory_space<hbm>> -> memref<10000x64xf32, #tpu.memory_space<hbm>>
    %dma_start3A_70 = tpu.memref_slice %arg9[%dma_start3A_60] : memref<6x!tpu.dma_semaphore, #tpu.memory_space<semaphore_mem>> -> memref<1x!tpu.dma_semaphore, #tpu.memory_space<semaphore_mem>>
    %dma_start3A_71 = tpu.memref_squeeze %dma_start3A_70 : memref<1x!tpu.dma_semaphore, #tpu.memory_space<semaphore_mem>> -> memref<!tpu.dma_semaphore, #tpu.memory_space<semaphore_mem>>
    tpu.enqueue_indirect_dma source(%dma_start3A_69 : memref<10000x64xf32, #tpu.memory_space<hbm>>) target(%dma_start3A_64 : memref<128x64xf32, #tpu.memory_space<vmem>>) offsets(%dma_start3A_66 : memref<128xi32, #tpu.memory_space<vmem>>) semaphore(%dma_start3A_71 : memref<!tpu.dma_semaphore, #tpu.memory_space<semaphore_mem>>)
    %dma_start3A_72 = arith.constant 5 : i32
    %dma_start3A_73 = arith.constant 5 : i32
    %dma_start3A_74 = arith.constant 0 : i32
    %dma_start3A_75 = arith.constant 0 : i32
    %dma_start3A_76 = tpu.memref_slice %arg8[%dma_start3A_72, %dma_start3A_74, %dma_start3A_75] : memref<6x128x64xf32, #tpu.memory_space<vmem>> -> memref<1x128x64xf32, #tpu.memory_space<vmem>>
    %dma_start3A_77 = tpu.memref_squeeze %dma_start3A_76 : memref<1x128x64xf32, #tpu.memory_space<vmem>> -> memref<128x64xf32, #tpu.memory_space<vmem>>
    %dma_start3A_78 = arith.constant 640 : i32
    %dma_start3A_79 = tpu.memref_slice %arg6[%dma_start3A_78] : memref<10000xi32, #tpu.memory_space<vmem>> -> memref<128xi32, #tpu.memory_space<vmem>>
    %dma_start3A_80 = arith.constant 0 : i32
    %dma_start3A_81 = arith.constant 0 : i32
    %dma_start3A_82 = tpu.memref_slice %arg2[%dma_start3A_80, %dma_start3A_81] : memref<10000x64xf32, #tpu.memory_space<hbm>> -> memref<10000x64xf32, #tpu.memory_space<hbm>>
    %dma_start3A_83 = tpu.memref_slice %arg9[%dma_start3A_73] : memref<6x!tpu.dma_semaphore, #tpu.memory_space<semaphore_mem>> -> memref<1x!tpu.dma_semaphore, #tpu.memory_space<semaphore_mem>>
    %dma_start3A_84 = tpu.memref_squeeze %dma_start3A_83 : memref<1x!tpu.dma_semaphore, #tpu.memory_space<semaphore_mem>> -> memref<!tpu.dma_semaphore, #tpu.memory_space<semaphore_mem>>
    tpu.enqueue_indirect_dma source(%dma_start3A_82 : memref<10000x64xf32, #tpu.memory_space<hbm>>) target(%dma_start3A_77 : memref<128x64xf32, #tpu.memory_space<vmem>>) offsets(%dma_start3A_79 : memref<128xi32, #tpu.memory_space<vmem>>) semaphore(%dma_start3A_84 : memref<!tpu.dma_semaphore, #tpu.memory_space<semaphore_mem>>)
    %scan3A = arith.constant 0 : i32
    %scan3A_85 = arith.constant 13 : i32
    %scan3A_86 = arith.addi %scan3A, %scan3A_85 : i32
    %scan3A_87 = arith.constant 1 : i32
    scf.for %scan3A_224 = %scan3A to %scan3A_86 step %scan3A_87  : i32 {
      %mul3A_225 = arith.constant 1 : i32
      %mul3A_226 = arith.muli %scan3A_224, %mul3A_225 : i32
      %add3A_227 = arith.constant 0 : i32
      %add3A_228 = arith.addi %add3A_227, %mul3A_226 : i32
      %mul3A_229 = arith.constant 6 : i32
      %mul3A_230 = arith.muli %add3A_228, %mul3A_229 : i32
      %dma_wait3A_231 = arith.constant 0 : i32
      %dma_wait3A_232 = arith.constant 0 : i32
      %dma_wait3A_233 = arith.constant 0 : i32
      %dma_wait3A_234 = arith.constant 0 : i32
      %dma_wait3A_235 = tpu.memref_slice %arg8[%dma_wait3A_231, %dma_wait3A_233, %dma_wait3A_234] : memref<6x128x64xf32, #tpu.memory_space<vmem>> -> memref<1x128x64xf32, #tpu.memory_space<vmem>>
      %dma_wait3A_236 = tpu.memref_squeeze %dma_wait3A_235 : memref<1x128x64xf32, #tpu.memory_space<vmem>> -> memref<128x64xf32, #tpu.memory_space<vmem>>
      %dma_wait3A_237 = arith.constant 0 : i32
      %dma_wait3A_238 = tpu.memref_slice %arg6[%dma_wait3A_237] : memref<10000xi32, #tpu.memory_space<vmem>> -> memref<128xi32, #tpu.memory_space<vmem>>
      %dma_wait3A_239 = arith.constant 0 : i32
      %dma_wait3A_240 = arith.constant 0 : i32
      %dma_wait3A_241 = tpu.memref_slice %arg2[%dma_wait3A_239, %dma_wait3A_240] : memref<10000x64xf32, #tpu.memory_space<hbm>> -> memref<10000x64xf32, #tpu.memory_space<hbm>>
      %dma_wait3A_242 = tpu.memref_slice %arg9[%dma_wait3A_232] : memref<6x!tpu.dma_semaphore, #tpu.memory_space<semaphore_mem>> -> memref<1x!tpu.dma_semaphore, #tpu.memory_space<semaphore_mem>>
      %dma_wait3A_243 = tpu.memref_squeeze %dma_wait3A_242 : memref<1x!tpu.dma_semaphore, #tpu.memory_space<semaphore_mem>> -> memref<!tpu.dma_semaphore, #tpu.memory_space<semaphore_mem>>
      tpu.wait_indirect_dma semaphore(%dma_wait3A_243 : memref<!tpu.dma_semaphore, #tpu.memory_space<semaphore_mem>>) src(%dma_wait3A_241 : memref<10000x64xf32, #tpu.memory_space<hbm>>) dst(%dma_wait3A_236 : memref<128x64xf32, #tpu.memory_space<vmem>>)
      %add3A_244 = arith.constant 0 : i32
      %add3A_245 = arith.addi %mul3A_230, %add3A_244 : i32
      %mul3A_246 = arith.constant 128 : i32
      %mul3A_247 = arith.muli %add3A_245, %mul3A_246 : i32
      %dma_start3A_248 = arith.constant 0 : i32
      %dma_start3A_249 = arith.constant 0 : i32
      %dma_start3A_250 = arith.constant 0 : i32
      %dma_start3A_251 = arith.constant 0 : i32
      %dma_start3A_252 = tpu.memref_slice %arg8[%dma_start3A_248, %dma_start3A_250, %dma_start3A_251] : memref<6x128x64xf32, #tpu.memory_space<vmem>> -> memref<1x128x64xf32, #tpu.memory_space<vmem>>
      %dma_start3A_253 = tpu.memref_squeeze %dma_start3A_252 : memref<1x128x64xf32, #tpu.memory_space<vmem>> -> memref<128x64xf32, #tpu.memory_space<vmem>>
      %dma_start3A_254 = tpu.memref_slice %arg7[%mul3A_247] : memref<10000xi32, #tpu.memory_space<vmem>> -> memref<128xi32, #tpu.memory_space<vmem>>
      %dma_start3A_255 = arith.constant 0 : i32
      %dma_start3A_256 = arith.constant 0 : i32
      %dma_start3A_257 = tpu.memref_slice %arg11[%dma_start3A_255, %dma_start3A_256] : memref<10000x64xf32, #tpu.memory_space<vmem_shared>> -> memref<10000x64xf32, #tpu.memory_space<vmem_shared>>
      %dma_start3A_258 = tpu.memref_slice %arg10[%dma_start3A_249] : memref<6x!tpu.dma_semaphore, #tpu.memory_space<semaphore_mem>> -> memref<1x!tpu.dma_semaphore, #tpu.memory_space<semaphore_mem>>
      %dma_start3A_259 = tpu.memref_squeeze %dma_start3A_258 : memref<1x!tpu.dma_semaphore, #tpu.memory_space<semaphore_mem>> -> memref<!tpu.dma_semaphore, #tpu.memory_space<semaphore_mem>>
      tpu.enqueue_indirect_dma source(%dma_start3A_253 : memref<128x64xf32, #tpu.memory_space<vmem>>) target(%dma_start3A_257 : memref<10000x64xf32, #tpu.memory_space<vmem_shared>>) offsets(%dma_start3A_254 : memref<128xi32, #tpu.memory_space<vmem>>) semaphore(%dma_start3A_259 : memref<!tpu.dma_semaphore, #tpu.memory_space<semaphore_mem>>) {add = true}
      %dma_wait3A_260 = arith.constant 1 : i32
      %dma_wait3A_261 = arith.constant 1 : i32
      %dma_wait3A_262 = arith.constant 0 : i32
      %dma_wait3A_263 = arith.constant 0 : i32
      %dma_wait3A_264 = tpu.memref_slice %arg8[%dma_wait3A_260, %dma_wait3A_262, %dma_wait3A_263] : memref<6x128x64xf32, #tpu.memory_space<vmem>> -> memref<1x128x64xf32, #tpu.memory_space<vmem>>
      %dma_wait3A_265 = tpu.memref_squeeze %dma_wait3A_264 : memref<1x128x64xf32, #tpu.memory_space<vmem>> -> memref<128x64xf32, #tpu.memory_space<vmem>>
      %dma_wait3A_266 = arith.constant 0 : i32
      %dma_wait3A_267 = tpu.memref_slice %arg6[%dma_wait3A_266] : memref<10000xi32, #tpu.memory_space<vmem>> -> memref<128xi32, #tpu.memory_space<vmem>>
      %dma_wait3A_268 = arith.constant 0 : i32
      %dma_wait3A_269 = arith.constant 0 : i32
      %dma_wait3A_270 = tpu.memref_slice %arg2[%dma_wait3A_268, %dma_wait3A_269] : memref<10000x64xf32, #tpu.memory_space<hbm>> -> memref<10000x64xf32, #tpu.memory_space<hbm>>
      %dma_wait3A_271 = tpu.memref_slice %arg9[%dma_wait3A_261] : memref<6x!tpu.dma_semaphore, #tpu.memory_space<semaphore_mem>> -> memref<1x!tpu.dma_semaphore, #tpu.memory_space<semaphore_mem>>
      %dma_wait3A_272 = tpu.memref_squeeze %dma_wait3A_271 : memref<1x!tpu.dma_semaphore, #tpu.memory_space<semaphore_mem>> -> memref<!tpu.dma_semaphore, #tpu.memory_space<semaphore_mem>>
      tpu.wait_indirect_dma semaphore(%dma_wait3A_272 : memref<!tpu.dma_semaphore, #tpu.memory_space<semaphore_mem>>) src(%dma_wait3A_270 : memref<10000x64xf32, #tpu.memory_space<hbm>>) dst(%dma_wait3A_265 : memref<128x64xf32, #tpu.memory_space<vmem>>)
      %add3A_273 = arith.constant 1 : i32
      %add3A_274 = arith.addi %mul3A_230, %add3A_273 : i32
      %mul3A_275 = arith.constant 128 : i32
      %mul3A_276 = arith.muli %add3A_274, %mul3A_275 : i32
      %dma_start3A_277 = arith.constant 1 : i32
      %dma_start3A_278 = arith.constant 1 : i32
      %dma_start3A_279 = arith.constant 0 : i32
      %dma_start3A_280 = arith.constant 0 : i32
      %dma_start3A_281 = tpu.memref_slice %arg8[%dma_start3A_277, %dma_start3A_279, %dma_start3A_280] : memref<6x128x64xf32, #tpu.memory_space<vmem>> -> memref<1x128x64xf32, #tpu.memory_space<vmem>>
      %dma_start3A_282 = tpu.memref_squeeze %dma_start3A_281 : memref<1x128x64xf32, #tpu.memory_space<vmem>> -> memref<128x64xf32, #tpu.memory_space<vmem>>
      %dma_start3A_283 = tpu.memref_slice %arg7[%mul3A_276] : memref<10000xi32, #tpu.memory_space<vmem>> -> memref<128xi32, #tpu.memory_space<vmem>>
      %dma_start3A_284 = arith.constant 0 : i32
      %dma_start3A_285 = arith.constant 0 : i32
      %dma_start3A_286 = tpu.memref_slice %arg11[%dma_start3A_284, %dma_start3A_285] : memref<10000x64xf32, #tpu.memory_space<vmem_shared>> -> memref<10000x64xf32, #tpu.memory_space<vmem_shared>>
      %dma_start3A_287 = tpu.memref_slice %arg10[%dma_start3A_278] : memref<6x!tpu.dma_semaphore, #tpu.memory_space<semaphore_mem>> -> memref<1x!tpu.dma_semaphore, #tpu.memory_space<semaphore_mem>>
      %dma_start3A_288 = tpu.memref_squeeze %dma_start3A_287 : memref<1x!tpu.dma_semaphore, #tpu.memory_space<semaphore_mem>> -> memref<!tpu.dma_semaphore, #tpu.memory_space<semaphore_mem>>
      tpu.enqueue_indirect_dma source(%dma_start3A_282 : memref<128x64xf32, #tpu.memory_space<vmem>>) target(%dma_start3A_286 : memref<10000x64xf32, #tpu.memory_space<vmem_shared>>) offsets(%dma_start3A_283 : memref<128xi32, #tpu.memory_space<vmem>>) semaphore(%dma_start3A_288 : memref<!tpu.dma_semaphore, #tpu.memory_space<semaphore_mem>>) {add = true}
      %dma_wait3A_289 = arith.constant 2 : i32
      %dma_wait3A_290 = arith.constant 2 : i32
      %dma_wait3A_291 = arith.constant 0 : i32
      %dma_wait3A_292 = arith.constant 0 : i32
      %dma_wait3A_293 = tpu.memref_slice %arg8[%dma_wait3A_289, %dma_wait3A_291, %dma_wait3A_292] : memref<6x128x64xf32, #tpu.memory_space<vmem>> -> memref<1x128x64xf32, #tpu.memory_space<vmem>>
      %dma_wait3A_294 = tpu.memref_squeeze %dma_wait3A_293 : memref<1x128x64xf32, #tpu.memory_space<vmem>> -> memref<128x64xf32, #tpu.memory_space<vmem>>
      %dma_wait3A_295 = arith.constant 0 : i32
      %dma_wait3A_296 = tpu.memref_slice %arg6[%dma_wait3A_295] : memref<10000xi32, #tpu.memory_space<vmem>> -> memref<128xi32, #tpu.memory_space<vmem>>
      %dma_wait3A_297 = arith.constant 0 : i32
      %dma_wait3A_298 = arith.constant 0 : i32
      %dma_wait3A_299 = tpu.memref_slice %arg2[%dma_wait3A_297, %dma_wait3A_298] : memref<10000x64xf32, #tpu.memory_space<hbm>> -> memref<10000x64xf32, #tpu.memory_space<hbm>>
      %dma_wait3A_300 = tpu.memref_slice %arg9[%dma_wait3A_290] : memref<6x!tpu.dma_semaphore, #tpu.memory_space<semaphore_mem>> -> memref<1x!tpu.dma_semaphore, #tpu.memory_space<semaphore_mem>>
      %dma_wait3A_301 = tpu.memref_squeeze %dma_wait3A_300 : memref<1x!tpu.dma_semaphore, #tpu.memory_space<semaphore_mem>> -> memref<!tpu.dma_semaphore, #tpu.memory_space<semaphore_mem>>
      tpu.wait_indirect_dma semaphore(%dma_wait3A_301 : memref<!tpu.dma_semaphore, #tpu.memory_space<semaphore_mem>>) src(%dma_wait3A_299 : memref<10000x64xf32, #tpu.memory_space<hbm>>) dst(%dma_wait3A_294 : memref<128x64xf32, #tpu.memory_space<vmem>>)
      %add3A_302 = arith.constant 2 : i32
      %add3A_303 = arith.addi %mul3A_230, %add3A_302 : i32
      %mul3A_304 = arith.constant 128 : i32
      %mul3A_305 = arith.muli %add3A_303, %mul3A_304 : i32
      %dma_start3A_306 = arith.constant 2 : i32
      %dma_start3A_307 = arith.constant 2 : i32
      %dma_start3A_308 = arith.constant 0 : i32
      %dma_start3A_309 = arith.constant 0 : i32
      %dma_start3A_310 = tpu.memref_slice %arg8[%dma_start3A_306, %dma_start3A_308, %dma_start3A_309] : memref<6x128x64xf32, #tpu.memory_space<vmem>> -> memref<1x128x64xf32, #tpu.memory_space<vmem>>
      %dma_start3A_311 = tpu.memref_squeeze %dma_start3A_310 : memref<1x128x64xf32, #tpu.memory_space<vmem>> -> memref<128x64xf32, #tpu.memory_space<vmem>>
      %dma_start3A_312 = tpu.memref_slice %arg7[%mul3A_305] : memref<10000xi32, #tpu.memory_space<vmem>> -> memref<128xi32, #tpu.memory_space<vmem>>
      %dma_start3A_313 = arith.constant 0 : i32
      %dma_start3A_314 = arith.constant 0 : i32
      %dma_start3A_315 = tpu.memref_slice %arg11[%dma_start3A_313, %dma_start3A_314] : memref<10000x64xf32, #tpu.memory_space<vmem_shared>> -> memref<10000x64xf32, #tpu.memory_space<vmem_shared>>
      %dma_start3A_316 = tpu.memref_slice %arg10[%dma_start3A_307] : memref<6x!tpu.dma_semaphore, #tpu.memory_space<semaphore_mem>> -> memref<1x!tpu.dma_semaphore, #tpu.memory_space<semaphore_mem>>
      %dma_start3A_317 = tpu.memref_squeeze %dma_start3A_316 : memref<1x!tpu.dma_semaphore, #tpu.memory_space<semaphore_mem>> -> memref<!tpu.dma_semaphore, #tpu.memory_space<semaphore_mem>>
      tpu.enqueue_indirect_dma source(%dma_start3A_311 : memref<128x64xf32, #tpu.memory_space<vmem>>) target(%dma_start3A_315 : memref<10000x64xf32, #tpu.memory_space<vmem_shared>>) offsets(%dma_start3A_312 : memref<128xi32, #tpu.memory_space<vmem>>) semaphore(%dma_start3A_317 : memref<!tpu.dma_semaphore, #tpu.memory_space<semaphore_mem>>) {add = true}
      %dma_wait3A_318 = arith.constant 3 : i32
      %dma_wait3A_319 = arith.constant 3 : i32
      %dma_wait3A_320 = arith.constant 0 : i32
      %dma_wait3A_321 = arith.constant 0 : i32
      %dma_wait3A_322 = tpu.memref_slice %arg8[%dma_wait3A_318, %dma_wait3A_320, %dma_wait3A_321] : memref<6x128x64xf32, #tpu.memory_space<vmem>> -> memref<1x128x64xf32, #tpu.memory_space<vmem>>
      %dma_wait3A_323 = tpu.memref_squeeze %dma_wait3A_322 : memref<1x128x64xf32, #tpu.memory_space<vmem>> -> memref<128x64xf32, #tpu.memory_space<vmem>>
      %dma_wait3A_324 = arith.constant 0 : i32
      %dma_wait3A_325 = tpu.memref_slice %arg6[%dma_wait3A_324] : memref<10000xi32, #tpu.memory_space<vmem>> -> memref<128xi32, #tpu.memory_space<vmem>>
      %dma_wait3A_326 = arith.constant 0 : i32
      %dma_wait3A_327 = arith.constant 0 : i32
      %dma_wait3A_328 = tpu.memref_slice %arg2[%dma_wait3A_326, %dma_wait3A_327] : memref<10000x64xf32, #tpu.memory_space<hbm>> -> memref<10000x64xf32, #tpu.memory_space<hbm>>
      %dma_wait3A_329 = tpu.memref_slice %arg9[%dma_wait3A_319] : memref<6x!tpu.dma_semaphore, #tpu.memory_space<semaphore_mem>> -> memref<1x!tpu.dma_semaphore, #tpu.memory_space<semaphore_mem>>
      %dma_wait3A_330 = tpu.memref_squeeze %dma_wait3A_329 : memref<1x!tpu.dma_semaphore, #tpu.memory_space<semaphore_mem>> -> memref<!tpu.dma_semaphore, #tpu.memory_space<semaphore_mem>>
      tpu.wait_indirect_dma semaphore(%dma_wait3A_330 : memref<!tpu.dma_semaphore, #tpu.memory_space<semaphore_mem>>) src(%dma_wait3A_328 : memref<10000x64xf32, #tpu.memory_space<hbm>>) dst(%dma_wait3A_323 : memref<128x64xf32, #tpu.memory_space<vmem>>)
      %add3A_331 = arith.constant 3 : i32
      %add3A_332 = arith.addi %mul3A_230, %add3A_331 : i32
      %mul3A_333 = arith.constant 128 : i32
      %mul3A_334 = arith.muli %add3A_332, %mul3A_333 : i32
      %dma_start3A_335 = arith.constant 3 : i32
      %dma_start3A_336 = arith.constant 3 : i32
      %dma_start3A_337 = arith.constant 0 : i32
      %dma_start3A_338 = arith.constant 0 : i32
      %dma_start3A_339 = tpu.memref_slice %arg8[%dma_start3A_335, %dma_start3A_337, %dma_start3A_338] : memref<6x128x64xf32, #tpu.memory_space<vmem>> -> memref<1x128x64xf32, #tpu.memory_space<vmem>>
      %dma_start3A_340 = tpu.memref_squeeze %dma_start3A_339 : memref<1x128x64xf32, #tpu.memory_space<vmem>> -> memref<128x64xf32, #tpu.memory_space<vmem>>
      %dma_start3A_341 = tpu.memref_slice %arg7[%mul3A_334] : memref<10000xi32, #tpu.memory_space<vmem>> -> memref<128xi32, #tpu.memory_space<vmem>>
      %dma_start3A_342 = arith.constant 0 : i32
      %dma_start3A_343 = arith.constant 0 : i32
      %dma_start3A_344 = tpu.memref_slice %arg11[%dma_start3A_342, %dma_start3A_343] : memref<10000x64xf32, #tpu.memory_space<vmem_shared>> -> memref<10000x64xf32, #tpu.memory_space<vmem_shared>>
      %dma_start3A_345 = tpu.memref_slice %arg10[%dma_start3A_336] : memref<6x!tpu.dma_semaphore, #tpu.memory_space<semaphore_mem>> -> memref<1x!tpu.dma_semaphore, #tpu.memory_space<semaphore_mem>>
      %dma_start3A_346 = tpu.memref_squeeze %dma_start3A_345 : memref<1x!tpu.dma_semaphore, #tpu.memory_space<semaphore_mem>> -> memref<!tpu.dma_semaphore, #tpu.memory_space<semaphore_mem>>
      tpu.enqueue_indirect_dma source(%dma_start3A_340 : memref<128x64xf32, #tpu.memory_space<vmem>>) target(%dma_start3A_344 : memref<10000x64xf32, #tpu.memory_space<vmem_shared>>) offsets(%dma_start3A_341 : memref<128xi32, #tpu.memory_space<vmem>>) semaphore(%dma_start3A_346 : memref<!tpu.dma_semaphore, #tpu.memory_space<semaphore_mem>>) {add = true}
      %dma_wait3A_347 = arith.constant 4 : i32
      %dma_wait3A_348 = arith.constant 4 : i32
      %dma_wait3A_349 = arith.constant 0 : i32
      %dma_wait3A_350 = arith.constant 0 : i32
      %dma_wait3A_351 = tpu.memref_slice %arg8[%dma_wait3A_347, %dma_wait3A_349, %dma_wait3A_350] : memref<6x128x64xf32, #tpu.memory_space<vmem>> -> memref<1x128x64xf32, #tpu.memory_space<vmem>>
      %dma_wait3A_352 = tpu.memref_squeeze %dma_wait3A_351 : memref<1x128x64xf32, #tpu.memory_space<vmem>> -> memref<128x64xf32, #tpu.memory_space<vmem>>
      %dma_wait3A_353 = arith.constant 0 : i32
      %dma_wait3A_354 = tpu.memref_slice %arg6[%dma_wait3A_353] : memref<10000xi32, #tpu.memory_space<vmem>> -> memref<128xi32, #tpu.memory_space<vmem>>
      %dma_wait3A_355 = arith.constant 0 : i32
      %dma_wait3A_356 = arith.constant 0 : i32
      %dma_wait3A_357 = tpu.memref_slice %arg2[%dma_wait3A_355, %dma_wait3A_356] : memref<10000x64xf32, #tpu.memory_space<hbm>> -> memref<10000x64xf32, #tpu.memory_space<hbm>>
      %dma_wait3A_358 = tpu.memref_slice %arg9[%dma_wait3A_348] : memref<6x!tpu.dma_semaphore, #tpu.memory_space<semaphore_mem>> -> memref<1x!tpu.dma_semaphore, #tpu.memory_space<semaphore_mem>>
      %dma_wait3A_359 = tpu.memref_squeeze %dma_wait3A_358 : memref<1x!tpu.dma_semaphore, #tpu.memory_space<semaphore_mem>> -> memref<!tpu.dma_semaphore, #tpu.memory_space<semaphore_mem>>
      tpu.wait_indirect_dma semaphore(%dma_wait3A_359 : memref<!tpu.dma_semaphore, #tpu.memory_space<semaphore_mem>>) src(%dma_wait3A_357 : memref<10000x64xf32, #tpu.memory_space<hbm>>) dst(%dma_wait3A_352 : memref<128x64xf32, #tpu.memory_space<vmem>>)
      %add3A_360 = arith.constant 4 : i32
      %add3A_361 = arith.addi %mul3A_230, %add3A_360 : i32
      %mul3A_362 = arith.constant 128 : i32
      %mul3A_363 = arith.muli %add3A_361, %mul3A_362 : i32
      %dma_start3A_364 = arith.constant 4 : i32
      %dma_start3A_365 = arith.constant 4 : i32
      %dma_start3A_366 = arith.constant 0 : i32
      %dma_start3A_367 = arith.constant 0 : i32
      %dma_start3A_368 = tpu.memref_slice %arg8[%dma_start3A_364, %dma_start3A_366, %dma_start3A_367] : memref<6x128x64xf32, #tpu.memory_space<vmem>> -> memref<1x128x64xf32, #tpu.memory_space<vmem>>
      %dma_start3A_369 = tpu.memref_squeeze %dma_start3A_368 : memref<1x128x64xf32, #tpu.memory_space<vmem>> -> memref<128x64xf32, #tpu.memory_space<vmem>>
      %dma_start3A_370 = tpu.memref_slice %arg7[%mul3A_363] : memref<10000xi32, #tpu.memory_space<vmem>> -> memref<128xi32, #tpu.memory_space<vmem>>
      %dma_start3A_371 = arith.constant 0 : i32
      %dma_start3A_372 = arith.constant 0 : i32
      %dma_start3A_373 = tpu.memref_slice %arg11[%dma_start3A_371, %dma_start3A_372] : memref<10000x64xf32, #tpu.memory_space<vmem_shared>> -> memref<10000x64xf32, #tpu.memory_space<vmem_shared>>
      %dma_start3A_374 = tpu.memref_slice %arg10[%dma_start3A_365] : memref<6x!tpu.dma_semaphore, #tpu.memory_space<semaphore_mem>> -> memref<1x!tpu.dma_semaphore, #tpu.memory_space<semaphore_mem>>
      %dma_start3A_375 = tpu.memref_squeeze %dma_start3A_374 : memref<1x!tpu.dma_semaphore, #tpu.memory_space<semaphore_mem>> -> memref<!tpu.dma_semaphore, #tpu.memory_space<semaphore_mem>>
      tpu.enqueue_indirect_dma source(%dma_start3A_369 : memref<128x64xf32, #tpu.memory_space<vmem>>) target(%dma_start3A_373 : memref<10000x64xf32, #tpu.memory_space<vmem_shared>>) offsets(%dma_start3A_370 : memref<128xi32, #tpu.memory_space<vmem>>) semaphore(%dma_start3A_375 : memref<!tpu.dma_semaphore, #tpu.memory_space<semaphore_mem>>) {add = true}
      %dma_wait3A_376 = arith.constant 5 : i32
      %dma_wait3A_377 = arith.constant 5 : i32
      %dma_wait3A_378 = arith.constant 0 : i32
      %dma_wait3A_379 = arith.constant 0 : i32
      %dma_wait3A_380 = tpu.memref_slice %arg8[%dma_wait3A_376, %dma_wait3A_378, %dma_wait3A_379] : memref<6x128x64xf32, #tpu.memory_space<vmem>> -> memref<1x128x64xf32, #tpu.memory_space<vmem>>
      %dma_wait3A_381 = tpu.memref_squeeze %dma_wait3A_380 : memref<1x128x64xf32, #tpu.memory_space<vmem>> -> memref<128x64xf32, #tpu.memory_space<vmem>>
      %dma_wait3A_382 = arith.constant 0 : i32
      %dma_wait3A_383 = tpu.memref_slice %arg6[%dma_wait3A_382] : memref<10000xi32, #tpu.memory_space<vmem>> -> memref<128xi32, #tpu.memory_space<vmem>>
      %dma_wait3A_384 = arith.constant 0 : i32
      %dma_wait3A_385 = arith.constant 0 : i32
      %dma_wait3A_386 = tpu.memref_slice %arg2[%dma_wait3A_384, %dma_wait3A_385] : memref<10000x64xf32, #tpu.memory_space<hbm>> -> memref<10000x64xf32, #tpu.memory_space<hbm>>
      %dma_wait3A_387 = tpu.memref_slice %arg9[%dma_wait3A_377] : memref<6x!tpu.dma_semaphore, #tpu.memory_space<semaphore_mem>> -> memref<1x!tpu.dma_semaphore, #tpu.memory_space<semaphore_mem>>
      %dma_wait3A_388 = tpu.memref_squeeze %dma_wait3A_387 : memref<1x!tpu.dma_semaphore, #tpu.memory_space<semaphore_mem>> -> memref<!tpu.dma_semaphore, #tpu.memory_space<semaphore_mem>>
      tpu.wait_indirect_dma semaphore(%dma_wait3A_388 : memref<!tpu.dma_semaphore, #tpu.memory_space<semaphore_mem>>) src(%dma_wait3A_386 : memref<10000x64xf32, #tpu.memory_space<hbm>>) dst(%dma_wait3A_381 : memref<128x64xf32, #tpu.memory_space<vmem>>)
      %add3A_389 = arith.constant 5 : i32
      %add3A_390 = arith.addi %mul3A_230, %add3A_389 : i32
      %mul3A_391 = arith.constant 128 : i32
      %mul3A_392 = arith.muli %add3A_390, %mul3A_391 : i32
      %dma_start3A_393 = arith.constant 5 : i32
      %dma_start3A_394 = arith.constant 5 : i32
      %dma_start3A_395 = arith.constant 0 : i32
      %dma_start3A_396 = arith.constant 0 : i32
      %dma_start3A_397 = tpu.memref_slice %arg8[%dma_start3A_393, %dma_start3A_395, %dma_start3A_396] : memref<6x128x64xf32, #tpu.memory_space<vmem>> -> memref<1x128x64xf32, #tpu.memory_space<vmem>>
      %dma_start3A_398 = tpu.memref_squeeze %dma_start3A_397 : memref<1x128x64xf32, #tpu.memory_space<vmem>> -> memref<128x64xf32, #tpu.memory_space<vmem>>
      %dma_start3A_399 = tpu.memref_slice %arg7[%mul3A_392] : memref<10000xi32, #tpu.memory_space<vmem>> -> memref<128xi32, #tpu.memory_space<vmem>>
      %dma_start3A_400 = arith.constant 0 : i32
      %dma_start3A_401 = arith.constant 0 : i32
      %dma_start3A_402 = tpu.memref_slice %arg11[%dma_start3A_400, %dma_start3A_401] : memref<10000x64xf32, #tpu.memory_space<vmem_shared>> -> memref<10000x64xf32, #tpu.memory_space<vmem_shared>>
      %dma_start3A_403 = tpu.memref_slice %arg10[%dma_start3A_394] : memref<6x!tpu.dma_semaphore, #tpu.memory_space<semaphore_mem>> -> memref<1x!tpu.dma_semaphore, #tpu.memory_space<semaphore_mem>>
      %dma_start3A_404 = tpu.memref_squeeze %dma_start3A_403 : memref<1x!tpu.dma_semaphore, #tpu.memory_space<semaphore_mem>> -> memref<!tpu.dma_semaphore, #tpu.memory_space<semaphore_mem>>
      tpu.enqueue_indirect_dma source(%dma_start3A_398 : memref<128x64xf32, #tpu.memory_space<vmem>>) target(%dma_start3A_402 : memref<10000x64xf32, #tpu.memory_space<vmem_shared>>) offsets(%dma_start3A_399 : memref<128xi32, #tpu.memory_space<vmem>>) semaphore(%dma_start3A_404 : memref<!tpu.dma_semaphore, #tpu.memory_space<semaphore_mem>>) {add = true}
      %add3A_405 = arith.constant 6 : i32
      %add3A_406 = arith.addi %mul3A_230, %add3A_405 : i32
      %add3A_407 = arith.constant 0 : i32
      %add3A_408 = arith.addi %add3A_406, %add3A_407 : i32
      %lt3A_409 = arith.constant 78 : i32
      %lt3A_410 = arith.cmpi slt, %add3A_408, %lt3A_409 : i32
      %convert_element_type3A_411 = arith.extui %lt3A_410 : i1 to i32
      %cond3A_412 = arith.constant 0 : i32
      %cond3A_413 = arith.cmpi ne, %convert_element_type3A_411, %cond3A_412 : i32
      scf.if %cond3A_413 {
        %dma_wait3A_459 = arith.constant 0 : i32
        %dma_wait3A_460 = arith.constant 0 : i32
        %dma_wait3A_461 = arith.constant 0 : i32
        %dma_wait3A_462 = arith.constant 0 : i32
        %dma_wait3A_463 = tpu.memref_slice %arg8[%dma_wait3A_459, %dma_wait3A_461, %dma_wait3A_462] : memref<6x128x64xf32, #tpu.memory_space<vmem>> -> memref<1x128x64xf32, #tpu.memory_space<vmem>>
        %dma_wait3A_464 = tpu.memref_squeeze %dma_wait3A_463 : memref<1x128x64xf32, #tpu.memory_space<vmem>> -> memref<128x64xf32, #tpu.memory_space<vmem>>
        %dma_wait3A_465 = arith.constant 0 : i32
        %dma_wait3A_466 = tpu.memref_slice %arg7[%dma_wait3A_465] : memref<10000xi32, #tpu.memory_space<vmem>> -> memref<128xi32, #tpu.memory_space<vmem>>
        %dma_wait3A_467 = arith.constant 0 : i32
        %dma_wait3A_468 = arith.constant 0 : i32
        %dma_wait3A_469 = tpu.memref_slice %arg11[%dma_wait3A_467, %dma_wait3A_468] : memref<10000x64xf32, #tpu.memory_space<vmem_shared>> -> memref<10000x64xf32, #tpu.memory_space<vmem_shared>>
        %dma_wait3A_470 = tpu.memref_slice %arg10[%dma_wait3A_460] : memref<6x!tpu.dma_semaphore, #tpu.memory_space<semaphore_mem>> -> memref<1x!tpu.dma_semaphore, #tpu.memory_space<semaphore_mem>>
        %dma_wait3A_471 = tpu.memref_squeeze %dma_wait3A_470 : memref<1x!tpu.dma_semaphore, #tpu.memory_space<semaphore_mem>> -> memref<!tpu.dma_semaphore, #tpu.memory_space<semaphore_mem>>
        tpu.wait_indirect_dma semaphore(%dma_wait3A_471 : memref<!tpu.dma_semaphore, #tpu.memory_space<semaphore_mem>>) src(%dma_wait3A_464 : memref<128x64xf32, #tpu.memory_space<vmem>>) dst(%dma_wait3A_469 : memref<10000x64xf32, #tpu.memory_space<vmem_shared>>)
        %mul3A_472 = arith.constant 128 : i32
        %mul3A_473 = arith.muli %add3A_408, %mul3A_472 : i32
        %dma_start3A_474 = arith.constant 0 : i32
        %dma_start3A_475 = arith.constant 0 : i32
        %dma_start3A_476 = arith.constant 0 : i32
        %dma_start3A_477 = arith.constant 0 : i32
        %dma_start3A_478 = tpu.memref_slice %arg8[%dma_start3A_474, %dma_start3A_476, %dma_start3A_477] : memref<6x128x64xf32, #tpu.memory_space<vmem>> -> memref<1x128x64xf32, #tpu.memory_space<vmem>>
        %dma_start3A_479 = tpu.memref_squeeze %dma_start3A_478 : memref<1x128x64xf32, #tpu.memory_space<vmem>> -> memref<128x64xf32, #tpu.memory_space<vmem>>
        %dma_start3A_480 = tpu.memref_slice %arg6[%mul3A_473] : memref<10000xi32, #tpu.memory_space<vmem>> -> memref<128xi32, #tpu.memory_space<vmem>>
        %dma_start3A_481 = arith.constant 0 : i32
        %dma_start3A_482 = arith.constant 0 : i32
        %dma_start3A_483 = tpu.memref_slice %arg2[%dma_start3A_481, %dma_start3A_482] : memref<10000x64xf32, #tpu.memory_space<hbm>> -> memref<10000x64xf32, #tpu.memory_space<hbm>>
        %dma_start3A_484 = tpu.memref_slice %arg9[%dma_start3A_475] : memref<6x!tpu.dma_semaphore, #tpu.memory_space<semaphore_mem>> -> memref<1x!tpu.dma_semaphore, #tpu.memory_space<semaphore_mem>>
        %dma_start3A_485 = tpu.memref_squeeze %dma_start3A_484 : memref<1x!tpu.dma_semaphore, #tpu.memory_space<semaphore_mem>> -> memref<!tpu.dma_semaphore, #tpu.memory_space<semaphore_mem>>
        tpu.enqueue_indirect_dma source(%dma_start3A_483 : memref<10000x64xf32, #tpu.memory_space<hbm>>) target(%dma_start3A_479 : memref<128x64xf32, #tpu.memory_space<vmem>>) offsets(%dma_start3A_480 : memref<128xi32, #tpu.memory_space<vmem>>) semaphore(%dma_start3A_485 : memref<!tpu.dma_semaphore, #tpu.memory_space<semaphore_mem>>)
      } else {
      }
      %add3A_414 = arith.constant 6 : i32
      %add3A_415 = arith.addi %mul3A_230, %add3A_414 : i32
      %add3A_416 = arith.constant 1 : i32
      %add3A_417 = arith.addi %add3A_415, %add3A_416 : i32
      %lt3A_418 = arith.constant 78 : i32
      %lt3A_419 = arith.cmpi slt, %add3A_417, %lt3A_418 : i32
      %convert_element_type3A_420 = arith.extui %lt3A_419 : i1 to i32
      %cond3A_421 = arith.constant 0 : i32
      %cond3A_422 = arith.cmpi ne, %convert_element_type3A_420, %cond3A_421 : i32
      scf.if %cond3A_422 {
        %dma_wait3A_459 = arith.constant 1 : i32
        %dma_wait3A_460 = arith.constant 1 : i32
        %dma_wait3A_461 = arith.constant 0 : i32
        %dma_wait3A_462 = arith.constant 0 : i32
        %dma_wait3A_463 = tpu.memref_slice %arg8[%dma_wait3A_459, %dma_wait3A_461, %dma_wait3A_462] : memref<6x128x64xf32, #tpu.memory_space<vmem>> -> memref<1x128x64xf32, #tpu.memory_space<vmem>>
        %dma_wait3A_464 = tpu.memref_squeeze %dma_wait3A_463 : memref<1x128x64xf32, #tpu.memory_space<vmem>> -> memref<128x64xf32, #tpu.memory_space<vmem>>
        %dma_wait3A_465 = arith.constant 0 : i32
        %dma_wait3A_466 = tpu.memref_slice %arg7[%dma_wait3A_465] : memref<10000xi32, #tpu.memory_space<vmem>> -> memref<128xi32, #tpu.memory_space<vmem>>
        %dma_wait3A_467 = arith.constant 0 : i32
        %dma_wait3A_468 = arith.constant 0 : i32
        %dma_wait3A_469 = tpu.memref_slice %arg11[%dma_wait3A_467, %dma_wait3A_468] : memref<10000x64xf32, #tpu.memory_space<vmem_shared>> -> memref<10000x64xf32, #tpu.memory_space<vmem_shared>>
        %dma_wait3A_470 = tpu.memref_slice %arg10[%dma_wait3A_460] : memref<6x!tpu.dma_semaphore, #tpu.memory_space<semaphore_mem>> -> memref<1x!tpu.dma_semaphore, #tpu.memory_space<semaphore_mem>>
        %dma_wait3A_471 = tpu.memref_squeeze %dma_wait3A_470 : memref<1x!tpu.dma_semaphore, #tpu.memory_space<semaphore_mem>> -> memref<!tpu.dma_semaphore, #tpu.memory_space<semaphore_mem>>
        tpu.wait_indirect_dma semaphore(%dma_wait3A_471 : memref<!tpu.dma_semaphore, #tpu.memory_space<semaphore_mem>>) src(%dma_wait3A_464 : memref<128x64xf32, #tpu.memory_space<vmem>>) dst(%dma_wait3A_469 : memref<10000x64xf32, #tpu.memory_space<vmem_shared>>)
        %mul3A_472 = arith.constant 128 : i32
        %mul3A_473 = arith.muli %add3A_417, %mul3A_472 : i32
        %dma_start3A_474 = arith.constant 1 : i32
        %dma_start3A_475 = arith.constant 1 : i32
        %dma_start3A_476 = arith.constant 0 : i32
        %dma_start3A_477 = arith.constant 0 : i32
        %dma_start3A_478 = tpu.memref_slice %arg8[%dma_start3A_474, %dma_start3A_476, %dma_start3A_477] : memref<6x128x64xf32, #tpu.memory_space<vmem>> -> memref<1x128x64xf32, #tpu.memory_space<vmem>>
        %dma_start3A_479 = tpu.memref_squeeze %dma_start3A_478 : memref<1x128x64xf32, #tpu.memory_space<vmem>> -> memref<128x64xf32, #tpu.memory_space<vmem>>
        %dma_start3A_480 = tpu.memref_slice %arg6[%mul3A_473] : memref<10000xi32, #tpu.memory_space<vmem>> -> memref<128xi32, #tpu.memory_space<vmem>>
        %dma_start3A_481 = arith.constant 0 : i32
        %dma_start3A_482 = arith.constant 0 : i32
        %dma_start3A_483 = tpu.memref_slice %arg2[%dma_start3A_481, %dma_start3A_482] : memref<10000x64xf32, #tpu.memory_space<hbm>> -> memref<10000x64xf32, #tpu.memory_space<hbm>>
        %dma_start3A_484 = tpu.memref_slice %arg9[%dma_start3A_475] : memref<6x!tpu.dma_semaphore, #tpu.memory_space<semaphore_mem>> -> memref<1x!tpu.dma_semaphore, #tpu.memory_space<semaphore_mem>>
        %dma_start3A_485 = tpu.memref_squeeze %dma_start3A_484 : memref<1x!tpu.dma_semaphore, #tpu.memory_space<semaphore_mem>> -> memref<!tpu.dma_semaphore, #tpu.memory_space<semaphore_mem>>
        tpu.enqueue_indirect_dma source(%dma_start3A_483 : memref<10000x64xf32, #tpu.memory_space<hbm>>) target(%dma_start3A_479 : memref<128x64xf32, #tpu.memory_space<vmem>>) offsets(%dma_start3A_480 : memref<128xi32, #tpu.memory_space<vmem>>) semaphore(%dma_start3A_485 : memref<!tpu.dma_semaphore, #tpu.memory_space<semaphore_mem>>)
      } else {
      }
      %add3A_423 = arith.constant 6 : i32
      %add3A_424 = arith.addi %mul3A_230, %add3A_423 : i32
      %add3A_425 = arith.constant 2 : i32
      %add3A_426 = arith.addi %add3A_424, %add3A_425 : i32
      %lt3A_427 = arith.constant 78 : i32
      %lt3A_428 = arith.cmpi slt, %add3A_426, %lt3A_427 : i32
      %convert_element_type3A_429 = arith.extui %lt3A_428 : i1 to i32
      %cond3A_430 = arith.constant 0 : i32
      %cond3A_431 = arith.cmpi ne, %convert_element_type3A_429, %cond3A_430 : i32
      scf.if %cond3A_431 {
        %dma_wait3A_459 = arith.constant 2 : i32
        %dma_wait3A_460 = arith.constant 2 : i32
        %dma_wait3A_461 = arith.constant 0 : i32
        %dma_wait3A_462 = arith.constant 0 : i32
        %dma_wait3A_463 = tpu.memref_slice %arg8[%dma_wait3A_459, %dma_wait3A_461, %dma_wait3A_462] : memref<6x128x64xf32, #tpu.memory_space<vmem>> -> memref<1x128x64xf32, #tpu.memory_space<vmem>>
        %dma_wait3A_464 = tpu.memref_squeeze %dma_wait3A_463 : memref<1x128x64xf32, #tpu.memory_space<vmem>> -> memref<128x64xf32, #tpu.memory_space<vmem>>
        %dma_wait3A_465 = arith.constant 0 : i32
        %dma_wait3A_466 = tpu.memref_slice %arg7[%dma_wait3A_465] : memref<10000xi32, #tpu.memory_space<vmem>> -> memref<128xi32, #tpu.memory_space<vmem>>
        %dma_wait3A_467 = arith.constant 0 : i32
        %dma_wait3A_468 = arith.constant 0 : i32
        %dma_wait3A_469 = tpu.memref_slice %arg11[%dma_wait3A_467, %dma_wait3A_468] : memref<10000x64xf32, #tpu.memory_space<vmem_shared>> -> memref<10000x64xf32, #tpu.memory_space<vmem_shared>>
        %dma_wait3A_470 = tpu.memref_slice %arg10[%dma_wait3A_460] : memref<6x!tpu.dma_semaphore, #tpu.memory_space<semaphore_mem>> -> memref<1x!tpu.dma_semaphore, #tpu.memory_space<semaphore_mem>>
        %dma_wait3A_471 = tpu.memref_squeeze %dma_wait3A_470 : memref<1x!tpu.dma_semaphore, #tpu.memory_space<semaphore_mem>> -> memref<!tpu.dma_semaphore, #tpu.memory_space<semaphore_mem>>
        tpu.wait_indirect_dma semaphore(%dma_wait3A_471 : memref<!tpu.dma_semaphore, #tpu.memory_space<semaphore_mem>>) src(%dma_wait3A_464 : memref<128x64xf32, #tpu.memory_space<vmem>>) dst(%dma_wait3A_469 : memref<10000x64xf32, #tpu.memory_space<vmem_shared>>)
        %mul3A_472 = arith.constant 128 : i32
        %mul3A_473 = arith.muli %add3A_426, %mul3A_472 : i32
        %dma_start3A_474 = arith.constant 2 : i32
        %dma_start3A_475 = arith.constant 2 : i32
        %dma_start3A_476 = arith.constant 0 : i32
        %dma_start3A_477 = arith.constant 0 : i32
        %dma_start3A_478 = tpu.memref_slice %arg8[%dma_start3A_474, %dma_start3A_476, %dma_start3A_477] : memref<6x128x64xf32, #tpu.memory_space<vmem>> -> memref<1x128x64xf32, #tpu.memory_space<vmem>>
        %dma_start3A_479 = tpu.memref_squeeze %dma_start3A_478 : memref<1x128x64xf32, #tpu.memory_space<vmem>> -> memref<128x64xf32, #tpu.memory_space<vmem>>
        %dma_start3A_480 = tpu.memref_slice %arg6[%mul3A_473] : memref<10000xi32, #tpu.memory_space<vmem>> -> memref<128xi32, #tpu.memory_space<vmem>>
        %dma_start3A_481 = arith.constant 0 : i32
        %dma_start3A_482 = arith.constant 0 : i32
        %dma_start3A_483 = tpu.memref_slice %arg2[%dma_start3A_481, %dma_start3A_482] : memref<10000x64xf32, #tpu.memory_space<hbm>> -> memref<10000x64xf32, #tpu.memory_space<hbm>>
        %dma_start3A_484 = tpu.memref_slice %arg9[%dma_start3A_475] : memref<6x!tpu.dma_semaphore, #tpu.memory_space<semaphore_mem>> -> memref<1x!tpu.dma_semaphore, #tpu.memory_space<semaphore_mem>>
        %dma_start3A_485 = tpu.memref_squeeze %dma_start3A_484 : memref<1x!tpu.dma_semaphore, #tpu.memory_space<semaphore_mem>> -> memref<!tpu.dma_semaphore, #tpu.memory_space<semaphore_mem>>
        tpu.enqueue_indirect_dma source(%dma_start3A_483 : memref<10000x64xf32, #tpu.memory_space<hbm>>) target(%dma_start3A_479 : memref<128x64xf32, #tpu.memory_space<vmem>>) offsets(%dma_start3A_480 : memref<128xi32, #tpu.memory_space<vmem>>) semaphore(%dma_start3A_485 : memref<!tpu.dma_semaphore, #tpu.memory_space<semaphore_mem>>)
      } else {
      }
      %add3A_432 = arith.constant 6 : i32
      %add3A_433 = arith.addi %mul3A_230, %add3A_432 : i32
      %add3A_434 = arith.constant 3 : i32
      %add3A_435 = arith.addi %add3A_433, %add3A_434 : i32
      %lt3A_436 = arith.constant 78 : i32
      %lt3A_437 = arith.cmpi slt, %add3A_435, %lt3A_436 : i32
      %convert_element_type3A_438 = arith.extui %lt3A_437 : i1 to i32
      %cond3A_439 = arith.constant 0 : i32
      %cond3A_440 = arith.cmpi ne, %convert_element_type3A_438, %cond3A_439 : i32
      scf.if %cond3A_440 {
        %dma_wait3A_459 = arith.constant 3 : i32
        %dma_wait3A_460 = arith.constant 3 : i32
        %dma_wait3A_461 = arith.constant 0 : i32
        %dma_wait3A_462 = arith.constant 0 : i32
        %dma_wait3A_463 = tpu.memref_slice %arg8[%dma_wait3A_459, %dma_wait3A_461, %dma_wait3A_462] : memref<6x128x64xf32, #tpu.memory_space<vmem>> -> memref<1x128x64xf32, #tpu.memory_space<vmem>>
        %dma_wait3A_464 = tpu.memref_squeeze %dma_wait3A_463 : memref<1x128x64xf32, #tpu.memory_space<vmem>> -> memref<128x64xf32, #tpu.memory_space<vmem>>
        %dma_wait3A_465 = arith.constant 0 : i32
        %dma_wait3A_466 = tpu.memref_slice %arg7[%dma_wait3A_465] : memref<10000xi32, #tpu.memory_space<vmem>> -> memref<128xi32, #tpu.memory_space<vmem>>
        %dma_wait3A_467 = arith.constant 0 : i32
        %dma_wait3A_468 = arith.constant 0 : i32
        %dma_wait3A_469 = tpu.memref_slice %arg11[%dma_wait3A_467, %dma_wait3A_468] : memref<10000x64xf32, #tpu.memory_space<vmem_shared>> -> memref<10000x64xf32, #tpu.memory_space<vmem_shared>>
        %dma_wait3A_470 = tpu.memref_slice %arg10[%dma_wait3A_460] : memref<6x!tpu.dma_semaphore, #tpu.memory_space<semaphore_mem>> -> memref<1x!tpu.dma_semaphore, #tpu.memory_space<semaphore_mem>>
        %dma_wait3A_471 = tpu.memref_squeeze %dma_wait3A_470 : memref<1x!tpu.dma_semaphore, #tpu.memory_space<semaphore_mem>> -> memref<!tpu.dma_semaphore, #tpu.memory_space<semaphore_mem>>
        tpu.wait_indirect_dma semaphore(%dma_wait3A_471 : memref<!tpu.dma_semaphore, #tpu.memory_space<semaphore_mem>>) src(%dma_wait3A_464 : memref<128x64xf32, #tpu.memory_space<vmem>>) dst(%dma_wait3A_469 : memref<10000x64xf32, #tpu.memory_space<vmem_shared>>)
        %mul3A_472 = arith.constant 128 : i32
        %mul3A_473 = arith.muli %add3A_435, %mul3A_472 : i32
        %dma_start3A_474 = arith.constant 3 : i32
        %dma_start3A_475 = arith.constant 3 : i32
        %dma_start3A_476 = arith.constant 0 : i32
        %dma_start3A_477 = arith.constant 0 : i32
        %dma_start3A_478 = tpu.memref_slice %arg8[%dma_start3A_474, %dma_start3A_476, %dma_start3A_477] : memref<6x128x64xf32, #tpu.memory_space<vmem>> -> memref<1x128x64xf32, #tpu.memory_space<vmem>>
        %dma_start3A_479 = tpu.memref_squeeze %dma_start3A_478 : memref<1x128x64xf32, #tpu.memory_space<vmem>> -> memref<128x64xf32, #tpu.memory_space<vmem>>
        %dma_start3A_480 = tpu.memref_slice %arg6[%mul3A_473] : memref<10000xi32, #tpu.memory_space<vmem>> -> memref<128xi32, #tpu.memory_space<vmem>>
        %dma_start3A_481 = arith.constant 0 : i32
        %dma_start3A_482 = arith.constant 0 : i32
        %dma_start3A_483 = tpu.memref_slice %arg2[%dma_start3A_481, %dma_start3A_482] : memref<10000x64xf32, #tpu.memory_space<hbm>> -> memref<10000x64xf32, #tpu.memory_space<hbm>>
        %dma_start3A_484 = tpu.memref_slice %arg9[%dma_start3A_475] : memref<6x!tpu.dma_semaphore, #tpu.memory_space<semaphore_mem>> -> memref<1x!tpu.dma_semaphore, #tpu.memory_space<semaphore_mem>>
        %dma_start3A_485 = tpu.memref_squeeze %dma_start3A_484 : memref<1x!tpu.dma_semaphore, #tpu.memory_space<semaphore_mem>> -> memref<!tpu.dma_semaphore, #tpu.memory_space<semaphore_mem>>
        tpu.enqueue_indirect_dma source(%dma_start3A_483 : memref<10000x64xf32, #tpu.memory_space<hbm>>) target(%dma_start3A_479 : memref<128x64xf32, #tpu.memory_space<vmem>>) offsets(%dma_start3A_480 : memref<128xi32, #tpu.memory_space<vmem>>) semaphore(%dma_start3A_485 : memref<!tpu.dma_semaphore, #tpu.memory_space<semaphore_mem>>)
      } else {
      }
      %add3A_441 = arith.constant 6 : i32
      %add3A_442 = arith.addi %mul3A_230, %add3A_441 : i32
      %add3A_443 = arith.constant 4 : i32
      %add3A_444 = arith.addi %add3A_442, %add3A_443 : i32
      %lt3A_445 = arith.constant 78 : i32
      %lt3A_446 = arith.cmpi slt, %add3A_444, %lt3A_445 : i32
      %convert_element_type3A_447 = arith.extui %lt3A_446 : i1 to i32
      %cond3A_448 = arith.constant 0 : i32
      %cond3A_449 = arith.cmpi ne, %convert_element_type3A_447, %cond3A_448 : i32
      scf.if %cond3A_449 {
        %dma_wait3A_459 = arith.constant 4 : i32
        %dma_wait3A_460 = arith.constant 4 : i32
        %dma_wait3A_461 = arith.constant 0 : i32
        %dma_wait3A_462 = arith.constant 0 : i32
        %dma_wait3A_463 = tpu.memref_slice %arg8[%dma_wait3A_459, %dma_wait3A_461, %dma_wait3A_462] : memref<6x128x64xf32, #tpu.memory_space<vmem>> -> memref<1x128x64xf32, #tpu.memory_space<vmem>>
        %dma_wait3A_464 = tpu.memref_squeeze %dma_wait3A_463 : memref<1x128x64xf32, #tpu.memory_space<vmem>> -> memref<128x64xf32, #tpu.memory_space<vmem>>
        %dma_wait3A_465 = arith.constant 0 : i32
        %dma_wait3A_466 = tpu.memref_slice %arg7[%dma_wait3A_465] : memref<10000xi32, #tpu.memory_space<vmem>> -> memref<128xi32, #tpu.memory_space<vmem>>
        %dma_wait3A_467 = arith.constant 0 : i32
        %dma_wait3A_468 = arith.constant 0 : i32
        %dma_wait3A_469 = tpu.memref_slice %arg11[%dma_wait3A_467, %dma_wait3A_468] : memref<10000x64xf32, #tpu.memory_space<vmem_shared>> -> memref<10000x64xf32, #tpu.memory_space<vmem_shared>>
        %dma_wait3A_470 = tpu.memref_slice %arg10[%dma_wait3A_460] : memref<6x!tpu.dma_semaphore, #tpu.memory_space<semaphore_mem>> -> memref<1x!tpu.dma_semaphore, #tpu.memory_space<semaphore_mem>>
        %dma_wait3A_471 = tpu.memref_squeeze %dma_wait3A_470 : memref<1x!tpu.dma_semaphore, #tpu.memory_space<semaphore_mem>> -> memref<!tpu.dma_semaphore, #tpu.memory_space<semaphore_mem>>
        tpu.wait_indirect_dma semaphore(%dma_wait3A_471 : memref<!tpu.dma_semaphore, #tpu.memory_space<semaphore_mem>>) src(%dma_wait3A_464 : memref<128x64xf32, #tpu.memory_space<vmem>>) dst(%dma_wait3A_469 : memref<10000x64xf32, #tpu.memory_space<vmem_shared>>)
        %mul3A_472 = arith.constant 128 : i32
        %mul3A_473 = arith.muli %add3A_444, %mul3A_472 : i32
        %dma_start3A_474 = arith.constant 4 : i32
        %dma_start3A_475 = arith.constant 4 : i32
        %dma_start3A_476 = arith.constant 0 : i32
        %dma_start3A_477 = arith.constant 0 : i32
        %dma_start3A_478 = tpu.memref_slice %arg8[%dma_start3A_474, %dma_start3A_476, %dma_start3A_477] : memref<6x128x64xf32, #tpu.memory_space<vmem>> -> memref<1x128x64xf32, #tpu.memory_space<vmem>>
        %dma_start3A_479 = tpu.memref_squeeze %dma_start3A_478 : memref<1x128x64xf32, #tpu.memory_space<vmem>> -> memref<128x64xf32, #tpu.memory_space<vmem>>
        %dma_start3A_480 = tpu.memref_slice %arg6[%mul3A_473] : memref<10000xi32, #tpu.memory_space<vmem>> -> memref<128xi32, #tpu.memory_space<vmem>>
        %dma_start3A_481 = arith.constant 0 : i32
        %dma_start3A_482 = arith.constant 0 : i32
        %dma_start3A_483 = tpu.memref_slice %arg2[%dma_start3A_481, %dma_start3A_482] : memref<10000x64xf32, #tpu.memory_space<hbm>> -> memref<10000x64xf32, #tpu.memory_space<hbm>>
        %dma_start3A_484 = tpu.memref_slice %arg9[%dma_start3A_475] : memref<6x!tpu.dma_semaphore, #tpu.memory_space<semaphore_mem>> -> memref<1x!tpu.dma_semaphore, #tpu.memory_space<semaphore_mem>>
        %dma_start3A_485 = tpu.memref_squeeze %dma_start3A_484 : memref<1x!tpu.dma_semaphore, #tpu.memory_space<semaphore_mem>> -> memref<!tpu.dma_semaphore, #tpu.memory_space<semaphore_mem>>
        tpu.enqueue_indirect_dma source(%dma_start3A_483 : memref<10000x64xf32, #tpu.memory_space<hbm>>) target(%dma_start3A_479 : memref<128x64xf32, #tpu.memory_space<vmem>>) offsets(%dma_start3A_480 : memref<128xi32, #tpu.memory_space<vmem>>) semaphore(%dma_start3A_485 : memref<!tpu.dma_semaphore, #tpu.memory_space<semaphore_mem>>)
      } else {
      }
      %add3A_450 = arith.constant 6 : i32
      %add3A_451 = arith.addi %mul3A_230, %add3A_450 : i32
      %add3A_452 = arith.constant 5 : i32
      %add3A_453 = arith.addi %add3A_451, %add3A_452 : i32
      %lt3A_454 = arith.constant 78 : i32
      %lt3A_455 = arith.cmpi slt, %add3A_453, %lt3A_454 : i32
      %convert_element_type3A_456 = arith.extui %lt3A_455 : i1 to i32
      %cond3A_457 = arith.constant 0 : i32
      %cond3A_458 = arith.cmpi ne, %convert_element_type3A_456, %cond3A_457 : i32
      scf.if %cond3A_458 {
        %dma_wait3A_459 = arith.constant 5 : i32
        %dma_wait3A_460 = arith.constant 5 : i32
        %dma_wait3A_461 = arith.constant 0 : i32
        %dma_wait3A_462 = arith.constant 0 : i32
        %dma_wait3A_463 = tpu.memref_slice %arg8[%dma_wait3A_459, %dma_wait3A_461, %dma_wait3A_462] : memref<6x128x64xf32, #tpu.memory_space<vmem>> -> memref<1x128x64xf32, #tpu.memory_space<vmem>>
        %dma_wait3A_464 = tpu.memref_squeeze %dma_wait3A_463 : memref<1x128x64xf32, #tpu.memory_space<vmem>> -> memref<128x64xf32, #tpu.memory_space<vmem>>
        %dma_wait3A_465 = arith.constant 0 : i32
        %dma_wait3A_466 = tpu.memref_slice %arg7[%dma_wait3A_465] : memref<10000xi32, #tpu.memory_space<vmem>> -> memref<128xi32, #tpu.memory_space<vmem>>
        %dma_wait3A_467 = arith.constant 0 : i32
        %dma_wait3A_468 = arith.constant 0 : i32
        %dma_wait3A_469 = tpu.memref_slice %arg11[%dma_wait3A_467, %dma_wait3A_468] : memref<10000x64xf32, #tpu.memory_space<vmem_shared>> -> memref<10000x64xf32, #tpu.memory_space<vmem_shared>>
        %dma_wait3A_470 = tpu.memref_slice %arg10[%dma_wait3A_460] : memref<6x!tpu.dma_semaphore, #tpu.memory_space<semaphore_mem>> -> memref<1x!tpu.dma_semaphore, #tpu.memory_space<semaphore_mem>>
        %dma_wait3A_471 = tpu.memref_squeeze %dma_wait3A_470 : memref<1x!tpu.dma_semaphore, #tpu.memory_space<semaphore_mem>> -> memref<!tpu.dma_semaphore, #tpu.memory_space<semaphore_mem>>
        tpu.wait_indirect_dma semaphore(%dma_wait3A_471 : memref<!tpu.dma_semaphore, #tpu.memory_space<semaphore_mem>>) src(%dma_wait3A_464 : memref<128x64xf32, #tpu.memory_space<vmem>>) dst(%dma_wait3A_469 : memref<10000x64xf32, #tpu.memory_space<vmem_shared>>)
        %mul3A_472 = arith.constant 128 : i32
        %mul3A_473 = arith.muli %add3A_453, %mul3A_472 : i32
        %dma_start3A_474 = arith.constant 5 : i32
        %dma_start3A_475 = arith.constant 5 : i32
        %dma_start3A_476 = arith.constant 0 : i32
        %dma_start3A_477 = arith.constant 0 : i32
        %dma_start3A_478 = tpu.memref_slice %arg8[%dma_start3A_474, %dma_start3A_476, %dma_start3A_477] : memref<6x128x64xf32, #tpu.memory_space<vmem>> -> memref<1x128x64xf32, #tpu.memory_space<vmem>>
        %dma_start3A_479 = tpu.memref_squeeze %dma_start3A_478 : memref<1x128x64xf32, #tpu.memory_space<vmem>> -> memref<128x64xf32, #tpu.memory_space<vmem>>
        %dma_start3A_480 = tpu.memref_slice %arg6[%mul3A_473] : memref<10000xi32, #tpu.memory_space<vmem>> -> memref<128xi32, #tpu.memory_space<vmem>>
        %dma_start3A_481 = arith.constant 0 : i32
        %dma_start3A_482 = arith.constant 0 : i32
        %dma_start3A_483 = tpu.memref_slice %arg2[%dma_start3A_481, %dma_start3A_482] : memref<10000x64xf32, #tpu.memory_space<hbm>> -> memref<10000x64xf32, #tpu.memory_space<hbm>>
        %dma_start3A_484 = tpu.memref_slice %arg9[%dma_start3A_475] : memref<6x!tpu.dma_semaphore, #tpu.memory_space<semaphore_mem>> -> memref<1x!tpu.dma_semaphore, #tpu.memory_space<semaphore_mem>>
        %dma_start3A_485 = tpu.memref_squeeze %dma_start3A_484 : memref<1x!tpu.dma_semaphore, #tpu.memory_space<semaphore_mem>> -> memref<!tpu.dma_semaphore, #tpu.memory_space<semaphore_mem>>
        tpu.enqueue_indirect_dma source(%dma_start3A_483 : memref<10000x64xf32, #tpu.memory_space<hbm>>) target(%dma_start3A_479 : memref<128x64xf32, #tpu.memory_space<vmem>>) offsets(%dma_start3A_480 : memref<128xi32, #tpu.memory_space<vmem>>) semaphore(%dma_start3A_485 : memref<!tpu.dma_semaphore, #tpu.memory_space<semaphore_mem>>)
      } else {
      }
    }
    %scan3A_88 = arith.constant 13 : i32
    %dma_wait3A = arith.constant 0 : i32
    %dma_wait3A_89 = arith.constant 0 : i32
    %dma_wait3A_90 = arith.constant 0 : i32
    %dma_wait3A_91 = arith.constant 0 : i32
    %dma_wait3A_92 = tpu.memref_slice %arg8[%dma_wait3A, %dma_wait3A_90, %dma_wait3A_91] : memref<6x128x64xf32, #tpu.memory_space<vmem>> -> memref<1x128x64xf32, #tpu.memory_space<vmem>>
    %dma_wait3A_93 = tpu.memref_squeeze %dma_wait3A_92 : memref<1x128x64xf32, #tpu.memory_space<vmem>> -> memref<128x64xf32, #tpu.memory_space<vmem>>
    %dma_wait3A_94 = arith.constant 0 : i32
    %dma_wait3A_95 = tpu.memref_slice %arg7[%dma_wait3A_94] : memref<10000xi32, #tpu.memory_space<vmem>> -> memref<128xi32, #tpu.memory_space<vmem>>
    %dma_wait3A_96 = arith.constant 0 : i32
    %dma_wait3A_97 = arith.constant 0 : i32
    %dma_wait3A_98 = tpu.memref_slice %arg11[%dma_wait3A_96, %dma_wait3A_97] : memref<10000x64xf32, #tpu.memory_space<vmem_shared>> -> memref<10000x64xf32, #tpu.memory_space<vmem_shared>>
    %dma_wait3A_99 = tpu.memref_slice %arg10[%dma_wait3A_89] : memref<6x!tpu.dma_semaphore, #tpu.memory_space<semaphore_mem>> -> memref<1x!tpu.dma_semaphore, #tpu.memory_space<semaphore_mem>>
    %dma_wait3A_100 = tpu.memref_squeeze %dma_wait3A_99 : memref<1x!tpu.dma_semaphore, #tpu.memory_space<semaphore_mem>> -> memref<!tpu.dma_semaphore, #tpu.memory_space<semaphore_mem>>
    tpu.wait_indirect_dma semaphore(%dma_wait3A_100 : memref<!tpu.dma_semaphore, #tpu.memory_space<semaphore_mem>>) src(%dma_wait3A_93 : memref<128x64xf32, #tpu.memory_space<vmem>>) dst(%dma_wait3A_98 : memref<10000x64xf32, #tpu.memory_space<vmem_shared>>)
    %dma_wait3A_101 = arith.constant 1 : i32
    %dma_wait3A_102 = arith.constant 1 : i32
    %dma_wait3A_103 = arith.constant 0 : i32
    %dma_wait3A_104 = arith.constant 0 : i32
    %dma_wait3A_105 = tpu.memref_slice %arg8[%dma_wait3A_101, %dma_wait3A_103, %dma_wait3A_104] : memref<6x128x64xf32, #tpu.memory_space<vmem>> -> memref<1x128x64xf32, #tpu.memory_space<vmem>>
    %dma_wait3A_106 = tpu.memref_squeeze %dma_wait3A_105 : memref<1x128x64xf32, #tpu.memory_space<vmem>> -> memref<128x64xf32, #tpu.memory_space<vmem>>
    %dma_wait3A_107 = arith.constant 0 : i32
    %dma_wait3A_108 = tpu.memref_slice %arg7[%dma_wait3A_107] : memref<10000xi32, #tpu.memory_space<vmem>> -> memref<128xi32, #tpu.memory_space<vmem>>
    %dma_wait3A_109 = arith.constant 0 : i32
    %dma_wait3A_110 = arith.constant 0 : i32
    %dma_wait3A_111 = tpu.memref_slice %arg11[%dma_wait3A_109, %dma_wait3A_110] : memref<10000x64xf32, #tpu.memory_space<vmem_shared>> -> memref<10000x64xf32, #tpu.memory_space<vmem_shared>>
    %dma_wait3A_112 = tpu.memref_slice %arg10[%dma_wait3A_102] : memref<6x!tpu.dma_semaphore, #tpu.memory_space<semaphore_mem>> -> memref<1x!tpu.dma_semaphore, #tpu.memory_space<semaphore_mem>>
    %dma_wait3A_113 = tpu.memref_squeeze %dma_wait3A_112 : memref<1x!tpu.dma_semaphore, #tpu.memory_space<semaphore_mem>> -> memref<!tpu.dma_semaphore, #tpu.memory_space<semaphore_mem>>
    tpu.wait_indirect_dma semaphore(%dma_wait3A_113 : memref<!tpu.dma_semaphore, #tpu.memory_space<semaphore_mem>>) src(%dma_wait3A_106 : memref<128x64xf32, #tpu.memory_space<vmem>>) dst(%dma_wait3A_111 : memref<10000x64xf32, #tpu.memory_space<vmem_shared>>)
    %dma_wait3A_114 = arith.constant 2 : i32
    %dma_wait3A_115 = arith.constant 2 : i32
    %dma_wait3A_116 = arith.constant 0 : i32
    %dma_wait3A_117 = arith.constant 0 : i32
    %dma_wait3A_118 = tpu.memref_slice %arg8[%dma_wait3A_114, %dma_wait3A_116, %dma_wait3A_117] : memref<6x128x64xf32, #tpu.memory_space<vmem>> -> memref<1x128x64xf32, #tpu.memory_space<vmem>>
    %dma_wait3A_119 = tpu.memref_squeeze %dma_wait3A_118 : memref<1x128x64xf32, #tpu.memory_space<vmem>> -> memref<128x64xf32, #tpu.memory_space<vmem>>
    %dma_wait3A_120 = arith.constant 0 : i32
    %dma_wait3A_121 = tpu.memref_slice %arg7[%dma_wait3A_120] : memref<10000xi32, #tpu.memory_space<vmem>> -> memref<128xi32, #tpu.memory_space<vmem>>
    %dma_wait3A_122 = arith.constant 0 : i32
    %dma_wait3A_123 = arith.constant 0 : i32
    %dma_wait3A_124 = tpu.memref_slice %arg11[%dma_wait3A_122, %dma_wait3A_123] : memref<10000x64xf32, #tpu.memory_space<vmem_shared>> -> memref<10000x64xf32, #tpu.memory_space<vmem_shared>>
    %dma_wait3A_125 = tpu.memref_slice %arg10[%dma_wait3A_115] : memref<6x!tpu.dma_semaphore, #tpu.memory_space<semaphore_mem>> -> memref<1x!tpu.dma_semaphore, #tpu.memory_space<semaphore_mem>>
    %dma_wait3A_126 = tpu.memref_squeeze %dma_wait3A_125 : memref<1x!tpu.dma_semaphore, #tpu.memory_space<semaphore_mem>> -> memref<!tpu.dma_semaphore, #tpu.memory_space<semaphore_mem>>
    tpu.wait_indirect_dma semaphore(%dma_wait3A_126 : memref<!tpu.dma_semaphore, #tpu.memory_space<semaphore_mem>>) src(%dma_wait3A_119 : memref<128x64xf32, #tpu.memory_space<vmem>>) dst(%dma_wait3A_124 : memref<10000x64xf32, #tpu.memory_space<vmem_shared>>)
    %dma_wait3A_127 = arith.constant 3 : i32
    %dma_wait3A_128 = arith.constant 3 : i32
    %dma_wait3A_129 = arith.constant 0 : i32
    %dma_wait3A_130 = arith.constant 0 : i32
    %dma_wait3A_131 = tpu.memref_slice %arg8[%dma_wait3A_127, %dma_wait3A_129, %dma_wait3A_130] : memref<6x128x64xf32, #tpu.memory_space<vmem>> -> memref<1x128x64xf32, #tpu.memory_space<vmem>>
    %dma_wait3A_132 = tpu.memref_squeeze %dma_wait3A_131 : memref<1x128x64xf32, #tpu.memory_space<vmem>> -> memref<128x64xf32, #tpu.memory_space<vmem>>
    %dma_wait3A_133 = arith.constant 0 : i32
    %dma_wait3A_134 = tpu.memref_slice %arg7[%dma_wait3A_133] : memref<10000xi32, #tpu.memory_space<vmem>> -> memref<128xi32, #tpu.memory_space<vmem>>
    %dma_wait3A_135 = arith.constant 0 : i32
    %dma_wait3A_136 = arith.constant 0 : i32
    %dma_wait3A_137 = tpu.memref_slice %arg11[%dma_wait3A_135, %dma_wait3A_136] : memref<10000x64xf32, #tpu.memory_space<vmem_shared>> -> memref<10000x64xf32, #tpu.memory_space<vmem_shared>>
    %dma_wait3A_138 = tpu.memref_slice %arg10[%dma_wait3A_128] : memref<6x!tpu.dma_semaphore, #tpu.memory_space<semaphore_mem>> -> memref<1x!tpu.dma_semaphore, #tpu.memory_space<semaphore_mem>>
    %dma_wait3A_139 = tpu.memref_squeeze %dma_wait3A_138 : memref<1x!tpu.dma_semaphore, #tpu.memory_space<semaphore_mem>> -> memref<!tpu.dma_semaphore, #tpu.memory_space<semaphore_mem>>
    tpu.wait_indirect_dma semaphore(%dma_wait3A_139 : memref<!tpu.dma_semaphore, #tpu.memory_space<semaphore_mem>>) src(%dma_wait3A_132 : memref<128x64xf32, #tpu.memory_space<vmem>>) dst(%dma_wait3A_137 : memref<10000x64xf32, #tpu.memory_space<vmem_shared>>)
    %dma_wait3A_140 = arith.constant 4 : i32
    %dma_wait3A_141 = arith.constant 4 : i32
    %dma_wait3A_142 = arith.constant 0 : i32
    %dma_wait3A_143 = arith.constant 0 : i32
    %dma_wait3A_144 = tpu.memref_slice %arg8[%dma_wait3A_140, %dma_wait3A_142, %dma_wait3A_143] : memref<6x128x64xf32, #tpu.memory_space<vmem>> -> memref<1x128x64xf32, #tpu.memory_space<vmem>>
    %dma_wait3A_145 = tpu.memref_squeeze %dma_wait3A_144 : memref<1x128x64xf32, #tpu.memory_space<vmem>> -> memref<128x64xf32, #tpu.memory_space<vmem>>
    %dma_wait3A_146 = arith.constant 0 : i32
    %dma_wait3A_147 = tpu.memref_slice %arg7[%dma_wait3A_146] : memref<10000xi32, #tpu.memory_space<vmem>> -> memref<128xi32, #tpu.memory_space<vmem>>
    %dma_wait3A_148 = arith.constant 0 : i32
    %dma_wait3A_149 = arith.constant 0 : i32
    %dma_wait3A_150 = tpu.memref_slice %arg11[%dma_wait3A_148, %dma_wait3A_149] : memref<10000x64xf32, #tpu.memory_space<vmem_shared>> -> memref<10000x64xf32, #tpu.memory_space<vmem_shared>>
    %dma_wait3A_151 = tpu.memref_slice %arg10[%dma_wait3A_141] : memref<6x!tpu.dma_semaphore, #tpu.memory_space<semaphore_mem>> -> memref<1x!tpu.dma_semaphore, #tpu.memory_space<semaphore_mem>>
    %dma_wait3A_152 = tpu.memref_squeeze %dma_wait3A_151 : memref<1x!tpu.dma_semaphore, #tpu.memory_space<semaphore_mem>> -> memref<!tpu.dma_semaphore, #tpu.memory_space<semaphore_mem>>
    tpu.wait_indirect_dma semaphore(%dma_wait3A_152 : memref<!tpu.dma_semaphore, #tpu.memory_space<semaphore_mem>>) src(%dma_wait3A_145 : memref<128x64xf32, #tpu.memory_space<vmem>>) dst(%dma_wait3A_150 : memref<10000x64xf32, #tpu.memory_space<vmem_shared>>)
    %dma_wait3A_153 = arith.constant 5 : i32
    %dma_wait3A_154 = arith.constant 5 : i32
    %dma_wait3A_155 = arith.constant 0 : i32
    %dma_wait3A_156 = arith.constant 0 : i32
    %dma_wait3A_157 = tpu.memref_slice %arg8[%dma_wait3A_153, %dma_wait3A_155, %dma_wait3A_156] : memref<6x128x64xf32, #tpu.memory_space<vmem>> -> memref<1x128x64xf32, #tpu.memory_space<vmem>>
    %dma_wait3A_158 = tpu.memref_squeeze %dma_wait3A_157 : memref<1x128x64xf32, #tpu.memory_space<vmem>> -> memref<128x64xf32, #tpu.memory_space<vmem>>
    %dma_wait3A_159 = arith.constant 0 : i32
    %dma_wait3A_160 = tpu.memref_slice %arg7[%dma_wait3A_159] : memref<10000xi32, #tpu.memory_space<vmem>> -> memref<128xi32, #tpu.memory_space<vmem>>
    %dma_wait3A_161 = arith.constant 0 : i32
    %dma_wait3A_162 = arith.constant 0 : i32
    %dma_wait3A_163 = tpu.memref_slice %arg11[%dma_wait3A_161, %dma_wait3A_162] : memref<10000x64xf32, #tpu.memory_space<vmem_shared>> -> memref<10000x64xf32, #tpu.memory_space<vmem_shared>>
    %dma_wait3A_164 = tpu.memref_slice %arg10[%dma_wait3A_154] : memref<6x!tpu.dma_semaphore, #tpu.memory_space<semaphore_mem>> -> memref<1x!tpu.dma_semaphore, #tpu.memory_space<semaphore_mem>>
    %dma_wait3A_165 = tpu.memref_squeeze %dma_wait3A_164 : memref<1x!tpu.dma_semaphore, #tpu.memory_space<semaphore_mem>> -> memref<!tpu.dma_semaphore, #tpu.memory_space<semaphore_mem>>
    tpu.wait_indirect_dma semaphore(%dma_wait3A_165 : memref<!tpu.dma_semaphore, #tpu.memory_space<semaphore_mem>>) src(%dma_wait3A_158 : memref<128x64xf32, #tpu.memory_space<vmem>>) dst(%dma_wait3A_163 : memref<10000x64xf32, #tpu.memory_space<vmem_shared>>)
    %dma_start3A_166 = arith.constant 0 : i32
    %dma_start3A_167 = arith.constant 0 : i32
    %dma_start3A_168 = arith.constant 0 : i32
    %dma_start3A_169 = arith.constant 0 : i32
    %dma_start3A_170 = tpu.memref_slice %arg8[%dma_start3A_166, %dma_start3A_168, %dma_start3A_169] : memref<6x128x64xf32, #tpu.memory_space<vmem>> -> memref<1x16x64xf32, #tpu.memory_space<vmem>>
    %dma_start3A_171 = tpu.memref_squeeze %dma_start3A_170 : memref<1x16x64xf32, #tpu.memory_space<vmem>> -> memref<16x64xf32, #tpu.memory_space<vmem>>
    %dma_start3A_172 = arith.constant 9984 : i32
    %dma_start3A_173 = tpu.memref_slice %arg6[%dma_start3A_172] : memref<10000xi32, #tpu.memory_space<vmem>> -> memref<16xi32, #tpu.memory_space<vmem>>
    %dma_start3A_174 = arith.constant 0 : i32
    %dma_start3A_175 = arith.constant 0 : i32
    %dma_start3A_176 = tpu.memref_slice %arg2[%dma_start3A_174, %dma_start3A_175] : memref<10000x64xf32, #tpu.memory_space<hbm>> -> memref<10000x64xf32, #tpu.memory_space<hbm>>
    %dma_start3A_177 = tpu.memref_slice %arg9[%dma_start3A_167] : memref<6x!tpu.dma_semaphore, #tpu.memory_space<semaphore_mem>> -> memref<1x!tpu.dma_semaphore, #tpu.memory_space<semaphore_mem>>
    %dma_start3A_178 = tpu.memref_squeeze %dma_start3A_177 : memref<1x!tpu.dma_semaphore, #tpu.memory_space<semaphore_mem>> -> memref<!tpu.dma_semaphore, #tpu.memory_space<semaphore_mem>>
    tpu.enqueue_indirect_dma source(%dma_start3A_176 : memref<10000x64xf32, #tpu.memory_space<hbm>>) target(%dma_start3A_171 : memref<16x64xf32, #tpu.memory_space<vmem>>) offsets(%dma_start3A_173 : memref<16xi32, #tpu.memory_space<vmem>>) semaphore(%dma_start3A_178 : memref<!tpu.dma_semaphore, #tpu.memory_space<semaphore_mem>>)
    %dma_wait3A_179 = arith.constant 0 : i32
    %dma_wait3A_180 = arith.constant 0 : i32
    %dma_wait3A_181 = arith.constant 0 : i32
    %dma_wait3A_182 = arith.constant 0 : i32
    %dma_wait3A_183 = tpu.memref_slice %arg8[%dma_wait3A_179, %dma_wait3A_181, %dma_wait3A_182] : memref<6x128x64xf32, #tpu.memory_space<vmem>> -> memref<1x16x64xf32, #tpu.memory_space<vmem>>
    %dma_wait3A_184 = tpu.memref_squeeze %dma_wait3A_183 : memref<1x16x64xf32, #tpu.memory_space<vmem>> -> memref<16x64xf32, #tpu.memory_space<vmem>>
    %dma_wait3A_185 = arith.constant 0 : i32
    %dma_wait3A_186 = tpu.memref_slice %arg6[%dma_wait3A_185] : memref<10000xi32, #tpu.memory_space<vmem>> -> memref<16xi32, #tpu.memory_space<vmem>>
    %dma_wait3A_187 = arith.constant 0 : i32
    %dma_wait3A_188 = arith.constant 0 : i32
    %dma_wait3A_189 = tpu.memref_slice %arg2[%dma_wait3A_187, %dma_wait3A_188] : memref<10000x64xf32, #tpu.memory_space<hbm>> -> memref<10000x64xf32, #tpu.memory_space<hbm>>
    %dma_wait3A_190 = tpu.memref_slice %arg9[%dma_wait3A_180] : memref<6x!tpu.dma_semaphore, #tpu.memory_space<semaphore_mem>> -> memref<1x!tpu.dma_semaphore, #tpu.memory_space<semaphore_mem>>
    %dma_wait3A_191 = tpu.memref_squeeze %dma_wait3A_190 : memref<1x!tpu.dma_semaphore, #tpu.memory_space<semaphore_mem>> -> memref<!tpu.dma_semaphore, #tpu.memory_space<semaphore_mem>>
    tpu.wait_indirect_dma semaphore(%dma_wait3A_191 : memref<!tpu.dma_semaphore, #tpu.memory_space<semaphore_mem>>) src(%dma_wait3A_189 : memref<10000x64xf32, #tpu.memory_space<hbm>>) dst(%dma_wait3A_184 : memref<16x64xf32, #tpu.memory_space<vmem>>)
    %dma_start3A_192 = arith.constant 0 : i32
    %dma_start3A_193 = arith.constant 0 : i32
    %dma_start3A_194 = arith.constant 0 : i32
    %dma_start3A_195 = arith.constant 0 : i32
    %dma_start3A_196 = tpu.memref_slice %arg8[%dma_start3A_192, %dma_start3A_194, %dma_start3A_195] : memref<6x128x64xf32, #tpu.memory_space<vmem>> -> memref<1x16x64xf32, #tpu.memory_space<vmem>>
    %dma_start3A_197 = tpu.memref_squeeze %dma_start3A_196 : memref<1x16x64xf32, #tpu.memory_space<vmem>> -> memref<16x64xf32, #tpu.memory_space<vmem>>
    %dma_start3A_198 = arith.constant 9984 : i32
    %dma_start3A_199 = tpu.memref_slice %arg7[%dma_start3A_198] : memref<10000xi32, #tpu.memory_space<vmem>> -> memref<16xi32, #tpu.memory_space<vmem>>
    %dma_start3A_200 = arith.constant 0 : i32
    %dma_start3A_201 = arith.constant 0 : i32
    %dma_start3A_202 = tpu.memref_slice %arg11[%dma_start3A_200, %dma_start3A_201] : memref<10000x64xf32, #tpu.memory_space<vmem_shared>> -> memref<10000x64xf32, #tpu.memory_space<vmem_shared>>
    %dma_start3A_203 = tpu.memref_slice %arg10[%dma_start3A_193] : memref<6x!tpu.dma_semaphore, #tpu.memory_space<semaphore_mem>> -> memref<1x!tpu.dma_semaphore, #tpu.memory_space<semaphore_mem>>
    %dma_start3A_204 = tpu.memref_squeeze %dma_start3A_203 : memref<1x!tpu.dma_semaphore, #tpu.memory_space<semaphore_mem>> -> memref<!tpu.dma_semaphore, #tpu.memory_space<semaphore_mem>>
    tpu.enqueue_indirect_dma source(%dma_start3A_197 : memref<16x64xf32, #tpu.memory_space<vmem>>) target(%dma_start3A_202 : memref<10000x64xf32, #tpu.memory_space<vmem_shared>>) offsets(%dma_start3A_199 : memref<16xi32, #tpu.memory_space<vmem>>) semaphore(%dma_start3A_204 : memref<!tpu.dma_semaphore, #tpu.memory_space<semaphore_mem>>) {add = true}
    %dma_wait3A_205 = arith.constant 0 : i32
    %dma_wait3A_206 = arith.constant 0 : i32
    %dma_wait3A_207 = arith.constant 0 : i32
    %dma_wait3A_208 = arith.constant 0 : i32
    %dma_wait3A_209 = tpu.memref_slice %arg8[%dma_wait3A_205, %dma_wait3A_207, %dma_wait3A_208] : memref<6x128x64xf32, #tpu.memory_space<vmem>> -> memref<1x16x64xf32, #tpu.memory_space<vmem>>
    %dma_wait3A_210 = tpu.memref_squeeze %dma_wait3A_209 : memref<1x16x64xf32, #tpu.memory_space<vmem>> -> memref<16x64xf32, #tpu.memory_space<vmem>>
    %dma_wait3A_211 = arith.constant 0 : i32
    %dma_wait3A_212 = tpu.memref_slice %arg7[%dma_wait3A_211] : memref<10000xi32, #tpu.memory_space<vmem>> -> memref<16xi32, #tpu.memory_space<vmem>>
    %dma_wait3A_213 = arith.constant 0 : i32
    %dma_wait3A_214 = arith.constant 0 : i32
    %dma_wait3A_215 = tpu.memref_slice %arg11[%dma_wait3A_213, %dma_wait3A_214] : memref<10000x64xf32, #tpu.memory_space<vmem_shared>> -> memref<10000x64xf32, #tpu.memory_space<vmem_shared>>
    %dma_wait3A_216 = tpu.memref_slice %arg10[%dma_wait3A_206] : memref<6x!tpu.dma_semaphore, #tpu.memory_space<semaphore_mem>> -> memref<1x!tpu.dma_semaphore, #tpu.memory_space<semaphore_mem>>
    %dma_wait3A_217 = tpu.memref_squeeze %dma_wait3A_216 : memref<1x!tpu.dma_semaphore, #tpu.memory_space<semaphore_mem>> -> memref<!tpu.dma_semaphore, #tpu.memory_space<semaphore_mem>>
    tpu.wait_indirect_dma semaphore(%dma_wait3A_217 : memref<!tpu.dma_semaphore, #tpu.memory_space<semaphore_mem>>) src(%dma_wait3A_210 : memref<16x64xf32, #tpu.memory_space<vmem>>) dst(%dma_wait3A_215 : memref<10000x64xf32, #tpu.memory_space<vmem_shared>>)
    %barrier3A_218 = arith.constant 0 : index
    tpu.barrier barrier_id(%barrier3A_218)
    %lt3A_219 = arith.constant 10 : i32
    %lt3A_220 = arith.cmpi slt, %arg1, %lt3A_219 : i32
    %convert_element_type3A_221 = arith.extui %lt3A_220 : i1 to i32
    %cond3A_222 = arith.constant 0 : i32
    %cond3A_223 = arith.cmpi ne, %convert_element_type3A_221, %cond3A_222 : i32
    scf.if %cond3A_223 {
      %mul3A_224 = arith.constant 1000 : i32
      %mul3A_225 = arith.muli %arg1, %mul3A_224 : i32
      %mul3A_226 = arith.constant 1000 : i32
      %mul3A_227 = arith.muli %arg1, %mul3A_226 : i32
      "tpu.region"() ({
        %run_scoped3A_228 = tpu.sem_alloc : memref<!tpu.dma_semaphore, #tpu.memory_space<semaphore_mem>>
        %dma_start3A_229 = arith.constant 0 : i32
        %dma_start3A_230 = tpu.memref_slice %arg5[%arg0, %mul3A_227, %dma_start3A_229] : memref<2x10000x64xf32, #tpu.memory_space<hbm>> -> memref<1x1000x64xf32, #tpu.memory_space<hbm>>
        %dma_start3A_231 = tpu.memref_squeeze %dma_start3A_230 : memref<1x1000x64xf32, #tpu.memory_space<hbm>> -> memref<1000x64xf32, #tpu.memory_space<hbm>>
        %dma_start3A_232 = arith.constant 0 : i32
        %dma_start3A_233 = tpu.memref_slice %arg11[%mul3A_225, %dma_start3A_232] : memref<10000x64xf32, #tpu.memory_space<vmem_shared>> -> memref<1000x64xf32, #tpu.memory_space<vmem_shared>>
        tpu.enqueue_dma source(%dma_start3A_233 : memref<1000x64xf32, #tpu.memory_space<vmem_shared>>) target(%dma_start3A_231 : memref<1000x64xf32, #tpu.memory_space<hbm>>) target_semaphore(%run_scoped3A_228 : memref<!tpu.dma_semaphore, #tpu.memory_space<semaphore_mem>>)
        %dma_wait3A_234 = arith.constant 0 : i32
        %dma_wait3A_235 = tpu.memref_slice %arg5[%arg0, %mul3A_227, %dma_wait3A_234] : memref<2x10000x64xf32, #tpu.memory_space<hbm>> -> memref<1x1000x64xf32, #tpu.memory_space<hbm>>
        %dma_wait3A_236 = tpu.memref_squeeze %dma_wait3A_235 : memref<1x1000x64xf32, #tpu.memory_space<hbm>> -> memref<1000x64xf32, #tpu.memory_space<hbm>>
        %dma_wait3A_237 = arith.constant 0 : i32
        %dma_wait3A_238 = tpu.memref_slice %arg11[%mul3A_225, %dma_wait3A_237] : memref<10000x64xf32, #tpu.memory_space<vmem_shared>> -> memref<1000x64xf32, #tpu.memory_space<vmem_shared>>
        tpu.wait_dma2 semaphore(%run_scoped3A_228 : memref<!tpu.dma_semaphore, #tpu.memory_space<semaphore_mem>>) src(%dma_wait3A_238 : memref<1000x64xf32, #tpu.memory_space<vmem_shared>>) dst(%dma_wait3A_236 : memref<1000x64xf32, #tpu.memory_space<hbm>>)
        tpu.yield
      }) : () -> ()
    } else {
    }
    return
  }
}

#map = affine_map<(d0, d1) -> (0, 0)>
#map1 = affine_map<(d0, d1) -> (0)>
module attributes {stable_mosaic.version = 14 : i64} {
  func.func @_deg_body(%arg0: i32, %arg1: i32, %arg2: memref<2x320000xi32, #tpu.memory_space<hbm>>, %arg3: memref<10000xf32, #tpu.memory_space<hbm>>, %arg4: memref<2x10000xf32, #tpu.memory_space<hbm>>, %arg5: memref<10000xi32, #tpu.memory_space<vmem>>, %arg6: memref<128xf32, #tpu.memory_space<vmem>>, %arg7: memref<!tpu.dma_semaphore, #tpu.memory_space<semaphore_mem>>, %arg8: memref<10000xf32, #tpu.memory_space<vmem_shared>>) attributes {dimension_semantics = [#tpu.dimension_semantics<core_parallel>, #tpu.dimension_semantics<subcore_parallel>], iteration_bounds = array<i64: 2, 16>, scalar_prefetch = 0 : i64, scratch_operands = 4 : i64, tpu.core_type = #tpu.core_type<sc_vector_subcore>, window_params = [{transform_indices = #map}, {transform_indices = #map1}, {transform_indices = #map}]} {
    %mul3A = arith.constant 16 : i32
    %mul3A_0 = arith.muli %arg0, %mul3A : i32
    %add3A = arith.addi %mul3A_0, %arg1 : i32
    %eq3A = arith.constant 0 : i32
    %eq3A_1 = arith.cmpi eq, %arg1, %eq3A : i32
    %convert_element_type3A = arith.extui %eq3A_1 : i1 to i32
    %cond3A = arith.constant 0 : i32
    %cond3A_2 = arith.cmpi ne, %convert_element_type3A, %cond3A : i32
    scf.if %cond3A_2 {
      "tpu.region"() ({
        %run_scoped3A_76 = tpu.sem_alloc : memref<!tpu.dma_semaphore, #tpu.memory_space<semaphore_mem>>
        tpu.enqueue_dma source(%arg3 : memref<10000xf32, #tpu.memory_space<hbm>>) target(%arg8 : memref<10000xf32, #tpu.memory_space<vmem_shared>>) target_semaphore(%run_scoped3A_76 : memref<!tpu.dma_semaphore, #tpu.memory_space<semaphore_mem>>)
        tpu.wait_dma2 semaphore(%run_scoped3A_76 : memref<!tpu.dma_semaphore, #tpu.memory_space<semaphore_mem>>) src(%arg3 : memref<10000xf32, #tpu.memory_space<hbm>>) dst(%arg8 : memref<10000xf32, #tpu.memory_space<vmem_shared>>)
        tpu.yield
      }) : () -> ()
    } else {
    }
    %broadcast_in_dim3A = arith.constant 1.000000e+00 : f32
    %broadcast_in_dim3A_3 = vector.broadcast %broadcast_in_dim3A : f32 to vector<16xf32>
    %swap3A = arith.constant 0 : index
    %swap3A_4 = tpu.vector_load %arg6[%swap3A] {strides = array<i32>} : memref<128xf32, #tpu.memory_space<vmem>>, vector<16xf32>,
    %swap3A_5 = vector.shape_cast %swap3A_4 : vector<16xf32> to vector<16xf32>
    %swap3A_6 = vector.shape_cast %broadcast_in_dim3A_3 : vector<16xf32> to vector<16xf32>
    tpu.vector_store %arg6[%swap3A], %swap3A_6 {strides = array<i32>} : memref<128xf32, #tpu.memory_space<vmem>>, vector<16xf32>,
    %broadcast_in_dim3A_7 = arith.constant 1.000000e+00 : f32
    %broadcast_in_dim3A_8 = vector.broadcast %broadcast_in_dim3A_7 : f32 to vector<16xf32>
    %swap3A_9 = arith.constant 16 : index
    %swap3A_10 = tpu.vector_load %arg6[%swap3A_9] {strides = array<i32>} : memref<128xf32, #tpu.memory_space<vmem>>, vector<16xf32>,
    %swap3A_11 = vector.shape_cast %swap3A_10 : vector<16xf32> to vector<16xf32>
    %swap3A_12 = vector.shape_cast %broadcast_in_dim3A_8 : vector<16xf32> to vector<16xf32>
    tpu.vector_store %arg6[%swap3A_9], %swap3A_12 {strides = array<i32>} : memref<128xf32, #tpu.memory_space<vmem>>, vector<16xf32>,
    %broadcast_in_dim3A_13 = arith.constant 1.000000e+00 : f32
    %broadcast_in_dim3A_14 = vector.broadcast %broadcast_in_dim3A_13 : f32 to vector<16xf32>
    %swap3A_15 = arith.constant 32 : index
    %swap3A_16 = tpu.vector_load %arg6[%swap3A_15] {strides = array<i32>} : memref<128xf32, #tpu.memory_space<vmem>>, vector<16xf32>,
    %swap3A_17 = vector.shape_cast %swap3A_16 : vector<16xf32> to vector<16xf32>
    %swap3A_18 = vector.shape_cast %broadcast_in_dim3A_14 : vector<16xf32> to vector<16xf32>
    tpu.vector_store %arg6[%swap3A_15], %swap3A_18 {strides = array<i32>} : memref<128xf32, #tpu.memory_space<vmem>>, vector<16xf32>,
    %broadcast_in_dim3A_19 = arith.constant 1.000000e+00 : f32
    %broadcast_in_dim3A_20 = vector.broadcast %broadcast_in_dim3A_19 : f32 to vector<16xf32>
    %swap3A_21 = arith.constant 48 : index
    %swap3A_22 = tpu.vector_load %arg6[%swap3A_21] {strides = array<i32>} : memref<128xf32, #tpu.memory_space<vmem>>, vector<16xf32>,
    %swap3A_23 = vector.shape_cast %swap3A_22 : vector<16xf32> to vector<16xf32>
    %swap3A_24 = vector.shape_cast %broadcast_in_dim3A_20 : vector<16xf32> to vector<16xf32>
    tpu.vector_store %arg6[%swap3A_21], %swap3A_24 {strides = array<i32>} : memref<128xf32, #tpu.memory_space<vmem>>, vector<16xf32>,
    %broadcast_in_dim3A_25 = arith.constant 1.000000e+00 : f32
    %broadcast_in_dim3A_26 = vector.broadcast %broadcast_in_dim3A_25 : f32 to vector<16xf32>
    %swap3A_27 = arith.constant 64 : index
    %swap3A_28 = tpu.vector_load %arg6[%swap3A_27] {strides = array<i32>} : memref<128xf32, #tpu.memory_space<vmem>>, vector<16xf32>,
    %swap3A_29 = vector.shape_cast %swap3A_28 : vector<16xf32> to vector<16xf32>
    %swap3A_30 = vector.shape_cast %broadcast_in_dim3A_26 : vector<16xf32> to vector<16xf32>
    tpu.vector_store %arg6[%swap3A_27], %swap3A_30 {strides = array<i32>} : memref<128xf32, #tpu.memory_space<vmem>>, vector<16xf32>,
    %broadcast_in_dim3A_31 = arith.constant 1.000000e+00 : f32
    %broadcast_in_dim3A_32 = vector.broadcast %broadcast_in_dim3A_31 : f32 to vector<16xf32>
    %swap3A_33 = arith.constant 80 : index
    %swap3A_34 = tpu.vector_load %arg6[%swap3A_33] {strides = array<i32>} : memref<128xf32, #tpu.memory_space<vmem>>, vector<16xf32>,
    %swap3A_35 = vector.shape_cast %swap3A_34 : vector<16xf32> to vector<16xf32>
    %swap3A_36 = vector.shape_cast %broadcast_in_dim3A_32 : vector<16xf32> to vector<16xf32>
    tpu.vector_store %arg6[%swap3A_33], %swap3A_36 {strides = array<i32>} : memref<128xf32, #tpu.memory_space<vmem>>, vector<16xf32>,
    %broadcast_in_dim3A_37 = arith.constant 1.000000e+00 : f32
    %broadcast_in_dim3A_38 = vector.broadcast %broadcast_in_dim3A_37 : f32 to vector<16xf32>
    %swap3A_39 = arith.constant 96 : index
    %swap3A_40 = tpu.vector_load %arg6[%swap3A_39] {strides = array<i32>} : memref<128xf32, #tpu.memory_space<vmem>>, vector<16xf32>,
    %swap3A_41 = vector.shape_cast %swap3A_40 : vector<16xf32> to vector<16xf32>
    %swap3A_42 = vector.shape_cast %broadcast_in_dim3A_38 : vector<16xf32> to vector<16xf32>
    tpu.vector_store %arg6[%swap3A_39], %swap3A_42 {strides = array<i32>} : memref<128xf32, #tpu.memory_space<vmem>>, vector<16xf32>,
    %broadcast_in_dim3A_43 = arith.constant 1.000000e+00 : f32
    %broadcast_in_dim3A_44 = vector.broadcast %broadcast_in_dim3A_43 : f32 to vector<16xf32>
    %swap3A_45 = arith.constant 112 : index
    %swap3A_46 = tpu.vector_load %arg6[%swap3A_45] {strides = array<i32>} : memref<128xf32, #tpu.memory_space<vmem>>, vector<16xf32>,
    %swap3A_47 = vector.shape_cast %swap3A_46 : vector<16xf32> to vector<16xf32>
    %swap3A_48 = vector.shape_cast %broadcast_in_dim3A_44 : vector<16xf32> to vector<16xf32>
    tpu.vector_store %arg6[%swap3A_45], %swap3A_48 {strides = array<i32>} : memref<128xf32, #tpu.memory_space<vmem>>, vector<16xf32>,
    %mul3A_49 = arith.constant 10000 : i32
    %mul3A_50 = arith.muli %add3A, %mul3A_49 : i32
    %run_scoped3A = arith.constant 1 : i32
    "tpu.region"() ({
      %run_scoped3A_76 = tpu.sem_alloc : memref<!tpu.dma_semaphore, #tpu.memory_space<semaphore_mem>>
      %dma_start3A_77 = tpu.memref_slice %arg2[%run_scoped3A, %mul3A_50] : memref<2x320000xi32, #tpu.memory_space<hbm>> -> memref<1x10000xi32, #tpu.memory_space<hbm>>
      %dma_start3A_78 = tpu.memref_squeeze %dma_start3A_77 : memref<1x10000xi32, #tpu.memory_space<hbm>> -> memref<10000xi32, #tpu.memory_space<hbm>>
      %dma_start3A_79 = tpu.memref_slice %arg2[%run_scoped3A, %mul3A_50] : memref<2x320000xi32, #tpu.memory_space<hbm>> -> memref<1x10000xi32, #tpu.memory_space<hbm>>
      %dma_start3A_80 = tpu.memref_squeeze %dma_start3A_79 : memref<1x10000xi32, #tpu.memory_space<hbm>> -> memref<10000xi32, #tpu.memory_space<hbm>>
      tpu.enqueue_dma source(%dma_start3A_80 : memref<10000xi32, #tpu.memory_space<hbm>>) target(%arg5 : memref<10000xi32, #tpu.memory_space<vmem>>) target_semaphore(%run_scoped3A_76 : memref<!tpu.dma_semaphore, #tpu.memory_space<semaphore_mem>>)
      %dma_wait3A_81 = tpu.memref_slice %arg2[%run_scoped3A, %mul3A_50] : memref<2x320000xi32, #tpu.memory_space<hbm>> -> memref<1x10000xi32, #tpu.memory_space<hbm>>
      %dma_wait3A_82 = tpu.memref_squeeze %dma_wait3A_81 : memref<1x10000xi32, #tpu.memory_space<hbm>> -> memref<10000xi32, #tpu.memory_space<hbm>>
      %dma_wait3A_83 = tpu.memref_slice %arg2[%run_scoped3A, %mul3A_50] : memref<2x320000xi32, #tpu.memory_space<hbm>> -> memref<1x10000xi32, #tpu.memory_space<hbm>>
      %dma_wait3A_84 = tpu.memref_squeeze %dma_wait3A_83 : memref<1x10000xi32, #tpu.memory_space<hbm>> -> memref<10000xi32, #tpu.memory_space<hbm>>
      tpu.wait_dma2 semaphore(%run_scoped3A_76 : memref<!tpu.dma_semaphore, #tpu.memory_space<semaphore_mem>>) src(%dma_wait3A_84 : memref<10000xi32, #tpu.memory_space<hbm>>) dst(%arg5 : memref<10000xi32, #tpu.memory_space<vmem>>)
      tpu.yield
    }) : () -> ()
    %barrier3A = arith.constant 0 : index
    tpu.barrier barrier_id(%barrier3A)
    %scan3A = arith.constant 0 : i32
    %scan3A_51 = arith.constant 78 : i32
    %scan3A_52 = arith.addi %scan3A, %scan3A_51 : i32
    %scan3A_53 = arith.constant 1 : i32
    scf.for %scan3A_76 = %scan3A to %scan3A_52 step %scan3A_53  : i32 {
      %mul3A_77 = arith.constant 1 : i32
      %mul3A_78 = arith.muli %scan3A_76, %mul3A_77 : i32
      %add3A_79 = arith.constant 0 : i32
      %add3A_80 = arith.addi %add3A_79, %mul3A_78 : i32
      %mul3A_81 = arith.constant 128 : i32
      %mul3A_82 = arith.muli %add3A_80, %mul3A_81 : i32
      %dma_start3A_83 = tpu.memref_slice %arg5[%mul3A_82] : memref<10000xi32, #tpu.memory_space<vmem>> -> memref<128xi32, #tpu.memory_space<vmem>>
      %dma_start3A_84 = arith.constant 0 : i32
      %dma_start3A_85 = tpu.memref_slice %arg8[%dma_start3A_84] : memref<10000xf32, #tpu.memory_space<vmem_shared>> -> memref<10000xf32, #tpu.memory_space<vmem_shared>>
      tpu.enqueue_indirect_dma source(%arg6 : memref<128xf32, #tpu.memory_space<vmem>>) target(%dma_start3A_85 : memref<10000xf32, #tpu.memory_space<vmem_shared>>) offsets(%dma_start3A_83 : memref<128xi32, #tpu.memory_space<vmem>>) semaphore(%arg7 : memref<!tpu.dma_semaphore, #tpu.memory_space<semaphore_mem>>) {add = true}
    }
    %scan3A_54 = arith.constant 78 : i32
    %dma_start3A = arith.constant 0 : i32
    %dma_start3A_55 = tpu.memref_slice %arg6[%dma_start3A] : memref<128xf32, #tpu.memory_space<vmem>> -> memref<16xf32, #tpu.memory_space<vmem>>
    %dma_start3A_56 = arith.constant 9984 : i32
    %dma_start3A_57 = tpu.memref_slice %arg5[%dma_start3A_56] : memref<10000xi32, #tpu.memory_space<vmem>> -> memref<16xi32, #tpu.memory_space<vmem>>
    %dma_start3A_58 = arith.constant 0 : i32
    %dma_start3A_59 = tpu.memref_slice %arg8[%dma_start3A_58] : memref<10000xf32, #tpu.memory_space<vmem_shared>> -> memref<10000xf32, #tpu.memory_space<vmem_shared>>
    tpu.enqueue_indirect_dma source(%dma_start3A_55 : memref<16xf32, #tpu.memory_space<vmem>>) target(%dma_start3A_59 : memref<10000xf32, #tpu.memory_space<vmem_shared>>) offsets(%dma_start3A_57 : memref<16xi32, #tpu.memory_space<vmem>>) semaphore(%arg7 : memref<!tpu.dma_semaphore, #tpu.memory_space<semaphore_mem>>) {add = true}
    %scan3A_60 = arith.constant 0 : i32
    %scan3A_61 = arith.constant 78 : i32
    %scan3A_62 = arith.addi %scan3A_60, %scan3A_61 : i32
    %scan3A_63 = arith.constant 1 : i32
    scf.for %scan3A_76 = %scan3A_60 to %scan3A_62 step %scan3A_63  : i32 {
      %mul3A_77 = arith.constant 1 : i32
      %mul3A_78 = arith.muli %scan3A_76, %mul3A_77 : i32
      %add3A_79 = arith.constant 0 : i32
      %add3A_80 = arith.addi %add3A_79, %mul3A_78 : i32
      %dma_wait3A_81 = arith.constant 0 : i32
      %dma_wait3A_82 = tpu.memref_slice %arg5[%dma_wait3A_81] : memref<10000xi32, #tpu.memory_space<vmem>> -> memref<128xi32, #tpu.memory_space<vmem>>
      %dma_wait3A_83 = arith.constant 0 : i32
      %dma_wait3A_84 = tpu.memref_slice %arg8[%dma_wait3A_83] : memref<10000xf32, #tpu.memory_space<vmem_shared>> -> memref<10000xf32, #tpu.memory_space<vmem_shared>>
      tpu.wait_indirect_dma semaphore(%arg7 : memref<!tpu.dma_semaphore, #tpu.memory_space<semaphore_mem>>) src(%arg6 : memref<128xf32, #tpu.memory_space<vmem>>) dst(%dma_wait3A_84 : memref<10000xf32, #tpu.memory_space<vmem_shared>>)
    }
    %scan3A_64 = arith.constant 78 : i32
    %dma_wait3A = arith.constant 0 : i32
    %dma_wait3A_65 = tpu.memref_slice %arg6[%dma_wait3A] : memref<128xf32, #tpu.memory_space<vmem>> -> memref<16xf32, #tpu.memory_space<vmem>>
    %dma_wait3A_66 = arith.constant 0 : i32
    %dma_wait3A_67 = tpu.memref_slice %arg5[%dma_wait3A_66] : memref<10000xi32, #tpu.memory_space<vmem>> -> memref<16xi32, #tpu.memory_space<vmem>>
    %dma_wait3A_68 = arith.constant 0 : i32
    %dma_wait3A_69 = tpu.memref_slice %arg8[%dma_wait3A_68] : memref<10000xf32, #tpu.memory_space<vmem_shared>> -> memref<10000xf32, #tpu.memory_space<vmem_shared>>
    tpu.wait_indirect_dma semaphore(%arg7 : memref<!tpu.dma_semaphore, #tpu.memory_space<semaphore_mem>>) src(%dma_wait3A_65 : memref<16xf32, #tpu.memory_space<vmem>>) dst(%dma_wait3A_69 : memref<10000xf32, #tpu.memory_space<vmem_shared>>)
    %barrier3A_70 = arith.constant 0 : index
    tpu.barrier barrier_id(%barrier3A_70)
    %eq3A_71 = arith.constant 0 : i32
    %eq3A_72 = arith.cmpi eq, %arg1, %eq3A_71 : i32
    %convert_element_type3A_73 = arith.extui %eq3A_72 : i1 to i32
    %cond3A_74 = arith.constant 0 : i32
    %cond3A_75 = arith.cmpi ne, %convert_element_type3A_73, %cond3A_74 : i32
    scf.if %cond3A_75 {
      "tpu.region"() ({
        %run_scoped3A_76 = tpu.sem_alloc : memref<!tpu.dma_semaphore, #tpu.memory_space<semaphore_mem>>
        %dma_start3A_77 = arith.constant 0 : i32
        %dma_start3A_78 = tpu.memref_slice %arg4[%arg0, %dma_start3A_77] : memref<2x10000xf32, #tpu.memory_space<hbm>> -> memref<1x10000xf32, #tpu.memory_space<hbm>>
        %dma_start3A_79 = tpu.memref_squeeze %dma_start3A_78 : memref<1x10000xf32, #tpu.memory_space<hbm>> -> memref<10000xf32, #tpu.memory_space<hbm>>
        tpu.enqueue_dma source(%arg8 : memref<10000xf32, #tpu.memory_space<vmem_shared>>) target(%dma_start3A_79 : memref<10000xf32, #tpu.memory_space<hbm>>) target_semaphore(%run_scoped3A_76 : memref<!tpu.dma_semaphore, #tpu.memory_space<semaphore_mem>>)
        %dma_wait3A_80 = arith.constant 0 : i32
        %dma_wait3A_81 = tpu.memref_slice %arg4[%arg0, %dma_wait3A_80] : memref<2x10000xf32, #tpu.memory_space<hbm>> -> memref<1x10000xf32, #tpu.memory_space<hbm>>
        %dma_wait3A_82 = tpu.memref_squeeze %dma_wait3A_81 : memref<1x10000xf32, #tpu.memory_space<hbm>> -> memref<10000xf32, #tpu.memory_space<hbm>>
        tpu.wait_dma2 semaphore(%run_scoped3A_76 : memref<!tpu.dma_semaphore, #tpu.memory_space<semaphore_mem>>) src(%arg8 : memref<10000xf32, #tpu.memory_space<vmem_shared>>) dst(%dma_wait3A_82 : memref<10000xf32, #tpu.memory_space<hbm>>)
        tpu.yield
      }) : () -> ()
    } else {
    }
    return
  }
}

#map = affine_map<(d0, d1) -> (0, 0)>
#map1 = affine_map<(d0, d1) -> (0, 0, 0)>
module attributes {stable_mosaic.version = 14 : i64} {
  func.func @_agg_body(%arg0: i32, %arg1: i32, %arg2: memref<10000x64xf32, #tpu.memory_space<hbm>>, %arg3: memref<2x320000xi32, #tpu.memory_space<hbm>>, %arg4: memref<10000x64xf32, #tpu.memory_space<hbm>>, %arg5: memref<2x10000x64xf32, #tpu.memory_space<hbm>>, %arg6: memref<10000xi32, #tpu.memory_space<vmem>>, %arg7: memref<10000xi32, #tpu.memory_space<vmem>>, %arg8: memref<6x128x64xf32, #tpu.memory_space<vmem>>, %arg9: memref<6x!tpu.dma_semaphore, #tpu.memory_space<semaphore_mem>>, %arg10: memref<6x!tpu.dma_semaphore, #tpu.memory_space<semaphore_mem>>, %arg11: memref<10000x64xf32, #tpu.memory_space<vmem_shared>>) attributes {dimension_semantics = [#tpu.dimension_semantics<core_parallel>, #tpu.dimension_semantics<subcore_parallel>], iteration_bounds = array<i64: 2, 16>, scalar_prefetch = 0 : i64, scratch_operands = 6 : i64, tpu.core_type = #tpu.core_type<sc_vector_subcore>, window_params = [{transform_indices = #map}, {transform_indices = #map}, {transform_indices = #map}, {transform_indices = #map1}]} {
    %mul3A = arith.constant 16 : i32
    %mul3A_0 = arith.muli %arg0, %mul3A : i32
    %add3A = arith.addi %mul3A_0, %arg1 : i32
    %lt3A = arith.constant 10 : i32
    %lt3A_1 = arith.cmpi slt, %arg1, %lt3A : i32
    %convert_element_type3A = arith.extui %lt3A_1 : i1 to i32
    %cond3A = arith.constant 0 : i32
    %cond3A_2 = arith.cmpi ne, %convert_element_type3A, %cond3A : i32
    scf.if %cond3A_2 {
      %mul3A_224 = arith.constant 1000 : i32
      %mul3A_225 = arith.muli %arg1, %mul3A_224 : i32
      %mul3A_226 = arith.constant 1000 : i32
      %mul3A_227 = arith.muli %arg1, %mul3A_226 : i32
      "tpu.region"() ({
        %run_scoped3A_228 = tpu.sem_alloc : memref<!tpu.dma_semaphore, #tpu.memory_space<semaphore_mem>>
        %dma_start3A_229 = arith.constant 0 : i32
        %dma_start3A_230 = tpu.memref_slice %arg11[%mul3A_227, %dma_start3A_229] : memref<10000x64xf32, #tpu.memory_space<vmem_shared>> -> memref<1000x64xf32, #tpu.memory_space<vmem_shared>>
        %dma_start3A_231 = arith.constant 0 : i32
        %dma_start3A_232 = tpu.memref_slice %arg4[%mul3A_225, %dma_start3A_231] : memref<10000x64xf32, #tpu.memory_space<hbm>> -> memref<1000x64xf32, #tpu.memory_space<hbm>>
        tpu.enqueue_dma source(%dma_start3A_232 : memref<1000x64xf32, #tpu.memory_space<hbm>>) target(%dma_start3A_230 : memref<1000x64xf32, #tpu.memory_space<vmem_shared>>) target_semaphore(%run_scoped3A_228 : memref<!tpu.dma_semaphore, #tpu.memory_space<semaphore_mem>>)
        %dma_wait3A_233 = arith.constant 0 : i32
        %dma_wait3A_234 = tpu.memref_slice %arg11[%mul3A_227, %dma_wait3A_233] : memref<10000x64xf32, #tpu.memory_space<vmem_shared>> -> memref<1000x64xf32, #tpu.memory_space<vmem_shared>>
        %dma_wait3A_235 = arith.constant 0 : i32
        %dma_wait3A_236 = tpu.memref_slice %arg4[%mul3A_225, %dma_wait3A_235] : memref<10000x64xf32, #tpu.memory_space<hbm>> -> memref<1000x64xf32, #tpu.memory_space<hbm>>
        tpu.wait_dma2 semaphore(%run_scoped3A_228 : memref<!tpu.dma_semaphore, #tpu.memory_space<semaphore_mem>>) src(%dma_wait3A_236 : memref<1000x64xf32, #tpu.memory_space<hbm>>) dst(%dma_wait3A_234 : memref<1000x64xf32, #tpu.memory_space<vmem_shared>>)
        tpu.yield
      }) : () -> ()
    } else {
    }
    %mul3A_3 = arith.constant 10000 : i32
    %mul3A_4 = arith.muli %add3A, %mul3A_3 : i32
    %run_scoped3A = arith.constant 0 : i32
    "tpu.region"() ({
      %run_scoped3A_224 = tpu.sem_alloc : memref<!tpu.dma_semaphore, #tpu.memory_space<semaphore_mem>>
      %dma_start3A_225 = tpu.memref_slice %arg3[%run_scoped3A, %mul3A_4] : memref<2x320000xi32, #tpu.memory_space<hbm>> -> memref<1x10000xi32, #tpu.memory_space<hbm>>
      %dma_start3A_226 = tpu.memref_squeeze %dma_start3A_225 : memref<1x10000xi32, #tpu.memory_space<hbm>> -> memref<10000xi32, #tpu.memory_space<hbm>>
      %dma_start3A_227 = tpu.memref_slice %arg3[%run_scoped3A, %mul3A_4] : memref<2x320000xi32, #tpu.memory_space<hbm>> -> memref<1x10000xi32, #tpu.memory_space<hbm>>
      %dma_start3A_228 = tpu.memref_squeeze %dma_start3A_227 : memref<1x10000xi32, #tpu.memory_space<hbm>> -> memref<10000xi32, #tpu.memory_space<hbm>>
      tpu.enqueue_dma source(%dma_start3A_228 : memref<10000xi32, #tpu.memory_space<hbm>>) target(%arg6 : memref<10000xi32, #tpu.memory_space<vmem>>) target_semaphore(%run_scoped3A_224 : memref<!tpu.dma_semaphore, #tpu.memory_space<semaphore_mem>>)
      %dma_wait3A_229 = tpu.memref_slice %arg3[%run_scoped3A, %mul3A_4] : memref<2x320000xi32, #tpu.memory_space<hbm>> -> memref<1x10000xi32, #tpu.memory_space<hbm>>
      %dma_wait3A_230 = tpu.memref_squeeze %dma_wait3A_229 : memref<1x10000xi32, #tpu.memory_space<hbm>> -> memref<10000xi32, #tpu.memory_space<hbm>>
      %dma_wait3A_231 = tpu.memref_slice %arg3[%run_scoped3A, %mul3A_4] : memref<2x320000xi32, #tpu.memory_space<hbm>> -> memref<1x10000xi32, #tpu.memory_space<hbm>>
      %dma_wait3A_232 = tpu.memref_squeeze %dma_wait3A_231 : memref<1x10000xi32, #tpu.memory_space<hbm>> -> memref<10000xi32, #tpu.memory_space<hbm>>
      tpu.wait_dma2 semaphore(%run_scoped3A_224 : memref<!tpu.dma_semaphore, #tpu.memory_space<semaphore_mem>>) src(%dma_wait3A_232 : memref<10000xi32, #tpu.memory_space<hbm>>) dst(%arg6 : memref<10000xi32, #tpu.memory_space<vmem>>)
      tpu.yield
    }) : () -> ()
    %mul3A_5 = arith.constant 10000 : i32
    %mul3A_6 = arith.muli %add3A, %mul3A_5 : i32
    %run_scoped3A_7 = arith.constant 1 : i32
    "tpu.region"() ({
      %run_scoped3A_224 = tpu.sem_alloc : memref<!tpu.dma_semaphore, #tpu.memory_space<semaphore_mem>>
      %dma_start3A_225 = tpu.memref_slice %arg3[%run_scoped3A_7, %mul3A_6] : memref<2x320000xi32, #tpu.memory_space<hbm>> -> memref<1x10000xi32, #tpu.memory_space<hbm>>
      %dma_start3A_226 = tpu.memref_squeeze %dma_start3A_225 : memref<1x10000xi32, #tpu.memory_space<hbm>> -> memref<10000xi32, #tpu.memory_space<hbm>>
      %dma_start3A_227 = tpu.memref_slice %arg3[%run_scoped3A_7, %mul3A_6] : memref<2x320000xi32, #tpu.memory_space<hbm>> -> memref<1x10000xi32, #tpu.memory_space<hbm>>
      %dma_start3A_228 = tpu.memref_squeeze %dma_start3A_227 : memref<1x10000xi32, #tpu.memory_space<hbm>> -> memref<10000xi32, #tpu.memory_space<hbm>>
      tpu.enqueue_dma source(%dma_start3A_228 : memref<10000xi32, #tpu.memory_space<hbm>>) target(%arg7 : memref<10000xi32, #tpu.memory_space<vmem>>) target_semaphore(%run_scoped3A_224 : memref<!tpu.dma_semaphore, #tpu.memory_space<semaphore_mem>>)
      %dma_wait3A_229 = tpu.memref_slice %arg3[%run_scoped3A_7, %mul3A_6] : memref<2x320000xi32, #tpu.memory_space<hbm>> -> memref<1x10000xi32, #tpu.memory_space<hbm>>
      %dma_wait3A_230 = tpu.memref_squeeze %dma_wait3A_229 : memref<1x10000xi32, #tpu.memory_space<hbm>> -> memref<10000xi32, #tpu.memory_space<hbm>>
      %dma_wait3A_231 = tpu.memref_slice %arg3[%run_scoped3A_7, %mul3A_6] : memref<2x320000xi32, #tpu.memory_space<hbm>> -> memref<1x10000xi32, #tpu.memory_space<hbm>>
      %dma_wait3A_232 = tpu.memref_squeeze %dma_wait3A_231 : memref<1x10000xi32, #tpu.memory_space<hbm>> -> memref<10000xi32, #tpu.memory_space<hbm>>
      tpu.wait_dma2 semaphore(%run_scoped3A_224 : memref<!tpu.dma_semaphore, #tpu.memory_space<semaphore_mem>>) src(%dma_wait3A_232 : memref<10000xi32, #tpu.memory_space<hbm>>) dst(%arg7 : memref<10000xi32, #tpu.memory_space<vmem>>)
      tpu.yield
    }) : () -> ()
    %barrier3A = arith.constant 0 : index
    tpu.barrier barrier_id(%barrier3A)
    %dma_start3A = arith.constant 0 : i32
    %dma_start3A_8 = arith.constant 0 : i32
    %dma_start3A_9 = arith.constant 0 : i32
    %dma_start3A_10 = arith.constant 0 : i32
    %dma_start3A_11 = tpu.memref_slice %arg8[%dma_start3A, %dma_start3A_9, %dma_start3A_10] : memref<6x128x64xf32, #tpu.memory_space<vmem>> -> memref<1x128x64xf32, #tpu.memory_space<vmem>>
    %dma_start3A_12 = tpu.memref_squeeze %dma_start3A_11 : memref<1x128x64xf32, #tpu.memory_space<vmem>> -> memref<128x64xf32, #tpu.memory_space<vmem>>
    %dma_start3A_13 = arith.constant 0 : i32
    %dma_start3A_14 = tpu.memref_slice %arg6[%dma_start3A_13] : memref<10000xi32, #tpu.memory_space<vmem>> -> memref<128xi32, #tpu.memory_space<vmem>>
    %dma_start3A_15 = arith.constant 0 : i32
    %dma_start3A_16 = arith.constant 0 : i32
    %dma_start3A_17 = tpu.memref_slice %arg2[%dma_start3A_15, %dma_start3A_16] : memref<10000x64xf32, #tpu.memory_space<hbm>> -> memref<10000x64xf32, #tpu.memory_space<hbm>>
    %dma_start3A_18 = tpu.memref_slice %arg9[%dma_start3A_8] : memref<6x!tpu.dma_semaphore, #tpu.memory_space<semaphore_mem>> -> memref<1x!tpu.dma_semaphore, #tpu.memory_space<semaphore_mem>>
    %dma_start3A_19 = tpu.memref_squeeze %dma_start3A_18 : memref<1x!tpu.dma_semaphore, #tpu.memory_space<semaphore_mem>> -> memref<!tpu.dma_semaphore, #tpu.memory_space<semaphore_mem>>
    tpu.enqueue_indirect_dma source(%dma_start3A_17 : memref<10000x64xf32, #tpu.memory_space<hbm>>) target(%dma_start3A_12 : memref<128x64xf32, #tpu.memory_space<vmem>>) offsets(%dma_start3A_14 : memref<128xi32, #tpu.memory_space<vmem>>) semaphore(%dma_start3A_19 : memref<!tpu.dma_semaphore, #tpu.memory_space<semaphore_mem>>)
    %dma_start3A_20 = arith.constant 1 : i32
    %dma_start3A_21 = arith.constant 1 : i32
    %dma_start3A_22 = arith.constant 0 : i32
    %dma_start3A_23 = arith.constant 0 : i32
    %dma_start3A_24 = tpu.memref_slice %arg8[%dma_start3A_20, %dma_start3A_22, %dma_start3A_23] : memref<6x128x64xf32, #tpu.memory_space<vmem>> -> memref<1x128x64xf32, #tpu.memory_space<vmem>>
    %dma_start3A_25 = tpu.memref_squeeze %dma_start3A_24 : memref<1x128x64xf32, #tpu.memory_space<vmem>> -> memref<128x64xf32, #tpu.memory_space<vmem>>
    %dma_start3A_26 = arith.constant 128 : i32
    %dma_start3A_27 = tpu.memref_slice %arg6[%dma_start3A_26] : memref<10000xi32, #tpu.memory_space<vmem>> -> memref<128xi32, #tpu.memory_space<vmem>>
    %dma_start3A_28 = arith.constant 0 : i32
    %dma_start3A_29 = arith.constant 0 : i32
    %dma_start3A_30 = tpu.memref_slice %arg2[%dma_start3A_28, %dma_start3A_29] : memref<10000x64xf32, #tpu.memory_space<hbm>> -> memref<10000x64xf32, #tpu.memory_space<hbm>>
    %dma_start3A_31 = tpu.memref_slice %arg9[%dma_start3A_21] : memref<6x!tpu.dma_semaphore, #tpu.memory_space<semaphore_mem>> -> memref<1x!tpu.dma_semaphore, #tpu.memory_space<semaphore_mem>>
    %dma_start3A_32 = tpu.memref_squeeze %dma_start3A_31 : memref<1x!tpu.dma_semaphore, #tpu.memory_space<semaphore_mem>> -> memref<!tpu.dma_semaphore, #tpu.memory_space<semaphore_mem>>
    tpu.enqueue_indirect_dma source(%dma_start3A_30 : memref<10000x64xf32, #tpu.memory_space<hbm>>) target(%dma_start3A_25 : memref<128x64xf32, #tpu.memory_space<vmem>>) offsets(%dma_start3A_27 : memref<128xi32, #tpu.memory_space<vmem>>) semaphore(%dma_start3A_32 : memref<!tpu.dma_semaphore, #tpu.memory_space<semaphore_mem>>)
    %dma_start3A_33 = arith.constant 2 : i32
    %dma_start3A_34 = arith.constant 2 : i32
    %dma_start3A_35 = arith.constant 0 : i32
    %dma_start3A_36 = arith.constant 0 : i32
    %dma_start3A_37 = tpu.memref_slice %arg8[%dma_start3A_33, %dma_start3A_35, %dma_start3A_36] : memref<6x128x64xf32, #tpu.memory_space<vmem>> -> memref<1x128x64xf32, #tpu.memory_space<vmem>>
    %dma_start3A_38 = tpu.memref_squeeze %dma_start3A_37 : memref<1x128x64xf32, #tpu.memory_space<vmem>> -> memref<128x64xf32, #tpu.memory_space<vmem>>
    %dma_start3A_39 = arith.constant 256 : i32
    %dma_start3A_40 = tpu.memref_slice %arg6[%dma_start3A_39] : memref<10000xi32, #tpu.memory_space<vmem>> -> memref<128xi32, #tpu.memory_space<vmem>>
    %dma_start3A_41 = arith.constant 0 : i32
    %dma_start3A_42 = arith.constant 0 : i32
    %dma_start3A_43 = tpu.memref_slice %arg2[%dma_start3A_41, %dma_start3A_42] : memref<10000x64xf32, #tpu.memory_space<hbm>> -> memref<10000x64xf32, #tpu.memory_space<hbm>>
    %dma_start3A_44 = tpu.memref_slice %arg9[%dma_start3A_34] : memref<6x!tpu.dma_semaphore, #tpu.memory_space<semaphore_mem>> -> memref<1x!tpu.dma_semaphore, #tpu.memory_space<semaphore_mem>>
    %dma_start3A_45 = tpu.memref_squeeze %dma_start3A_44 : memref<1x!tpu.dma_semaphore, #tpu.memory_space<semaphore_mem>> -> memref<!tpu.dma_semaphore, #tpu.memory_space<semaphore_mem>>
    tpu.enqueue_indirect_dma source(%dma_start3A_43 : memref<10000x64xf32, #tpu.memory_space<hbm>>) target(%dma_start3A_38 : memref<128x64xf32, #tpu.memory_space<vmem>>) offsets(%dma_start3A_40 : memref<128xi32, #tpu.memory_space<vmem>>) semaphore(%dma_start3A_45 : memref<!tpu.dma_semaphore, #tpu.memory_space<semaphore_mem>>)
    %dma_start3A_46 = arith.constant 3 : i32
    %dma_start3A_47 = arith.constant 3 : i32
    %dma_start3A_48 = arith.constant 0 : i32
    %dma_start3A_49 = arith.constant 0 : i32
    %dma_start3A_50 = tpu.memref_slice %arg8[%dma_start3A_46, %dma_start3A_48, %dma_start3A_49] : memref<6x128x64xf32, #tpu.memory_space<vmem>> -> memref<1x128x64xf32, #tpu.memory_space<vmem>>
    %dma_start3A_51 = tpu.memref_squeeze %dma_start3A_50 : memref<1x128x64xf32, #tpu.memory_space<vmem>> -> memref<128x64xf32, #tpu.memory_space<vmem>>
    %dma_start3A_52 = arith.constant 384 : i32
    %dma_start3A_53 = tpu.memref_slice %arg6[%dma_start3A_52] : memref<10000xi32, #tpu.memory_space<vmem>> -> memref<128xi32, #tpu.memory_space<vmem>>
    %dma_start3A_54 = arith.constant 0 : i32
    %dma_start3A_55 = arith.constant 0 : i32
    %dma_start3A_56 = tpu.memref_slice %arg2[%dma_start3A_54, %dma_start3A_55] : memref<10000x64xf32, #tpu.memory_space<hbm>> -> memref<10000x64xf32, #tpu.memory_space<hbm>>
    %dma_start3A_57 = tpu.memref_slice %arg9[%dma_start3A_47] : memref<6x!tpu.dma_semaphore, #tpu.memory_space<semaphore_mem>> -> memref<1x!tpu.dma_semaphore, #tpu.memory_space<semaphore_mem>>
    %dma_start3A_58 = tpu.memref_squeeze %dma_start3A_57 : memref<1x!tpu.dma_semaphore, #tpu.memory_space<semaphore_mem>> -> memref<!tpu.dma_semaphore, #tpu.memory_space<semaphore_mem>>
    tpu.enqueue_indirect_dma source(%dma_start3A_56 : memref<10000x64xf32, #tpu.memory_space<hbm>>) target(%dma_start3A_51 : memref<128x64xf32, #tpu.memory_space<vmem>>) offsets(%dma_start3A_53 : memref<128xi32, #tpu.memory_space<vmem>>) semaphore(%dma_start3A_58 : memref<!tpu.dma_semaphore, #tpu.memory_space<semaphore_mem>>)
    %dma_start3A_59 = arith.constant 4 : i32
    %dma_start3A_60 = arith.constant 4 : i32
    %dma_start3A_61 = arith.constant 0 : i32
    %dma_start3A_62 = arith.constant 0 : i32
    %dma_start3A_63 = tpu.memref_slice %arg8[%dma_start3A_59, %dma_start3A_61, %dma_start3A_62] : memref<6x128x64xf32, #tpu.memory_space<vmem>> -> memref<1x128x64xf32, #tpu.memory_space<vmem>>
    %dma_start3A_64 = tpu.memref_squeeze %dma_start3A_63 : memref<1x128x64xf32, #tpu.memory_space<vmem>> -> memref<128x64xf32, #tpu.memory_space<vmem>>
    %dma_start3A_65 = arith.constant 512 : i32
    %dma_start3A_66 = tpu.memref_slice %arg6[%dma_start3A_65] : memref<10000xi32, #tpu.memory_space<vmem>> -> memref<128xi32, #tpu.memory_space<vmem>>
    %dma_start3A_67 = arith.constant 0 : i32
    %dma_start3A_68 = arith.constant 0 : i32
    %dma_start3A_69 = tpu.memref_slice %arg2[%dma_start3A_67, %dma_start3A_68] : memref<10000x64xf32, #tpu.memory_space<hbm>> -> memref<10000x64xf32, #tpu.memory_space<hbm>>
    %dma_start3A_70 = tpu.memref_slice %arg9[%dma_start3A_60] : memref<6x!tpu.dma_semaphore, #tpu.memory_space<semaphore_mem>> -> memref<1x!tpu.dma_semaphore, #tpu.memory_space<semaphore_mem>>
    %dma_start3A_71 = tpu.memref_squeeze %dma_start3A_70 : memref<1x!tpu.dma_semaphore, #tpu.memory_space<semaphore_mem>> -> memref<!tpu.dma_semaphore, #tpu.memory_space<semaphore_mem>>
    tpu.enqueue_indirect_dma source(%dma_start3A_69 : memref<10000x64xf32, #tpu.memory_space<hbm>>) target(%dma_start3A_64 : memref<128x64xf32, #tpu.memory_space<vmem>>) offsets(%dma_start3A_66 : memref<128xi32, #tpu.memory_space<vmem>>) semaphore(%dma_start3A_71 : memref<!tpu.dma_semaphore, #tpu.memory_space<semaphore_mem>>)
    %dma_start3A_72 = arith.constant 5 : i32
    %dma_start3A_73 = arith.constant 5 : i32
    %dma_start3A_74 = arith.constant 0 : i32
    %dma_start3A_75 = arith.constant 0 : i32
    %dma_start3A_76 = tpu.memref_slice %arg8[%dma_start3A_72, %dma_start3A_74, %dma_start3A_75] : memref<6x128x64xf32, #tpu.memory_space<vmem>> -> memref<1x128x64xf32, #tpu.memory_space<vmem>>
    %dma_start3A_77 = tpu.memref_squeeze %dma_start3A_76 : memref<1x128x64xf32, #tpu.memory_space<vmem>> -> memref<128x64xf32, #tpu.memory_space<vmem>>
    %dma_start3A_78 = arith.constant 640 : i32
    %dma_start3A_79 = tpu.memref_slice %arg6[%dma_start3A_78] : memref<10000xi32, #tpu.memory_space<vmem>> -> memref<128xi32, #tpu.memory_space<vmem>>
    %dma_start3A_80 = arith.constant 0 : i32
    %dma_start3A_81 = arith.constant 0 : i32
    %dma_start3A_82 = tpu.memref_slice %arg2[%dma_start3A_80, %dma_start3A_81] : memref<10000x64xf32, #tpu.memory_space<hbm>> -> memref<10000x64xf32, #tpu.memory_space<hbm>>
    %dma_start3A_83 = tpu.memref_slice %arg9[%dma_start3A_73] : memref<6x!tpu.dma_semaphore, #tpu.memory_space<semaphore_mem>> -> memref<1x!tpu.dma_semaphore, #tpu.memory_space<semaphore_mem>>
    %dma_start3A_84 = tpu.memref_squeeze %dma_start3A_83 : memref<1x!tpu.dma_semaphore, #tpu.memory_space<semaphore_mem>> -> memref<!tpu.dma_semaphore, #tpu.memory_space<semaphore_mem>>
    tpu.enqueue_indirect_dma source(%dma_start3A_82 : memref<10000x64xf32, #tpu.memory_space<hbm>>) target(%dma_start3A_77 : memref<128x64xf32, #tpu.memory_space<vmem>>) offsets(%dma_start3A_79 : memref<128xi32, #tpu.memory_space<vmem>>) semaphore(%dma_start3A_84 : memref<!tpu.dma_semaphore, #tpu.memory_space<semaphore_mem>>)
    %scan3A = arith.constant 0 : i32
    %scan3A_85 = arith.constant 13 : i32
    %scan3A_86 = arith.addi %scan3A, %scan3A_85 : i32
    %scan3A_87 = arith.constant 1 : i32
    scf.for %scan3A_224 = %scan3A to %scan3A_86 step %scan3A_87  : i32 {
      %mul3A_225 = arith.constant 1 : i32
      %mul3A_226 = arith.muli %scan3A_224, %mul3A_225 : i32
      %add3A_227 = arith.constant 0 : i32
      %add3A_228 = arith.addi %add3A_227, %mul3A_226 : i32
      %mul3A_229 = arith.constant 6 : i32
      %mul3A_230 = arith.muli %add3A_228, %mul3A_229 : i32
      %dma_wait3A_231 = arith.constant 0 : i32
      %dma_wait3A_232 = arith.constant 0 : i32
      %dma_wait3A_233 = arith.constant 0 : i32
      %dma_wait3A_234 = arith.constant 0 : i32
      %dma_wait3A_235 = tpu.memref_slice %arg8[%dma_wait3A_231, %dma_wait3A_233, %dma_wait3A_234] : memref<6x128x64xf32, #tpu.memory_space<vmem>> -> memref<1x128x64xf32, #tpu.memory_space<vmem>>
      %dma_wait3A_236 = tpu.memref_squeeze %dma_wait3A_235 : memref<1x128x64xf32, #tpu.memory_space<vmem>> -> memref<128x64xf32, #tpu.memory_space<vmem>>
      %dma_wait3A_237 = arith.constant 0 : i32
      %dma_wait3A_238 = tpu.memref_slice %arg6[%dma_wait3A_237] : memref<10000xi32, #tpu.memory_space<vmem>> -> memref<128xi32, #tpu.memory_space<vmem>>
      %dma_wait3A_239 = arith.constant 0 : i32
      %dma_wait3A_240 = arith.constant 0 : i32
      %dma_wait3A_241 = tpu.memref_slice %arg2[%dma_wait3A_239, %dma_wait3A_240] : memref<10000x64xf32, #tpu.memory_space<hbm>> -> memref<10000x64xf32, #tpu.memory_space<hbm>>
      %dma_wait3A_242 = tpu.memref_slice %arg9[%dma_wait3A_232] : memref<6x!tpu.dma_semaphore, #tpu.memory_space<semaphore_mem>> -> memref<1x!tpu.dma_semaphore, #tpu.memory_space<semaphore_mem>>
      %dma_wait3A_243 = tpu.memref_squeeze %dma_wait3A_242 : memref<1x!tpu.dma_semaphore, #tpu.memory_space<semaphore_mem>> -> memref<!tpu.dma_semaphore, #tpu.memory_space<semaphore_mem>>
      tpu.wait_indirect_dma semaphore(%dma_wait3A_243 : memref<!tpu.dma_semaphore, #tpu.memory_space<semaphore_mem>>) src(%dma_wait3A_241 : memref<10000x64xf32, #tpu.memory_space<hbm>>) dst(%dma_wait3A_236 : memref<128x64xf32, #tpu.memory_space<vmem>>)
      %add3A_244 = arith.constant 0 : i32
      %add3A_245 = arith.addi %mul3A_230, %add3A_244 : i32
      %mul3A_246 = arith.constant 128 : i32
      %mul3A_247 = arith.muli %add3A_245, %mul3A_246 : i32
      %dma_start3A_248 = arith.constant 0 : i32
      %dma_start3A_249 = arith.constant 0 : i32
      %dma_start3A_250 = arith.constant 0 : i32
      %dma_start3A_251 = arith.constant 0 : i32
      %dma_start3A_252 = tpu.memref_slice %arg8[%dma_start3A_248, %dma_start3A_250, %dma_start3A_251] : memref<6x128x64xf32, #tpu.memory_space<vmem>> -> memref<1x128x64xf32, #tpu.memory_space<vmem>>
      %dma_start3A_253 = tpu.memref_squeeze %dma_start3A_252 : memref<1x128x64xf32, #tpu.memory_space<vmem>> -> memref<128x64xf32, #tpu.memory_space<vmem>>
      %dma_start3A_254 = tpu.memref_slice %arg7[%mul3A_247] : memref<10000xi32, #tpu.memory_space<vmem>> -> memref<128xi32, #tpu.memory_space<vmem>>
      %dma_start3A_255 = arith.constant 0 : i32
      %dma_start3A_256 = arith.constant 0 : i32
      %dma_start3A_257 = tpu.memref_slice %arg11[%dma_start3A_255, %dma_start3A_256] : memref<10000x64xf32, #tpu.memory_space<vmem_shared>> -> memref<10000x64xf32, #tpu.memory_space<vmem_shared>>
      %dma_start3A_258 = tpu.memref_slice %arg10[%dma_start3A_249] : memref<6x!tpu.dma_semaphore, #tpu.memory_space<semaphore_mem>> -> memref<1x!tpu.dma_semaphore, #tpu.memory_space<semaphore_mem>>
      %dma_start3A_259 = tpu.memref_squeeze %dma_start3A_258 : memref<1x!tpu.dma_semaphore, #tpu.memory_space<semaphore_mem>> -> memref<!tpu.dma_semaphore, #tpu.memory_space<semaphore_mem>>
      tpu.enqueue_indirect_dma source(%dma_start3A_253 : memref<128x64xf32, #tpu.memory_space<vmem>>) target(%dma_start3A_257 : memref<10000x64xf32, #tpu.memory_space<vmem_shared>>) offsets(%dma_start3A_254 : memref<128xi32, #tpu.memory_space<vmem>>) semaphore(%dma_start3A_259 : memref<!tpu.dma_semaphore, #tpu.memory_space<semaphore_mem>>) {add = true}
      %dma_wait3A_260 = arith.constant 1 : i32
      %dma_wait3A_261 = arith.constant 1 : i32
      %dma_wait3A_262 = arith.constant 0 : i32
      %dma_wait3A_263 = arith.constant 0 : i32
      %dma_wait3A_264 = tpu.memref_slice %arg8[%dma_wait3A_260, %dma_wait3A_262, %dma_wait3A_263] : memref<6x128x64xf32, #tpu.memory_space<vmem>> -> memref<1x128x64xf32, #tpu.memory_space<vmem>>
      %dma_wait3A_265 = tpu.memref_squeeze %dma_wait3A_264 : memref<1x128x64xf32, #tpu.memory_space<vmem>> -> memref<128x64xf32, #tpu.memory_space<vmem>>
      %dma_wait3A_266 = arith.constant 0 : i32
      %dma_wait3A_267 = tpu.memref_slice %arg6[%dma_wait3A_266] : memref<10000xi32, #tpu.memory_space<vmem>> -> memref<128xi32, #tpu.memory_space<vmem>>
      %dma_wait3A_268 = arith.constant 0 : i32
      %dma_wait3A_269 = arith.constant 0 : i32
      %dma_wait3A_270 = tpu.memref_slice %arg2[%dma_wait3A_268, %dma_wait3A_269] : memref<10000x64xf32, #tpu.memory_space<hbm>> -> memref<10000x64xf32, #tpu.memory_space<hbm>>
      %dma_wait3A_271 = tpu.memref_slice %arg9[%dma_wait3A_261] : memref<6x!tpu.dma_semaphore, #tpu.memory_space<semaphore_mem>> -> memref<1x!tpu.dma_semaphore, #tpu.memory_space<semaphore_mem>>
      %dma_wait3A_272 = tpu.memref_squeeze %dma_wait3A_271 : memref<1x!tpu.dma_semaphore, #tpu.memory_space<semaphore_mem>> -> memref<!tpu.dma_semaphore, #tpu.memory_space<semaphore_mem>>
      tpu.wait_indirect_dma semaphore(%dma_wait3A_272 : memref<!tpu.dma_semaphore, #tpu.memory_space<semaphore_mem>>) src(%dma_wait3A_270 : memref<10000x64xf32, #tpu.memory_space<hbm>>) dst(%dma_wait3A_265 : memref<128x64xf32, #tpu.memory_space<vmem>>)
      %add3A_273 = arith.constant 1 : i32
      %add3A_274 = arith.addi %mul3A_230, %add3A_273 : i32
      %mul3A_275 = arith.constant 128 : i32
      %mul3A_276 = arith.muli %add3A_274, %mul3A_275 : i32
      %dma_start3A_277 = arith.constant 1 : i32
      %dma_start3A_278 = arith.constant 1 : i32
      %dma_start3A_279 = arith.constant 0 : i32
      %dma_start3A_280 = arith.constant 0 : i32
      %dma_start3A_281 = tpu.memref_slice %arg8[%dma_start3A_277, %dma_start3A_279, %dma_start3A_280] : memref<6x128x64xf32, #tpu.memory_space<vmem>> -> memref<1x128x64xf32, #tpu.memory_space<vmem>>
      %dma_start3A_282 = tpu.memref_squeeze %dma_start3A_281 : memref<1x128x64xf32, #tpu.memory_space<vmem>> -> memref<128x64xf32, #tpu.memory_space<vmem>>
      %dma_start3A_283 = tpu.memref_slice %arg7[%mul3A_276] : memref<10000xi32, #tpu.memory_space<vmem>> -> memref<128xi32, #tpu.memory_space<vmem>>
      %dma_start3A_284 = arith.constant 0 : i32
      %dma_start3A_285 = arith.constant 0 : i32
      %dma_start3A_286 = tpu.memref_slice %arg11[%dma_start3A_284, %dma_start3A_285] : memref<10000x64xf32, #tpu.memory_space<vmem_shared>> -> memref<10000x64xf32, #tpu.memory_space<vmem_shared>>
      %dma_start3A_287 = tpu.memref_slice %arg10[%dma_start3A_278] : memref<6x!tpu.dma_semaphore, #tpu.memory_space<semaphore_mem>> -> memref<1x!tpu.dma_semaphore, #tpu.memory_space<semaphore_mem>>
      %dma_start3A_288 = tpu.memref_squeeze %dma_start3A_287 : memref<1x!tpu.dma_semaphore, #tpu.memory_space<semaphore_mem>> -> memref<!tpu.dma_semaphore, #tpu.memory_space<semaphore_mem>>
      tpu.enqueue_indirect_dma source(%dma_start3A_282 : memref<128x64xf32, #tpu.memory_space<vmem>>) target(%dma_start3A_286 : memref<10000x64xf32, #tpu.memory_space<vmem_shared>>) offsets(%dma_start3A_283 : memref<128xi32, #tpu.memory_space<vmem>>) semaphore(%dma_start3A_288 : memref<!tpu.dma_semaphore, #tpu.memory_space<semaphore_mem>>) {add = true}
      %dma_wait3A_289 = arith.constant 2 : i32
      %dma_wait3A_290 = arith.constant 2 : i32
      %dma_wait3A_291 = arith.constant 0 : i32
      %dma_wait3A_292 = arith.constant 0 : i32
      %dma_wait3A_293 = tpu.memref_slice %arg8[%dma_wait3A_289, %dma_wait3A_291, %dma_wait3A_292] : memref<6x128x64xf32, #tpu.memory_space<vmem>> -> memref<1x128x64xf32, #tpu.memory_space<vmem>>
      %dma_wait3A_294 = tpu.memref_squeeze %dma_wait3A_293 : memref<1x128x64xf32, #tpu.memory_space<vmem>> -> memref<128x64xf32, #tpu.memory_space<vmem>>
      %dma_wait3A_295 = arith.constant 0 : i32
      %dma_wait3A_296 = tpu.memref_slice %arg6[%dma_wait3A_295] : memref<10000xi32, #tpu.memory_space<vmem>> -> memref<128xi32, #tpu.memory_space<vmem>>
      %dma_wait3A_297 = arith.constant 0 : i32
      %dma_wait3A_298 = arith.constant 0 : i32
      %dma_wait3A_299 = tpu.memref_slice %arg2[%dma_wait3A_297, %dma_wait3A_298] : memref<10000x64xf32, #tpu.memory_space<hbm>> -> memref<10000x64xf32, #tpu.memory_space<hbm>>
      %dma_wait3A_300 = tpu.memref_slice %arg9[%dma_wait3A_290] : memref<6x!tpu.dma_semaphore, #tpu.memory_space<semaphore_mem>> -> memref<1x!tpu.dma_semaphore, #tpu.memory_space<semaphore_mem>>
      %dma_wait3A_301 = tpu.memref_squeeze %dma_wait3A_300 : memref<1x!tpu.dma_semaphore, #tpu.memory_space<semaphore_mem>> -> memref<!tpu.dma_semaphore, #tpu.memory_space<semaphore_mem>>
      tpu.wait_indirect_dma semaphore(%dma_wait3A_301 : memref<!tpu.dma_semaphore, #tpu.memory_space<semaphore_mem>>) src(%dma_wait3A_299 : memref<10000x64xf32, #tpu.memory_space<hbm>>) dst(%dma_wait3A_294 : memref<128x64xf32, #tpu.memory_space<vmem>>)
      %add3A_302 = arith.constant 2 : i32
      %add3A_303 = arith.addi %mul3A_230, %add3A_302 : i32
      %mul3A_304 = arith.constant 128 : i32
      %mul3A_305 = arith.muli %add3A_303, %mul3A_304 : i32
      %dma_start3A_306 = arith.constant 2 : i32
      %dma_start3A_307 = arith.constant 2 : i32
      %dma_start3A_308 = arith.constant 0 : i32
      %dma_start3A_309 = arith.constant 0 : i32
      %dma_start3A_310 = tpu.memref_slice %arg8[%dma_start3A_306, %dma_start3A_308, %dma_start3A_309] : memref<6x128x64xf32, #tpu.memory_space<vmem>> -> memref<1x128x64xf32, #tpu.memory_space<vmem>>
      %dma_start3A_311 = tpu.memref_squeeze %dma_start3A_310 : memref<1x128x64xf32, #tpu.memory_space<vmem>> -> memref<128x64xf32, #tpu.memory_space<vmem>>
      %dma_start3A_312 = tpu.memref_slice %arg7[%mul3A_305] : memref<10000xi32, #tpu.memory_space<vmem>> -> memref<128xi32, #tpu.memory_space<vmem>>
      %dma_start3A_313 = arith.constant 0 : i32
      %dma_start3A_314 = arith.constant 0 : i32
      %dma_start3A_315 = tpu.memref_slice %arg11[%dma_start3A_313, %dma_start3A_314] : memref<10000x64xf32, #tpu.memory_space<vmem_shared>> -> memref<10000x64xf32, #tpu.memory_space<vmem_shared>>
      %dma_start3A_316 = tpu.memref_slice %arg10[%dma_start3A_307] : memref<6x!tpu.dma_semaphore, #tpu.memory_space<semaphore_mem>> -> memref<1x!tpu.dma_semaphore, #tpu.memory_space<semaphore_mem>>
      %dma_start3A_317 = tpu.memref_squeeze %dma_start3A_316 : memref<1x!tpu.dma_semaphore, #tpu.memory_space<semaphore_mem>> -> memref<!tpu.dma_semaphore, #tpu.memory_space<semaphore_mem>>
      tpu.enqueue_indirect_dma source(%dma_start3A_311 : memref<128x64xf32, #tpu.memory_space<vmem>>) target(%dma_start3A_315 : memref<10000x64xf32, #tpu.memory_space<vmem_shared>>) offsets(%dma_start3A_312 : memref<128xi32, #tpu.memory_space<vmem>>) semaphore(%dma_start3A_317 : memref<!tpu.dma_semaphore, #tpu.memory_space<semaphore_mem>>) {add = true}
      %dma_wait3A_318 = arith.constant 3 : i32
      %dma_wait3A_319 = arith.constant 3 : i32
      %dma_wait3A_320 = arith.constant 0 : i32
      %dma_wait3A_321 = arith.constant 0 : i32
      %dma_wait3A_322 = tpu.memref_slice %arg8[%dma_wait3A_318, %dma_wait3A_320, %dma_wait3A_321] : memref<6x128x64xf32, #tpu.memory_space<vmem>> -> memref<1x128x64xf32, #tpu.memory_space<vmem>>
      %dma_wait3A_323 = tpu.memref_squeeze %dma_wait3A_322 : memref<1x128x64xf32, #tpu.memory_space<vmem>> -> memref<128x64xf32, #tpu.memory_space<vmem>>
      %dma_wait3A_324 = arith.constant 0 : i32
      %dma_wait3A_325 = tpu.memref_slice %arg6[%dma_wait3A_324] : memref<10000xi32, #tpu.memory_space<vmem>> -> memref<128xi32, #tpu.memory_space<vmem>>
      %dma_wait3A_326 = arith.constant 0 : i32
      %dma_wait3A_327 = arith.constant 0 : i32
      %dma_wait3A_328 = tpu.memref_slice %arg2[%dma_wait3A_326, %dma_wait3A_327] : memref<10000x64xf32, #tpu.memory_space<hbm>> -> memref<10000x64xf32, #tpu.memory_space<hbm>>
      %dma_wait3A_329 = tpu.memref_slice %arg9[%dma_wait3A_319] : memref<6x!tpu.dma_semaphore, #tpu.memory_space<semaphore_mem>> -> memref<1x!tpu.dma_semaphore, #tpu.memory_space<semaphore_mem>>
      %dma_wait3A_330 = tpu.memref_squeeze %dma_wait3A_329 : memref<1x!tpu.dma_semaphore, #tpu.memory_space<semaphore_mem>> -> memref<!tpu.dma_semaphore, #tpu.memory_space<semaphore_mem>>
      tpu.wait_indirect_dma semaphore(%dma_wait3A_330 : memref<!tpu.dma_semaphore, #tpu.memory_space<semaphore_mem>>) src(%dma_wait3A_328 : memref<10000x64xf32, #tpu.memory_space<hbm>>) dst(%dma_wait3A_323 : memref<128x64xf32, #tpu.memory_space<vmem>>)
      %add3A_331 = arith.constant 3 : i32
      %add3A_332 = arith.addi %mul3A_230, %add3A_331 : i32
      %mul3A_333 = arith.constant 128 : i32
      %mul3A_334 = arith.muli %add3A_332, %mul3A_333 : i32
      %dma_start3A_335 = arith.constant 3 : i32
      %dma_start3A_336 = arith.constant 3 : i32
      %dma_start3A_337 = arith.constant 0 : i32
      %dma_start3A_338 = arith.constant 0 : i32
      %dma_start3A_339 = tpu.memref_slice %arg8[%dma_start3A_335, %dma_start3A_337, %dma_start3A_338] : memref<6x128x64xf32, #tpu.memory_space<vmem>> -> memref<1x128x64xf32, #tpu.memory_space<vmem>>
      %dma_start3A_340 = tpu.memref_squeeze %dma_start3A_339 : memref<1x128x64xf32, #tpu.memory_space<vmem>> -> memref<128x64xf32, #tpu.memory_space<vmem>>
      %dma_start3A_341 = tpu.memref_slice %arg7[%mul3A_334] : memref<10000xi32, #tpu.memory_space<vmem>> -> memref<128xi32, #tpu.memory_space<vmem>>
      %dma_start3A_342 = arith.constant 0 : i32
      %dma_start3A_343 = arith.constant 0 : i32
      %dma_start3A_344 = tpu.memref_slice %arg11[%dma_start3A_342, %dma_start3A_343] : memref<10000x64xf32, #tpu.memory_space<vmem_shared>> -> memref<10000x64xf32, #tpu.memory_space<vmem_shared>>
      %dma_start3A_345 = tpu.memref_slice %arg10[%dma_start3A_336] : memref<6x!tpu.dma_semaphore, #tpu.memory_space<semaphore_mem>> -> memref<1x!tpu.dma_semaphore, #tpu.memory_space<semaphore_mem>>
      %dma_start3A_346 = tpu.memref_squeeze %dma_start3A_345 : memref<1x!tpu.dma_semaphore, #tpu.memory_space<semaphore_mem>> -> memref<!tpu.dma_semaphore, #tpu.memory_space<semaphore_mem>>
      tpu.enqueue_indirect_dma source(%dma_start3A_340 : memref<128x64xf32, #tpu.memory_space<vmem>>) target(%dma_start3A_344 : memref<10000x64xf32, #tpu.memory_space<vmem_shared>>) offsets(%dma_start3A_341 : memref<128xi32, #tpu.memory_space<vmem>>) semaphore(%dma_start3A_346 : memref<!tpu.dma_semaphore, #tpu.memory_space<semaphore_mem>>) {add = true}
      %dma_wait3A_347 = arith.constant 4 : i32
      %dma_wait3A_348 = arith.constant 4 : i32
      %dma_wait3A_349 = arith.constant 0 : i32
      %dma_wait3A_350 = arith.constant 0 : i32
      %dma_wait3A_351 = tpu.memref_slice %arg8[%dma_wait3A_347, %dma_wait3A_349, %dma_wait3A_350] : memref<6x128x64xf32, #tpu.memory_space<vmem>> -> memref<1x128x64xf32, #tpu.memory_space<vmem>>
      %dma_wait3A_352 = tpu.memref_squeeze %dma_wait3A_351 : memref<1x128x64xf32, #tpu.memory_space<vmem>> -> memref<128x64xf32, #tpu.memory_space<vmem>>
      %dma_wait3A_353 = arith.constant 0 : i32
      %dma_wait3A_354 = tpu.memref_slice %arg6[%dma_wait3A_353] : memref<10000xi32, #tpu.memory_space<vmem>> -> memref<128xi32, #tpu.memory_space<vmem>>
      %dma_wait3A_355 = arith.constant 0 : i32
      %dma_wait3A_356 = arith.constant 0 : i32
      %dma_wait3A_357 = tpu.memref_slice %arg2[%dma_wait3A_355, %dma_wait3A_356] : memref<10000x64xf32, #tpu.memory_space<hbm>> -> memref<10000x64xf32, #tpu.memory_space<hbm>>
      %dma_wait3A_358 = tpu.memref_slice %arg9[%dma_wait3A_348] : memref<6x!tpu.dma_semaphore, #tpu.memory_space<semaphore_mem>> -> memref<1x!tpu.dma_semaphore, #tpu.memory_space<semaphore_mem>>
      %dma_wait3A_359 = tpu.memref_squeeze %dma_wait3A_358 : memref<1x!tpu.dma_semaphore, #tpu.memory_space<semaphore_mem>> -> memref<!tpu.dma_semaphore, #tpu.memory_space<semaphore_mem>>
      tpu.wait_indirect_dma semaphore(%dma_wait3A_359 : memref<!tpu.dma_semaphore, #tpu.memory_space<semaphore_mem>>) src(%dma_wait3A_357 : memref<10000x64xf32, #tpu.memory_space<hbm>>) dst(%dma_wait3A_352 : memref<128x64xf32, #tpu.memory_space<vmem>>)
      %add3A_360 = arith.constant 4 : i32
      %add3A_361 = arith.addi %mul3A_230, %add3A_360 : i32
      %mul3A_362 = arith.constant 128 : i32
      %mul3A_363 = arith.muli %add3A_361, %mul3A_362 : i32
      %dma_start3A_364 = arith.constant 4 : i32
      %dma_start3A_365 = arith.constant 4 : i32
      %dma_start3A_366 = arith.constant 0 : i32
      %dma_start3A_367 = arith.constant 0 : i32
      %dma_start3A_368 = tpu.memref_slice %arg8[%dma_start3A_364, %dma_start3A_366, %dma_start3A_367] : memref<6x128x64xf32, #tpu.memory_space<vmem>> -> memref<1x128x64xf32, #tpu.memory_space<vmem>>
      %dma_start3A_369 = tpu.memref_squeeze %dma_start3A_368 : memref<1x128x64xf32, #tpu.memory_space<vmem>> -> memref<128x64xf32, #tpu.memory_space<vmem>>
      %dma_start3A_370 = tpu.memref_slice %arg7[%mul3A_363] : memref<10000xi32, #tpu.memory_space<vmem>> -> memref<128xi32, #tpu.memory_space<vmem>>
      %dma_start3A_371 = arith.constant 0 : i32
      %dma_start3A_372 = arith.constant 0 : i32
      %dma_start3A_373 = tpu.memref_slice %arg11[%dma_start3A_371, %dma_start3A_372] : memref<10000x64xf32, #tpu.memory_space<vmem_shared>> -> memref<10000x64xf32, #tpu.memory_space<vmem_shared>>
      %dma_start3A_374 = tpu.memref_slice %arg10[%dma_start3A_365] : memref<6x!tpu.dma_semaphore, #tpu.memory_space<semaphore_mem>> -> memref<1x!tpu.dma_semaphore, #tpu.memory_space<semaphore_mem>>
      %dma_start3A_375 = tpu.memref_squeeze %dma_start3A_374 : memref<1x!tpu.dma_semaphore, #tpu.memory_space<semaphore_mem>> -> memref<!tpu.dma_semaphore, #tpu.memory_space<semaphore_mem>>
      tpu.enqueue_indirect_dma source(%dma_start3A_369 : memref<128x64xf32, #tpu.memory_space<vmem>>) target(%dma_start3A_373 : memref<10000x64xf32, #tpu.memory_space<vmem_shared>>) offsets(%dma_start3A_370 : memref<128xi32, #tpu.memory_space<vmem>>) semaphore(%dma_start3A_375 : memref<!tpu.dma_semaphore, #tpu.memory_space<semaphore_mem>>) {add = true}
      %dma_wait3A_376 = arith.constant 5 : i32
      %dma_wait3A_377 = arith.constant 5 : i32
      %dma_wait3A_378 = arith.constant 0 : i32
      %dma_wait3A_379 = arith.constant 0 : i32
      %dma_wait3A_380 = tpu.memref_slice %arg8[%dma_wait3A_376, %dma_wait3A_378, %dma_wait3A_379] : memref<6x128x64xf32, #tpu.memory_space<vmem>> -> memref<1x128x64xf32, #tpu.memory_space<vmem>>
      %dma_wait3A_381 = tpu.memref_squeeze %dma_wait3A_380 : memref<1x128x64xf32, #tpu.memory_space<vmem>> -> memref<128x64xf32, #tpu.memory_space<vmem>>
      %dma_wait3A_382 = arith.constant 0 : i32
      %dma_wait3A_383 = tpu.memref_slice %arg6[%dma_wait3A_382] : memref<10000xi32, #tpu.memory_space<vmem>> -> memref<128xi32, #tpu.memory_space<vmem>>
      %dma_wait3A_384 = arith.constant 0 : i32
      %dma_wait3A_385 = arith.constant 0 : i32
      %dma_wait3A_386 = tpu.memref_slice %arg2[%dma_wait3A_384, %dma_wait3A_385] : memref<10000x64xf32, #tpu.memory_space<hbm>> -> memref<10000x64xf32, #tpu.memory_space<hbm>>
      %dma_wait3A_387 = tpu.memref_slice %arg9[%dma_wait3A_377] : memref<6x!tpu.dma_semaphore, #tpu.memory_space<semaphore_mem>> -> memref<1x!tpu.dma_semaphore, #tpu.memory_space<semaphore_mem>>
      %dma_wait3A_388 = tpu.memref_squeeze %dma_wait3A_387 : memref<1x!tpu.dma_semaphore, #tpu.memory_space<semaphore_mem>> -> memref<!tpu.dma_semaphore, #tpu.memory_space<semaphore_mem>>
      tpu.wait_indirect_dma semaphore(%dma_wait3A_388 : memref<!tpu.dma_semaphore, #tpu.memory_space<semaphore_mem>>) src(%dma_wait3A_386 : memref<10000x64xf32, #tpu.memory_space<hbm>>) dst(%dma_wait3A_381 : memref<128x64xf32, #tpu.memory_space<vmem>>)
      %add3A_389 = arith.constant 5 : i32
      %add3A_390 = arith.addi %mul3A_230, %add3A_389 : i32
      %mul3A_391 = arith.constant 128 : i32
      %mul3A_392 = arith.muli %add3A_390, %mul3A_391 : i32
      %dma_start3A_393 = arith.constant 5 : i32
      %dma_start3A_394 = arith.constant 5 : i32
      %dma_start3A_395 = arith.constant 0 : i32
      %dma_start3A_396 = arith.constant 0 : i32
      %dma_start3A_397 = tpu.memref_slice %arg8[%dma_start3A_393, %dma_start3A_395, %dma_start3A_396] : memref<6x128x64xf32, #tpu.memory_space<vmem>> -> memref<1x128x64xf32, #tpu.memory_space<vmem>>
      %dma_start3A_398 = tpu.memref_squeeze %dma_start3A_397 : memref<1x128x64xf32, #tpu.memory_space<vmem>> -> memref<128x64xf32, #tpu.memory_space<vmem>>
      %dma_start3A_399 = tpu.memref_slice %arg7[%mul3A_392] : memref<10000xi32, #tpu.memory_space<vmem>> -> memref<128xi32, #tpu.memory_space<vmem>>
      %dma_start3A_400 = arith.constant 0 : i32
      %dma_start3A_401 = arith.constant 0 : i32
      %dma_start3A_402 = tpu.memref_slice %arg11[%dma_start3A_400, %dma_start3A_401] : memref<10000x64xf32, #tpu.memory_space<vmem_shared>> -> memref<10000x64xf32, #tpu.memory_space<vmem_shared>>
      %dma_start3A_403 = tpu.memref_slice %arg10[%dma_start3A_394] : memref<6x!tpu.dma_semaphore, #tpu.memory_space<semaphore_mem>> -> memref<1x!tpu.dma_semaphore, #tpu.memory_space<semaphore_mem>>
      %dma_start3A_404 = tpu.memref_squeeze %dma_start3A_403 : memref<1x!tpu.dma_semaphore, #tpu.memory_space<semaphore_mem>> -> memref<!tpu.dma_semaphore, #tpu.memory_space<semaphore_mem>>
      tpu.enqueue_indirect_dma source(%dma_start3A_398 : memref<128x64xf32, #tpu.memory_space<vmem>>) target(%dma_start3A_402 : memref<10000x64xf32, #tpu.memory_space<vmem_shared>>) offsets(%dma_start3A_399 : memref<128xi32, #tpu.memory_space<vmem>>) semaphore(%dma_start3A_404 : memref<!tpu.dma_semaphore, #tpu.memory_space<semaphore_mem>>) {add = true}
      %add3A_405 = arith.constant 6 : i32
      %add3A_406 = arith.addi %mul3A_230, %add3A_405 : i32
      %add3A_407 = arith.constant 0 : i32
      %add3A_408 = arith.addi %add3A_406, %add3A_407 : i32
      %lt3A_409 = arith.constant 78 : i32
      %lt3A_410 = arith.cmpi slt, %add3A_408, %lt3A_409 : i32
      %convert_element_type3A_411 = arith.extui %lt3A_410 : i1 to i32
      %cond3A_412 = arith.constant 0 : i32
      %cond3A_413 = arith.cmpi ne, %convert_element_type3A_411, %cond3A_412 : i32
      scf.if %cond3A_413 {
        %dma_wait3A_459 = arith.constant 0 : i32
        %dma_wait3A_460 = arith.constant 0 : i32
        %dma_wait3A_461 = arith.constant 0 : i32
        %dma_wait3A_462 = arith.constant 0 : i32
        %dma_wait3A_463 = tpu.memref_slice %arg8[%dma_wait3A_459, %dma_wait3A_461, %dma_wait3A_462] : memref<6x128x64xf32, #tpu.memory_space<vmem>> -> memref<1x128x64xf32, #tpu.memory_space<vmem>>
        %dma_wait3A_464 = tpu.memref_squeeze %dma_wait3A_463 : memref<1x128x64xf32, #tpu.memory_space<vmem>> -> memref<128x64xf32, #tpu.memory_space<vmem>>
        %dma_wait3A_465 = arith.constant 0 : i32
        %dma_wait3A_466 = tpu.memref_slice %arg7[%dma_wait3A_465] : memref<10000xi32, #tpu.memory_space<vmem>> -> memref<128xi32, #tpu.memory_space<vmem>>
        %dma_wait3A_467 = arith.constant 0 : i32
        %dma_wait3A_468 = arith.constant 0 : i32
        %dma_wait3A_469 = tpu.memref_slice %arg11[%dma_wait3A_467, %dma_wait3A_468] : memref<10000x64xf32, #tpu.memory_space<vmem_shared>> -> memref<10000x64xf32, #tpu.memory_space<vmem_shared>>
        %dma_wait3A_470 = tpu.memref_slice %arg10[%dma_wait3A_460] : memref<6x!tpu.dma_semaphore, #tpu.memory_space<semaphore_mem>> -> memref<1x!tpu.dma_semaphore, #tpu.memory_space<semaphore_mem>>
        %dma_wait3A_471 = tpu.memref_squeeze %dma_wait3A_470 : memref<1x!tpu.dma_semaphore, #tpu.memory_space<semaphore_mem>> -> memref<!tpu.dma_semaphore, #tpu.memory_space<semaphore_mem>>
        tpu.wait_indirect_dma semaphore(%dma_wait3A_471 : memref<!tpu.dma_semaphore, #tpu.memory_space<semaphore_mem>>) src(%dma_wait3A_464 : memref<128x64xf32, #tpu.memory_space<vmem>>) dst(%dma_wait3A_469 : memref<10000x64xf32, #tpu.memory_space<vmem_shared>>)
        %mul3A_472 = arith.constant 128 : i32
        %mul3A_473 = arith.muli %add3A_408, %mul3A_472 : i32
        %dma_start3A_474 = arith.constant 0 : i32
        %dma_start3A_475 = arith.constant 0 : i32
        %dma_start3A_476 = arith.constant 0 : i32
        %dma_start3A_477 = arith.constant 0 : i32
        %dma_start3A_478 = tpu.memref_slice %arg8[%dma_start3A_474, %dma_start3A_476, %dma_start3A_477] : memref<6x128x64xf32, #tpu.memory_space<vmem>> -> memref<1x128x64xf32, #tpu.memory_space<vmem>>
        %dma_start3A_479 = tpu.memref_squeeze %dma_start3A_478 : memref<1x128x64xf32, #tpu.memory_space<vmem>> -> memref<128x64xf32, #tpu.memory_space<vmem>>
        %dma_start3A_480 = tpu.memref_slice %arg6[%mul3A_473] : memref<10000xi32, #tpu.memory_space<vmem>> -> memref<128xi32, #tpu.memory_space<vmem>>
        %dma_start3A_481 = arith.constant 0 : i32
        %dma_start3A_482 = arith.constant 0 : i32
        %dma_start3A_483 = tpu.memref_slice %arg2[%dma_start3A_481, %dma_start3A_482] : memref<10000x64xf32, #tpu.memory_space<hbm>> -> memref<10000x64xf32, #tpu.memory_space<hbm>>
        %dma_start3A_484 = tpu.memref_slice %arg9[%dma_start3A_475] : memref<6x!tpu.dma_semaphore, #tpu.memory_space<semaphore_mem>> -> memref<1x!tpu.dma_semaphore, #tpu.memory_space<semaphore_mem>>
        %dma_start3A_485 = tpu.memref_squeeze %dma_start3A_484 : memref<1x!tpu.dma_semaphore, #tpu.memory_space<semaphore_mem>> -> memref<!tpu.dma_semaphore, #tpu.memory_space<semaphore_mem>>
        tpu.enqueue_indirect_dma source(%dma_start3A_483 : memref<10000x64xf32, #tpu.memory_space<hbm>>) target(%dma_start3A_479 : memref<128x64xf32, #tpu.memory_space<vmem>>) offsets(%dma_start3A_480 : memref<128xi32, #tpu.memory_space<vmem>>) semaphore(%dma_start3A_485 : memref<!tpu.dma_semaphore, #tpu.memory_space<semaphore_mem>>)
      } else {
      }
      %add3A_414 = arith.constant 6 : i32
      %add3A_415 = arith.addi %mul3A_230, %add3A_414 : i32
      %add3A_416 = arith.constant 1 : i32
      %add3A_417 = arith.addi %add3A_415, %add3A_416 : i32
      %lt3A_418 = arith.constant 78 : i32
      %lt3A_419 = arith.cmpi slt, %add3A_417, %lt3A_418 : i32
      %convert_element_type3A_420 = arith.extui %lt3A_419 : i1 to i32
      %cond3A_421 = arith.constant 0 : i32
      %cond3A_422 = arith.cmpi ne, %convert_element_type3A_420, %cond3A_421 : i32
      scf.if %cond3A_422 {
        %dma_wait3A_459 = arith.constant 1 : i32
        %dma_wait3A_460 = arith.constant 1 : i32
        %dma_wait3A_461 = arith.constant 0 : i32
        %dma_wait3A_462 = arith.constant 0 : i32
        %dma_wait3A_463 = tpu.memref_slice %arg8[%dma_wait3A_459, %dma_wait3A_461, %dma_wait3A_462] : memref<6x128x64xf32, #tpu.memory_space<vmem>> -> memref<1x128x64xf32, #tpu.memory_space<vmem>>
        %dma_wait3A_464 = tpu.memref_squeeze %dma_wait3A_463 : memref<1x128x64xf32, #tpu.memory_space<vmem>> -> memref<128x64xf32, #tpu.memory_space<vmem>>
        %dma_wait3A_465 = arith.constant 0 : i32
        %dma_wait3A_466 = tpu.memref_slice %arg7[%dma_wait3A_465] : memref<10000xi32, #tpu.memory_space<vmem>> -> memref<128xi32, #tpu.memory_space<vmem>>
        %dma_wait3A_467 = arith.constant 0 : i32
        %dma_wait3A_468 = arith.constant 0 : i32
        %dma_wait3A_469 = tpu.memref_slice %arg11[%dma_wait3A_467, %dma_wait3A_468] : memref<10000x64xf32, #tpu.memory_space<vmem_shared>> -> memref<10000x64xf32, #tpu.memory_space<vmem_shared>>
        %dma_wait3A_470 = tpu.memref_slice %arg10[%dma_wait3A_460] : memref<6x!tpu.dma_semaphore, #tpu.memory_space<semaphore_mem>> -> memref<1x!tpu.dma_semaphore, #tpu.memory_space<semaphore_mem>>
        %dma_wait3A_471 = tpu.memref_squeeze %dma_wait3A_470 : memref<1x!tpu.dma_semaphore, #tpu.memory_space<semaphore_mem>> -> memref<!tpu.dma_semaphore, #tpu.memory_space<semaphore_mem>>
        tpu.wait_indirect_dma semaphore(%dma_wait3A_471 : memref<!tpu.dma_semaphore, #tpu.memory_space<semaphore_mem>>) src(%dma_wait3A_464 : memref<128x64xf32, #tpu.memory_space<vmem>>) dst(%dma_wait3A_469 : memref<10000x64xf32, #tpu.memory_space<vmem_shared>>)
        %mul3A_472 = arith.constant 128 : i32
        %mul3A_473 = arith.muli %add3A_417, %mul3A_472 : i32
        %dma_start3A_474 = arith.constant 1 : i32
        %dma_start3A_475 = arith.constant 1 : i32
        %dma_start3A_476 = arith.constant 0 : i32
        %dma_start3A_477 = arith.constant 0 : i32
        %dma_start3A_478 = tpu.memref_slice %arg8[%dma_start3A_474, %dma_start3A_476, %dma_start3A_477] : memref<6x128x64xf32, #tpu.memory_space<vmem>> -> memref<1x128x64xf32, #tpu.memory_space<vmem>>
        %dma_start3A_479 = tpu.memref_squeeze %dma_start3A_478 : memref<1x128x64xf32, #tpu.memory_space<vmem>> -> memref<128x64xf32, #tpu.memory_space<vmem>>
        %dma_start3A_480 = tpu.memref_slice %arg6[%mul3A_473] : memref<10000xi32, #tpu.memory_space<vmem>> -> memref<128xi32, #tpu.memory_space<vmem>>
        %dma_start3A_481 = arith.constant 0 : i32
        %dma_start3A_482 = arith.constant 0 : i32
        %dma_start3A_483 = tpu.memref_slice %arg2[%dma_start3A_481, %dma_start3A_482] : memref<10000x64xf32, #tpu.memory_space<hbm>> -> memref<10000x64xf32, #tpu.memory_space<hbm>>
        %dma_start3A_484 = tpu.memref_slice %arg9[%dma_start3A_475] : memref<6x!tpu.dma_semaphore, #tpu.memory_space<semaphore_mem>> -> memref<1x!tpu.dma_semaphore, #tpu.memory_space<semaphore_mem>>
        %dma_start3A_485 = tpu.memref_squeeze %dma_start3A_484 : memref<1x!tpu.dma_semaphore, #tpu.memory_space<semaphore_mem>> -> memref<!tpu.dma_semaphore, #tpu.memory_space<semaphore_mem>>
        tpu.enqueue_indirect_dma source(%dma_start3A_483 : memref<10000x64xf32, #tpu.memory_space<hbm>>) target(%dma_start3A_479 : memref<128x64xf32, #tpu.memory_space<vmem>>) offsets(%dma_start3A_480 : memref<128xi32, #tpu.memory_space<vmem>>) semaphore(%dma_start3A_485 : memref<!tpu.dma_semaphore, #tpu.memory_space<semaphore_mem>>)
      } else {
      }
      %add3A_423 = arith.constant 6 : i32
      %add3A_424 = arith.addi %mul3A_230, %add3A_423 : i32
      %add3A_425 = arith.constant 2 : i32
      %add3A_426 = arith.addi %add3A_424, %add3A_425 : i32
      %lt3A_427 = arith.constant 78 : i32
      %lt3A_428 = arith.cmpi slt, %add3A_426, %lt3A_427 : i32
      %convert_element_type3A_429 = arith.extui %lt3A_428 : i1 to i32
      %cond3A_430 = arith.constant 0 : i32
      %cond3A_431 = arith.cmpi ne, %convert_element_type3A_429, %cond3A_430 : i32
      scf.if %cond3A_431 {
        %dma_wait3A_459 = arith.constant 2 : i32
        %dma_wait3A_460 = arith.constant 2 : i32
        %dma_wait3A_461 = arith.constant 0 : i32
        %dma_wait3A_462 = arith.constant 0 : i32
        %dma_wait3A_463 = tpu.memref_slice %arg8[%dma_wait3A_459, %dma_wait3A_461, %dma_wait3A_462] : memref<6x128x64xf32, #tpu.memory_space<vmem>> -> memref<1x128x64xf32, #tpu.memory_space<vmem>>
        %dma_wait3A_464 = tpu.memref_squeeze %dma_wait3A_463 : memref<1x128x64xf32, #tpu.memory_space<vmem>> -> memref<128x64xf32, #tpu.memory_space<vmem>>
        %dma_wait3A_465 = arith.constant 0 : i32
        %dma_wait3A_466 = tpu.memref_slice %arg7[%dma_wait3A_465] : memref<10000xi32, #tpu.memory_space<vmem>> -> memref<128xi32, #tpu.memory_space<vmem>>
        %dma_wait3A_467 = arith.constant 0 : i32
        %dma_wait3A_468 = arith.constant 0 : i32
        %dma_wait3A_469 = tpu.memref_slice %arg11[%dma_wait3A_467, %dma_wait3A_468] : memref<10000x64xf32, #tpu.memory_space<vmem_shared>> -> memref<10000x64xf32, #tpu.memory_space<vmem_shared>>
        %dma_wait3A_470 = tpu.memref_slice %arg10[%dma_wait3A_460] : memref<6x!tpu.dma_semaphore, #tpu.memory_space<semaphore_mem>> -> memref<1x!tpu.dma_semaphore, #tpu.memory_space<semaphore_mem>>
        %dma_wait3A_471 = tpu.memref_squeeze %dma_wait3A_470 : memref<1x!tpu.dma_semaphore, #tpu.memory_space<semaphore_mem>> -> memref<!tpu.dma_semaphore, #tpu.memory_space<semaphore_mem>>
        tpu.wait_indirect_dma semaphore(%dma_wait3A_471 : memref<!tpu.dma_semaphore, #tpu.memory_space<semaphore_mem>>) src(%dma_wait3A_464 : memref<128x64xf32, #tpu.memory_space<vmem>>) dst(%dma_wait3A_469 : memref<10000x64xf32, #tpu.memory_space<vmem_shared>>)
        %mul3A_472 = arith.constant 128 : i32
        %mul3A_473 = arith.muli %add3A_426, %mul3A_472 : i32
        %dma_start3A_474 = arith.constant 2 : i32
        %dma_start3A_475 = arith.constant 2 : i32
        %dma_start3A_476 = arith.constant 0 : i32
        %dma_start3A_477 = arith.constant 0 : i32
        %dma_start3A_478 = tpu.memref_slice %arg8[%dma_start3A_474, %dma_start3A_476, %dma_start3A_477] : memref<6x128x64xf32, #tpu.memory_space<vmem>> -> memref<1x128x64xf32, #tpu.memory_space<vmem>>
        %dma_start3A_479 = tpu.memref_squeeze %dma_start3A_478 : memref<1x128x64xf32, #tpu.memory_space<vmem>> -> memref<128x64xf32, #tpu.memory_space<vmem>>
        %dma_start3A_480 = tpu.memref_slice %arg6[%mul3A_473] : memref<10000xi32, #tpu.memory_space<vmem>> -> memref<128xi32, #tpu.memory_space<vmem>>
        %dma_start3A_481 = arith.constant 0 : i32
        %dma_start3A_482 = arith.constant 0 : i32
        %dma_start3A_483 = tpu.memref_slice %arg2[%dma_start3A_481, %dma_start3A_482] : memref<10000x64xf32, #tpu.memory_space<hbm>> -> memref<10000x64xf32, #tpu.memory_space<hbm>>
        %dma_start3A_484 = tpu.memref_slice %arg9[%dma_start3A_475] : memref<6x!tpu.dma_semaphore, #tpu.memory_space<semaphore_mem>> -> memref<1x!tpu.dma_semaphore, #tpu.memory_space<semaphore_mem>>
        %dma_start3A_485 = tpu.memref_squeeze %dma_start3A_484 : memref<1x!tpu.dma_semaphore, #tpu.memory_space<semaphore_mem>> -> memref<!tpu.dma_semaphore, #tpu.memory_space<semaphore_mem>>
        tpu.enqueue_indirect_dma source(%dma_start3A_483 : memref<10000x64xf32, #tpu.memory_space<hbm>>) target(%dma_start3A_479 : memref<128x64xf32, #tpu.memory_space<vmem>>) offsets(%dma_start3A_480 : memref<128xi32, #tpu.memory_space<vmem>>) semaphore(%dma_start3A_485 : memref<!tpu.dma_semaphore, #tpu.memory_space<semaphore_mem>>)
      } else {
      }
      %add3A_432 = arith.constant 6 : i32
      %add3A_433 = arith.addi %mul3A_230, %add3A_432 : i32
      %add3A_434 = arith.constant 3 : i32
      %add3A_435 = arith.addi %add3A_433, %add3A_434 : i32
      %lt3A_436 = arith.constant 78 : i32
      %lt3A_437 = arith.cmpi slt, %add3A_435, %lt3A_436 : i32
      %convert_element_type3A_438 = arith.extui %lt3A_437 : i1 to i32
      %cond3A_439 = arith.constant 0 : i32
      %cond3A_440 = arith.cmpi ne, %convert_element_type3A_438, %cond3A_439 : i32
      scf.if %cond3A_440 {
        %dma_wait3A_459 = arith.constant 3 : i32
        %dma_wait3A_460 = arith.constant 3 : i32
        %dma_wait3A_461 = arith.constant 0 : i32
        %dma_wait3A_462 = arith.constant 0 : i32
        %dma_wait3A_463 = tpu.memref_slice %arg8[%dma_wait3A_459, %dma_wait3A_461, %dma_wait3A_462] : memref<6x128x64xf32, #tpu.memory_space<vmem>> -> memref<1x128x64xf32, #tpu.memory_space<vmem>>
        %dma_wait3A_464 = tpu.memref_squeeze %dma_wait3A_463 : memref<1x128x64xf32, #tpu.memory_space<vmem>> -> memref<128x64xf32, #tpu.memory_space<vmem>>
        %dma_wait3A_465 = arith.constant 0 : i32
        %dma_wait3A_466 = tpu.memref_slice %arg7[%dma_wait3A_465] : memref<10000xi32, #tpu.memory_space<vmem>> -> memref<128xi32, #tpu.memory_space<vmem>>
        %dma_wait3A_467 = arith.constant 0 : i32
        %dma_wait3A_468 = arith.constant 0 : i32
        %dma_wait3A_469 = tpu.memref_slice %arg11[%dma_wait3A_467, %dma_wait3A_468] : memref<10000x64xf32, #tpu.memory_space<vmem_shared>> -> memref<10000x64xf32, #tpu.memory_space<vmem_shared>>
        %dma_wait3A_470 = tpu.memref_slice %arg10[%dma_wait3A_460] : memref<6x!tpu.dma_semaphore, #tpu.memory_space<semaphore_mem>> -> memref<1x!tpu.dma_semaphore, #tpu.memory_space<semaphore_mem>>
        %dma_wait3A_471 = tpu.memref_squeeze %dma_wait3A_470 : memref<1x!tpu.dma_semaphore, #tpu.memory_space<semaphore_mem>> -> memref<!tpu.dma_semaphore, #tpu.memory_space<semaphore_mem>>
        tpu.wait_indirect_dma semaphore(%dma_wait3A_471 : memref<!tpu.dma_semaphore, #tpu.memory_space<semaphore_mem>>) src(%dma_wait3A_464 : memref<128x64xf32, #tpu.memory_space<vmem>>) dst(%dma_wait3A_469 : memref<10000x64xf32, #tpu.memory_space<vmem_shared>>)
        %mul3A_472 = arith.constant 128 : i32
        %mul3A_473 = arith.muli %add3A_435, %mul3A_472 : i32
        %dma_start3A_474 = arith.constant 3 : i32
        %dma_start3A_475 = arith.constant 3 : i32
        %dma_start3A_476 = arith.constant 0 : i32
        %dma_start3A_477 = arith.constant 0 : i32
        %dma_start3A_478 = tpu.memref_slice %arg8[%dma_start3A_474, %dma_start3A_476, %dma_start3A_477] : memref<6x128x64xf32, #tpu.memory_space<vmem>> -> memref<1x128x64xf32, #tpu.memory_space<vmem>>
        %dma_start3A_479 = tpu.memref_squeeze %dma_start3A_478 : memref<1x128x64xf32, #tpu.memory_space<vmem>> -> memref<128x64xf32, #tpu.memory_space<vmem>>
        %dma_start3A_480 = tpu.memref_slice %arg6[%mul3A_473] : memref<10000xi32, #tpu.memory_space<vmem>> -> memref<128xi32, #tpu.memory_space<vmem>>
        %dma_start3A_481 = arith.constant 0 : i32
        %dma_start3A_482 = arith.constant 0 : i32
        %dma_start3A_483 = tpu.memref_slice %arg2[%dma_start3A_481, %dma_start3A_482] : memref<10000x64xf32, #tpu.memory_space<hbm>> -> memref<10000x64xf32, #tpu.memory_space<hbm>>
        %dma_start3A_484 = tpu.memref_slice %arg9[%dma_start3A_475] : memref<6x!tpu.dma_semaphore, #tpu.memory_space<semaphore_mem>> -> memref<1x!tpu.dma_semaphore, #tpu.memory_space<semaphore_mem>>
        %dma_start3A_485 = tpu.memref_squeeze %dma_start3A_484 : memref<1x!tpu.dma_semaphore, #tpu.memory_space<semaphore_mem>> -> memref<!tpu.dma_semaphore, #tpu.memory_space<semaphore_mem>>
        tpu.enqueue_indirect_dma source(%dma_start3A_483 : memref<10000x64xf32, #tpu.memory_space<hbm>>) target(%dma_start3A_479 : memref<128x64xf32, #tpu.memory_space<vmem>>) offsets(%dma_start3A_480 : memref<128xi32, #tpu.memory_space<vmem>>) semaphore(%dma_start3A_485 : memref<!tpu.dma_semaphore, #tpu.memory_space<semaphore_mem>>)
      } else {
      }
      %add3A_441 = arith.constant 6 : i32
      %add3A_442 = arith.addi %mul3A_230, %add3A_441 : i32
      %add3A_443 = arith.constant 4 : i32
      %add3A_444 = arith.addi %add3A_442, %add3A_443 : i32
      %lt3A_445 = arith.constant 78 : i32
      %lt3A_446 = arith.cmpi slt, %add3A_444, %lt3A_445 : i32
      %convert_element_type3A_447 = arith.extui %lt3A_446 : i1 to i32
      %cond3A_448 = arith.constant 0 : i32
      %cond3A_449 = arith.cmpi ne, %convert_element_type3A_447, %cond3A_448 : i32
      scf.if %cond3A_449 {
        %dma_wait3A_459 = arith.constant 4 : i32
        %dma_wait3A_460 = arith.constant 4 : i32
        %dma_wait3A_461 = arith.constant 0 : i32
        %dma_wait3A_462 = arith.constant 0 : i32
        %dma_wait3A_463 = tpu.memref_slice %arg8[%dma_wait3A_459, %dma_wait3A_461, %dma_wait3A_462] : memref<6x128x64xf32, #tpu.memory_space<vmem>> -> memref<1x128x64xf32, #tpu.memory_space<vmem>>
        %dma_wait3A_464 = tpu.memref_squeeze %dma_wait3A_463 : memref<1x128x64xf32, #tpu.memory_space<vmem>> -> memref<128x64xf32, #tpu.memory_space<vmem>>
        %dma_wait3A_465 = arith.constant 0 : i32
        %dma_wait3A_466 = tpu.memref_slice %arg7[%dma_wait3A_465] : memref<10000xi32, #tpu.memory_space<vmem>> -> memref<128xi32, #tpu.memory_space<vmem>>
        %dma_wait3A_467 = arith.constant 0 : i32
        %dma_wait3A_468 = arith.constant 0 : i32
        %dma_wait3A_469 = tpu.memref_slice %arg11[%dma_wait3A_467, %dma_wait3A_468] : memref<10000x64xf32, #tpu.memory_space<vmem_shared>> -> memref<10000x64xf32, #tpu.memory_space<vmem_shared>>
        %dma_wait3A_470 = tpu.memref_slice %arg10[%dma_wait3A_460] : memref<6x!tpu.dma_semaphore, #tpu.memory_space<semaphore_mem>> -> memref<1x!tpu.dma_semaphore, #tpu.memory_space<semaphore_mem>>
        %dma_wait3A_471 = tpu.memref_squeeze %dma_wait3A_470 : memref<1x!tpu.dma_semaphore, #tpu.memory_space<semaphore_mem>> -> memref<!tpu.dma_semaphore, #tpu.memory_space<semaphore_mem>>
        tpu.wait_indirect_dma semaphore(%dma_wait3A_471 : memref<!tpu.dma_semaphore, #tpu.memory_space<semaphore_mem>>) src(%dma_wait3A_464 : memref<128x64xf32, #tpu.memory_space<vmem>>) dst(%dma_wait3A_469 : memref<10000x64xf32, #tpu.memory_space<vmem_shared>>)
        %mul3A_472 = arith.constant 128 : i32
        %mul3A_473 = arith.muli %add3A_444, %mul3A_472 : i32
        %dma_start3A_474 = arith.constant 4 : i32
        %dma_start3A_475 = arith.constant 4 : i32
        %dma_start3A_476 = arith.constant 0 : i32
        %dma_start3A_477 = arith.constant 0 : i32
        %dma_start3A_478 = tpu.memref_slice %arg8[%dma_start3A_474, %dma_start3A_476, %dma_start3A_477] : memref<6x128x64xf32, #tpu.memory_space<vmem>> -> memref<1x128x64xf32, #tpu.memory_space<vmem>>
        %dma_start3A_479 = tpu.memref_squeeze %dma_start3A_478 : memref<1x128x64xf32, #tpu.memory_space<vmem>> -> memref<128x64xf32, #tpu.memory_space<vmem>>
        %dma_start3A_480 = tpu.memref_slice %arg6[%mul3A_473] : memref<10000xi32, #tpu.memory_space<vmem>> -> memref<128xi32, #tpu.memory_space<vmem>>
        %dma_start3A_481 = arith.constant 0 : i32
        %dma_start3A_482 = arith.constant 0 : i32
        %dma_start3A_483 = tpu.memref_slice %arg2[%dma_start3A_481, %dma_start3A_482] : memref<10000x64xf32, #tpu.memory_space<hbm>> -> memref<10000x64xf32, #tpu.memory_space<hbm>>
        %dma_start3A_484 = tpu.memref_slice %arg9[%dma_start3A_475] : memref<6x!tpu.dma_semaphore, #tpu.memory_space<semaphore_mem>> -> memref<1x!tpu.dma_semaphore, #tpu.memory_space<semaphore_mem>>
        %dma_start3A_485 = tpu.memref_squeeze %dma_start3A_484 : memref<1x!tpu.dma_semaphore, #tpu.memory_space<semaphore_mem>> -> memref<!tpu.dma_semaphore, #tpu.memory_space<semaphore_mem>>
        tpu.enqueue_indirect_dma source(%dma_start3A_483 : memref<10000x64xf32, #tpu.memory_space<hbm>>) target(%dma_start3A_479 : memref<128x64xf32, #tpu.memory_space<vmem>>) offsets(%dma_start3A_480 : memref<128xi32, #tpu.memory_space<vmem>>) semaphore(%dma_start3A_485 : memref<!tpu.dma_semaphore, #tpu.memory_space<semaphore_mem>>)
      } else {
      }
      %add3A_450 = arith.constant 6 : i32
      %add3A_451 = arith.addi %mul3A_230, %add3A_450 : i32
      %add3A_452 = arith.constant 5 : i32
      %add3A_453 = arith.addi %add3A_451, %add3A_452 : i32
      %lt3A_454 = arith.constant 78 : i32
      %lt3A_455 = arith.cmpi slt, %add3A_453, %lt3A_454 : i32
      %convert_element_type3A_456 = arith.extui %lt3A_455 : i1 to i32
      %cond3A_457 = arith.constant 0 : i32
      %cond3A_458 = arith.cmpi ne, %convert_element_type3A_456, %cond3A_457 : i32
      scf.if %cond3A_458 {
        %dma_wait3A_459 = arith.constant 5 : i32
        %dma_wait3A_460 = arith.constant 5 : i32
        %dma_wait3A_461 = arith.constant 0 : i32
        %dma_wait3A_462 = arith.constant 0 : i32
        %dma_wait3A_463 = tpu.memref_slice %arg8[%dma_wait3A_459, %dma_wait3A_461, %dma_wait3A_462] : memref<6x128x64xf32, #tpu.memory_space<vmem>> -> memref<1x128x64xf32, #tpu.memory_space<vmem>>
        %dma_wait3A_464 = tpu.memref_squeeze %dma_wait3A_463 : memref<1x128x64xf32, #tpu.memory_space<vmem>> -> memref<128x64xf32, #tpu.memory_space<vmem>>
        %dma_wait3A_465 = arith.constant 0 : i32
        %dma_wait3A_466 = tpu.memref_slice %arg7[%dma_wait3A_465] : memref<10000xi32, #tpu.memory_space<vmem>> -> memref<128xi32, #tpu.memory_space<vmem>>
        %dma_wait3A_467 = arith.constant 0 : i32
        %dma_wait3A_468 = arith.constant 0 : i32
        %dma_wait3A_469 = tpu.memref_slice %arg11[%dma_wait3A_467, %dma_wait3A_468] : memref<10000x64xf32, #tpu.memory_space<vmem_shared>> -> memref<10000x64xf32, #tpu.memory_space<vmem_shared>>
        %dma_wait3A_470 = tpu.memref_slice %arg10[%dma_wait3A_460] : memref<6x!tpu.dma_semaphore, #tpu.memory_space<semaphore_mem>> -> memref<1x!tpu.dma_semaphore, #tpu.memory_space<semaphore_mem>>
        %dma_wait3A_471 = tpu.memref_squeeze %dma_wait3A_470 : memref<1x!tpu.dma_semaphore, #tpu.memory_space<semaphore_mem>> -> memref<!tpu.dma_semaphore, #tpu.memory_space<semaphore_mem>>
        tpu.wait_indirect_dma semaphore(%dma_wait3A_471 : memref<!tpu.dma_semaphore, #tpu.memory_space<semaphore_mem>>) src(%dma_wait3A_464 : memref<128x64xf32, #tpu.memory_space<vmem>>) dst(%dma_wait3A_469 : memref<10000x64xf32, #tpu.memory_space<vmem_shared>>)
        %mul3A_472 = arith.constant 128 : i32
        %mul3A_473 = arith.muli %add3A_453, %mul3A_472 : i32
        %dma_start3A_474 = arith.constant 5 : i32
        %dma_start3A_475 = arith.constant 5 : i32
        %dma_start3A_476 = arith.constant 0 : i32
        %dma_start3A_477 = arith.constant 0 : i32
        %dma_start3A_478 = tpu.memref_slice %arg8[%dma_start3A_474, %dma_start3A_476, %dma_start3A_477] : memref<6x128x64xf32, #tpu.memory_space<vmem>> -> memref<1x128x64xf32, #tpu.memory_space<vmem>>
        %dma_start3A_479 = tpu.memref_squeeze %dma_start3A_478 : memref<1x128x64xf32, #tpu.memory_space<vmem>> -> memref<128x64xf32, #tpu.memory_space<vmem>>
        %dma_start3A_480 = tpu.memref_slice %arg6[%mul3A_473] : memref<10000xi32, #tpu.memory_space<vmem>> -> memref<128xi32, #tpu.memory_space<vmem>>
        %dma_start3A_481 = arith.constant 0 : i32
        %dma_start3A_482 = arith.constant 0 : i32
        %dma_start3A_483 = tpu.memref_slice %arg2[%dma_start3A_481, %dma_start3A_482] : memref<10000x64xf32, #tpu.memory_space<hbm>> -> memref<10000x64xf32, #tpu.memory_space<hbm>>
        %dma_start3A_484 = tpu.memref_slice %arg9[%dma_start3A_475] : memref<6x!tpu.dma_semaphore, #tpu.memory_space<semaphore_mem>> -> memref<1x!tpu.dma_semaphore, #tpu.memory_space<semaphore_mem>>
        %dma_start3A_485 = tpu.memref_squeeze %dma_start3A_484 : memref<1x!tpu.dma_semaphore, #tpu.memory_space<semaphore_mem>> -> memref<!tpu.dma_semaphore, #tpu.memory_space<semaphore_mem>>
        tpu.enqueue_indirect_dma source(%dma_start3A_483 : memref<10000x64xf32, #tpu.memory_space<hbm>>) target(%dma_start3A_479 : memref<128x64xf32, #tpu.memory_space<vmem>>) offsets(%dma_start3A_480 : memref<128xi32, #tpu.memory_space<vmem>>) semaphore(%dma_start3A_485 : memref<!tpu.dma_semaphore, #tpu.memory_space<semaphore_mem>>)
      } else {
      }
    }
    %scan3A_88 = arith.constant 13 : i32
    %dma_wait3A = arith.constant 0 : i32
    %dma_wait3A_89 = arith.constant 0 : i32
    %dma_wait3A_90 = arith.constant 0 : i32
    %dma_wait3A_91 = arith.constant 0 : i32
    %dma_wait3A_92 = tpu.memref_slice %arg8[%dma_wait3A, %dma_wait3A_90, %dma_wait3A_91] : memref<6x128x64xf32, #tpu.memory_space<vmem>> -> memref<1x128x64xf32, #tpu.memory_space<vmem>>
    %dma_wait3A_93 = tpu.memref_squeeze %dma_wait3A_92 : memref<1x128x64xf32, #tpu.memory_space<vmem>> -> memref<128x64xf32, #tpu.memory_space<vmem>>
    %dma_wait3A_94 = arith.constant 0 : i32
    %dma_wait3A_95 = tpu.memref_slice %arg7[%dma_wait3A_94] : memref<10000xi32, #tpu.memory_space<vmem>> -> memref<128xi32, #tpu.memory_space<vmem>>
    %dma_wait3A_96 = arith.constant 0 : i32
    %dma_wait3A_97 = arith.constant 0 : i32
    %dma_wait3A_98 = tpu.memref_slice %arg11[%dma_wait3A_96, %dma_wait3A_97] : memref<10000x64xf32, #tpu.memory_space<vmem_shared>> -> memref<10000x64xf32, #tpu.memory_space<vmem_shared>>
    %dma_wait3A_99 = tpu.memref_slice %arg10[%dma_wait3A_89] : memref<6x!tpu.dma_semaphore, #tpu.memory_space<semaphore_mem>> -> memref<1x!tpu.dma_semaphore, #tpu.memory_space<semaphore_mem>>
    %dma_wait3A_100 = tpu.memref_squeeze %dma_wait3A_99 : memref<1x!tpu.dma_semaphore, #tpu.memory_space<semaphore_mem>> -> memref<!tpu.dma_semaphore, #tpu.memory_space<semaphore_mem>>
    tpu.wait_indirect_dma semaphore(%dma_wait3A_100 : memref<!tpu.dma_semaphore, #tpu.memory_space<semaphore_mem>>) src(%dma_wait3A_93 : memref<128x64xf32, #tpu.memory_space<vmem>>) dst(%dma_wait3A_98 : memref<10000x64xf32, #tpu.memory_space<vmem_shared>>)
    %dma_wait3A_101 = arith.constant 1 : i32
    %dma_wait3A_102 = arith.constant 1 : i32
    %dma_wait3A_103 = arith.constant 0 : i32
    %dma_wait3A_104 = arith.constant 0 : i32
    %dma_wait3A_105 = tpu.memref_slice %arg8[%dma_wait3A_101, %dma_wait3A_103, %dma_wait3A_104] : memref<6x128x64xf32, #tpu.memory_space<vmem>> -> memref<1x128x64xf32, #tpu.memory_space<vmem>>
    %dma_wait3A_106 = tpu.memref_squeeze %dma_wait3A_105 : memref<1x128x64xf32, #tpu.memory_space<vmem>> -> memref<128x64xf32, #tpu.memory_space<vmem>>
    %dma_wait3A_107 = arith.constant 0 : i32
    %dma_wait3A_108 = tpu.memref_slice %arg7[%dma_wait3A_107] : memref<10000xi32, #tpu.memory_space<vmem>> -> memref<128xi32, #tpu.memory_space<vmem>>
    %dma_wait3A_109 = arith.constant 0 : i32
    %dma_wait3A_110 = arith.constant 0 : i32
    %dma_wait3A_111 = tpu.memref_slice %arg11[%dma_wait3A_109, %dma_wait3A_110] : memref<10000x64xf32, #tpu.memory_space<vmem_shared>> -> memref<10000x64xf32, #tpu.memory_space<vmem_shared>>
    %dma_wait3A_112 = tpu.memref_slice %arg10[%dma_wait3A_102] : memref<6x!tpu.dma_semaphore, #tpu.memory_space<semaphore_mem>> -> memref<1x!tpu.dma_semaphore, #tpu.memory_space<semaphore_mem>>
    %dma_wait3A_113 = tpu.memref_squeeze %dma_wait3A_112 : memref<1x!tpu.dma_semaphore, #tpu.memory_space<semaphore_mem>> -> memref<!tpu.dma_semaphore, #tpu.memory_space<semaphore_mem>>
    tpu.wait_indirect_dma semaphore(%dma_wait3A_113 : memref<!tpu.dma_semaphore, #tpu.memory_space<semaphore_mem>>) src(%dma_wait3A_106 : memref<128x64xf32, #tpu.memory_space<vmem>>) dst(%dma_wait3A_111 : memref<10000x64xf32, #tpu.memory_space<vmem_shared>>)
    %dma_wait3A_114 = arith.constant 2 : i32
    %dma_wait3A_115 = arith.constant 2 : i32
    %dma_wait3A_116 = arith.constant 0 : i32
    %dma_wait3A_117 = arith.constant 0 : i32
    %dma_wait3A_118 = tpu.memref_slice %arg8[%dma_wait3A_114, %dma_wait3A_116, %dma_wait3A_117] : memref<6x128x64xf32, #tpu.memory_space<vmem>> -> memref<1x128x64xf32, #tpu.memory_space<vmem>>
    %dma_wait3A_119 = tpu.memref_squeeze %dma_wait3A_118 : memref<1x128x64xf32, #tpu.memory_space<vmem>> -> memref<128x64xf32, #tpu.memory_space<vmem>>
    %dma_wait3A_120 = arith.constant 0 : i32
    %dma_wait3A_121 = tpu.memref_slice %arg7[%dma_wait3A_120] : memref<10000xi32, #tpu.memory_space<vmem>> -> memref<128xi32, #tpu.memory_space<vmem>>
    %dma_wait3A_122 = arith.constant 0 : i32
    %dma_wait3A_123 = arith.constant 0 : i32
    %dma_wait3A_124 = tpu.memref_slice %arg11[%dma_wait3A_122, %dma_wait3A_123] : memref<10000x64xf32, #tpu.memory_space<vmem_shared>> -> memref<10000x64xf32, #tpu.memory_space<vmem_shared>>
    %dma_wait3A_125 = tpu.memref_slice %arg10[%dma_wait3A_115] : memref<6x!tpu.dma_semaphore, #tpu.memory_space<semaphore_mem>> -> memref<1x!tpu.dma_semaphore, #tpu.memory_space<semaphore_mem>>
    %dma_wait3A_126 = tpu.memref_squeeze %dma_wait3A_125 : memref<1x!tpu.dma_semaphore, #tpu.memory_space<semaphore_mem>> -> memref<!tpu.dma_semaphore, #tpu.memory_space<semaphore_mem>>
    tpu.wait_indirect_dma semaphore(%dma_wait3A_126 : memref<!tpu.dma_semaphore, #tpu.memory_space<semaphore_mem>>) src(%dma_wait3A_119 : memref<128x64xf32, #tpu.memory_space<vmem>>) dst(%dma_wait3A_124 : memref<10000x64xf32, #tpu.memory_space<vmem_shared>>)
    %dma_wait3A_127 = arith.constant 3 : i32
    %dma_wait3A_128 = arith.constant 3 : i32
    %dma_wait3A_129 = arith.constant 0 : i32
    %dma_wait3A_130 = arith.constant 0 : i32
    %dma_wait3A_131 = tpu.memref_slice %arg8[%dma_wait3A_127, %dma_wait3A_129, %dma_wait3A_130] : memref<6x128x64xf32, #tpu.memory_space<vmem>> -> memref<1x128x64xf32, #tpu.memory_space<vmem>>
    %dma_wait3A_132 = tpu.memref_squeeze %dma_wait3A_131 : memref<1x128x64xf32, #tpu.memory_space<vmem>> -> memref<128x64xf32, #tpu.memory_space<vmem>>
    %dma_wait3A_133 = arith.constant 0 : i32
    %dma_wait3A_134 = tpu.memref_slice %arg7[%dma_wait3A_133] : memref<10000xi32, #tpu.memory_space<vmem>> -> memref<128xi32, #tpu.memory_space<vmem>>
    %dma_wait3A_135 = arith.constant 0 : i32
    %dma_wait3A_136 = arith.constant 0 : i32
    %dma_wait3A_137 = tpu.memref_slice %arg11[%dma_wait3A_135, %dma_wait3A_136] : memref<10000x64xf32, #tpu.memory_space<vmem_shared>> -> memref<10000x64xf32, #tpu.memory_space<vmem_shared>>
    %dma_wait3A_138 = tpu.memref_slice %arg10[%dma_wait3A_128] : memref<6x!tpu.dma_semaphore, #tpu.memory_space<semaphore_mem>> -> memref<1x!tpu.dma_semaphore, #tpu.memory_space<semaphore_mem>>
    %dma_wait3A_139 = tpu.memref_squeeze %dma_wait3A_138 : memref<1x!tpu.dma_semaphore, #tpu.memory_space<semaphore_mem>> -> memref<!tpu.dma_semaphore, #tpu.memory_space<semaphore_mem>>
    tpu.wait_indirect_dma semaphore(%dma_wait3A_139 : memref<!tpu.dma_semaphore, #tpu.memory_space<semaphore_mem>>) src(%dma_wait3A_132 : memref<128x64xf32, #tpu.memory_space<vmem>>) dst(%dma_wait3A_137 : memref<10000x64xf32, #tpu.memory_space<vmem_shared>>)
    %dma_wait3A_140 = arith.constant 4 : i32
    %dma_wait3A_141 = arith.constant 4 : i32
    %dma_wait3A_142 = arith.constant 0 : i32
    %dma_wait3A_143 = arith.constant 0 : i32
    %dma_wait3A_144 = tpu.memref_slice %arg8[%dma_wait3A_140, %dma_wait3A_142, %dma_wait3A_143] : memref<6x128x64xf32, #tpu.memory_space<vmem>> -> memref<1x128x64xf32, #tpu.memory_space<vmem>>
    %dma_wait3A_145 = tpu.memref_squeeze %dma_wait3A_144 : memref<1x128x64xf32, #tpu.memory_space<vmem>> -> memref<128x64xf32, #tpu.memory_space<vmem>>
    %dma_wait3A_146 = arith.constant 0 : i32
    %dma_wait3A_147 = tpu.memref_slice %arg7[%dma_wait3A_146] : memref<10000xi32, #tpu.memory_space<vmem>> -> memref<128xi32, #tpu.memory_space<vmem>>
    %dma_wait3A_148 = arith.constant 0 : i32
    %dma_wait3A_149 = arith.constant 0 : i32
    %dma_wait3A_150 = tpu.memref_slice %arg11[%dma_wait3A_148, %dma_wait3A_149] : memref<10000x64xf32, #tpu.memory_space<vmem_shared>> -> memref<10000x64xf32, #tpu.memory_space<vmem_shared>>
    %dma_wait3A_151 = tpu.memref_slice %arg10[%dma_wait3A_141] : memref<6x!tpu.dma_semaphore, #tpu.memory_space<semaphore_mem>> -> memref<1x!tpu.dma_semaphore, #tpu.memory_space<semaphore_mem>>
    %dma_wait3A_152 = tpu.memref_squeeze %dma_wait3A_151 : memref<1x!tpu.dma_semaphore, #tpu.memory_space<semaphore_mem>> -> memref<!tpu.dma_semaphore, #tpu.memory_space<semaphore_mem>>
    tpu.wait_indirect_dma semaphore(%dma_wait3A_152 : memref<!tpu.dma_semaphore, #tpu.memory_space<semaphore_mem>>) src(%dma_wait3A_145 : memref<128x64xf32, #tpu.memory_space<vmem>>) dst(%dma_wait3A_150 : memref<10000x64xf32, #tpu.memory_space<vmem_shared>>)
    %dma_wait3A_153 = arith.constant 5 : i32
    %dma_wait3A_154 = arith.constant 5 : i32
    %dma_wait3A_155 = arith.constant 0 : i32
    %dma_wait3A_156 = arith.constant 0 : i32
    %dma_wait3A_157 = tpu.memref_slice %arg8[%dma_wait3A_153, %dma_wait3A_155, %dma_wait3A_156] : memref<6x128x64xf32, #tpu.memory_space<vmem>> -> memref<1x128x64xf32, #tpu.memory_space<vmem>>
    %dma_wait3A_158 = tpu.memref_squeeze %dma_wait3A_157 : memref<1x128x64xf32, #tpu.memory_space<vmem>> -> memref<128x64xf32, #tpu.memory_space<vmem>>
    %dma_wait3A_159 = arith.constant 0 : i32
    %dma_wait3A_160 = tpu.memref_slice %arg7[%dma_wait3A_159] : memref<10000xi32, #tpu.memory_space<vmem>> -> memref<128xi32, #tpu.memory_space<vmem>>
    %dma_wait3A_161 = arith.constant 0 : i32
    %dma_wait3A_162 = arith.constant 0 : i32
    %dma_wait3A_163 = tpu.memref_slice %arg11[%dma_wait3A_161, %dma_wait3A_162] : memref<10000x64xf32, #tpu.memory_space<vmem_shared>> -> memref<10000x64xf32, #tpu.memory_space<vmem_shared>>
    %dma_wait3A_164 = tpu.memref_slice %arg10[%dma_wait3A_154] : memref<6x!tpu.dma_semaphore, #tpu.memory_space<semaphore_mem>> -> memref<1x!tpu.dma_semaphore, #tpu.memory_space<semaphore_mem>>
    %dma_wait3A_165 = tpu.memref_squeeze %dma_wait3A_164 : memref<1x!tpu.dma_semaphore, #tpu.memory_space<semaphore_mem>> -> memref<!tpu.dma_semaphore, #tpu.memory_space<semaphore_mem>>
    tpu.wait_indirect_dma semaphore(%dma_wait3A_165 : memref<!tpu.dma_semaphore, #tpu.memory_space<semaphore_mem>>) src(%dma_wait3A_158 : memref<128x64xf32, #tpu.memory_space<vmem>>) dst(%dma_wait3A_163 : memref<10000x64xf32, #tpu.memory_space<vmem_shared>>)
    %dma_start3A_166 = arith.constant 0 : i32
    %dma_start3A_167 = arith.constant 0 : i32
    %dma_start3A_168 = arith.constant 0 : i32
    %dma_start3A_169 = arith.constant 0 : i32
    %dma_start3A_170 = tpu.memref_slice %arg8[%dma_start3A_166, %dma_start3A_168, %dma_start3A_169] : memref<6x128x64xf32, #tpu.memory_space<vmem>> -> memref<1x16x64xf32, #tpu.memory_space<vmem>>
    %dma_start3A_171 = tpu.memref_squeeze %dma_start3A_170 : memref<1x16x64xf32, #tpu.memory_space<vmem>> -> memref<16x64xf32, #tpu.memory_space<vmem>>
    %dma_start3A_172 = arith.constant 9984 : i32
    %dma_start3A_173 = tpu.memref_slice %arg6[%dma_start3A_172] : memref<10000xi32, #tpu.memory_space<vmem>> -> memref<16xi32, #tpu.memory_space<vmem>>
    %dma_start3A_174 = arith.constant 0 : i32
    %dma_start3A_175 = arith.constant 0 : i32
    %dma_start3A_176 = tpu.memref_slice %arg2[%dma_start3A_174, %dma_start3A_175] : memref<10000x64xf32, #tpu.memory_space<hbm>> -> memref<10000x64xf32, #tpu.memory_space<hbm>>
    %dma_start3A_177 = tpu.memref_slice %arg9[%dma_start3A_167] : memref<6x!tpu.dma_semaphore, #tpu.memory_space<semaphore_mem>> -> memref<1x!tpu.dma_semaphore, #tpu.memory_space<semaphore_mem>>
    %dma_start3A_178 = tpu.memref_squeeze %dma_start3A_177 : memref<1x!tpu.dma_semaphore, #tpu.memory_space<semaphore_mem>> -> memref<!tpu.dma_semaphore, #tpu.memory_space<semaphore_mem>>
    tpu.enqueue_indirect_dma source(%dma_start3A_176 : memref<10000x64xf32, #tpu.memory_space<hbm>>) target(%dma_start3A_171 : memref<16x64xf32, #tpu.memory_space<vmem>>) offsets(%dma_start3A_173 : memref<16xi32, #tpu.memory_space<vmem>>) semaphore(%dma_start3A_178 : memref<!tpu.dma_semaphore, #tpu.memory_space<semaphore_mem>>)
    %dma_wait3A_179 = arith.constant 0 : i32
    %dma_wait3A_180 = arith.constant 0 : i32
    %dma_wait3A_181 = arith.constant 0 : i32
    %dma_wait3A_182 = arith.constant 0 : i32
    %dma_wait3A_183 = tpu.memref_slice %arg8[%dma_wait3A_179, %dma_wait3A_181, %dma_wait3A_182] : memref<6x128x64xf32, #tpu.memory_space<vmem>> -> memref<1x16x64xf32, #tpu.memory_space<vmem>>
    %dma_wait3A_184 = tpu.memref_squeeze %dma_wait3A_183 : memref<1x16x64xf32, #tpu.memory_space<vmem>> -> memref<16x64xf32, #tpu.memory_space<vmem>>
    %dma_wait3A_185 = arith.constant 0 : i32
    %dma_wait3A_186 = tpu.memref_slice %arg6[%dma_wait3A_185] : memref<10000xi32, #tpu.memory_space<vmem>> -> memref<16xi32, #tpu.memory_space<vmem>>
    %dma_wait3A_187 = arith.constant 0 : i32
    %dma_wait3A_188 = arith.constant 0 : i32
    %dma_wait3A_189 = tpu.memref_slice %arg2[%dma_wait3A_187, %dma_wait3A_188] : memref<10000x64xf32, #tpu.memory_space<hbm>> -> memref<10000x64xf32, #tpu.memory_space<hbm>>
    %dma_wait3A_190 = tpu.memref_slice %arg9[%dma_wait3A_180] : memref<6x!tpu.dma_semaphore, #tpu.memory_space<semaphore_mem>> -> memref<1x!tpu.dma_semaphore, #tpu.memory_space<semaphore_mem>>
    %dma_wait3A_191 = tpu.memref_squeeze %dma_wait3A_190 : memref<1x!tpu.dma_semaphore, #tpu.memory_space<semaphore_mem>> -> memref<!tpu.dma_semaphore, #tpu.memory_space<semaphore_mem>>
    tpu.wait_indirect_dma semaphore(%dma_wait3A_191 : memref<!tpu.dma_semaphore, #tpu.memory_space<semaphore_mem>>) src(%dma_wait3A_189 : memref<10000x64xf32, #tpu.memory_space<hbm>>) dst(%dma_wait3A_184 : memref<16x64xf32, #tpu.memory_space<vmem>>)
    %dma_start3A_192 = arith.constant 0 : i32
    %dma_start3A_193 = arith.constant 0 : i32
    %dma_start3A_194 = arith.constant 0 : i32
    %dma_start3A_195 = arith.constant 0 : i32
    %dma_start3A_196 = tpu.memref_slice %arg8[%dma_start3A_192, %dma_start3A_194, %dma_start3A_195] : memref<6x128x64xf32, #tpu.memory_space<vmem>> -> memref<1x16x64xf32, #tpu.memory_space<vmem>>
    %dma_start3A_197 = tpu.memref_squeeze %dma_start3A_196 : memref<1x16x64xf32, #tpu.memory_space<vmem>> -> memref<16x64xf32, #tpu.memory_space<vmem>>
    %dma_start3A_198 = arith.constant 9984 : i32
    %dma_start3A_199 = tpu.memref_slice %arg7[%dma_start3A_198] : memref<10000xi32, #tpu.memory_space<vmem>> -> memref<16xi32, #tpu.memory_space<vmem>>
    %dma_start3A_200 = arith.constant 0 : i32
    %dma_start3A_201 = arith.constant 0 : i32
    %dma_start3A_202 = tpu.memref_slice %arg11[%dma_start3A_200, %dma_start3A_201] : memref<10000x64xf32, #tpu.memory_space<vmem_shared>> -> memref<10000x64xf32, #tpu.memory_space<vmem_shared>>
    %dma_start3A_203 = tpu.memref_slice %arg10[%dma_start3A_193] : memref<6x!tpu.dma_semaphore, #tpu.memory_space<semaphore_mem>> -> memref<1x!tpu.dma_semaphore, #tpu.memory_space<semaphore_mem>>
    %dma_start3A_204 = tpu.memref_squeeze %dma_start3A_203 : memref<1x!tpu.dma_semaphore, #tpu.memory_space<semaphore_mem>> -> memref<!tpu.dma_semaphore, #tpu.memory_space<semaphore_mem>>
    tpu.enqueue_indirect_dma source(%dma_start3A_197 : memref<16x64xf32, #tpu.memory_space<vmem>>) target(%dma_start3A_202 : memref<10000x64xf32, #tpu.memory_space<vmem_shared>>) offsets(%dma_start3A_199 : memref<16xi32, #tpu.memory_space<vmem>>) semaphore(%dma_start3A_204 : memref<!tpu.dma_semaphore, #tpu.memory_space<semaphore_mem>>) {add = true}
    %dma_wait3A_205 = arith.constant 0 : i32
    %dma_wait3A_206 = arith.constant 0 : i32
    %dma_wait3A_207 = arith.constant 0 : i32
    %dma_wait3A_208 = arith.constant 0 : i32
    %dma_wait3A_209 = tpu.memref_slice %arg8[%dma_wait3A_205, %dma_wait3A_207, %dma_wait3A_208] : memref<6x128x64xf32, #tpu.memory_space<vmem>> -> memref<1x16x64xf32, #tpu.memory_space<vmem>>
    %dma_wait3A_210 = tpu.memref_squeeze %dma_wait3A_209 : memref<1x16x64xf32, #tpu.memory_space<vmem>> -> memref<16x64xf32, #tpu.memory_space<vmem>>
    %dma_wait3A_211 = arith.constant 0 : i32
    %dma_wait3A_212 = tpu.memref_slice %arg7[%dma_wait3A_211] : memref<10000xi32, #tpu.memory_space<vmem>> -> memref<16xi32, #tpu.memory_space<vmem>>
    %dma_wait3A_213 = arith.constant 0 : i32
    %dma_wait3A_214 = arith.constant 0 : i32
    %dma_wait3A_215 = tpu.memref_slice %arg11[%dma_wait3A_213, %dma_wait3A_214] : memref<10000x64xf32, #tpu.memory_space<vmem_shared>> -> memref<10000x64xf32, #tpu.memory_space<vmem_shared>>
    %dma_wait3A_216 = tpu.memref_slice %arg10[%dma_wait3A_206] : memref<6x!tpu.dma_semaphore, #tpu.memory_space<semaphore_mem>> -> memref<1x!tpu.dma_semaphore, #tpu.memory_space<semaphore_mem>>
    %dma_wait3A_217 = tpu.memref_squeeze %dma_wait3A_216 : memref<1x!tpu.dma_semaphore, #tpu.memory_space<semaphore_mem>> -> memref<!tpu.dma_semaphore, #tpu.memory_space<semaphore_mem>>
    tpu.wait_indirect_dma semaphore(%dma_wait3A_217 : memref<!tpu.dma_semaphore, #tpu.memory_space<semaphore_mem>>) src(%dma_wait3A_210 : memref<16x64xf32, #tpu.memory_space<vmem>>) dst(%dma_wait3A_215 : memref<10000x64xf32, #tpu.memory_space<vmem_shared>>)
    %barrier3A_218 = arith.constant 0 : index
    tpu.barrier barrier_id(%barrier3A_218)
    %lt3A_219 = arith.constant 10 : i32
    %lt3A_220 = arith.cmpi slt, %arg1, %lt3A_219 : i32
    %convert_element_type3A_221 = arith.extui %lt3A_220 : i1 to i32
    %cond3A_222 = arith.constant 0 : i32
    %cond3A_223 = arith.cmpi ne, %convert_element_type3A_221, %cond3A_222 : i32
    scf.if %cond3A_223 {
      %mul3A_224 = arith.constant 1000 : i32
      %mul3A_225 = arith.muli %arg1, %mul3A_224 : i32
      %mul3A_226 = arith.constant 1000 : i32
      %mul3A_227 = arith.muli %arg1, %mul3A_226 : i32
      "tpu.region"() ({
        %run_scoped3A_228 = tpu.sem_alloc : memref<!tpu.dma_semaphore, #tpu.memory_space<semaphore_mem>>
        %dma_start3A_229 = arith.constant 0 : i32
        %dma_start3A_230 = tpu.memref_slice %arg5[%arg0, %mul3A_227, %dma_start3A_229] : memref<2x10000x64xf32, #tpu.memory_space<hbm>> -> memref<1x1000x64xf32, #tpu.memory_space<hbm>>
        %dma_start3A_231 = tpu.memref_squeeze %dma_start3A_230 : memref<1x1000x64xf32, #tpu.memory_space<hbm>> -> memref<1000x64xf32, #tpu.memory_space<hbm>>
        %dma_start3A_232 = arith.constant 0 : i32
        %dma_start3A_233 = tpu.memref_slice %arg11[%mul3A_225, %dma_start3A_232] : memref<10000x64xf32, #tpu.memory_space<vmem_shared>> -> memref<1000x64xf32, #tpu.memory_space<vmem_shared>>
        tpu.enqueue_dma source(%dma_start3A_233 : memref<1000x64xf32, #tpu.memory_space<vmem_shared>>) target(%dma_start3A_231 : memref<1000x64xf32, #tpu.memory_space<hbm>>) target_semaphore(%run_scoped3A_228 : memref<!tpu.dma_semaphore, #tpu.memory_space<semaphore_mem>>)
        %dma_wait3A_234 = arith.constant 0 : i32
        %dma_wait3A_235 = tpu.memref_slice %arg5[%arg0, %mul3A_227, %dma_wait3A_234] : memref<2x10000x64xf32, #tpu.memory_space<hbm>> -> memref<1x1000x64xf32, #tpu.memory_space<hbm>>
        %dma_wait3A_236 = tpu.memref_squeeze %dma_wait3A_235 : memref<1x1000x64xf32, #tpu.memory_space<hbm>> -> memref<1000x64xf32, #tpu.memory_space<hbm>>
        %dma_wait3A_237 = arith.constant 0 : i32
        %dma_wait3A_238 = tpu.memref_slice %arg11[%mul3A_225, %dma_wait3A_237] : memref<10000x64xf32, #tpu.memory_space<vmem_shared>> -> memref<1000x64xf32, #tpu.memory_space<vmem_shared>>
        tpu.wait_dma2 semaphore(%run_scoped3A_228 : memref<!tpu.dma_semaphore, #tpu.memory_space<semaphore_mem>>) src(%dma_wait3A_238 : memref<1000x64xf32, #tpu.memory_space<vmem_shared>>) dst(%dma_wait3A_236 : memref<1000x64xf32, #tpu.memory_space<hbm>>)
        tpu.yield
      }) : () -> ()
    } else {
    }
    return
  }
}

#map = affine_map<(d0, d1) -> (0, 0)>
#map1 = affine_map<(d0, d1) -> (0, 0, 0)>
module attributes {stable_mosaic.version = 14 : i64} {
  func.func @_agg_body(%arg0: i32, %arg1: i32, %arg2: memref<10000x64xf32, #tpu.memory_space<hbm>>, %arg3: memref<2x320000xi32, #tpu.memory_space<hbm>>, %arg4: memref<10000x64xf32, #tpu.memory_space<hbm>>, %arg5: memref<2x10000x64xf32, #tpu.memory_space<hbm>>, %arg6: memref<10000xi32, #tpu.memory_space<vmem>>, %arg7: memref<10000xi32, #tpu.memory_space<vmem>>, %arg8: memref<6x128x64xf32, #tpu.memory_space<vmem>>, %arg9: memref<6x!tpu.dma_semaphore, #tpu.memory_space<semaphore_mem>>, %arg10: memref<6x!tpu.dma_semaphore, #tpu.memory_space<semaphore_mem>>, %arg11: memref<10000x64xf32, #tpu.memory_space<vmem_shared>>) attributes {dimension_semantics = [#tpu.dimension_semantics<core_parallel>, #tpu.dimension_semantics<subcore_parallel>], iteration_bounds = array<i64: 2, 16>, scalar_prefetch = 0 : i64, scratch_operands = 6 : i64, tpu.core_type = #tpu.core_type<sc_vector_subcore>, window_params = [{transform_indices = #map}, {transform_indices = #map}, {transform_indices = #map}, {transform_indices = #map1}]} {
    %mul3A = arith.constant 16 : i32
    %mul3A_0 = arith.muli %arg0, %mul3A : i32
    %add3A = arith.addi %mul3A_0, %arg1 : i32
    %lt3A = arith.constant 10 : i32
    %lt3A_1 = arith.cmpi slt, %arg1, %lt3A : i32
    %convert_element_type3A = arith.extui %lt3A_1 : i1 to i32
    %cond3A = arith.constant 0 : i32
    %cond3A_2 = arith.cmpi ne, %convert_element_type3A, %cond3A : i32
    scf.if %cond3A_2 {
      %mul3A_224 = arith.constant 1000 : i32
      %mul3A_225 = arith.muli %arg1, %mul3A_224 : i32
      %mul3A_226 = arith.constant 1000 : i32
      %mul3A_227 = arith.muli %arg1, %mul3A_226 : i32
      "tpu.region"() ({
        %run_scoped3A_228 = tpu.sem_alloc : memref<!tpu.dma_semaphore, #tpu.memory_space<semaphore_mem>>
        %dma_start3A_229 = arith.constant 0 : i32
        %dma_start3A_230 = tpu.memref_slice %arg11[%mul3A_227, %dma_start3A_229] : memref<10000x64xf32, #tpu.memory_space<vmem_shared>> -> memref<1000x64xf32, #tpu.memory_space<vmem_shared>>
        %dma_start3A_231 = arith.constant 0 : i32
        %dma_start3A_232 = tpu.memref_slice %arg4[%mul3A_225, %dma_start3A_231] : memref<10000x64xf32, #tpu.memory_space<hbm>> -> memref<1000x64xf32, #tpu.memory_space<hbm>>
        tpu.enqueue_dma source(%dma_start3A_232 : memref<1000x64xf32, #tpu.memory_space<hbm>>) target(%dma_start3A_230 : memref<1000x64xf32, #tpu.memory_space<vmem_shared>>) target_semaphore(%run_scoped3A_228 : memref<!tpu.dma_semaphore, #tpu.memory_space<semaphore_mem>>)
        %dma_wait3A_233 = arith.constant 0 : i32
        %dma_wait3A_234 = tpu.memref_slice %arg11[%mul3A_227, %dma_wait3A_233] : memref<10000x64xf32, #tpu.memory_space<vmem_shared>> -> memref<1000x64xf32, #tpu.memory_space<vmem_shared>>
        %dma_wait3A_235 = arith.constant 0 : i32
        %dma_wait3A_236 = tpu.memref_slice %arg4[%mul3A_225, %dma_wait3A_235] : memref<10000x64xf32, #tpu.memory_space<hbm>> -> memref<1000x64xf32, #tpu.memory_space<hbm>>
        tpu.wait_dma2 semaphore(%run_scoped3A_228 : memref<!tpu.dma_semaphore, #tpu.memory_space<semaphore_mem>>) src(%dma_wait3A_236 : memref<1000x64xf32, #tpu.memory_space<hbm>>) dst(%dma_wait3A_234 : memref<1000x64xf32, #tpu.memory_space<vmem_shared>>)
        tpu.yield
      }) : () -> ()
    } else {
    }
    %mul3A_3 = arith.constant 10000 : i32
    %mul3A_4 = arith.muli %add3A, %mul3A_3 : i32
    %run_scoped3A = arith.constant 0 : i32
    "tpu.region"() ({
      %run_scoped3A_224 = tpu.sem_alloc : memref<!tpu.dma_semaphore, #tpu.memory_space<semaphore_mem>>
      %dma_start3A_225 = tpu.memref_slice %arg3[%run_scoped3A, %mul3A_4] : memref<2x320000xi32, #tpu.memory_space<hbm>> -> memref<1x10000xi32, #tpu.memory_space<hbm>>
      %dma_start3A_226 = tpu.memref_squeeze %dma_start3A_225 : memref<1x10000xi32, #tpu.memory_space<hbm>> -> memref<10000xi32, #tpu.memory_space<hbm>>
      %dma_start3A_227 = tpu.memref_slice %arg3[%run_scoped3A, %mul3A_4] : memref<2x320000xi32, #tpu.memory_space<hbm>> -> memref<1x10000xi32, #tpu.memory_space<hbm>>
      %dma_start3A_228 = tpu.memref_squeeze %dma_start3A_227 : memref<1x10000xi32, #tpu.memory_space<hbm>> -> memref<10000xi32, #tpu.memory_space<hbm>>
      tpu.enqueue_dma source(%dma_start3A_228 : memref<10000xi32, #tpu.memory_space<hbm>>) target(%arg6 : memref<10000xi32, #tpu.memory_space<vmem>>) target_semaphore(%run_scoped3A_224 : memref<!tpu.dma_semaphore, #tpu.memory_space<semaphore_mem>>)
      %dma_wait3A_229 = tpu.memref_slice %arg3[%run_scoped3A, %mul3A_4] : memref<2x320000xi32, #tpu.memory_space<hbm>> -> memref<1x10000xi32, #tpu.memory_space<hbm>>
      %dma_wait3A_230 = tpu.memref_squeeze %dma_wait3A_229 : memref<1x10000xi32, #tpu.memory_space<hbm>> -> memref<10000xi32, #tpu.memory_space<hbm>>
      %dma_wait3A_231 = tpu.memref_slice %arg3[%run_scoped3A, %mul3A_4] : memref<2x320000xi32, #tpu.memory_space<hbm>> -> memref<1x10000xi32, #tpu.memory_space<hbm>>
      %dma_wait3A_232 = tpu.memref_squeeze %dma_wait3A_231 : memref<1x10000xi32, #tpu.memory_space<hbm>> -> memref<10000xi32, #tpu.memory_space<hbm>>
      tpu.wait_dma2 semaphore(%run_scoped3A_224 : memref<!tpu.dma_semaphore, #tpu.memory_space<semaphore_mem>>) src(%dma_wait3A_232 : memref<10000xi32, #tpu.memory_space<hbm>>) dst(%arg6 : memref<10000xi32, #tpu.memory_space<vmem>>)
      tpu.yield
    }) : () -> ()
    %mul3A_5 = arith.constant 10000 : i32
    %mul3A_6 = arith.muli %add3A, %mul3A_5 : i32
    %run_scoped3A_7 = arith.constant 1 : i32
    "tpu.region"() ({
      %run_scoped3A_224 = tpu.sem_alloc : memref<!tpu.dma_semaphore, #tpu.memory_space<semaphore_mem>>
      %dma_start3A_225 = tpu.memref_slice %arg3[%run_scoped3A_7, %mul3A_6] : memref<2x320000xi32, #tpu.memory_space<hbm>> -> memref<1x10000xi32, #tpu.memory_space<hbm>>
      %dma_start3A_226 = tpu.memref_squeeze %dma_start3A_225 : memref<1x10000xi32, #tpu.memory_space<hbm>> -> memref<10000xi32, #tpu.memory_space<hbm>>
      %dma_start3A_227 = tpu.memref_slice %arg3[%run_scoped3A_7, %mul3A_6] : memref<2x320000xi32, #tpu.memory_space<hbm>> -> memref<1x10000xi32, #tpu.memory_space<hbm>>
      %dma_start3A_228 = tpu.memref_squeeze %dma_start3A_227 : memref<1x10000xi32, #tpu.memory_space<hbm>> -> memref<10000xi32, #tpu.memory_space<hbm>>
      tpu.enqueue_dma source(%dma_start3A_228 : memref<10000xi32, #tpu.memory_space<hbm>>) target(%arg7 : memref<10000xi32, #tpu.memory_space<vmem>>) target_semaphore(%run_scoped3A_224 : memref<!tpu.dma_semaphore, #tpu.memory_space<semaphore_mem>>)
      %dma_wait3A_229 = tpu.memref_slice %arg3[%run_scoped3A_7, %mul3A_6] : memref<2x320000xi32, #tpu.memory_space<hbm>> -> memref<1x10000xi32, #tpu.memory_space<hbm>>
      %dma_wait3A_230 = tpu.memref_squeeze %dma_wait3A_229 : memref<1x10000xi32, #tpu.memory_space<hbm>> -> memref<10000xi32, #tpu.memory_space<hbm>>
      %dma_wait3A_231 = tpu.memref_slice %arg3[%run_scoped3A_7, %mul3A_6] : memref<2x320000xi32, #tpu.memory_space<hbm>> -> memref<1x10000xi32, #tpu.memory_space<hbm>>
      %dma_wait3A_232 = tpu.memref_squeeze %dma_wait3A_231 : memref<1x10000xi32, #tpu.memory_space<hbm>> -> memref<10000xi32, #tpu.memory_space<hbm>>
      tpu.wait_dma2 semaphore(%run_scoped3A_224 : memref<!tpu.dma_semaphore, #tpu.memory_space<semaphore_mem>>) src(%dma_wait3A_232 : memref<10000xi32, #tpu.memory_space<hbm>>) dst(%arg7 : memref<10000xi32, #tpu.memory_space<vmem>>)
      tpu.yield
    }) : () -> ()
    %barrier3A = arith.constant 0 : index
    tpu.barrier barrier_id(%barrier3A)
    %dma_start3A = arith.constant 0 : i32
    %dma_start3A_8 = arith.constant 0 : i32
    %dma_start3A_9 = arith.constant 0 : i32
    %dma_start3A_10 = arith.constant 0 : i32
    %dma_start3A_11 = tpu.memref_slice %arg8[%dma_start3A, %dma_start3A_9, %dma_start3A_10] : memref<6x128x64xf32, #tpu.memory_space<vmem>> -> memref<1x128x64xf32, #tpu.memory_space<vmem>>
    %dma_start3A_12 = tpu.memref_squeeze %dma_start3A_11 : memref<1x128x64xf32, #tpu.memory_space<vmem>> -> memref<128x64xf32, #tpu.memory_space<vmem>>
    %dma_start3A_13 = arith.constant 0 : i32
    %dma_start3A_14 = tpu.memref_slice %arg6[%dma_start3A_13] : memref<10000xi32, #tpu.memory_space<vmem>> -> memref<128xi32, #tpu.memory_space<vmem>>
    %dma_start3A_15 = arith.constant 0 : i32
    %dma_start3A_16 = arith.constant 0 : i32
    %dma_start3A_17 = tpu.memref_slice %arg2[%dma_start3A_15, %dma_start3A_16] : memref<10000x64xf32, #tpu.memory_space<hbm>> -> memref<10000x64xf32, #tpu.memory_space<hbm>>
    %dma_start3A_18 = tpu.memref_slice %arg9[%dma_start3A_8] : memref<6x!tpu.dma_semaphore, #tpu.memory_space<semaphore_mem>> -> memref<1x!tpu.dma_semaphore, #tpu.memory_space<semaphore_mem>>
    %dma_start3A_19 = tpu.memref_squeeze %dma_start3A_18 : memref<1x!tpu.dma_semaphore, #tpu.memory_space<semaphore_mem>> -> memref<!tpu.dma_semaphore, #tpu.memory_space<semaphore_mem>>
    tpu.enqueue_indirect_dma source(%dma_start3A_17 : memref<10000x64xf32, #tpu.memory_space<hbm>>) target(%dma_start3A_12 : memref<128x64xf32, #tpu.memory_space<vmem>>) offsets(%dma_start3A_14 : memref<128xi32, #tpu.memory_space<vmem>>) semaphore(%dma_start3A_19 : memref<!tpu.dma_semaphore, #tpu.memory_space<semaphore_mem>>)
    %dma_start3A_20 = arith.constant 1 : i32
    %dma_start3A_21 = arith.constant 1 : i32
    %dma_start3A_22 = arith.constant 0 : i32
    %dma_start3A_23 = arith.constant 0 : i32
    %dma_start3A_24 = tpu.memref_slice %arg8[%dma_start3A_20, %dma_start3A_22, %dma_start3A_23] : memref<6x128x64xf32, #tpu.memory_space<vmem>> -> memref<1x128x64xf32, #tpu.memory_space<vmem>>
    %dma_start3A_25 = tpu.memref_squeeze %dma_start3A_24 : memref<1x128x64xf32, #tpu.memory_space<vmem>> -> memref<128x64xf32, #tpu.memory_space<vmem>>
    %dma_start3A_26 = arith.constant 128 : i32
    %dma_start3A_27 = tpu.memref_slice %arg6[%dma_start3A_26] : memref<10000xi32, #tpu.memory_space<vmem>> -> memref<128xi32, #tpu.memory_space<vmem>>
    %dma_start3A_28 = arith.constant 0 : i32
    %dma_start3A_29 = arith.constant 0 : i32
    %dma_start3A_30 = tpu.memref_slice %arg2[%dma_start3A_28, %dma_start3A_29] : memref<10000x64xf32, #tpu.memory_space<hbm>> -> memref<10000x64xf32, #tpu.memory_space<hbm>>
    %dma_start3A_31 = tpu.memref_slice %arg9[%dma_start3A_21] : memref<6x!tpu.dma_semaphore, #tpu.memory_space<semaphore_mem>> -> memref<1x!tpu.dma_semaphore, #tpu.memory_space<semaphore_mem>>
    %dma_start3A_32 = tpu.memref_squeeze %dma_start3A_31 : memref<1x!tpu.dma_semaphore, #tpu.memory_space<semaphore_mem>> -> memref<!tpu.dma_semaphore, #tpu.memory_space<semaphore_mem>>
    tpu.enqueue_indirect_dma source(%dma_start3A_30 : memref<10000x64xf32, #tpu.memory_space<hbm>>) target(%dma_start3A_25 : memref<128x64xf32, #tpu.memory_space<vmem>>) offsets(%dma_start3A_27 : memref<128xi32, #tpu.memory_space<vmem>>) semaphore(%dma_start3A_32 : memref<!tpu.dma_semaphore, #tpu.memory_space<semaphore_mem>>)
    %dma_start3A_33 = arith.constant 2 : i32
    %dma_start3A_34 = arith.constant 2 : i32
    %dma_start3A_35 = arith.constant 0 : i32
    %dma_start3A_36 = arith.constant 0 : i32
    %dma_start3A_37 = tpu.memref_slice %arg8[%dma_start3A_33, %dma_start3A_35, %dma_start3A_36] : memref<6x128x64xf32, #tpu.memory_space<vmem>> -> memref<1x128x64xf32, #tpu.memory_space<vmem>>
    %dma_start3A_38 = tpu.memref_squeeze %dma_start3A_37 : memref<1x128x64xf32, #tpu.memory_space<vmem>> -> memref<128x64xf32, #tpu.memory_space<vmem>>
    %dma_start3A_39 = arith.constant 256 : i32
    %dma_start3A_40 = tpu.memref_slice %arg6[%dma_start3A_39] : memref<10000xi32, #tpu.memory_space<vmem>> -> memref<128xi32, #tpu.memory_space<vmem>>
    %dma_start3A_41 = arith.constant 0 : i32
    %dma_start3A_42 = arith.constant 0 : i32
    %dma_start3A_43 = tpu.memref_slice %arg2[%dma_start3A_41, %dma_start3A_42] : memref<10000x64xf32, #tpu.memory_space<hbm>> -> memref<10000x64xf32, #tpu.memory_space<hbm>>
    %dma_start3A_44 = tpu.memref_slice %arg9[%dma_start3A_34] : memref<6x!tpu.dma_semaphore, #tpu.memory_space<semaphore_mem>> -> memref<1x!tpu.dma_semaphore, #tpu.memory_space<semaphore_mem>>
    %dma_start3A_45 = tpu.memref_squeeze %dma_start3A_44 : memref<1x!tpu.dma_semaphore, #tpu.memory_space<semaphore_mem>> -> memref<!tpu.dma_semaphore, #tpu.memory_space<semaphore_mem>>
    tpu.enqueue_indirect_dma source(%dma_start3A_43 : memref<10000x64xf32, #tpu.memory_space<hbm>>) target(%dma_start3A_38 : memref<128x64xf32, #tpu.memory_space<vmem>>) offsets(%dma_start3A_40 : memref<128xi32, #tpu.memory_space<vmem>>) semaphore(%dma_start3A_45 : memref<!tpu.dma_semaphore, #tpu.memory_space<semaphore_mem>>)
    %dma_start3A_46 = arith.constant 3 : i32
    %dma_start3A_47 = arith.constant 3 : i32
    %dma_start3A_48 = arith.constant 0 : i32
    %dma_start3A_49 = arith.constant 0 : i32
    %dma_start3A_50 = tpu.memref_slice %arg8[%dma_start3A_46, %dma_start3A_48, %dma_start3A_49] : memref<6x128x64xf32, #tpu.memory_space<vmem>> -> memref<1x128x64xf32, #tpu.memory_space<vmem>>
    %dma_start3A_51 = tpu.memref_squeeze %dma_start3A_50 : memref<1x128x64xf32, #tpu.memory_space<vmem>> -> memref<128x64xf32, #tpu.memory_space<vmem>>
    %dma_start3A_52 = arith.constant 384 : i32
    %dma_start3A_53 = tpu.memref_slice %arg6[%dma_start3A_52] : memref<10000xi32, #tpu.memory_space<vmem>> -> memref<128xi32, #tpu.memory_space<vmem>>
    %dma_start3A_54 = arith.constant 0 : i32
    %dma_start3A_55 = arith.constant 0 : i32
    %dma_start3A_56 = tpu.memref_slice %arg2[%dma_start3A_54, %dma_start3A_55] : memref<10000x64xf32, #tpu.memory_space<hbm>> -> memref<10000x64xf32, #tpu.memory_space<hbm>>
    %dma_start3A_57 = tpu.memref_slice %arg9[%dma_start3A_47] : memref<6x!tpu.dma_semaphore, #tpu.memory_space<semaphore_mem>> -> memref<1x!tpu.dma_semaphore, #tpu.memory_space<semaphore_mem>>
    %dma_start3A_58 = tpu.memref_squeeze %dma_start3A_57 : memref<1x!tpu.dma_semaphore, #tpu.memory_space<semaphore_mem>> -> memref<!tpu.dma_semaphore, #tpu.memory_space<semaphore_mem>>
    tpu.enqueue_indirect_dma source(%dma_start3A_56 : memref<10000x64xf32, #tpu.memory_space<hbm>>) target(%dma_start3A_51 : memref<128x64xf32, #tpu.memory_space<vmem>>) offsets(%dma_start3A_53 : memref<128xi32, #tpu.memory_space<vmem>>) semaphore(%dma_start3A_58 : memref<!tpu.dma_semaphore, #tpu.memory_space<semaphore_mem>>)
    %dma_start3A_59 = arith.constant 4 : i32
    %dma_start3A_60 = arith.constant 4 : i32
    %dma_start3A_61 = arith.constant 0 : i32
    %dma_start3A_62 = arith.constant 0 : i32
    %dma_start3A_63 = tpu.memref_slice %arg8[%dma_start3A_59, %dma_start3A_61, %dma_start3A_62] : memref<6x128x64xf32, #tpu.memory_space<vmem>> -> memref<1x128x64xf32, #tpu.memory_space<vmem>>
    %dma_start3A_64 = tpu.memref_squeeze %dma_start3A_63 : memref<1x128x64xf32, #tpu.memory_space<vmem>> -> memref<128x64xf32, #tpu.memory_space<vmem>>
    %dma_start3A_65 = arith.constant 512 : i32
    %dma_start3A_66 = tpu.memref_slice %arg6[%dma_start3A_65] : memref<10000xi32, #tpu.memory_space<vmem>> -> memref<128xi32, #tpu.memory_space<vmem>>
    %dma_start3A_67 = arith.constant 0 : i32
    %dma_start3A_68 = arith.constant 0 : i32
    %dma_start3A_69 = tpu.memref_slice %arg2[%dma_start3A_67, %dma_start3A_68] : memref<10000x64xf32, #tpu.memory_space<hbm>> -> memref<10000x64xf32, #tpu.memory_space<hbm>>
    %dma_start3A_70 = tpu.memref_slice %arg9[%dma_start3A_60] : memref<6x!tpu.dma_semaphore, #tpu.memory_space<semaphore_mem>> -> memref<1x!tpu.dma_semaphore, #tpu.memory_space<semaphore_mem>>
    %dma_start3A_71 = tpu.memref_squeeze %dma_start3A_70 : memref<1x!tpu.dma_semaphore, #tpu.memory_space<semaphore_mem>> -> memref<!tpu.dma_semaphore, #tpu.memory_space<semaphore_mem>>
    tpu.enqueue_indirect_dma source(%dma_start3A_69 : memref<10000x64xf32, #tpu.memory_space<hbm>>) target(%dma_start3A_64 : memref<128x64xf32, #tpu.memory_space<vmem>>) offsets(%dma_start3A_66 : memref<128xi32, #tpu.memory_space<vmem>>) semaphore(%dma_start3A_71 : memref<!tpu.dma_semaphore, #tpu.memory_space<semaphore_mem>>)
    %dma_start3A_72 = arith.constant 5 : i32
    %dma_start3A_73 = arith.constant 5 : i32
    %dma_start3A_74 = arith.constant 0 : i32
    %dma_start3A_75 = arith.constant 0 : i32
    %dma_start3A_76 = tpu.memref_slice %arg8[%dma_start3A_72, %dma_start3A_74, %dma_start3A_75] : memref<6x128x64xf32, #tpu.memory_space<vmem>> -> memref<1x128x64xf32, #tpu.memory_space<vmem>>
    %dma_start3A_77 = tpu.memref_squeeze %dma_start3A_76 : memref<1x128x64xf32, #tpu.memory_space<vmem>> -> memref<128x64xf32, #tpu.memory_space<vmem>>
    %dma_start3A_78 = arith.constant 640 : i32
    %dma_start3A_79 = tpu.memref_slice %arg6[%dma_start3A_78] : memref<10000xi32, #tpu.memory_space<vmem>> -> memref<128xi32, #tpu.memory_space<vmem>>
    %dma_start3A_80 = arith.constant 0 : i32
    %dma_start3A_81 = arith.constant 0 : i32
    %dma_start3A_82 = tpu.memref_slice %arg2[%dma_start3A_80, %dma_start3A_81] : memref<10000x64xf32, #tpu.memory_space<hbm>> -> memref<10000x64xf32, #tpu.memory_space<hbm>>
    %dma_start3A_83 = tpu.memref_slice %arg9[%dma_start3A_73] : memref<6x!tpu.dma_semaphore, #tpu.memory_space<semaphore_mem>> -> memref<1x!tpu.dma_semaphore, #tpu.memory_space<semaphore_mem>>
    %dma_start3A_84 = tpu.memref_squeeze %dma_start3A_83 : memref<1x!tpu.dma_semaphore, #tpu.memory_space<semaphore_mem>> -> memref<!tpu.dma_semaphore, #tpu.memory_space<semaphore_mem>>
    tpu.enqueue_indirect_dma source(%dma_start3A_82 : memref<10000x64xf32, #tpu.memory_space<hbm>>) target(%dma_start3A_77 : memref<128x64xf32, #tpu.memory_space<vmem>>) offsets(%dma_start3A_79 : memref<128xi32, #tpu.memory_space<vmem>>) semaphore(%dma_start3A_84 : memref<!tpu.dma_semaphore, #tpu.memory_space<semaphore_mem>>)
    %scan3A = arith.constant 0 : i32
    %scan3A_85 = arith.constant 13 : i32
    %scan3A_86 = arith.addi %scan3A, %scan3A_85 : i32
    %scan3A_87 = arith.constant 1 : i32
    scf.for %scan3A_224 = %scan3A to %scan3A_86 step %scan3A_87  : i32 {
      %mul3A_225 = arith.constant 1 : i32
      %mul3A_226 = arith.muli %scan3A_224, %mul3A_225 : i32
      %add3A_227 = arith.constant 0 : i32
      %add3A_228 = arith.addi %add3A_227, %mul3A_226 : i32
      %mul3A_229 = arith.constant 6 : i32
      %mul3A_230 = arith.muli %add3A_228, %mul3A_229 : i32
      %dma_wait3A_231 = arith.constant 0 : i32
      %dma_wait3A_232 = arith.constant 0 : i32
      %dma_wait3A_233 = arith.constant 0 : i32
      %dma_wait3A_234 = arith.constant 0 : i32
      %dma_wait3A_235 = tpu.memref_slice %arg8[%dma_wait3A_231, %dma_wait3A_233, %dma_wait3A_234] : memref<6x128x64xf32, #tpu.memory_space<vmem>> -> memref<1x128x64xf32, #tpu.memory_space<vmem>>
      %dma_wait3A_236 = tpu.memref_squeeze %dma_wait3A_235 : memref<1x128x64xf32, #tpu.memory_space<vmem>> -> memref<128x64xf32, #tpu.memory_space<vmem>>
      %dma_wait3A_237 = arith.constant 0 : i32
      %dma_wait3A_238 = tpu.memref_slice %arg6[%dma_wait3A_237] : memref<10000xi32, #tpu.memory_space<vmem>> -> memref<128xi32, #tpu.memory_space<vmem>>
      %dma_wait3A_239 = arith.constant 0 : i32
      %dma_wait3A_240 = arith.constant 0 : i32
      %dma_wait3A_241 = tpu.memref_slice %arg2[%dma_wait3A_239, %dma_wait3A_240] : memref<10000x64xf32, #tpu.memory_space<hbm>> -> memref<10000x64xf32, #tpu.memory_space<hbm>>
      %dma_wait3A_242 = tpu.memref_slice %arg9[%dma_wait3A_232] : memref<6x!tpu.dma_semaphore, #tpu.memory_space<semaphore_mem>> -> memref<1x!tpu.dma_semaphore, #tpu.memory_space<semaphore_mem>>
      %dma_wait3A_243 = tpu.memref_squeeze %dma_wait3A_242 : memref<1x!tpu.dma_semaphore, #tpu.memory_space<semaphore_mem>> -> memref<!tpu.dma_semaphore, #tpu.memory_space<semaphore_mem>>
      tpu.wait_indirect_dma semaphore(%dma_wait3A_243 : memref<!tpu.dma_semaphore, #tpu.memory_space<semaphore_mem>>) src(%dma_wait3A_241 : memref<10000x64xf32, #tpu.memory_space<hbm>>) dst(%dma_wait3A_236 : memref<128x64xf32, #tpu.memory_space<vmem>>)
      %add3A_244 = arith.constant 0 : i32
      %add3A_245 = arith.addi %mul3A_230, %add3A_244 : i32
      %mul3A_246 = arith.constant 128 : i32
      %mul3A_247 = arith.muli %add3A_245, %mul3A_246 : i32
      %dma_start3A_248 = arith.constant 0 : i32
      %dma_start3A_249 = arith.constant 0 : i32
      %dma_start3A_250 = arith.constant 0 : i32
      %dma_start3A_251 = arith.constant 0 : i32
      %dma_start3A_252 = tpu.memref_slice %arg8[%dma_start3A_248, %dma_start3A_250, %dma_start3A_251] : memref<6x128x64xf32, #tpu.memory_space<vmem>> -> memref<1x128x64xf32, #tpu.memory_space<vmem>>
      %dma_start3A_253 = tpu.memref_squeeze %dma_start3A_252 : memref<1x128x64xf32, #tpu.memory_space<vmem>> -> memref<128x64xf32, #tpu.memory_space<vmem>>
      %dma_start3A_254 = tpu.memref_slice %arg7[%mul3A_247] : memref<10000xi32, #tpu.memory_space<vmem>> -> memref<128xi32, #tpu.memory_space<vmem>>
      %dma_start3A_255 = arith.constant 0 : i32
      %dma_start3A_256 = arith.constant 0 : i32
      %dma_start3A_257 = tpu.memref_slice %arg11[%dma_start3A_255, %dma_start3A_256] : memref<10000x64xf32, #tpu.memory_space<vmem_shared>> -> memref<10000x64xf32, #tpu.memory_space<vmem_shared>>
      %dma_start3A_258 = tpu.memref_slice %arg10[%dma_start3A_249] : memref<6x!tpu.dma_semaphore, #tpu.memory_space<semaphore_mem>> -> memref<1x!tpu.dma_semaphore, #tpu.memory_space<semaphore_mem>>
      %dma_start3A_259 = tpu.memref_squeeze %dma_start3A_258 : memref<1x!tpu.dma_semaphore, #tpu.memory_space<semaphore_mem>> -> memref<!tpu.dma_semaphore, #tpu.memory_space<semaphore_mem>>
      tpu.enqueue_indirect_dma source(%dma_start3A_253 : memref<128x64xf32, #tpu.memory_space<vmem>>) target(%dma_start3A_257 : memref<10000x64xf32, #tpu.memory_space<vmem_shared>>) offsets(%dma_start3A_254 : memref<128xi32, #tpu.memory_space<vmem>>) semaphore(%dma_start3A_259 : memref<!tpu.dma_semaphore, #tpu.memory_space<semaphore_mem>>) {add = true}
      %dma_wait3A_260 = arith.constant 1 : i32
      %dma_wait3A_261 = arith.constant 1 : i32
      %dma_wait3A_262 = arith.constant 0 : i32
      %dma_wait3A_263 = arith.constant 0 : i32
      %dma_wait3A_264 = tpu.memref_slice %arg8[%dma_wait3A_260, %dma_wait3A_262, %dma_wait3A_263] : memref<6x128x64xf32, #tpu.memory_space<vmem>> -> memref<1x128x64xf32, #tpu.memory_space<vmem>>
      %dma_wait3A_265 = tpu.memref_squeeze %dma_wait3A_264 : memref<1x128x64xf32, #tpu.memory_space<vmem>> -> memref<128x64xf32, #tpu.memory_space<vmem>>
      %dma_wait3A_266 = arith.constant 0 : i32
      %dma_wait3A_267 = tpu.memref_slice %arg6[%dma_wait3A_266] : memref<10000xi32, #tpu.memory_space<vmem>> -> memref<128xi32, #tpu.memory_space<vmem>>
      %dma_wait3A_268 = arith.constant 0 : i32
      %dma_wait3A_269 = arith.constant 0 : i32
      %dma_wait3A_270 = tpu.memref_slice %arg2[%dma_wait3A_268, %dma_wait3A_269] : memref<10000x64xf32, #tpu.memory_space<hbm>> -> memref<10000x64xf32, #tpu.memory_space<hbm>>
      %dma_wait3A_271 = tpu.memref_slice %arg9[%dma_wait3A_261] : memref<6x!tpu.dma_semaphore, #tpu.memory_space<semaphore_mem>> -> memref<1x!tpu.dma_semaphore, #tpu.memory_space<semaphore_mem>>
      %dma_wait3A_272 = tpu.memref_squeeze %dma_wait3A_271 : memref<1x!tpu.dma_semaphore, #tpu.memory_space<semaphore_mem>> -> memref<!tpu.dma_semaphore, #tpu.memory_space<semaphore_mem>>
      tpu.wait_indirect_dma semaphore(%dma_wait3A_272 : memref<!tpu.dma_semaphore, #tpu.memory_space<semaphore_mem>>) src(%dma_wait3A_270 : memref<10000x64xf32, #tpu.memory_space<hbm>>) dst(%dma_wait3A_265 : memref<128x64xf32, #tpu.memory_space<vmem>>)
      %add3A_273 = arith.constant 1 : i32
      %add3A_274 = arith.addi %mul3A_230, %add3A_273 : i32
      %mul3A_275 = arith.constant 128 : i32
      %mul3A_276 = arith.muli %add3A_274, %mul3A_275 : i32
      %dma_start3A_277 = arith.constant 1 : i32
      %dma_start3A_278 = arith.constant 1 : i32
      %dma_start3A_279 = arith.constant 0 : i32
      %dma_start3A_280 = arith.constant 0 : i32
      %dma_start3A_281 = tpu.memref_slice %arg8[%dma_start3A_277, %dma_start3A_279, %dma_start3A_280] : memref<6x128x64xf32, #tpu.memory_space<vmem>> -> memref<1x128x64xf32, #tpu.memory_space<vmem>>
      %dma_start3A_282 = tpu.memref_squeeze %dma_start3A_281 : memref<1x128x64xf32, #tpu.memory_space<vmem>> -> memref<128x64xf32, #tpu.memory_space<vmem>>
      %dma_start3A_283 = tpu.memref_slice %arg7[%mul3A_276] : memref<10000xi32, #tpu.memory_space<vmem>> -> memref<128xi32, #tpu.memory_space<vmem>>
      %dma_start3A_284 = arith.constant 0 : i32
      %dma_start3A_285 = arith.constant 0 : i32
      %dma_start3A_286 = tpu.memref_slice %arg11[%dma_start3A_284, %dma_start3A_285] : memref<10000x64xf32, #tpu.memory_space<vmem_shared>> -> memref<10000x64xf32, #tpu.memory_space<vmem_shared>>
      %dma_start3A_287 = tpu.memref_slice %arg10[%dma_start3A_278] : memref<6x!tpu.dma_semaphore, #tpu.memory_space<semaphore_mem>> -> memref<1x!tpu.dma_semaphore, #tpu.memory_space<semaphore_mem>>
      %dma_start3A_288 = tpu.memref_squeeze %dma_start3A_287 : memref<1x!tpu.dma_semaphore, #tpu.memory_space<semaphore_mem>> -> memref<!tpu.dma_semaphore, #tpu.memory_space<semaphore_mem>>
      tpu.enqueue_indirect_dma source(%dma_start3A_282 : memref<128x64xf32, #tpu.memory_space<vmem>>) target(%dma_start3A_286 : memref<10000x64xf32, #tpu.memory_space<vmem_shared>>) offsets(%dma_start3A_283 : memref<128xi32, #tpu.memory_space<vmem>>) semaphore(%dma_start3A_288 : memref<!tpu.dma_semaphore, #tpu.memory_space<semaphore_mem>>) {add = true}
      %dma_wait3A_289 = arith.constant 2 : i32
      %dma_wait3A_290 = arith.constant 2 : i32
      %dma_wait3A_291 = arith.constant 0 : i32
      %dma_wait3A_292 = arith.constant 0 : i32
      %dma_wait3A_293 = tpu.memref_slice %arg8[%dma_wait3A_289, %dma_wait3A_291, %dma_wait3A_292] : memref<6x128x64xf32, #tpu.memory_space<vmem>> -> memref<1x128x64xf32, #tpu.memory_space<vmem>>
      %dma_wait3A_294 = tpu.memref_squeeze %dma_wait3A_293 : memref<1x128x64xf32, #tpu.memory_space<vmem>> -> memref<128x64xf32, #tpu.memory_space<vmem>>
      %dma_wait3A_295 = arith.constant 0 : i32
      %dma_wait3A_296 = tpu.memref_slice %arg6[%dma_wait3A_295] : memref<10000xi32, #tpu.memory_space<vmem>> -> memref<128xi32, #tpu.memory_space<vmem>>
      %dma_wait3A_297 = arith.constant 0 : i32
      %dma_wait3A_298 = arith.constant 0 : i32
      %dma_wait3A_299 = tpu.memref_slice %arg2[%dma_wait3A_297, %dma_wait3A_298] : memref<10000x64xf32, #tpu.memory_space<hbm>> -> memref<10000x64xf32, #tpu.memory_space<hbm>>
      %dma_wait3A_300 = tpu.memref_slice %arg9[%dma_wait3A_290] : memref<6x!tpu.dma_semaphore, #tpu.memory_space<semaphore_mem>> -> memref<1x!tpu.dma_semaphore, #tpu.memory_space<semaphore_mem>>
      %dma_wait3A_301 = tpu.memref_squeeze %dma_wait3A_300 : memref<1x!tpu.dma_semaphore, #tpu.memory_space<semaphore_mem>> -> memref<!tpu.dma_semaphore, #tpu.memory_space<semaphore_mem>>
      tpu.wait_indirect_dma semaphore(%dma_wait3A_301 : memref<!tpu.dma_semaphore, #tpu.memory_space<semaphore_mem>>) src(%dma_wait3A_299 : memref<10000x64xf32, #tpu.memory_space<hbm>>) dst(%dma_wait3A_294 : memref<128x64xf32, #tpu.memory_space<vmem>>)
      %add3A_302 = arith.constant 2 : i32
      %add3A_303 = arith.addi %mul3A_230, %add3A_302 : i32
      %mul3A_304 = arith.constant 128 : i32
      %mul3A_305 = arith.muli %add3A_303, %mul3A_304 : i32
      %dma_start3A_306 = arith.constant 2 : i32
      %dma_start3A_307 = arith.constant 2 : i32
      %dma_start3A_308 = arith.constant 0 : i32
      %dma_start3A_309 = arith.constant 0 : i32
      %dma_start3A_310 = tpu.memref_slice %arg8[%dma_start3A_306, %dma_start3A_308, %dma_start3A_309] : memref<6x128x64xf32, #tpu.memory_space<vmem>> -> memref<1x128x64xf32, #tpu.memory_space<vmem>>
      %dma_start3A_311 = tpu.memref_squeeze %dma_start3A_310 : memref<1x128x64xf32, #tpu.memory_space<vmem>> -> memref<128x64xf32, #tpu.memory_space<vmem>>
      %dma_start3A_312 = tpu.memref_slice %arg7[%mul3A_305] : memref<10000xi32, #tpu.memory_space<vmem>> -> memref<128xi32, #tpu.memory_space<vmem>>
      %dma_start3A_313 = arith.constant 0 : i32
      %dma_start3A_314 = arith.constant 0 : i32
      %dma_start3A_315 = tpu.memref_slice %arg11[%dma_start3A_313, %dma_start3A_314] : memref<10000x64xf32, #tpu.memory_space<vmem_shared>> -> memref<10000x64xf32, #tpu.memory_space<vmem_shared>>
      %dma_start3A_316 = tpu.memref_slice %arg10[%dma_start3A_307] : memref<6x!tpu.dma_semaphore, #tpu.memory_space<semaphore_mem>> -> memref<1x!tpu.dma_semaphore, #tpu.memory_space<semaphore_mem>>
      %dma_start3A_317 = tpu.memref_squeeze %dma_start3A_316 : memref<1x!tpu.dma_semaphore, #tpu.memory_space<semaphore_mem>> -> memref<!tpu.dma_semaphore, #tpu.memory_space<semaphore_mem>>
      tpu.enqueue_indirect_dma source(%dma_start3A_311 : memref<128x64xf32, #tpu.memory_space<vmem>>) target(%dma_start3A_315 : memref<10000x64xf32, #tpu.memory_space<vmem_shared>>) offsets(%dma_start3A_312 : memref<128xi32, #tpu.memory_space<vmem>>) semaphore(%dma_start3A_317 : memref<!tpu.dma_semaphore, #tpu.memory_space<semaphore_mem>>) {add = true}
      %dma_wait3A_318 = arith.constant 3 : i32
      %dma_wait3A_319 = arith.constant 3 : i32
      %dma_wait3A_320 = arith.constant 0 : i32
      %dma_wait3A_321 = arith.constant 0 : i32
      %dma_wait3A_322 = tpu.memref_slice %arg8[%dma_wait3A_318, %dma_wait3A_320, %dma_wait3A_321] : memref<6x128x64xf32, #tpu.memory_space<vmem>> -> memref<1x128x64xf32, #tpu.memory_space<vmem>>
      %dma_wait3A_323 = tpu.memref_squeeze %dma_wait3A_322 : memref<1x128x64xf32, #tpu.memory_space<vmem>> -> memref<128x64xf32, #tpu.memory_space<vmem>>
      %dma_wait3A_324 = arith.constant 0 : i32
      %dma_wait3A_325 = tpu.memref_slice %arg6[%dma_wait3A_324] : memref<10000xi32, #tpu.memory_space<vmem>> -> memref<128xi32, #tpu.memory_space<vmem>>
      %dma_wait3A_326 = arith.constant 0 : i32
      %dma_wait3A_327 = arith.constant 0 : i32
      %dma_wait3A_328 = tpu.memref_slice %arg2[%dma_wait3A_326, %dma_wait3A_327] : memref<10000x64xf32, #tpu.memory_space<hbm>> -> memref<10000x64xf32, #tpu.memory_space<hbm>>
      %dma_wait3A_329 = tpu.memref_slice %arg9[%dma_wait3A_319] : memref<6x!tpu.dma_semaphore, #tpu.memory_space<semaphore_mem>> -> memref<1x!tpu.dma_semaphore, #tpu.memory_space<semaphore_mem>>
      %dma_wait3A_330 = tpu.memref_squeeze %dma_wait3A_329 : memref<1x!tpu.dma_semaphore, #tpu.memory_space<semaphore_mem>> -> memref<!tpu.dma_semaphore, #tpu.memory_space<semaphore_mem>>
      tpu.wait_indirect_dma semaphore(%dma_wait3A_330 : memref<!tpu.dma_semaphore, #tpu.memory_space<semaphore_mem>>) src(%dma_wait3A_328 : memref<10000x64xf32, #tpu.memory_space<hbm>>) dst(%dma_wait3A_323 : memref<128x64xf32, #tpu.memory_space<vmem>>)
      %add3A_331 = arith.constant 3 : i32
      %add3A_332 = arith.addi %mul3A_230, %add3A_331 : i32
      %mul3A_333 = arith.constant 128 : i32
      %mul3A_334 = arith.muli %add3A_332, %mul3A_333 : i32
      %dma_start3A_335 = arith.constant 3 : i32
      %dma_start3A_336 = arith.constant 3 : i32
      %dma_start3A_337 = arith.constant 0 : i32
      %dma_start3A_338 = arith.constant 0 : i32
      %dma_start3A_339 = tpu.memref_slice %arg8[%dma_start3A_335, %dma_start3A_337, %dma_start3A_338] : memref<6x128x64xf32, #tpu.memory_space<vmem>> -> memref<1x128x64xf32, #tpu.memory_space<vmem>>
      %dma_start3A_340 = tpu.memref_squeeze %dma_start3A_339 : memref<1x128x64xf32, #tpu.memory_space<vmem>> -> memref<128x64xf32, #tpu.memory_space<vmem>>
      %dma_start3A_341 = tpu.memref_slice %arg7[%mul3A_334] : memref<10000xi32, #tpu.memory_space<vmem>> -> memref<128xi32, #tpu.memory_space<vmem>>
      %dma_start3A_342 = arith.constant 0 : i32
      %dma_start3A_343 = arith.constant 0 : i32
      %dma_start3A_344 = tpu.memref_slice %arg11[%dma_start3A_342, %dma_start3A_343] : memref<10000x64xf32, #tpu.memory_space<vmem_shared>> -> memref<10000x64xf32, #tpu.memory_space<vmem_shared>>
      %dma_start3A_345 = tpu.memref_slice %arg10[%dma_start3A_336] : memref<6x!tpu.dma_semaphore, #tpu.memory_space<semaphore_mem>> -> memref<1x!tpu.dma_semaphore, #tpu.memory_space<semaphore_mem>>
      %dma_start3A_346 = tpu.memref_squeeze %dma_start3A_345 : memref<1x!tpu.dma_semaphore, #tpu.memory_space<semaphore_mem>> -> memref<!tpu.dma_semaphore, #tpu.memory_space<semaphore_mem>>
      tpu.enqueue_indirect_dma source(%dma_start3A_340 : memref<128x64xf32, #tpu.memory_space<vmem>>) target(%dma_start3A_344 : memref<10000x64xf32, #tpu.memory_space<vmem_shared>>) offsets(%dma_start3A_341 : memref<128xi32, #tpu.memory_space<vmem>>) semaphore(%dma_start3A_346 : memref<!tpu.dma_semaphore, #tpu.memory_space<semaphore_mem>>) {add = true}
      %dma_wait3A_347 = arith.constant 4 : i32
      %dma_wait3A_348 = arith.constant 4 : i32
      %dma_wait3A_349 = arith.constant 0 : i32
      %dma_wait3A_350 = arith.constant 0 : i32
      %dma_wait3A_351 = tpu.memref_slice %arg8[%dma_wait3A_347, %dma_wait3A_349, %dma_wait3A_350] : memref<6x128x64xf32, #tpu.memory_space<vmem>> -> memref<1x128x64xf32, #tpu.memory_space<vmem>>
      %dma_wait3A_352 = tpu.memref_squeeze %dma_wait3A_351 : memref<1x128x64xf32, #tpu.memory_space<vmem>> -> memref<128x64xf32, #tpu.memory_space<vmem>>
      %dma_wait3A_353 = arith.constant 0 : i32
      %dma_wait3A_354 = tpu.memref_slice %arg6[%dma_wait3A_353] : memref<10000xi32, #tpu.memory_space<vmem>> -> memref<128xi32, #tpu.memory_space<vmem>>
      %dma_wait3A_355 = arith.constant 0 : i32
      %dma_wait3A_356 = arith.constant 0 : i32
      %dma_wait3A_357 = tpu.memref_slice %arg2[%dma_wait3A_355, %dma_wait3A_356] : memref<10000x64xf32, #tpu.memory_space<hbm>> -> memref<10000x64xf32, #tpu.memory_space<hbm>>
      %dma_wait3A_358 = tpu.memref_slice %arg9[%dma_wait3A_348] : memref<6x!tpu.dma_semaphore, #tpu.memory_space<semaphore_mem>> -> memref<1x!tpu.dma_semaphore, #tpu.memory_space<semaphore_mem>>
      %dma_wait3A_359 = tpu.memref_squeeze %dma_wait3A_358 : memref<1x!tpu.dma_semaphore, #tpu.memory_space<semaphore_mem>> -> memref<!tpu.dma_semaphore, #tpu.memory_space<semaphore_mem>>
      tpu.wait_indirect_dma semaphore(%dma_wait3A_359 : memref<!tpu.dma_semaphore, #tpu.memory_space<semaphore_mem>>) src(%dma_wait3A_357 : memref<10000x64xf32, #tpu.memory_space<hbm>>) dst(%dma_wait3A_352 : memref<128x64xf32, #tpu.memory_space<vmem>>)
      %add3A_360 = arith.constant 4 : i32
      %add3A_361 = arith.addi %mul3A_230, %add3A_360 : i32
      %mul3A_362 = arith.constant 128 : i32
      %mul3A_363 = arith.muli %add3A_361, %mul3A_362 : i32
      %dma_start3A_364 = arith.constant 4 : i32
      %dma_start3A_365 = arith.constant 4 : i32
      %dma_start3A_366 = arith.constant 0 : i32
      %dma_start3A_367 = arith.constant 0 : i32
      %dma_start3A_368 = tpu.memref_slice %arg8[%dma_start3A_364, %dma_start3A_366, %dma_start3A_367] : memref<6x128x64xf32, #tpu.memory_space<vmem>> -> memref<1x128x64xf32, #tpu.memory_space<vmem>>
      %dma_start3A_369 = tpu.memref_squeeze %dma_start3A_368 : memref<1x128x64xf32, #tpu.memory_space<vmem>> -> memref<128x64xf32, #tpu.memory_space<vmem>>
      %dma_start3A_370 = tpu.memref_slice %arg7[%mul3A_363] : memref<10000xi32, #tpu.memory_space<vmem>> -> memref<128xi32, #tpu.memory_space<vmem>>
      %dma_start3A_371 = arith.constant 0 : i32
      %dma_start3A_372 = arith.constant 0 : i32
      %dma_start3A_373 = tpu.memref_slice %arg11[%dma_start3A_371, %dma_start3A_372] : memref<10000x64xf32, #tpu.memory_space<vmem_shared>> -> memref<10000x64xf32, #tpu.memory_space<vmem_shared>>
      %dma_start3A_374 = tpu.memref_slice %arg10[%dma_start3A_365] : memref<6x!tpu.dma_semaphore, #tpu.memory_space<semaphore_mem>> -> memref<1x!tpu.dma_semaphore, #tpu.memory_space<semaphore_mem>>
      %dma_start3A_375 = tpu.memref_squeeze %dma_start3A_374 : memref<1x!tpu.dma_semaphore, #tpu.memory_space<semaphore_mem>> -> memref<!tpu.dma_semaphore, #tpu.memory_space<semaphore_mem>>
      tpu.enqueue_indirect_dma source(%dma_start3A_369 : memref<128x64xf32, #tpu.memory_space<vmem>>) target(%dma_start3A_373 : memref<10000x64xf32, #tpu.memory_space<vmem_shared>>) offsets(%dma_start3A_370 : memref<128xi32, #tpu.memory_space<vmem>>) semaphore(%dma_start3A_375 : memref<!tpu.dma_semaphore, #tpu.memory_space<semaphore_mem>>) {add = true}
      %dma_wait3A_376 = arith.constant 5 : i32
      %dma_wait3A_377 = arith.constant 5 : i32
      %dma_wait3A_378 = arith.constant 0 : i32
      %dma_wait3A_379 = arith.constant 0 : i32
      %dma_wait3A_380 = tpu.memref_slice %arg8[%dma_wait3A_376, %dma_wait3A_378, %dma_wait3A_379] : memref<6x128x64xf32, #tpu.memory_space<vmem>> -> memref<1x128x64xf32, #tpu.memory_space<vmem>>
      %dma_wait3A_381 = tpu.memref_squeeze %dma_wait3A_380 : memref<1x128x64xf32, #tpu.memory_space<vmem>> -> memref<128x64xf32, #tpu.memory_space<vmem>>
      %dma_wait3A_382 = arith.constant 0 : i32
      %dma_wait3A_383 = tpu.memref_slice %arg6[%dma_wait3A_382] : memref<10000xi32, #tpu.memory_space<vmem>> -> memref<128xi32, #tpu.memory_space<vmem>>
      %dma_wait3A_384 = arith.constant 0 : i32
      %dma_wait3A_385 = arith.constant 0 : i32
      %dma_wait3A_386 = tpu.memref_slice %arg2[%dma_wait3A_384, %dma_wait3A_385] : memref<10000x64xf32, #tpu.memory_space<hbm>> -> memref<10000x64xf32, #tpu.memory_space<hbm>>
      %dma_wait3A_387 = tpu.memref_slice %arg9[%dma_wait3A_377] : memref<6x!tpu.dma_semaphore, #tpu.memory_space<semaphore_mem>> -> memref<1x!tpu.dma_semaphore, #tpu.memory_space<semaphore_mem>>
      %dma_wait3A_388 = tpu.memref_squeeze %dma_wait3A_387 : memref<1x!tpu.dma_semaphore, #tpu.memory_space<semaphore_mem>> -> memref<!tpu.dma_semaphore, #tpu.memory_space<semaphore_mem>>
      tpu.wait_indirect_dma semaphore(%dma_wait3A_388 : memref<!tpu.dma_semaphore, #tpu.memory_space<semaphore_mem>>) src(%dma_wait3A_386 : memref<10000x64xf32, #tpu.memory_space<hbm>>) dst(%dma_wait3A_381 : memref<128x64xf32, #tpu.memory_space<vmem>>)
      %add3A_389 = arith.constant 5 : i32
      %add3A_390 = arith.addi %mul3A_230, %add3A_389 : i32
      %mul3A_391 = arith.constant 128 : i32
      %mul3A_392 = arith.muli %add3A_390, %mul3A_391 : i32
      %dma_start3A_393 = arith.constant 5 : i32
      %dma_start3A_394 = arith.constant 5 : i32
      %dma_start3A_395 = arith.constant 0 : i32
      %dma_start3A_396 = arith.constant 0 : i32
      %dma_start3A_397 = tpu.memref_slice %arg8[%dma_start3A_393, %dma_start3A_395, %dma_start3A_396] : memref<6x128x64xf32, #tpu.memory_space<vmem>> -> memref<1x128x64xf32, #tpu.memory_space<vmem>>
      %dma_start3A_398 = tpu.memref_squeeze %dma_start3A_397 : memref<1x128x64xf32, #tpu.memory_space<vmem>> -> memref<128x64xf32, #tpu.memory_space<vmem>>
      %dma_start3A_399 = tpu.memref_slice %arg7[%mul3A_392] : memref<10000xi32, #tpu.memory_space<vmem>> -> memref<128xi32, #tpu.memory_space<vmem>>
      %dma_start3A_400 = arith.constant 0 : i32
      %dma_start3A_401 = arith.constant 0 : i32
      %dma_start3A_402 = tpu.memref_slice %arg11[%dma_start3A_400, %dma_start3A_401] : memref<10000x64xf32, #tpu.memory_space<vmem_shared>> -> memref<10000x64xf32, #tpu.memory_space<vmem_shared>>
      %dma_start3A_403 = tpu.memref_slice %arg10[%dma_start3A_394] : memref<6x!tpu.dma_semaphore, #tpu.memory_space<semaphore_mem>> -> memref<1x!tpu.dma_semaphore, #tpu.memory_space<semaphore_mem>>
      %dma_start3A_404 = tpu.memref_squeeze %dma_start3A_403 : memref<1x!tpu.dma_semaphore, #tpu.memory_space<semaphore_mem>> -> memref<!tpu.dma_semaphore, #tpu.memory_space<semaphore_mem>>
      tpu.enqueue_indirect_dma source(%dma_start3A_398 : memref<128x64xf32, #tpu.memory_space<vmem>>) target(%dma_start3A_402 : memref<10000x64xf32, #tpu.memory_space<vmem_shared>>) offsets(%dma_start3A_399 : memref<128xi32, #tpu.memory_space<vmem>>) semaphore(%dma_start3A_404 : memref<!tpu.dma_semaphore, #tpu.memory_space<semaphore_mem>>) {add = true}
      %add3A_405 = arith.constant 6 : i32
      %add3A_406 = arith.addi %mul3A_230, %add3A_405 : i32
      %add3A_407 = arith.constant 0 : i32
      %add3A_408 = arith.addi %add3A_406, %add3A_407 : i32
      %lt3A_409 = arith.constant 78 : i32
      %lt3A_410 = arith.cmpi slt, %add3A_408, %lt3A_409 : i32
      %convert_element_type3A_411 = arith.extui %lt3A_410 : i1 to i32
      %cond3A_412 = arith.constant 0 : i32
      %cond3A_413 = arith.cmpi ne, %convert_element_type3A_411, %cond3A_412 : i32
      scf.if %cond3A_413 {
        %dma_wait3A_459 = arith.constant 0 : i32
        %dma_wait3A_460 = arith.constant 0 : i32
        %dma_wait3A_461 = arith.constant 0 : i32
        %dma_wait3A_462 = arith.constant 0 : i32
        %dma_wait3A_463 = tpu.memref_slice %arg8[%dma_wait3A_459, %dma_wait3A_461, %dma_wait3A_462] : memref<6x128x64xf32, #tpu.memory_space<vmem>> -> memref<1x128x64xf32, #tpu.memory_space<vmem>>
        %dma_wait3A_464 = tpu.memref_squeeze %dma_wait3A_463 : memref<1x128x64xf32, #tpu.memory_space<vmem>> -> memref<128x64xf32, #tpu.memory_space<vmem>>
        %dma_wait3A_465 = arith.constant 0 : i32
        %dma_wait3A_466 = tpu.memref_slice %arg7[%dma_wait3A_465] : memref<10000xi32, #tpu.memory_space<vmem>> -> memref<128xi32, #tpu.memory_space<vmem>>
        %dma_wait3A_467 = arith.constant 0 : i32
        %dma_wait3A_468 = arith.constant 0 : i32
        %dma_wait3A_469 = tpu.memref_slice %arg11[%dma_wait3A_467, %dma_wait3A_468] : memref<10000x64xf32, #tpu.memory_space<vmem_shared>> -> memref<10000x64xf32, #tpu.memory_space<vmem_shared>>
        %dma_wait3A_470 = tpu.memref_slice %arg10[%dma_wait3A_460] : memref<6x!tpu.dma_semaphore, #tpu.memory_space<semaphore_mem>> -> memref<1x!tpu.dma_semaphore, #tpu.memory_space<semaphore_mem>>
        %dma_wait3A_471 = tpu.memref_squeeze %dma_wait3A_470 : memref<1x!tpu.dma_semaphore, #tpu.memory_space<semaphore_mem>> -> memref<!tpu.dma_semaphore, #tpu.memory_space<semaphore_mem>>
        tpu.wait_indirect_dma semaphore(%dma_wait3A_471 : memref<!tpu.dma_semaphore, #tpu.memory_space<semaphore_mem>>) src(%dma_wait3A_464 : memref<128x64xf32, #tpu.memory_space<vmem>>) dst(%dma_wait3A_469 : memref<10000x64xf32, #tpu.memory_space<vmem_shared>>)
        %mul3A_472 = arith.constant 128 : i32
        %mul3A_473 = arith.muli %add3A_408, %mul3A_472 : i32
        %dma_start3A_474 = arith.constant 0 : i32
        %dma_start3A_475 = arith.constant 0 : i32
        %dma_start3A_476 = arith.constant 0 : i32
        %dma_start3A_477 = arith.constant 0 : i32
        %dma_start3A_478 = tpu.memref_slice %arg8[%dma_start3A_474, %dma_start3A_476, %dma_start3A_477] : memref<6x128x64xf32, #tpu.memory_space<vmem>> -> memref<1x128x64xf32, #tpu.memory_space<vmem>>
        %dma_start3A_479 = tpu.memref_squeeze %dma_start3A_478 : memref<1x128x64xf32, #tpu.memory_space<vmem>> -> memref<128x64xf32, #tpu.memory_space<vmem>>
        %dma_start3A_480 = tpu.memref_slice %arg6[%mul3A_473] : memref<10000xi32, #tpu.memory_space<vmem>> -> memref<128xi32, #tpu.memory_space<vmem>>
        %dma_start3A_481 = arith.constant 0 : i32
        %dma_start3A_482 = arith.constant 0 : i32
        %dma_start3A_483 = tpu.memref_slice %arg2[%dma_start3A_481, %dma_start3A_482] : memref<10000x64xf32, #tpu.memory_space<hbm>> -> memref<10000x64xf32, #tpu.memory_space<hbm>>
        %dma_start3A_484 = tpu.memref_slice %arg9[%dma_start3A_475] : memref<6x!tpu.dma_semaphore, #tpu.memory_space<semaphore_mem>> -> memref<1x!tpu.dma_semaphore, #tpu.memory_space<semaphore_mem>>
        %dma_start3A_485 = tpu.memref_squeeze %dma_start3A_484 : memref<1x!tpu.dma_semaphore, #tpu.memory_space<semaphore_mem>> -> memref<!tpu.dma_semaphore, #tpu.memory_space<semaphore_mem>>
        tpu.enqueue_indirect_dma source(%dma_start3A_483 : memref<10000x64xf32, #tpu.memory_space<hbm>>) target(%dma_start3A_479 : memref<128x64xf32, #tpu.memory_space<vmem>>) offsets(%dma_start3A_480 : memref<128xi32, #tpu.memory_space<vmem>>) semaphore(%dma_start3A_485 : memref<!tpu.dma_semaphore, #tpu.memory_space<semaphore_mem>>)
      } else {
      }
      %add3A_414 = arith.constant 6 : i32
      %add3A_415 = arith.addi %mul3A_230, %add3A_414 : i32
      %add3A_416 = arith.constant 1 : i32
      %add3A_417 = arith.addi %add3A_415, %add3A_416 : i32
      %lt3A_418 = arith.constant 78 : i32
      %lt3A_419 = arith.cmpi slt, %add3A_417, %lt3A_418 : i32
      %convert_element_type3A_420 = arith.extui %lt3A_419 : i1 to i32
      %cond3A_421 = arith.constant 0 : i32
      %cond3A_422 = arith.cmpi ne, %convert_element_type3A_420, %cond3A_421 : i32
      scf.if %cond3A_422 {
        %dma_wait3A_459 = arith.constant 1 : i32
        %dma_wait3A_460 = arith.constant 1 : i32
        %dma_wait3A_461 = arith.constant 0 : i32
        %dma_wait3A_462 = arith.constant 0 : i32
        %dma_wait3A_463 = tpu.memref_slice %arg8[%dma_wait3A_459, %dma_wait3A_461, %dma_wait3A_462] : memref<6x128x64xf32, #tpu.memory_space<vmem>> -> memref<1x128x64xf32, #tpu.memory_space<vmem>>
        %dma_wait3A_464 = tpu.memref_squeeze %dma_wait3A_463 : memref<1x128x64xf32, #tpu.memory_space<vmem>> -> memref<128x64xf32, #tpu.memory_space<vmem>>
        %dma_wait3A_465 = arith.constant 0 : i32
        %dma_wait3A_466 = tpu.memref_slice %arg7[%dma_wait3A_465] : memref<10000xi32, #tpu.memory_space<vmem>> -> memref<128xi32, #tpu.memory_space<vmem>>
        %dma_wait3A_467 = arith.constant 0 : i32
        %dma_wait3A_468 = arith.constant 0 : i32
        %dma_wait3A_469 = tpu.memref_slice %arg11[%dma_wait3A_467, %dma_wait3A_468] : memref<10000x64xf32, #tpu.memory_space<vmem_shared>> -> memref<10000x64xf32, #tpu.memory_space<vmem_shared>>
        %dma_wait3A_470 = tpu.memref_slice %arg10[%dma_wait3A_460] : memref<6x!tpu.dma_semaphore, #tpu.memory_space<semaphore_mem>> -> memref<1x!tpu.dma_semaphore, #tpu.memory_space<semaphore_mem>>
        %dma_wait3A_471 = tpu.memref_squeeze %dma_wait3A_470 : memref<1x!tpu.dma_semaphore, #tpu.memory_space<semaphore_mem>> -> memref<!tpu.dma_semaphore, #tpu.memory_space<semaphore_mem>>
        tpu.wait_indirect_dma semaphore(%dma_wait3A_471 : memref<!tpu.dma_semaphore, #tpu.memory_space<semaphore_mem>>) src(%dma_wait3A_464 : memref<128x64xf32, #tpu.memory_space<vmem>>) dst(%dma_wait3A_469 : memref<10000x64xf32, #tpu.memory_space<vmem_shared>>)
        %mul3A_472 = arith.constant 128 : i32
        %mul3A_473 = arith.muli %add3A_417, %mul3A_472 : i32
        %dma_start3A_474 = arith.constant 1 : i32
        %dma_start3A_475 = arith.constant 1 : i32
        %dma_start3A_476 = arith.constant 0 : i32
        %dma_start3A_477 = arith.constant 0 : i32
        %dma_start3A_478 = tpu.memref_slice %arg8[%dma_start3A_474, %dma_start3A_476, %dma_start3A_477] : memref<6x128x64xf32, #tpu.memory_space<vmem>> -> memref<1x128x64xf32, #tpu.memory_space<vmem>>
        %dma_start3A_479 = tpu.memref_squeeze %dma_start3A_478 : memref<1x128x64xf32, #tpu.memory_space<vmem>> -> memref<128x64xf32, #tpu.memory_space<vmem>>
        %dma_start3A_480 = tpu.memref_slice %arg6[%mul3A_473] : memref<10000xi32, #tpu.memory_space<vmem>> -> memref<128xi32, #tpu.memory_space<vmem>>
        %dma_start3A_481 = arith.constant 0 : i32
        %dma_start3A_482 = arith.constant 0 : i32
        %dma_start3A_483 = tpu.memref_slice %arg2[%dma_start3A_481, %dma_start3A_482] : memref<10000x64xf32, #tpu.memory_space<hbm>> -> memref<10000x64xf32, #tpu.memory_space<hbm>>
        %dma_start3A_484 = tpu.memref_slice %arg9[%dma_start3A_475] : memref<6x!tpu.dma_semaphore, #tpu.memory_space<semaphore_mem>> -> memref<1x!tpu.dma_semaphore, #tpu.memory_space<semaphore_mem>>
        %dma_start3A_485 = tpu.memref_squeeze %dma_start3A_484 : memref<1x!tpu.dma_semaphore, #tpu.memory_space<semaphore_mem>> -> memref<!tpu.dma_semaphore, #tpu.memory_space<semaphore_mem>>
        tpu.enqueue_indirect_dma source(%dma_start3A_483 : memref<10000x64xf32, #tpu.memory_space<hbm>>) target(%dma_start3A_479 : memref<128x64xf32, #tpu.memory_space<vmem>>) offsets(%dma_start3A_480 : memref<128xi32, #tpu.memory_space<vmem>>) semaphore(%dma_start3A_485 : memref<!tpu.dma_semaphore, #tpu.memory_space<semaphore_mem>>)
      } else {
      }
      %add3A_423 = arith.constant 6 : i32
      %add3A_424 = arith.addi %mul3A_230, %add3A_423 : i32
      %add3A_425 = arith.constant 2 : i32
      %add3A_426 = arith.addi %add3A_424, %add3A_425 : i32
      %lt3A_427 = arith.constant 78 : i32
      %lt3A_428 = arith.cmpi slt, %add3A_426, %lt3A_427 : i32
      %convert_element_type3A_429 = arith.extui %lt3A_428 : i1 to i32
      %cond3A_430 = arith.constant 0 : i32
      %cond3A_431 = arith.cmpi ne, %convert_element_type3A_429, %cond3A_430 : i32
      scf.if %cond3A_431 {
        %dma_wait3A_459 = arith.constant 2 : i32
        %dma_wait3A_460 = arith.constant 2 : i32
        %dma_wait3A_461 = arith.constant 0 : i32
        %dma_wait3A_462 = arith.constant 0 : i32
        %dma_wait3A_463 = tpu.memref_slice %arg8[%dma_wait3A_459, %dma_wait3A_461, %dma_wait3A_462] : memref<6x128x64xf32, #tpu.memory_space<vmem>> -> memref<1x128x64xf32, #tpu.memory_space<vmem>>
        %dma_wait3A_464 = tpu.memref_squeeze %dma_wait3A_463 : memref<1x128x64xf32, #tpu.memory_space<vmem>> -> memref<128x64xf32, #tpu.memory_space<vmem>>
        %dma_wait3A_465 = arith.constant 0 : i32
        %dma_wait3A_466 = tpu.memref_slice %arg7[%dma_wait3A_465] : memref<10000xi32, #tpu.memory_space<vmem>> -> memref<128xi32, #tpu.memory_space<vmem>>
        %dma_wait3A_467 = arith.constant 0 : i32
        %dma_wait3A_468 = arith.constant 0 : i32
        %dma_wait3A_469 = tpu.memref_slice %arg11[%dma_wait3A_467, %dma_wait3A_468] : memref<10000x64xf32, #tpu.memory_space<vmem_shared>> -> memref<10000x64xf32, #tpu.memory_space<vmem_shared>>
        %dma_wait3A_470 = tpu.memref_slice %arg10[%dma_wait3A_460] : memref<6x!tpu.dma_semaphore, #tpu.memory_space<semaphore_mem>> -> memref<1x!tpu.dma_semaphore, #tpu.memory_space<semaphore_mem>>
        %dma_wait3A_471 = tpu.memref_squeeze %dma_wait3A_470 : memref<1x!tpu.dma_semaphore, #tpu.memory_space<semaphore_mem>> -> memref<!tpu.dma_semaphore, #tpu.memory_space<semaphore_mem>>
        tpu.wait_indirect_dma semaphore(%dma_wait3A_471 : memref<!tpu.dma_semaphore, #tpu.memory_space<semaphore_mem>>) src(%dma_wait3A_464 : memref<128x64xf32, #tpu.memory_space<vmem>>) dst(%dma_wait3A_469 : memref<10000x64xf32, #tpu.memory_space<vmem_shared>>)
        %mul3A_472 = arith.constant 128 : i32
        %mul3A_473 = arith.muli %add3A_426, %mul3A_472 : i32
        %dma_start3A_474 = arith.constant 2 : i32
        %dma_start3A_475 = arith.constant 2 : i32
        %dma_start3A_476 = arith.constant 0 : i32
        %dma_start3A_477 = arith.constant 0 : i32
        %dma_start3A_478 = tpu.memref_slice %arg8[%dma_start3A_474, %dma_start3A_476, %dma_start3A_477] : memref<6x128x64xf32, #tpu.memory_space<vmem>> -> memref<1x128x64xf32, #tpu.memory_space<vmem>>
        %dma_start3A_479 = tpu.memref_squeeze %dma_start3A_478 : memref<1x128x64xf32, #tpu.memory_space<vmem>> -> memref<128x64xf32, #tpu.memory_space<vmem>>
        %dma_start3A_480 = tpu.memref_slice %arg6[%mul3A_473] : memref<10000xi32, #tpu.memory_space<vmem>> -> memref<128xi32, #tpu.memory_space<vmem>>
        %dma_start3A_481 = arith.constant 0 : i32
        %dma_start3A_482 = arith.constant 0 : i32
        %dma_start3A_483 = tpu.memref_slice %arg2[%dma_start3A_481, %dma_start3A_482] : memref<10000x64xf32, #tpu.memory_space<hbm>> -> memref<10000x64xf32, #tpu.memory_space<hbm>>
        %dma_start3A_484 = tpu.memref_slice %arg9[%dma_start3A_475] : memref<6x!tpu.dma_semaphore, #tpu.memory_space<semaphore_mem>> -> memref<1x!tpu.dma_semaphore, #tpu.memory_space<semaphore_mem>>
        %dma_start3A_485 = tpu.memref_squeeze %dma_start3A_484 : memref<1x!tpu.dma_semaphore, #tpu.memory_space<semaphore_mem>> -> memref<!tpu.dma_semaphore, #tpu.memory_space<semaphore_mem>>
        tpu.enqueue_indirect_dma source(%dma_start3A_483 : memref<10000x64xf32, #tpu.memory_space<hbm>>) target(%dma_start3A_479 : memref<128x64xf32, #tpu.memory_space<vmem>>) offsets(%dma_start3A_480 : memref<128xi32, #tpu.memory_space<vmem>>) semaphore(%dma_start3A_485 : memref<!tpu.dma_semaphore, #tpu.memory_space<semaphore_mem>>)
      } else {
      }
      %add3A_432 = arith.constant 6 : i32
      %add3A_433 = arith.addi %mul3A_230, %add3A_432 : i32
      %add3A_434 = arith.constant 3 : i32
      %add3A_435 = arith.addi %add3A_433, %add3A_434 : i32
      %lt3A_436 = arith.constant 78 : i32
      %lt3A_437 = arith.cmpi slt, %add3A_435, %lt3A_436 : i32
      %convert_element_type3A_438 = arith.extui %lt3A_437 : i1 to i32
      %cond3A_439 = arith.constant 0 : i32
      %cond3A_440 = arith.cmpi ne, %convert_element_type3A_438, %cond3A_439 : i32
      scf.if %cond3A_440 {
        %dma_wait3A_459 = arith.constant 3 : i32
        %dma_wait3A_460 = arith.constant 3 : i32
        %dma_wait3A_461 = arith.constant 0 : i32
        %dma_wait3A_462 = arith.constant 0 : i32
        %dma_wait3A_463 = tpu.memref_slice %arg8[%dma_wait3A_459, %dma_wait3A_461, %dma_wait3A_462] : memref<6x128x64xf32, #tpu.memory_space<vmem>> -> memref<1x128x64xf32, #tpu.memory_space<vmem>>
        %dma_wait3A_464 = tpu.memref_squeeze %dma_wait3A_463 : memref<1x128x64xf32, #tpu.memory_space<vmem>> -> memref<128x64xf32, #tpu.memory_space<vmem>>
        %dma_wait3A_465 = arith.constant 0 : i32
        %dma_wait3A_466 = tpu.memref_slice %arg7[%dma_wait3A_465] : memref<10000xi32, #tpu.memory_space<vmem>> -> memref<128xi32, #tpu.memory_space<vmem>>
        %dma_wait3A_467 = arith.constant 0 : i32
        %dma_wait3A_468 = arith.constant 0 : i32
        %dma_wait3A_469 = tpu.memref_slice %arg11[%dma_wait3A_467, %dma_wait3A_468] : memref<10000x64xf32, #tpu.memory_space<vmem_shared>> -> memref<10000x64xf32, #tpu.memory_space<vmem_shared>>
        %dma_wait3A_470 = tpu.memref_slice %arg10[%dma_wait3A_460] : memref<6x!tpu.dma_semaphore, #tpu.memory_space<semaphore_mem>> -> memref<1x!tpu.dma_semaphore, #tpu.memory_space<semaphore_mem>>
        %dma_wait3A_471 = tpu.memref_squeeze %dma_wait3A_470 : memref<1x!tpu.dma_semaphore, #tpu.memory_space<semaphore_mem>> -> memref<!tpu.dma_semaphore, #tpu.memory_space<semaphore_mem>>
        tpu.wait_indirect_dma semaphore(%dma_wait3A_471 : memref<!tpu.dma_semaphore, #tpu.memory_space<semaphore_mem>>) src(%dma_wait3A_464 : memref<128x64xf32, #tpu.memory_space<vmem>>) dst(%dma_wait3A_469 : memref<10000x64xf32, #tpu.memory_space<vmem_shared>>)
        %mul3A_472 = arith.constant 128 : i32
        %mul3A_473 = arith.muli %add3A_435, %mul3A_472 : i32
        %dma_start3A_474 = arith.constant 3 : i32
        %dma_start3A_475 = arith.constant 3 : i32
        %dma_start3A_476 = arith.constant 0 : i32
        %dma_start3A_477 = arith.constant 0 : i32
        %dma_start3A_478 = tpu.memref_slice %arg8[%dma_start3A_474, %dma_start3A_476, %dma_start3A_477] : memref<6x128x64xf32, #tpu.memory_space<vmem>> -> memref<1x128x64xf32, #tpu.memory_space<vmem>>
        %dma_start3A_479 = tpu.memref_squeeze %dma_start3A_478 : memref<1x128x64xf32, #tpu.memory_space<vmem>> -> memref<128x64xf32, #tpu.memory_space<vmem>>
        %dma_start3A_480 = tpu.memref_slice %arg6[%mul3A_473] : memref<10000xi32, #tpu.memory_space<vmem>> -> memref<128xi32, #tpu.memory_space<vmem>>
        %dma_start3A_481 = arith.constant 0 : i32
        %dma_start3A_482 = arith.constant 0 : i32
        %dma_start3A_483 = tpu.memref_slice %arg2[%dma_start3A_481, %dma_start3A_482] : memref<10000x64xf32, #tpu.memory_space<hbm>> -> memref<10000x64xf32, #tpu.memory_space<hbm>>
        %dma_start3A_484 = tpu.memref_slice %arg9[%dma_start3A_475] : memref<6x!tpu.dma_semaphore, #tpu.memory_space<semaphore_mem>> -> memref<1x!tpu.dma_semaphore, #tpu.memory_space<semaphore_mem>>
        %dma_start3A_485 = tpu.memref_squeeze %dma_start3A_484 : memref<1x!tpu.dma_semaphore, #tpu.memory_space<semaphore_mem>> -> memref<!tpu.dma_semaphore, #tpu.memory_space<semaphore_mem>>
        tpu.enqueue_indirect_dma source(%dma_start3A_483 : memref<10000x64xf32, #tpu.memory_space<hbm>>) target(%dma_start3A_479 : memref<128x64xf32, #tpu.memory_space<vmem>>) offsets(%dma_start3A_480 : memref<128xi32, #tpu.memory_space<vmem>>) semaphore(%dma_start3A_485 : memref<!tpu.dma_semaphore, #tpu.memory_space<semaphore_mem>>)
      } else {
      }
      %add3A_441 = arith.constant 6 : i32
      %add3A_442 = arith.addi %mul3A_230, %add3A_441 : i32
      %add3A_443 = arith.constant 4 : i32
      %add3A_444 = arith.addi %add3A_442, %add3A_443 : i32
      %lt3A_445 = arith.constant 78 : i32
      %lt3A_446 = arith.cmpi slt, %add3A_444, %lt3A_445 : i32
      %convert_element_type3A_447 = arith.extui %lt3A_446 : i1 to i32
      %cond3A_448 = arith.constant 0 : i32
      %cond3A_449 = arith.cmpi ne, %convert_element_type3A_447, %cond3A_448 : i32
      scf.if %cond3A_449 {
        %dma_wait3A_459 = arith.constant 4 : i32
        %dma_wait3A_460 = arith.constant 4 : i32
        %dma_wait3A_461 = arith.constant 0 : i32
        %dma_wait3A_462 = arith.constant 0 : i32
        %dma_wait3A_463 = tpu.memref_slice %arg8[%dma_wait3A_459, %dma_wait3A_461, %dma_wait3A_462] : memref<6x128x64xf32, #tpu.memory_space<vmem>> -> memref<1x128x64xf32, #tpu.memory_space<vmem>>
        %dma_wait3A_464 = tpu.memref_squeeze %dma_wait3A_463 : memref<1x128x64xf32, #tpu.memory_space<vmem>> -> memref<128x64xf32, #tpu.memory_space<vmem>>
        %dma_wait3A_465 = arith.constant 0 : i32
        %dma_wait3A_466 = tpu.memref_slice %arg7[%dma_wait3A_465] : memref<10000xi32, #tpu.memory_space<vmem>> -> memref<128xi32, #tpu.memory_space<vmem>>
        %dma_wait3A_467 = arith.constant 0 : i32
        %dma_wait3A_468 = arith.constant 0 : i32
        %dma_wait3A_469 = tpu.memref_slice %arg11[%dma_wait3A_467, %dma_wait3A_468] : memref<10000x64xf32, #tpu.memory_space<vmem_shared>> -> memref<10000x64xf32, #tpu.memory_space<vmem_shared>>
        %dma_wait3A_470 = tpu.memref_slice %arg10[%dma_wait3A_460] : memref<6x!tpu.dma_semaphore, #tpu.memory_space<semaphore_mem>> -> memref<1x!tpu.dma_semaphore, #tpu.memory_space<semaphore_mem>>
        %dma_wait3A_471 = tpu.memref_squeeze %dma_wait3A_470 : memref<1x!tpu.dma_semaphore, #tpu.memory_space<semaphore_mem>> -> memref<!tpu.dma_semaphore, #tpu.memory_space<semaphore_mem>>
        tpu.wait_indirect_dma semaphore(%dma_wait3A_471 : memref<!tpu.dma_semaphore, #tpu.memory_space<semaphore_mem>>) src(%dma_wait3A_464 : memref<128x64xf32, #tpu.memory_space<vmem>>) dst(%dma_wait3A_469 : memref<10000x64xf32, #tpu.memory_space<vmem_shared>>)
        %mul3A_472 = arith.constant 128 : i32
        %mul3A_473 = arith.muli %add3A_444, %mul3A_472 : i32
        %dma_start3A_474 = arith.constant 4 : i32
        %dma_start3A_475 = arith.constant 4 : i32
        %dma_start3A_476 = arith.constant 0 : i32
        %dma_start3A_477 = arith.constant 0 : i32
        %dma_start3A_478 = tpu.memref_slice %arg8[%dma_start3A_474, %dma_start3A_476, %dma_start3A_477] : memref<6x128x64xf32, #tpu.memory_space<vmem>> -> memref<1x128x64xf32, #tpu.memory_space<vmem>>
        %dma_start3A_479 = tpu.memref_squeeze %dma_start3A_478 : memref<1x128x64xf32, #tpu.memory_space<vmem>> -> memref<128x64xf32, #tpu.memory_space<vmem>>
        %dma_start3A_480 = tpu.memref_slice %arg6[%mul3A_473] : memref<10000xi32, #tpu.memory_space<vmem>> -> memref<128xi32, #tpu.memory_space<vmem>>
        %dma_start3A_481 = arith.constant 0 : i32
        %dma_start3A_482 = arith.constant 0 : i32
        %dma_start3A_483 = tpu.memref_slice %arg2[%dma_start3A_481, %dma_start3A_482] : memref<10000x64xf32, #tpu.memory_space<hbm>> -> memref<10000x64xf32, #tpu.memory_space<hbm>>
        %dma_start3A_484 = tpu.memref_slice %arg9[%dma_start3A_475] : memref<6x!tpu.dma_semaphore, #tpu.memory_space<semaphore_mem>> -> memref<1x!tpu.dma_semaphore, #tpu.memory_space<semaphore_mem>>
        %dma_start3A_485 = tpu.memref_squeeze %dma_start3A_484 : memref<1x!tpu.dma_semaphore, #tpu.memory_space<semaphore_mem>> -> memref<!tpu.dma_semaphore, #tpu.memory_space<semaphore_mem>>
        tpu.enqueue_indirect_dma source(%dma_start3A_483 : memref<10000x64xf32, #tpu.memory_space<hbm>>) target(%dma_start3A_479 : memref<128x64xf32, #tpu.memory_space<vmem>>) offsets(%dma_start3A_480 : memref<128xi32, #tpu.memory_space<vmem>>) semaphore(%dma_start3A_485 : memref<!tpu.dma_semaphore, #tpu.memory_space<semaphore_mem>>)
      } else {
      }
      %add3A_450 = arith.constant 6 : i32
      %add3A_451 = arith.addi %mul3A_230, %add3A_450 : i32
      %add3A_452 = arith.constant 5 : i32
      %add3A_453 = arith.addi %add3A_451, %add3A_452 : i32
      %lt3A_454 = arith.constant 78 : i32
      %lt3A_455 = arith.cmpi slt, %add3A_453, %lt3A_454 : i32
      %convert_element_type3A_456 = arith.extui %lt3A_455 : i1 to i32
      %cond3A_457 = arith.constant 0 : i32
      %cond3A_458 = arith.cmpi ne, %convert_element_type3A_456, %cond3A_457 : i32
      scf.if %cond3A_458 {
        %dma_wait3A_459 = arith.constant 5 : i32
        %dma_wait3A_460 = arith.constant 5 : i32
        %dma_wait3A_461 = arith.constant 0 : i32
        %dma_wait3A_462 = arith.constant 0 : i32
        %dma_wait3A_463 = tpu.memref_slice %arg8[%dma_wait3A_459, %dma_wait3A_461, %dma_wait3A_462] : memref<6x128x64xf32, #tpu.memory_space<vmem>> -> memref<1x128x64xf32, #tpu.memory_space<vmem>>
        %dma_wait3A_464 = tpu.memref_squeeze %dma_wait3A_463 : memref<1x128x64xf32, #tpu.memory_space<vmem>> -> memref<128x64xf32, #tpu.memory_space<vmem>>
        %dma_wait3A_465 = arith.constant 0 : i32
        %dma_wait3A_466 = tpu.memref_slice %arg7[%dma_wait3A_465] : memref<10000xi32, #tpu.memory_space<vmem>> -> memref<128xi32, #tpu.memory_space<vmem>>
        %dma_wait3A_467 = arith.constant 0 : i32
        %dma_wait3A_468 = arith.constant 0 : i32
        %dma_wait3A_469 = tpu.memref_slice %arg11[%dma_wait3A_467, %dma_wait3A_468] : memref<10000x64xf32, #tpu.memory_space<vmem_shared>> -> memref<10000x64xf32, #tpu.memory_space<vmem_shared>>
        %dma_wait3A_470 = tpu.memref_slice %arg10[%dma_wait3A_460] : memref<6x!tpu.dma_semaphore, #tpu.memory_space<semaphore_mem>> -> memref<1x!tpu.dma_semaphore, #tpu.memory_space<semaphore_mem>>
        %dma_wait3A_471 = tpu.memref_squeeze %dma_wait3A_470 : memref<1x!tpu.dma_semaphore, #tpu.memory_space<semaphore_mem>> -> memref<!tpu.dma_semaphore, #tpu.memory_space<semaphore_mem>>
        tpu.wait_indirect_dma semaphore(%dma_wait3A_471 : memref<!tpu.dma_semaphore, #tpu.memory_space<semaphore_mem>>) src(%dma_wait3A_464 : memref<128x64xf32, #tpu.memory_space<vmem>>) dst(%dma_wait3A_469 : memref<10000x64xf32, #tpu.memory_space<vmem_shared>>)
        %mul3A_472 = arith.constant 128 : i32
        %mul3A_473 = arith.muli %add3A_453, %mul3A_472 : i32
        %dma_start3A_474 = arith.constant 5 : i32
        %dma_start3A_475 = arith.constant 5 : i32
        %dma_start3A_476 = arith.constant 0 : i32
        %dma_start3A_477 = arith.constant 0 : i32
        %dma_start3A_478 = tpu.memref_slice %arg8[%dma_start3A_474, %dma_start3A_476, %dma_start3A_477] : memref<6x128x64xf32, #tpu.memory_space<vmem>> -> memref<1x128x64xf32, #tpu.memory_space<vmem>>
        %dma_start3A_479 = tpu.memref_squeeze %dma_start3A_478 : memref<1x128x64xf32, #tpu.memory_space<vmem>> -> memref<128x64xf32, #tpu.memory_space<vmem>>
        %dma_start3A_480 = tpu.memref_slice %arg6[%mul3A_473] : memref<10000xi32, #tpu.memory_space<vmem>> -> memref<128xi32, #tpu.memory_space<vmem>>
        %dma_start3A_481 = arith.constant 0 : i32
        %dma_start3A_482 = arith.constant 0 : i32
        %dma_start3A_483 = tpu.memref_slice %arg2[%dma_start3A_481, %dma_start3A_482] : memref<10000x64xf32, #tpu.memory_space<hbm>> -> memref<10000x64xf32, #tpu.memory_space<hbm>>
        %dma_start3A_484 = tpu.memref_slice %arg9[%dma_start3A_475] : memref<6x!tpu.dma_semaphore, #tpu.memory_space<semaphore_mem>> -> memref<1x!tpu.dma_semaphore, #tpu.memory_space<semaphore_mem>>
        %dma_start3A_485 = tpu.memref_squeeze %dma_start3A_484 : memref<1x!tpu.dma_semaphore, #tpu.memory_space<semaphore_mem>> -> memref<!tpu.dma_semaphore, #tpu.memory_space<semaphore_mem>>
        tpu.enqueue_indirect_dma source(%dma_start3A_483 : memref<10000x64xf32, #tpu.memory_space<hbm>>) target(%dma_start3A_479 : memref<128x64xf32, #tpu.memory_space<vmem>>) offsets(%dma_start3A_480 : memref<128xi32, #tpu.memory_space<vmem>>) semaphore(%dma_start3A_485 : memref<!tpu.dma_semaphore, #tpu.memory_space<semaphore_mem>>)
      } else {
      }
    }
    %scan3A_88 = arith.constant 13 : i32
    %dma_wait3A = arith.constant 0 : i32
    %dma_wait3A_89 = arith.constant 0 : i32
    %dma_wait3A_90 = arith.constant 0 : i32
    %dma_wait3A_91 = arith.constant 0 : i32
    %dma_wait3A_92 = tpu.memref_slice %arg8[%dma_wait3A, %dma_wait3A_90, %dma_wait3A_91] : memref<6x128x64xf32, #tpu.memory_space<vmem>> -> memref<1x128x64xf32, #tpu.memory_space<vmem>>
    %dma_wait3A_93 = tpu.memref_squeeze %dma_wait3A_92 : memref<1x128x64xf32, #tpu.memory_space<vmem>> -> memref<128x64xf32, #tpu.memory_space<vmem>>
    %dma_wait3A_94 = arith.constant 0 : i32
    %dma_wait3A_95 = tpu.memref_slice %arg7[%dma_wait3A_94] : memref<10000xi32, #tpu.memory_space<vmem>> -> memref<128xi32, #tpu.memory_space<vmem>>
    %dma_wait3A_96 = arith.constant 0 : i32
    %dma_wait3A_97 = arith.constant 0 : i32
    %dma_wait3A_98 = tpu.memref_slice %arg11[%dma_wait3A_96, %dma_wait3A_97] : memref<10000x64xf32, #tpu.memory_space<vmem_shared>> -> memref<10000x64xf32, #tpu.memory_space<vmem_shared>>
    %dma_wait3A_99 = tpu.memref_slice %arg10[%dma_wait3A_89] : memref<6x!tpu.dma_semaphore, #tpu.memory_space<semaphore_mem>> -> memref<1x!tpu.dma_semaphore, #tpu.memory_space<semaphore_mem>>
    %dma_wait3A_100 = tpu.memref_squeeze %dma_wait3A_99 : memref<1x!tpu.dma_semaphore, #tpu.memory_space<semaphore_mem>> -> memref<!tpu.dma_semaphore, #tpu.memory_space<semaphore_mem>>
    tpu.wait_indirect_dma semaphore(%dma_wait3A_100 : memref<!tpu.dma_semaphore, #tpu.memory_space<semaphore_mem>>) src(%dma_wait3A_93 : memref<128x64xf32, #tpu.memory_space<vmem>>) dst(%dma_wait3A_98 : memref<10000x64xf32, #tpu.memory_space<vmem_shared>>)
    %dma_wait3A_101 = arith.constant 1 : i32
    %dma_wait3A_102 = arith.constant 1 : i32
    %dma_wait3A_103 = arith.constant 0 : i32
    %dma_wait3A_104 = arith.constant 0 : i32
    %dma_wait3A_105 = tpu.memref_slice %arg8[%dma_wait3A_101, %dma_wait3A_103, %dma_wait3A_104] : memref<6x128x64xf32, #tpu.memory_space<vmem>> -> memref<1x128x64xf32, #tpu.memory_space<vmem>>
    %dma_wait3A_106 = tpu.memref_squeeze %dma_wait3A_105 : memref<1x128x64xf32, #tpu.memory_space<vmem>> -> memref<128x64xf32, #tpu.memory_space<vmem>>
    %dma_wait3A_107 = arith.constant 0 : i32
    %dma_wait3A_108 = tpu.memref_slice %arg7[%dma_wait3A_107] : memref<10000xi32, #tpu.memory_space<vmem>> -> memref<128xi32, #tpu.memory_space<vmem>>
    %dma_wait3A_109 = arith.constant 0 : i32
    %dma_wait3A_110 = arith.constant 0 : i32
    %dma_wait3A_111 = tpu.memref_slice %arg11[%dma_wait3A_109, %dma_wait3A_110] : memref<10000x64xf32, #tpu.memory_space<vmem_shared>> -> memref<10000x64xf32, #tpu.memory_space<vmem_shared>>
    %dma_wait3A_112 = tpu.memref_slice %arg10[%dma_wait3A_102] : memref<6x!tpu.dma_semaphore, #tpu.memory_space<semaphore_mem>> -> memref<1x!tpu.dma_semaphore, #tpu.memory_space<semaphore_mem>>
    %dma_wait3A_113 = tpu.memref_squeeze %dma_wait3A_112 : memref<1x!tpu.dma_semaphore, #tpu.memory_space<semaphore_mem>> -> memref<!tpu.dma_semaphore, #tpu.memory_space<semaphore_mem>>
    tpu.wait_indirect_dma semaphore(%dma_wait3A_113 : memref<!tpu.dma_semaphore, #tpu.memory_space<semaphore_mem>>) src(%dma_wait3A_106 : memref<128x64xf32, #tpu.memory_space<vmem>>) dst(%dma_wait3A_111 : memref<10000x64xf32, #tpu.memory_space<vmem_shared>>)
    %dma_wait3A_114 = arith.constant 2 : i32
    %dma_wait3A_115 = arith.constant 2 : i32
    %dma_wait3A_116 = arith.constant 0 : i32
    %dma_wait3A_117 = arith.constant 0 : i32
    %dma_wait3A_118 = tpu.memref_slice %arg8[%dma_wait3A_114, %dma_wait3A_116, %dma_wait3A_117] : memref<6x128x64xf32, #tpu.memory_space<vmem>> -> memref<1x128x64xf32, #tpu.memory_space<vmem>>
    %dma_wait3A_119 = tpu.memref_squeeze %dma_wait3A_118 : memref<1x128x64xf32, #tpu.memory_space<vmem>> -> memref<128x64xf32, #tpu.memory_space<vmem>>
    %dma_wait3A_120 = arith.constant 0 : i32
    %dma_wait3A_121 = tpu.memref_slice %arg7[%dma_wait3A_120] : memref<10000xi32, #tpu.memory_space<vmem>> -> memref<128xi32, #tpu.memory_space<vmem>>
    %dma_wait3A_122 = arith.constant 0 : i32
    %dma_wait3A_123 = arith.constant 0 : i32
    %dma_wait3A_124 = tpu.memref_slice %arg11[%dma_wait3A_122, %dma_wait3A_123] : memref<10000x64xf32, #tpu.memory_space<vmem_shared>> -> memref<10000x64xf32, #tpu.memory_space<vmem_shared>>
    %dma_wait3A_125 = tpu.memref_slice %arg10[%dma_wait3A_115] : memref<6x!tpu.dma_semaphore, #tpu.memory_space<semaphore_mem>> -> memref<1x!tpu.dma_semaphore, #tpu.memory_space<semaphore_mem>>
    %dma_wait3A_126 = tpu.memref_squeeze %dma_wait3A_125 : memref<1x!tpu.dma_semaphore, #tpu.memory_space<semaphore_mem>> -> memref<!tpu.dma_semaphore, #tpu.memory_space<semaphore_mem>>
    tpu.wait_indirect_dma semaphore(%dma_wait3A_126 : memref<!tpu.dma_semaphore, #tpu.memory_space<semaphore_mem>>) src(%dma_wait3A_119 : memref<128x64xf32, #tpu.memory_space<vmem>>) dst(%dma_wait3A_124 : memref<10000x64xf32, #tpu.memory_space<vmem_shared>>)
    %dma_wait3A_127 = arith.constant 3 : i32
    %dma_wait3A_128 = arith.constant 3 : i32
    %dma_wait3A_129 = arith.constant 0 : i32
    %dma_wait3A_130 = arith.constant 0 : i32
    %dma_wait3A_131 = tpu.memref_slice %arg8[%dma_wait3A_127, %dma_wait3A_129, %dma_wait3A_130] : memref<6x128x64xf32, #tpu.memory_space<vmem>> -> memref<1x128x64xf32, #tpu.memory_space<vmem>>
    %dma_wait3A_132 = tpu.memref_squeeze %dma_wait3A_131 : memref<1x128x64xf32, #tpu.memory_space<vmem>> -> memref<128x64xf32, #tpu.memory_space<vmem>>
    %dma_wait3A_133 = arith.constant 0 : i32
    %dma_wait3A_134 = tpu.memref_slice %arg7[%dma_wait3A_133] : memref<10000xi32, #tpu.memory_space<vmem>> -> memref<128xi32, #tpu.memory_space<vmem>>
    %dma_wait3A_135 = arith.constant 0 : i32
    %dma_wait3A_136 = arith.constant 0 : i32
    %dma_wait3A_137 = tpu.memref_slice %arg11[%dma_wait3A_135, %dma_wait3A_136] : memref<10000x64xf32, #tpu.memory_space<vmem_shared>> -> memref<10000x64xf32, #tpu.memory_space<vmem_shared>>
    %dma_wait3A_138 = tpu.memref_slice %arg10[%dma_wait3A_128] : memref<6x!tpu.dma_semaphore, #tpu.memory_space<semaphore_mem>> -> memref<1x!tpu.dma_semaphore, #tpu.memory_space<semaphore_mem>>
    %dma_wait3A_139 = tpu.memref_squeeze %dma_wait3A_138 : memref<1x!tpu.dma_semaphore, #tpu.memory_space<semaphore_mem>> -> memref<!tpu.dma_semaphore, #tpu.memory_space<semaphore_mem>>
    tpu.wait_indirect_dma semaphore(%dma_wait3A_139 : memref<!tpu.dma_semaphore, #tpu.memory_space<semaphore_mem>>) src(%dma_wait3A_132 : memref<128x64xf32, #tpu.memory_space<vmem>>) dst(%dma_wait3A_137 : memref<10000x64xf32, #tpu.memory_space<vmem_shared>>)
    %dma_wait3A_140 = arith.constant 4 : i32
    %dma_wait3A_141 = arith.constant 4 : i32
    %dma_wait3A_142 = arith.constant 0 : i32
    %dma_wait3A_143 = arith.constant 0 : i32
    %dma_wait3A_144 = tpu.memref_slice %arg8[%dma_wait3A_140, %dma_wait3A_142, %dma_wait3A_143] : memref<6x128x64xf32, #tpu.memory_space<vmem>> -> memref<1x128x64xf32, #tpu.memory_space<vmem>>
    %dma_wait3A_145 = tpu.memref_squeeze %dma_wait3A_144 : memref<1x128x64xf32, #tpu.memory_space<vmem>> -> memref<128x64xf32, #tpu.memory_space<vmem>>
    %dma_wait3A_146 = arith.constant 0 : i32
    %dma_wait3A_147 = tpu.memref_slice %arg7[%dma_wait3A_146] : memref<10000xi32, #tpu.memory_space<vmem>> -> memref<128xi32, #tpu.memory_space<vmem>>
    %dma_wait3A_148 = arith.constant 0 : i32
    %dma_wait3A_149 = arith.constant 0 : i32
    %dma_wait3A_150 = tpu.memref_slice %arg11[%dma_wait3A_148, %dma_wait3A_149] : memref<10000x64xf32, #tpu.memory_space<vmem_shared>> -> memref<10000x64xf32, #tpu.memory_space<vmem_shared>>
    %dma_wait3A_151 = tpu.memref_slice %arg10[%dma_wait3A_141] : memref<6x!tpu.dma_semaphore, #tpu.memory_space<semaphore_mem>> -> memref<1x!tpu.dma_semaphore, #tpu.memory_space<semaphore_mem>>
    %dma_wait3A_152 = tpu.memref_squeeze %dma_wait3A_151 : memref<1x!tpu.dma_semaphore, #tpu.memory_space<semaphore_mem>> -> memref<!tpu.dma_semaphore, #tpu.memory_space<semaphore_mem>>
    tpu.wait_indirect_dma semaphore(%dma_wait3A_152 : memref<!tpu.dma_semaphore, #tpu.memory_space<semaphore_mem>>) src(%dma_wait3A_145 : memref<128x64xf32, #tpu.memory_space<vmem>>) dst(%dma_wait3A_150 : memref<10000x64xf32, #tpu.memory_space<vmem_shared>>)
    %dma_wait3A_153 = arith.constant 5 : i32
    %dma_wait3A_154 = arith.constant 5 : i32
    %dma_wait3A_155 = arith.constant 0 : i32
    %dma_wait3A_156 = arith.constant 0 : i32
    %dma_wait3A_157 = tpu.memref_slice %arg8[%dma_wait3A_153, %dma_wait3A_155, %dma_wait3A_156] : memref<6x128x64xf32, #tpu.memory_space<vmem>> -> memref<1x128x64xf32, #tpu.memory_space<vmem>>
    %dma_wait3A_158 = tpu.memref_squeeze %dma_wait3A_157 : memref<1x128x64xf32, #tpu.memory_space<vmem>> -> memref<128x64xf32, #tpu.memory_space<vmem>>
    %dma_wait3A_159 = arith.constant 0 : i32
    %dma_wait3A_160 = tpu.memref_slice %arg7[%dma_wait3A_159] : memref<10000xi32, #tpu.memory_space<vmem>> -> memref<128xi32, #tpu.memory_space<vmem>>
    %dma_wait3A_161 = arith.constant 0 : i32
    %dma_wait3A_162 = arith.constant 0 : i32
    %dma_wait3A_163 = tpu.memref_slice %arg11[%dma_wait3A_161, %dma_wait3A_162] : memref<10000x64xf32, #tpu.memory_space<vmem_shared>> -> memref<10000x64xf32, #tpu.memory_space<vmem_shared>>
    %dma_wait3A_164 = tpu.memref_slice %arg10[%dma_wait3A_154] : memref<6x!tpu.dma_semaphore, #tpu.memory_space<semaphore_mem>> -> memref<1x!tpu.dma_semaphore, #tpu.memory_space<semaphore_mem>>
    %dma_wait3A_165 = tpu.memref_squeeze %dma_wait3A_164 : memref<1x!tpu.dma_semaphore, #tpu.memory_space<semaphore_mem>> -> memref<!tpu.dma_semaphore, #tpu.memory_space<semaphore_mem>>
    tpu.wait_indirect_dma semaphore(%dma_wait3A_165 : memref<!tpu.dma_semaphore, #tpu.memory_space<semaphore_mem>>) src(%dma_wait3A_158 : memref<128x64xf32, #tpu.memory_space<vmem>>) dst(%dma_wait3A_163 : memref<10000x64xf32, #tpu.memory_space<vmem_shared>>)
    %dma_start3A_166 = arith.constant 0 : i32
    %dma_start3A_167 = arith.constant 0 : i32
    %dma_start3A_168 = arith.constant 0 : i32
    %dma_start3A_169 = arith.constant 0 : i32
    %dma_start3A_170 = tpu.memref_slice %arg8[%dma_start3A_166, %dma_start3A_168, %dma_start3A_169] : memref<6x128x64xf32, #tpu.memory_space<vmem>> -> memref<1x16x64xf32, #tpu.memory_space<vmem>>
    %dma_start3A_171 = tpu.memref_squeeze %dma_start3A_170 : memref<1x16x64xf32, #tpu.memory_space<vmem>> -> memref<16x64xf32, #tpu.memory_space<vmem>>
    %dma_start3A_172 = arith.constant 9984 : i32
    %dma_start3A_173 = tpu.memref_slice %arg6[%dma_start3A_172] : memref<10000xi32, #tpu.memory_space<vmem>> -> memref<16xi32, #tpu.memory_space<vmem>>
    %dma_start3A_174 = arith.constant 0 : i32
    %dma_start3A_175 = arith.constant 0 : i32
    %dma_start3A_176 = tpu.memref_slice %arg2[%dma_start3A_174, %dma_start3A_175] : memref<10000x64xf32, #tpu.memory_space<hbm>> -> memref<10000x64xf32, #tpu.memory_space<hbm>>
    %dma_start3A_177 = tpu.memref_slice %arg9[%dma_start3A_167] : memref<6x!tpu.dma_semaphore, #tpu.memory_space<semaphore_mem>> -> memref<1x!tpu.dma_semaphore, #tpu.memory_space<semaphore_mem>>
    %dma_start3A_178 = tpu.memref_squeeze %dma_start3A_177 : memref<1x!tpu.dma_semaphore, #tpu.memory_space<semaphore_mem>> -> memref<!tpu.dma_semaphore, #tpu.memory_space<semaphore_mem>>
    tpu.enqueue_indirect_dma source(%dma_start3A_176 : memref<10000x64xf32, #tpu.memory_space<hbm>>) target(%dma_start3A_171 : memref<16x64xf32, #tpu.memory_space<vmem>>) offsets(%dma_start3A_173 : memref<16xi32, #tpu.memory_space<vmem>>) semaphore(%dma_start3A_178 : memref<!tpu.dma_semaphore, #tpu.memory_space<semaphore_mem>>)
    %dma_wait3A_179 = arith.constant 0 : i32
    %dma_wait3A_180 = arith.constant 0 : i32
    %dma_wait3A_181 = arith.constant 0 : i32
    %dma_wait3A_182 = arith.constant 0 : i32
    %dma_wait3A_183 = tpu.memref_slice %arg8[%dma_wait3A_179, %dma_wait3A_181, %dma_wait3A_182] : memref<6x128x64xf32, #tpu.memory_space<vmem>> -> memref<1x16x64xf32, #tpu.memory_space<vmem>>
    %dma_wait3A_184 = tpu.memref_squeeze %dma_wait3A_183 : memref<1x16x64xf32, #tpu.memory_space<vmem>> -> memref<16x64xf32, #tpu.memory_space<vmem>>
    %dma_wait3A_185 = arith.constant 0 : i32
    %dma_wait3A_186 = tpu.memref_slice %arg6[%dma_wait3A_185] : memref<10000xi32, #tpu.memory_space<vmem>> -> memref<16xi32, #tpu.memory_space<vmem>>
    %dma_wait3A_187 = arith.constant 0 : i32
    %dma_wait3A_188 = arith.constant 0 : i32
    %dma_wait3A_189 = tpu.memref_slice %arg2[%dma_wait3A_187, %dma_wait3A_188] : memref<10000x64xf32, #tpu.memory_space<hbm>> -> memref<10000x64xf32, #tpu.memory_space<hbm>>
    %dma_wait3A_190 = tpu.memref_slice %arg9[%dma_wait3A_180] : memref<6x!tpu.dma_semaphore, #tpu.memory_space<semaphore_mem>> -> memref<1x!tpu.dma_semaphore, #tpu.memory_space<semaphore_mem>>
    %dma_wait3A_191 = tpu.memref_squeeze %dma_wait3A_190 : memref<1x!tpu.dma_semaphore, #tpu.memory_space<semaphore_mem>> -> memref<!tpu.dma_semaphore, #tpu.memory_space<semaphore_mem>>
    tpu.wait_indirect_dma semaphore(%dma_wait3A_191 : memref<!tpu.dma_semaphore, #tpu.memory_space<semaphore_mem>>) src(%dma_wait3A_189 : memref<10000x64xf32, #tpu.memory_space<hbm>>) dst(%dma_wait3A_184 : memref<16x64xf32, #tpu.memory_space<vmem>>)
    %dma_start3A_192 = arith.constant 0 : i32
    %dma_start3A_193 = arith.constant 0 : i32
    %dma_start3A_194 = arith.constant 0 : i32
    %dma_start3A_195 = arith.constant 0 : i32
    %dma_start3A_196 = tpu.memref_slice %arg8[%dma_start3A_192, %dma_start3A_194, %dma_start3A_195] : memref<6x128x64xf32, #tpu.memory_space<vmem>> -> memref<1x16x64xf32, #tpu.memory_space<vmem>>
    %dma_start3A_197 = tpu.memref_squeeze %dma_start3A_196 : memref<1x16x64xf32, #tpu.memory_space<vmem>> -> memref<16x64xf32, #tpu.memory_space<vmem>>
    %dma_start3A_198 = arith.constant 9984 : i32
    %dma_start3A_199 = tpu.memref_slice %arg7[%dma_start3A_198] : memref<10000xi32, #tpu.memory_space<vmem>> -> memref<16xi32, #tpu.memory_space<vmem>>
    %dma_start3A_200 = arith.constant 0 : i32
    %dma_start3A_201 = arith.constant 0 : i32
    %dma_start3A_202 = tpu.memref_slice %arg11[%dma_start3A_200, %dma_start3A_201] : memref<10000x64xf32, #tpu.memory_space<vmem_shared>> -> memref<10000x64xf32, #tpu.memory_space<vmem_shared>>
    %dma_start3A_203 = tpu.memref_slice %arg10[%dma_start3A_193] : memref<6x!tpu.dma_semaphore, #tpu.memory_space<semaphore_mem>> -> memref<1x!tpu.dma_semaphore, #tpu.memory_space<semaphore_mem>>
    %dma_start3A_204 = tpu.memref_squeeze %dma_start3A_203 : memref<1x!tpu.dma_semaphore, #tpu.memory_space<semaphore_mem>> -> memref<!tpu.dma_semaphore, #tpu.memory_space<semaphore_mem>>
    tpu.enqueue_indirect_dma source(%dma_start3A_197 : memref<16x64xf32, #tpu.memory_space<vmem>>) target(%dma_start3A_202 : memref<10000x64xf32, #tpu.memory_space<vmem_shared>>) offsets(%dma_start3A_199 : memref<16xi32, #tpu.memory_space<vmem>>) semaphore(%dma_start3A_204 : memref<!tpu.dma_semaphore, #tpu.memory_space<semaphore_mem>>) {add = true}
    %dma_wait3A_205 = arith.constant 0 : i32
    %dma_wait3A_206 = arith.constant 0 : i32
    %dma_wait3A_207 = arith.constant 0 : i32
    %dma_wait3A_208 = arith.constant 0 : i32
    %dma_wait3A_209 = tpu.memref_slice %arg8[%dma_wait3A_205, %dma_wait3A_207, %dma_wait3A_208] : memref<6x128x64xf32, #tpu.memory_space<vmem>> -> memref<1x16x64xf32, #tpu.memory_space<vmem>>
    %dma_wait3A_210 = tpu.memref_squeeze %dma_wait3A_209 : memref<1x16x64xf32, #tpu.memory_space<vmem>> -> memref<16x64xf32, #tpu.memory_space<vmem>>
    %dma_wait3A_211 = arith.constant 0 : i32
    %dma_wait3A_212 = tpu.memref_slice %arg7[%dma_wait3A_211] : memref<10000xi32, #tpu.memory_space<vmem>> -> memref<16xi32, #tpu.memory_space<vmem>>
    %dma_wait3A_213 = arith.constant 0 : i32
    %dma_wait3A_214 = arith.constant 0 : i32
    %dma_wait3A_215 = tpu.memref_slice %arg11[%dma_wait3A_213, %dma_wait3A_214] : memref<10000x64xf32, #tpu.memory_space<vmem_shared>> -> memref<10000x64xf32, #tpu.memory_space<vmem_shared>>
    %dma_wait3A_216 = tpu.memref_slice %arg10[%dma_wait3A_206] : memref<6x!tpu.dma_semaphore, #tpu.memory_space<semaphore_mem>> -> memref<1x!tpu.dma_semaphore, #tpu.memory_space<semaphore_mem>>
    %dma_wait3A_217 = tpu.memref_squeeze %dma_wait3A_216 : memref<1x!tpu.dma_semaphore, #tpu.memory_space<semaphore_mem>> -> memref<!tpu.dma_semaphore, #tpu.memory_space<semaphore_mem>>
    tpu.wait_indirect_dma semaphore(%dma_wait3A_217 : memref<!tpu.dma_semaphore, #tpu.memory_space<semaphore_mem>>) src(%dma_wait3A_210 : memref<16x64xf32, #tpu.memory_space<vmem>>) dst(%dma_wait3A_215 : memref<10000x64xf32, #tpu.memory_space<vmem_shared>>)
    %barrier3A_218 = arith.constant 0 : index
    tpu.barrier barrier_id(%barrier3A_218)
    %lt3A_219 = arith.constant 10 : i32
    %lt3A_220 = arith.cmpi slt, %arg1, %lt3A_219 : i32
    %convert_element_type3A_221 = arith.extui %lt3A_220 : i1 to i32
    %cond3A_222 = arith.constant 0 : i32
    %cond3A_223 = arith.cmpi ne, %convert_element_type3A_221, %cond3A_222 : i32
    scf.if %cond3A_223 {
      %mul3A_224 = arith.constant 1000 : i32
      %mul3A_225 = arith.muli %arg1, %mul3A_224 : i32
      %mul3A_226 = arith.constant 1000 : i32
      %mul3A_227 = arith.muli %arg1, %mul3A_226 : i32
      "tpu.region"() ({
        %run_scoped3A_228 = tpu.sem_alloc : memref<!tpu.dma_semaphore, #tpu.memory_space<semaphore_mem>>
        %dma_start3A_229 = arith.constant 0 : i32
        %dma_start3A_230 = tpu.memref_slice %arg5[%arg0, %mul3A_227, %dma_start3A_229] : memref<2x10000x64xf32, #tpu.memory_space<hbm>> -> memref<1x1000x64xf32, #tpu.memory_space<hbm>>
        %dma_start3A_231 = tpu.memref_squeeze %dma_start3A_230 : memref<1x1000x64xf32, #tpu.memory_space<hbm>> -> memref<1000x64xf32, #tpu.memory_space<hbm>>
        %dma_start3A_232 = arith.constant 0 : i32
        %dma_start3A_233 = tpu.memref_slice %arg11[%mul3A_225, %dma_start3A_232] : memref<10000x64xf32, #tpu.memory_space<vmem_shared>> -> memref<1000x64xf32, #tpu.memory_space<vmem_shared>>
        tpu.enqueue_dma source(%dma_start3A_233 : memref<1000x64xf32, #tpu.memory_space<vmem_shared>>) target(%dma_start3A_231 : memref<1000x64xf32, #tpu.memory_space<hbm>>) target_semaphore(%run_scoped3A_228 : memref<!tpu.dma_semaphore, #tpu.memory_space<semaphore_mem>>)
        %dma_wait3A_234 = arith.constant 0 : i32
        %dma_wait3A_235 = tpu.memref_slice %arg5[%arg0, %mul3A_227, %dma_wait3A_234] : memref<2x10000x64xf32, #tpu.memory_space<hbm>> -> memref<1x1000x64xf32, #tpu.memory_space<hbm>>
        %dma_wait3A_236 = tpu.memref_squeeze %dma_wait3A_235 : memref<1x1000x64xf32, #tpu.memory_space<hbm>> -> memref<1000x64xf32, #tpu.memory_space<hbm>>
        %dma_wait3A_237 = arith.constant 0 : i32
        %dma_wait3A_238 = tpu.memref_slice %arg11[%mul3A_225, %dma_wait3A_237] : memref<10000x64xf32, #tpu.memory_space<vmem_shared>> -> memref<1000x64xf32, #tpu.memory_space<vmem_shared>>
        tpu.wait_dma2 semaphore(%run_scoped3A_228 : memref<!tpu.dma_semaphore, #tpu.memory_space<semaphore_mem>>) src(%dma_wait3A_238 : memref<1000x64xf32, #tpu.memory_space<vmem_shared>>) dst(%dma_wait3A_236 : memref<1000x64xf32, #tpu.memory_space<hbm>>)
        tpu.yield
      }) : () -> ()
    } else {
    }
    return
  }
}

module attributes {stable_mosaic.version = 14 : i64} {
  func.func @_mm1_body(%arg0: i32, %arg1: memref<1000x256xf32, #tpu.memory_space<vmem>>, %arg2: memref<256x128xf32, #tpu.memory_space<vmem>>, %arg3: memref<1000x128xf32, #tpu.memory_space<vmem>>, %arg4: memref<1000x128xf32, #tpu.memory_space<vmem>>) attributes {dimension_semantics = [#tpu.dimension_semantics<arbitrary>], iteration_bounds = array<i64: 5>, scalar_prefetch = 0 : i64, scratch_operands = 0 : i64, tpu.core_type = #tpu.core_type<tc>, window_params = [{transform_indices = @transform_0, window_bounds = array<i64: 1000, 256>}, {pipeline_mode = #tpu.pipeline_mode<synchronous>, transform_indices = @transform_1, window_bounds = array<i64: 256, 128>}, {transform_indices = @transform_2, window_bounds = array<i64: 1000, 128>}, {transform_indices = @transform_3, window_bounds = array<i64: 1000, 128>}]} {
    %get3A = arith.constant 0 : index
    %get3A_0 = arith.constant 0 : index
    %get3A_1 = vector.load %arg1[%get3A, %get3A_0] : memref<1000x256xf32, #tpu.memory_space<vmem>>, vector<1000x256xf32>
    %get3A_2 = arith.constant 0 : index
    %get3A_3 = arith.constant 0 : index
    %get3A_4 = vector.load %arg2[%get3A_2, %get3A_3] : memref<256x128xf32, #tpu.memory_space<vmem>>, vector<256x128xf32>
    %dot_general3A = arith.constant dense<0.000000e+00> : vector<1000x128xf32>
    %dot_general3A_5 = tpu.matmul %get3A_1, %get3A_4, %dot_general3A {dimension_numbers = #tpu.dot_dimension_numbers<[1], [0], [0], [1], [0, 0, 1, 1], [], []>, transpose_lhs_hint = false} : vector<1000x256xf32>, vector<256x128xf32>, vector<1000x128xf32> -> vector<1000x128xf32>
    %get3A_6 = arith.constant 0 : index
    %get3A_7 = arith.constant 0 : index
    %get3A_8 = vector.load %arg3[%get3A_6, %get3A_7] : memref<1000x128xf32, #tpu.memory_space<vmem>>, vector<1000x128xf32>
    %mul3A = arith.mulf %dot_general3A_5, %get3A_8 : vector<1000x128xf32>
    %swap3A = arith.constant 0 : index
    %swap3A_9 = arith.constant 0 : index
    %swap3A_10 = vector.load %arg4[%swap3A, %swap3A_9] : memref<1000x128xf32, #tpu.memory_space<vmem>>, vector<1000x128xf32>
    tpu.vector_store %arg4[%swap3A, %swap3A_9], %mul3A {strides = array<i32>} : memref<1000x128xf32, #tpu.memory_space<vmem>>, vector<1000x128xf32>,
    return
  }
  func.func @transform_0(%arg0: i32) -> (i32, i32) {
    %c0_i32 = arith.constant 0 : i32
    %c0_i32_0 = arith.constant 0 : i32
    return %arg0, %c0_i32 : i32, i32
  }
  func.func @transform_1(%arg0: i32) -> (i32, i32) {
    %c0_i32 = arith.constant 0 : i32
    %c0_i32_0 = arith.constant 0 : i32
    %c0_i32_1 = arith.constant 0 : i32
    return %c0_i32, %c0_i32_0 : i32, i32
  }
  func.func @transform_2(%arg0: i32) -> (i32, i32) {
    %c0_i32 = arith.constant 0 : i32
    %c0_i32_0 = arith.constant 0 : i32
    return %arg0, %c0_i32 : i32, i32
  }
  func.func @transform_3(%arg0: i32) -> (i32, i32) {
    %c0_i32 = arith.constant 0 : i32
    %c0_i32_0 = arith.constant 0 : i32
    return %arg0, %c0_i32 : i32, i32
  }
}

module attributes {stable_mosaic.version = 14 : i64} {
  func.func @_mid_body(%arg0: i32, %arg1: memref<1000x128xf32, #tpu.memory_space<vmem>>, %arg2: memref<1000x128xf32, #tpu.memory_space<vmem>>, %arg3: memref<1000x128xf32, #tpu.memory_space<vmem>>, %arg4: memref<1000x128xf32, #tpu.memory_space<vmem>>, %arg5: memref<1x128xf32, #tpu.memory_space<vmem>>, %arg6: memref<128x128xf32, #tpu.memory_space<vmem>>, %arg7: memref<1000x128xf32, #tpu.memory_space<vmem>>) attributes {dimension_semantics = [#tpu.dimension_semantics<arbitrary>], iteration_bounds = array<i64: 5>, scalar_prefetch = 0 : i64, scratch_operands = 0 : i64, tpu.core_type = #tpu.core_type<tc>, window_params = [{transform_indices = @transform_0, window_bounds = array<i64: 1000, 128>}, {transform_indices = @transform_1, window_bounds = array<i64: 1000, 128>}, {transform_indices = @transform_2, window_bounds = array<i64: 1000, 128>}, {transform_indices = @transform_3, window_bounds = array<i64: 1000, 128>}, {pipeline_mode = #tpu.pipeline_mode<synchronous>, transform_indices = @transform_4, window_bounds = array<i64: 1, 128>}, {pipeline_mode = #tpu.pipeline_mode<synchronous>, transform_indices = @transform_5, window_bounds = array<i64: 128, 128>}, {transform_indices = @transform_6, window_bounds = array<i64: 1000, 128>}]} {
    %get3A = arith.constant 0 : index
    %get3A_0 = arith.constant 0 : index
    %get3A_1 = vector.load %arg4[%get3A, %get3A_0] : memref<1000x128xf32, #tpu.memory_space<vmem>>, vector<1000x128xf32>
    %get3A_2 = arith.constant 0 : index
    %get3A_3 = arith.constant 0 : index
    %get3A_4 = vector.load %arg1[%get3A_2, %get3A_3] : memref<1000x128xf32, #tpu.memory_space<vmem>>, vector<1000x128xf32>
    %get3A_5 = arith.constant 0 : index
    %get3A_6 = arith.constant 0 : index
    %get3A_7 = vector.load %arg2[%get3A_5, %get3A_6] : memref<1000x128xf32, #tpu.memory_space<vmem>>, vector<1000x128xf32>
    %add3A = arith.addf %get3A_4, %get3A_7 : vector<1000x128xf32>
    %get3A_8 = arith.constant 0 : index
    %get3A_9 = arith.constant 0 : index
    %get3A_10 = vector.load %arg3[%get3A_8, %get3A_9] : memref<1000x128xf32, #tpu.memory_space<vmem>>, vector<1000x128xf32>
    %add3A_11 = arith.addf %add3A, %get3A_10 : vector<1000x128xf32>
    %mul3A = arith.mulf %get3A_1, %add3A_11 : vector<1000x128xf32>
    %get3A_12 = arith.constant 0 : index
    %get3A_13 = arith.constant 0 : index
    %get3A_14 = vector.load %arg5[%get3A_12, %get3A_13] : memref<1x128xf32, #tpu.memory_space<vmem>>, vector<1x128xf32>
    %add3A_15 = vector.broadcast %get3A_14 : vector<1x128xf32> to vector<1000x128xf32>
    %add3A_16 = arith.addf %mul3A, %add3A_15 : vector<1000x128xf32>
    %max3A = arith.constant 0.000000e+00 : f32
    %max3A_17 = vector.broadcast %max3A : f32 to vector<1000x128xf32>
    %max3A_18 = arith.maximumf %add3A_16, %max3A_17 : vector<1000x128xf32>
    %get3A_19 = arith.constant 0 : index
    %get3A_20 = arith.constant 0 : index
    %get3A_21 = vector.load %arg6[%get3A_19, %get3A_20] : memref<128x128xf32, #tpu.memory_space<vmem>>, vector<128x128xf32>
    %dot_general3A = arith.constant dense<0.000000e+00> : vector<1000x128xf32>
    %dot_general3A_22 = tpu.matmul %max3A_18, %get3A_21, %dot_general3A {dimension_numbers = #tpu.dot_dimension_numbers<[1], [0], [0], [1], [0, 0, 1, 1], [], []>, transpose_lhs_hint = false} : vector<1000x128xf32>, vector<128x128xf32>, vector<1000x128xf32> -> vector<1000x128xf32>
    %mul3A_23 = arith.mulf %get3A_1, %dot_general3A_22 : vector<1000x128xf32>
    %swap3A = arith.constant 0 : index
    %swap3A_24 = arith.constant 0 : index
    %swap3A_25 = vector.load %arg7[%swap3A, %swap3A_24] : memref<1000x128xf32, #tpu.memory_space<vmem>>, vector<1000x128xf32>
    tpu.vector_store %arg7[%swap3A, %swap3A_24], %mul3A_23 {strides = array<i32>} : memref<1000x128xf32, #tpu.memory_space<vmem>>, vector<1000x128xf32>,
    return
  }
  func.func @transform_0(%arg0: i32) -> (i32, i32) {
    %c0_i32 = arith.constant 0 : i32
    %c0_i32_0 = arith.constant 0 : i32
    return %arg0, %c0_i32 : i32, i32
  }
  func.func @transform_1(%arg0: i32) -> (i32, i32) {
    %add3A = arith.constant 5 : i32
    %add3A_0 = arith.addi %arg0, %add3A : i32
    %c0_i32 = arith.constant 0 : i32
    %c0_i32_1 = arith.constant 0 : i32
    return %add3A_0, %c0_i32 : i32, i32
  }
  func.func @transform_2(%arg0: i32) -> (i32, i32) {
    %c0_i32 = arith.constant 0 : i32
    %c0_i32_0 = arith.constant 0 : i32
    return %arg0, %c0_i32 : i32, i32
  }
  func.func @transform_3(%arg0: i32) -> (i32, i32) {
    %c0_i32 = arith.constant 0 : i32
    %c0_i32_0 = arith.constant 0 : i32
    return %arg0, %c0_i32 : i32, i32
  }
  func.func @transform_4(%arg0: i32) -> (i32, i32) {
    %c0_i32 = arith.constant 0 : i32
    %c0_i32_0 = arith.constant 0 : i32
    %c0_i32_1 = arith.constant 0 : i32
    return %c0_i32, %c0_i32_0 : i32, i32
  }
  func.func @transform_5(%arg0: i32) -> (i32, i32) {
    %c0_i32 = arith.constant 0 : i32
    %c0_i32_0 = arith.constant 0 : i32
    %c0_i32_1 = arith.constant 0 : i32
    return %c0_i32, %c0_i32_0 : i32, i32
  }
  func.func @transform_6(%arg0: i32) -> (i32, i32) {
    %c0_i32 = arith.constant 0 : i32
    %c0_i32_0 = arith.constant 0 : i32
    return %arg0, %c0_i32 : i32, i32
  }
}

module attributes {stable_mosaic.version = 14 : i64} {
  func.func @_fin_body(%arg0: i32, %arg1: memref<1000x128xf32, #tpu.memory_space<vmem>>, %arg2: memref<1000x128xf32, #tpu.memory_space<vmem>>, %arg3: memref<1000x128xf32, #tpu.memory_space<vmem>>, %arg4: memref<1000x128xf32, #tpu.memory_space<vmem>>, %arg5: memref<1x128xf32, #tpu.memory_space<vmem>>, %arg6: memref<1000x128xf32, #tpu.memory_space<vmem>>) attributes {dimension_semantics = [#tpu.dimension_semantics<arbitrary>], iteration_bounds = array<i64: 5>, scalar_prefetch = 0 : i64, scratch_operands = 0 : i64, tpu.core_type = #tpu.core_type<tc>, window_params = [{transform_indices = @transform_0, window_bounds = array<i64: 1000, 128>}, {transform_indices = @transform_1, window_bounds = array<i64: 1000, 128>}, {transform_indices = @transform_2, window_bounds = array<i64: 1000, 128>}, {transform_indices = @transform_3, window_bounds = array<i64: 1000, 128>}, {pipeline_mode = #tpu.pipeline_mode<synchronous>, transform_indices = @transform_4, window_bounds = array<i64: 1, 128>}, {transform_indices = @transform_5, window_bounds = array<i64: 1000, 128>}]} {
    %get3A = arith.constant 0 : index
    %get3A_0 = arith.constant 0 : index
    %get3A_1 = vector.load %arg4[%get3A, %get3A_0] : memref<1000x128xf32, #tpu.memory_space<vmem>>, vector<1000x128xf32>
    %get3A_2 = arith.constant 0 : index
    %get3A_3 = arith.constant 0 : index
    %get3A_4 = vector.load %arg1[%get3A_2, %get3A_3] : memref<1000x128xf32, #tpu.memory_space<vmem>>, vector<1000x128xf32>
    %get3A_5 = arith.constant 0 : index
    %get3A_6 = arith.constant 0 : index
    %get3A_7 = vector.load %arg2[%get3A_5, %get3A_6] : memref<1000x128xf32, #tpu.memory_space<vmem>>, vector<1000x128xf32>
    %add3A = arith.addf %get3A_4, %get3A_7 : vector<1000x128xf32>
    %get3A_8 = arith.constant 0 : index
    %get3A_9 = arith.constant 0 : index
    %get3A_10 = vector.load %arg3[%get3A_8, %get3A_9] : memref<1000x128xf32, #tpu.memory_space<vmem>>, vector<1000x128xf32>
    %add3A_11 = arith.addf %add3A, %get3A_10 : vector<1000x128xf32>
    %mul3A = arith.mulf %get3A_1, %add3A_11 : vector<1000x128xf32>
    %get3A_12 = arith.constant 0 : index
    %get3A_13 = arith.constant 0 : index
    %get3A_14 = vector.load %arg5[%get3A_12, %get3A_13] : memref<1x128xf32, #tpu.memory_space<vmem>>, vector<1x128xf32>
    %add3A_15 = vector.broadcast %get3A_14 : vector<1x128xf32> to vector<1000x128xf32>
    %add3A_16 = arith.addf %mul3A, %add3A_15 : vector<1000x128xf32>
    %slice3A = vector.extract_strided_slice %add3A_16 {offsets = [0, 0], sizes = [1000, 64], strides = [1, 1]} : vector<1000x128xf32> to vector<1000x64xf32>
    %slice3A_17 = vector.extract_strided_slice %add3A_16 {offsets = [0, 64], sizes = [1000, 64], strides = [1, 1]} : vector<1000x128xf32> to vector<1000x64xf32>
    %reduce_max3A = arith.constant dense<0xFF800000> : vector<1000xf32>
    %reduce_max3A_18 = vector.multi_reduction <maximumf>, %slice3A, %reduce_max3A [1] : vector<1000x64xf32> to vector<1000xf32>
    %broadcast_in_dim3A = vector.shape_cast %reduce_max3A_18 : vector<1000xf32> to vector<1000x1xf32>
    %sub3A = vector.broadcast %broadcast_in_dim3A : vector<1000x1xf32> to vector<1000x64xf32>
    %sub3A_19 = arith.subf %slice3A, %sub3A : vector<1000x64xf32>
    %exp3A = math.exp %sub3A_19 : vector<1000x64xf32>
    %reduce_sum3A = arith.constant dense<0.000000e+00> : vector<1000xf32>
    %reduce_sum3A_20 = vector.multi_reduction <add>, %exp3A, %reduce_sum3A [1] : vector<1000x64xf32> to vector<1000xf32>
    %broadcast_in_dim3A_21 = vector.shape_cast %reduce_sum3A_20 : vector<1000xf32> to vector<1000x1xf32>
    %log3A = math.log %broadcast_in_dim3A_21 : vector<1000x1xf32>
    %add3A_22 = arith.addf %log3A, %broadcast_in_dim3A : vector<1000x1xf32>
    %sub3A_23 = vector.broadcast %add3A_22 : vector<1000x1xf32> to vector<1000x64xf32>
    %sub3A_24 = arith.subf %slice3A, %sub3A_23 : vector<1000x64xf32>
    %reduce_max3A_25 = arith.constant dense<0xFF800000> : vector<1000xf32>
    %reduce_max3A_26 = vector.multi_reduction <maximumf>, %slice3A_17, %reduce_max3A_25 [1] : vector<1000x64xf32> to vector<1000xf32>
    %broadcast_in_dim3A_27 = vector.shape_cast %reduce_max3A_26 : vector<1000xf32> to vector<1000x1xf32>
    %sub3A_28 = vector.broadcast %broadcast_in_dim3A_27 : vector<1000x1xf32> to vector<1000x64xf32>
    %sub3A_29 = arith.subf %slice3A_17, %sub3A_28 : vector<1000x64xf32>
    %exp3A_30 = math.exp %sub3A_29 : vector<1000x64xf32>
    %reduce_sum3A_31 = arith.constant dense<0.000000e+00> : vector<1000xf32>
    %reduce_sum3A_32 = vector.multi_reduction <add>, %exp3A_30, %reduce_sum3A_31 [1] : vector<1000x64xf32> to vector<1000xf32>
    %broadcast_in_dim3A_33 = vector.shape_cast %reduce_sum3A_32 : vector<1000xf32> to vector<1000x1xf32>
    %log3A_34 = math.log %broadcast_in_dim3A_33 : vector<1000x1xf32>
    %add3A_35 = arith.addf %log3A_34, %broadcast_in_dim3A_27 : vector<1000x1xf32>
    %sub3A_36 = vector.broadcast %add3A_35 : vector<1000x1xf32> to vector<1000x64xf32>
    %sub3A_37 = arith.subf %slice3A_17, %sub3A_36 : vector<1000x64xf32>
    %concatenate3A = tpu.concatenate %sub3A_24, %sub3A_37 in 1 : vector<1000x64xf32>, vector<1000x64xf32> -> vector<1000x128xf32>
    %swap3A = arith.constant 0 : index
    %swap3A_38 = arith.constant 0 : index
    %swap3A_39 = vector.load %arg6[%swap3A, %swap3A_38] : memref<1000x128xf32, #tpu.memory_space<vmem>>, vector<1000x128xf32>
    tpu.vector_store %arg6[%swap3A, %swap3A_38], %concatenate3A {strides = array<i32>} : memref<1000x128xf32, #tpu.memory_space<vmem>>, vector<1000x128xf32>,
    return
  }
  func.func @transform_0(%arg0: i32) -> (i32, i32) {
    %c0_i32 = arith.constant 0 : i32
    %c0_i32_0 = arith.constant 0 : i32
    return %arg0, %c0_i32 : i32, i32
  }
  func.func @transform_1(%arg0: i32) -> (i32, i32) {
    %add3A = arith.constant 5 : i32
    %add3A_0 = arith.addi %arg0, %add3A : i32
    %c0_i32 = arith.constant 0 : i32
    %c0_i32_1 = arith.constant 0 : i32
    return %add3A_0, %c0_i32 : i32, i32
  }
  func.func @transform_2(%arg0: i32) -> (i32, i32) {
    %c0_i32 = arith.constant 0 : i32
    %c0_i32_0 = arith.constant 0 : i32
    return %arg0, %c0_i32 : i32, i32
  }
  func.func @transform_3(%arg0: i32) -> (i32, i32) {
    %c0_i32 = arith.constant 0 : i32
    %c0_i32_0 = arith.constant 0 : i32
    return %arg0, %c0_i32 : i32, i32
  }
  func.func @transform_4(%arg0: i32) -> (i32, i32) {
    %c0_i32 = arith.constant 0 : i32
    %c0_i32_0 = arith.constant 0 : i32
    %c0_i32_1 = arith.constant 0 : i32
    return %c0_i32, %c0_i32_0 : i32, i32
  }
  func.func @transform_5(%arg0: i32) -> (i32, i32) {
    %c0_i32 = arith.constant 0 : i32
    %c0_i32_0 = arith.constant 0 : i32
    return %arg0, %c0_i32 : i32, i32
  }
}

</mosaic_0001>

<sc_bundles>
// kernel: kernel.10.cloned.1.call-start
scs
__scs_entry_jumppad:
0x0: {  	(pc) =	sbr.rel $0x88, $3  }
0x1: {  	(tag) =	ssettag $0x0;
	lr =	simm.s32 $0x1  }
0x2: {  	[smem:$0x3F99] =	sst lr;
	_ =	strace $0xD0000000  }
0x3: {  	_ = 	snop  }
0x4: {  	_ = 	snop  }
0x5: {  	_ = 	snop  }
0x6: {  	_ = 	snop  }
0x7: {  	_ = 	snop  }
__scs_overlays_trampoline_lowered:
0x8: {  	[smem:$0x3FA8] =	sst s0  }
0x9: {  	[smem:$0x3FA9] =	sst s1  }
0xa: {  	[smem:$0x3FAA] =	sst s2  }
0xb: {  	[smem:$0x3FAB] =	sst s3  }
0xc: {  	[smem:$0x3FAC] =	sst s4  }
0xd: {  	[smem:$0x3FAD] =	sst s5  }
0xe: {  	[smem:$0x3FAE] =	sst s6  }
0xf: {  	[smem:$0x3FAF] =	sst s7  }
0x10: {  	[smem:$0x3FB0] =	sst s8  }
0x11: {  	[smem:$0x3FB1] =	sst s9;
	s0 =	simm.s32 @!p0 $0x0  }
0x12: {  	s1 =	sld [smem:$0x3F97];
	s0 =	simm.s32 @p0 $0x1  }
0x13: {  	[smem:$0x3FB2] =	sst s0;
	s0 =	simm.s32 @!p1 $0x0  }
0x14: {  	s2 =	sld [smem:$0x3F96];
	s0 =	simm.s32 @p1 $0x1  }
0x15: {  	[smem:$0x3FB3] =	sst s0;
	s0 =	simm.s32 @!p2 $0x0  }
0x16: {  	s3 =	sld [smem:$0x3FDB];
	s0 =	simm.s32 @p2 $0x1  }
0x17: {  	s4 =	simm.s32 $0x1BF5;
	[smem:$0x3FB5] =	sst s0  }
0x18: {  	s0 =	sld [smem:$0x3F98];
	_ =	swait.ge [sflag:s4], $0x0  }
0x19: {  	s7 =	sld [smem:$0x3F99]  }
0x1a: {  	s8 =	sadd.s32 $0xFFFFE003, lr  }
0x1b: {  	s9 =	sadd.s32 $0xFFFFFEF7, lr;
	s5 =	simm.s32 $0xFFFFFFFF;
	p2 =	slt.u32 s8, $0xFFFFF086  }
0x1c: {  	p1 =	slt.u32 s9, $0xF7A;
	s5 =	simm.s32 @!p2 $0x0  }
0x1d: {  	s5 =	simm.s32 @p1 $0x1;
	p0 =	seq.s32 s7, s2  }
0x1e: {  	s7 =	smul.u32 @!p0 $0xF7A, s2;
	p2 =	seq.s32 @!p0 s5, $0x0  }
0x1f: {  	s9 =	smul.u32 $0xF7A, s1;
	s8 =	simm.s32 @!p0 $0x1BF5;
	p2 =	por !p2, p0  }
0x20: {  	[sflag:s8] =	ssyncset.s32 @!p0 $0xFFFFF086;
	s6 =	sadd.s32 @!p0 s3, s7;
	s7 =	simm.s32 @!p0 $0x108  }
0x21: {  	s3 =	sadd.s32 s3, s9;
	s6 =	sadd.s32 @!p0 $0x88, s6;
	s7 =	simm.s32 @p2 $0x1082  }
0x22: {  	[simem:s7], [sflag:s8] =	dma.local @!p0 [hbm:s6], $0xF7A  }
0x23: {  	s9 =	sor.u32 $0xD0000000, s2;
	s6 =	simm.s32 $0x108;
	_ =	swait.ge @!p0 [sflag:s8], $0x0  }
0x24: {  	s3 =	sadd.s32 $0x88, s3;
	s6 =	simm.s32 @!p1 $0x1082;
	[sflag:s4] =	ssyncset.s32 $0xFFFFF086  }
0x25: {  	[simem:s6], [sflag:s4] =	dma.local [hbm:s3], $0xF7A  }
0x26: {  	[smem:$0x3F99] =	sst s1;
	(tag) =	ssettag s2;
	_ =	strace s9  }
0x27: {  	s1 =	sld [smem:$0x3FA9]  }
0x28: {  	s2 =	sld [smem:$0x3FAA]  }
0x29: {  	s4 =	sld [smem:$0x3FAC]  }
0x2a: {  	p0 =	seq.s32 s5, $0x0;
	s5 =	sld [smem:$0x3FAD]  }
0x2b: {  	s6 =	sld [smem:$0x3FAE]  }
0x2c: {  	s7 =	sld [smem:$0x3FAF]  }
0x2d: {  	s3 =	simm.s32 $0x108;
	s8 =	sld [smem:$0x3FB0]  }
0x2e: {  	s3 =	simm.s32 @!p0 $0x1082;
	s9 =	sld [smem:$0x3FB1]  }
0x2f: {  	lr =	sadd.s32 s0, s3;
	s0 =	sld [smem:$0x3FA8]  }
0x30: {  	s3 =	sld [smem:$0x3FAB]  }
0x31: {  	[smem:$0x3FB4] =	sst s10  }
0x32: {  	s10 =	sld [smem:$0x3FB2];
	_ =	sdelay $0x3  }
0x33: {  	p0 =	seq.s32 s10, $0x1;
	s10 =	sld [smem:$0x3FB4];
	_ =	sdelay $0x3  }
0x34: {  	[smem:$0x3FB4] =	sst s10  }
0x35: {  	s10 =	sld [smem:$0x3FB3];
	_ =	sdelay $0x3  }
0x36: {  	p1 =	seq.s32 s10, $0x1;
	s10 =	sld [smem:$0x3FB4];
	_ =	sdelay $0x3  }
0x37: {  	[smem:$0x3FB4] =	sst s10  }
0x38: {  	s10 =	sld [smem:$0x3FB5]  }
0x39: {  	_ = 	snop;
	(pc) =	sbr.ind lr, $3  }
0x3a: {  	_ = 	snop  }
0x3b: {  	_ = 	snop  }
0x3c: {  	p2 =	seq.s32 s10, $0x1;
	s10 =	sld [smem:$0x3FB4]  }
0x3d: {  	_ =	shalt  }
0x3e: {  	_ =	shalt  }
0x3f: {  	_ =	shalt  }
0x40: {  	_ =	shalt  }
0x41: {  	_ =	shalt  }
0x42: {  	_ =	shalt  }
0x43: {  	_ =	shalt  }
0x44: {  	_ =	shalt  }
0x45: {  	_ =	shalt  }
0x46: {  	_ =	shalt  }
0x47: {  	_ =	shalt  }
0x48: {  	_ =	shalt  }
0x49: {  	_ =	shalt  }
0x4a: {  	_ =	shalt  }
0x4b: {  	_ =	shalt  }
0x4c: {  	_ =	shalt  }
0x4d: {  	_ =	shalt  }
0x4e: {  	_ =	shalt  }
0x4f: {  	_ =	shalt  }
0x50: {  	_ =	shalt  }
0x51: {  	_ =	shalt  }
0x52: {  	_ =	shalt  }
0x53: {  	_ =	shalt  }
0x54: {  	_ =	shalt  }
0x55: {  	_ =	shalt  }
0x56: {  	_ =	shalt  }
0x57: {  	_ =	shalt  }
0x58: {  	_ =	shalt  }
0x59: {  	_ =	shalt  }
0x5a: {  	_ =	shalt  }
0x5b: {  	_ =	shalt  }
0x5c: {  	_ =	shalt  }
0x5d: {  	_ =	shalt  }
0x5e: {  	_ =	shalt  }
0x5f: {  	_ =	shalt  }
0x60: {  	_ =	shalt  }
0x61: {  	_ =	shalt  }
0x62: {  	_ =	shalt  }
0x63: {  	_ =	shalt  }
0x64: {  	_ =	shalt  }
0x65: {  	_ =	shalt  }
0x66: {  	_ =	shalt  }
0x67: {  	_ =	shalt  }
0x68: {  	_ =	shalt  }
0x69: {  	_ =	shalt  }
0x6a: {  	_ =	shalt  }
0x6b: {  	_ =	shalt  }
0x6c: {  	_ =	shalt  }
0x6d: {  	_ =	shalt  }
0x6e: {  	_ =	shalt  }
0x6f: {  	_ =	shalt  }
0x70: {  	_ =	shalt  }
0x71: {  	_ =	shalt  }
0x72: {  	_ =	shalt  }
0x73: {  	_ =	shalt  }
0x74: {  	_ =	shalt  }
0x75: {  	_ =	shalt  }
0x76: {  	_ =	shalt  }
0x77: {  	_ =	shalt  }
0x78: {  	_ =	shalt  }
0x79: {  	_ =	shalt  }
0x7a: {  	_ =	shalt  }
0x7b: {  	_ =	shalt  }
0x7c: {  	_ =	shalt  }
0x7d: {  	_ =	shalt  }
0x7e: {  	_ =	shalt  }
0x7f: {  	_ =	shalt  }
0x80: {  	_ =	shalt  }
0x81: {  	_ =	shalt  }
0x82: {  	_ =	shalt  }
0x83: {  	_ =	shalt  }
0x84: {  	_ =	shalt  }
0x85: {  	_ =	shalt  }
0x86: {  	_ =	shalt  }
0x87: {  	_ =	shalt  }
.Lfunc_end0:
.L_simem_size_0:
called_computation_lowered:
.L_overlay_start_0:
0x88: {  	s2 =	sld [smem:$0x3FD9]  }
0x89: {  	s3 =	sld [smem:$0x3FFE];
	_ =	sdelay $0x1  }
0x8a: {  	s1 =	srdreg.scid  }
0x8b: {  	s0 =	sand.u32 $0x1, s1  }
0x8c: {  	s17 =	sshll.u32 s0, $0xA;
	s2 =	sadd.s32 s3, s2  }
0x8d: {  	s2 =	sadd.s32 s2, s17  }
0x8e: {  	[smem:$0x3FC0] =	sst s2  }
0x8f: {  	_ = 	snop  }
0x90: {  	s2 =	sld [smem:$0x3FD0];
	(tm) =	ssettm $0x1  }
0x91: {  	s18 =	sld [smem:$0x3FFB];
	_ =	sdelay $0x3  }
0x92: {  	_ =	strace s18  }
0x93: {  	s3 =	sld [smem:$0x3FFC];
	_ =	sdelay $0x3  }
0x94: {  	_ =	strace s3  }
0x95: {  	s3 =	sld [smem:$0x3FFD];
	_ =	sdelay $0x3  }
0x96: {  	_ =	strace s3  }
0x97: {  	_ =	strace $0x8FFFFFFF  }
0x98: {  	s19 =	sld [smem:$0x3FDB];
	_ =	sdelay $0x1  }
0x99: {  	s4 =	simm.s32 $_scs_section_size  }
0x9a: {  	s5 =	simm.s32 $_size__tile_overlayer_lowered;
	s6 =	simm.s32 $_tile_overlayer_lowered  }
0x9b: {  	s22 =	simm.s32 $0x1BFF;
	s21 =	sshll.u32 s6, $0x1;
	s3 =	sadd.s32 s4, s19  }
0x9c: {  	s7 =	simm.s32 $0x0;
	s20 =	sshll.u32 s5, $0x1;
	s5 =	sadd.s32 s21, s3  }
0x9d: {  	[timem:s7], [sflag:s22] =	dma.local [hbm:s5], s20  }
0x9e: {  	_ =	swait.ge [sflag:s22], s20  }
0x9f: {  	s4 =	ssub.s32 $0x0, s20;
	[sflag:s22] =	ssyncset.done $0x0  }
0xa0: {  	[sflag:s22] =	ssyncadd.s32 s4;
	_ =	sdelay $0x1  }
0xa1: {  	s23 =	simm.s32 $0x1B8B  }
0xa2: {  	_ =	swait.ge [sflag:s23], $0x1  }
0xa3: {  	[sflag:s23] =	ssyncset.done $0x0  }
0xa4: {  	s25 =	simm.s32 $0x1B8E;
	s24 =	sld [smem:$0x3FFE];
	[sflag:s23] =	ssyncadd.s32 $0xFFFFFFFF  }
0xa5: {  	s26 =	simm.s32 $execute0_lowered;
	[smem:$0x3FD2] =	sst s25  }
0xa6: {  	s5 =	sshll.u32 s26, $0x1;
	_ =	strace $0x80000046;
	[dreg:$0x1] =	wrdreg $0xFFFFFFFF  }
0xa7: {  	s28 =	simm.s32 $_size_execute0_lowered;
	s3 =	sadd.s32 s3, s5;
	[dreg:$0x0] =	wrdreg $0x0  }
0xa8: {  	s5 =	sshll.u32 s28, $0x1;
	[dreg:$0x2] =	wrdreg s3  }
0xa9: {  	[dreg:$0x3] =	wrdreg s5  }
0xaa: {  	[dreg:$0x4] =	wrdreg $0xC0  }
0xab: {  	_ =	task [dreg:s7], $0x5FFFF  }
0xac: {  	[dreg:$0x1] =	wrdreg $0xFFFFFFFF  }
0xad: {  	[dreg:$0x0] =	wrdreg $0x60  }
0xae: {  	[dreg:$0x2] =	wrdreg s2  }
0xaf: {  	[dreg:$0x3] =	wrdreg s24  }
0xb0: {  	[dreg:$0x4] =	wrdreg $0x27900  }
0xb1: {  	[dreg:$0x5] =	wrdreg $0x9  }
0xb2: {  	_ =	task.clear_ibuf [dreg:s7], $0x6FFFF;
	_ =	strace $0x90000046  }
0xb3: {  	s29 =	simm.s32 $0x9;
	_ =	strace $0x80000048  }
0xb4: {  	_ =	swait.ge [sflag:s29], $0x1  }
0xb5: {  	[sflag:s29] =	ssyncadd.s32 $0xFFFFFFFF  }
0xb6: {  	_ =	strace $0x90000048  }
0xb7: {  	_ =	sfence  }
0xb8: {  	s30 =	sld [smem:$0x0];
	_ =	sdelay $0x2  }
0xb9: {  	s31 =	sshll.u32 s1, $0xD;
	s1 =	sshrl.u32 s1, $0x2  }
0xba: {  	s3 =	sand.u32 $0x4000, s31;
	s1 =	sadd.s32 s1, s30  }
0xbb: {  	s0 =	sor.u32 s3, s0;
	s1 =	sshll.u32 s1, $0x11  }
0xbc: {  	s0 =	sor.u32 s1, s0  }
0xbd: {  	s0 =	sadd.s32 $0x8F2B, s0  }
0xbe: {  	[sflag:s0] =	ssyncadd.remote.s32 $0x1  }
0xbf: {  	_ =	sfence.sel $0xFFFF  }
0xc0: {  	[dreg:$0x0] =	wrdreg $0xFFFFFFFF;
	(pc) =	sbr.abs _section_cstart, $3  }
0xc1: {  	[dreg:$0x1] =	wrdreg $0xFFFFFFFF  }
0xc2: {  	_ =	task.clear_ibuf [dreg:s7], $0x2FFFF;
	_ =	strace $0x9FFFFFFF  }
0xc3: {  	(tm) =	ssettm $0x7FFFFFFF  }
tec
execute0_lowered:
.L_overlay_start_1:
0x0: {  	(tag) =	ssettag $0x1  }
0x1: {  	s4 =	rddreg [dreg:$0x0]  }
0x2: {  	s0 =	srdreg.scid;
	s5 =	rddreg [dreg:$0x1]  }
0x3: {  	s1 =	rddreg [dreg:$0x2];
	s6 =	stileid.u32;
	s2 =	simm.s32 $0x0  }
0x4: {  	s11 =	simm.s32 $0x10;
	s12 =	simm.s32 $0x2700;
	s13 =	simm.s32 $0x1  }
0x5: {  	s14 =	simm.s32 $0x0;
	s3 =	sand.u32 $0x1, s0;
	s0 =	rddreg [dreg:$0x3]  }
0x6: {  	[smem:$0x7FF] =	sst s2;
	p0 =	sne.s32 s6, $0x0;
	s7 =	sshll.u32 s3, $0x4  }
0x7: {  	s8 =	smul.u32 $0x4E2, s3;
	s9 =	ssub.s32 $0x2, s3;
	s7 =	sor.u32 s6, s7  }
0x8: {  	_ =	strace $0x80000047;
	s10 =	sshrl.u32 s9, $0x1;
	s7 =	smul.u32 $0x2710, s7  }
0x9: {  	s3 =	sadd.s32 $0x3200, s5;
	s5 =	sadd.s32 s8, s5;
	s31 =	ssub.s32 s9, s10  }
0xa: {  	s8 =	simm.s32 $0x2;
	s9 =	simm.s32 $0x80;
	s7 =	sshrl.u32 s7, $0x3  }
0xb: {  	s10 =	simm.s32 $0x2710;
	s5 =	sadd.s32 $0x3800, s5;
	s4 =	sadd.s32 s4, s7  }
0xc: {  	v0 =	vimm.f32 $1.000000000e+00;
	s6 =	smax.u32 s31, $0x1;
	s7 =	sshrl.u32 @!p0 s1, $0x3;
	s4 =	sadd.s32 $0x9C40, s4  }
.LBB2_1:
0xd: {  	s15 =	simm.s32 @!p0 $0x1C02  }
0xe: {  	[spmem:s7], [sflag:s15] =	dma.local @!p0 [hbm:s3], $0x4E2  }
0xf: {  	s15 =	simm.s32 @!p0 $0x2  }
0x10: {  	_ =	swait.ge @!p0 [sflag:s15], $0x4E2  }
0x11: {  	[sflag:s15] =	ssyncset.done @!p0 $0x0  }
0x12: {  	[sflag:s15] =	ssyncadd.s32 @!p0 $0xFFFFFB1E  }
0x13: {  	[tilespmem:$0x2710] =	vst v0  }
0x14: {  	[tilespmem:$0x2720] =	vst v0  }
0x15: {  	[tilespmem:$0x2730] =	vst v0  }
0x16: {  	[tilespmem:$0x2740] =	vst v0  }
0x17: {  	[tilespmem:$0x2750] =	vst v0  }
0x18: {  	[tilespmem:$0x2760] =	vst v0  }
0x19: {  	[tilespmem:$0x2770] =	vst v0  }
0x1a: {  	[tilespmem:$0x2780] =	vst v0  }
0x1b: {  	[tilespmem:s2], [sflag:$0x2] =	stream.linear.gather [hbm4b:s4+s2], $0x2710, $0x38;
	[tilespmem:$0x2A08] =	vst v63  }
0x1c: {  	_ =	swait.ge [sflag:s8], $0x2710  }
0x1d: {  	[sflag:s8] =	ssyncset.done $0x0  }
0x1e: {  	[sflag:s8] =	ssyncadd.s32 $0xFFFFD8F0  }
0x1f: {  	s16 =	simm.s32 $0x0;
	s15 =	simm.s32 $0x200;
	[bflag:$0x0] =	sbarrier.arrive $0xFFFF  }
.LBB2_2:
0x20: {  	[spmem:s1] =	stream.indirect.scatter.add.f32 [tilespmem:s10], [sflag:$0x1], $0x1, s16, s9, $0xb8;
	[tilespmem:$0x2A08] =	vst v63  }
0x21: {  	s16 =	smov.u32 s15;
	p1 =	sne.s32 s15, $0x9A00  }
.Ltmp0:
0x22: {  	s15 =	sadd.s32 $0x200, s15;
	(pc) =	sbr.rel @p1 .LBB2_2-.Ltmp0, $2  }
0x23: {  	_ =	sdelay $0x2  }
0x24: {  	s16 =	sshra.s32 s16, $0x2  }
0x25: {  	[spmem:s1] =	stream.indirect.scatter.add.f32 [tilespmem:s10], [sflag:$0x1], $0x1, s16, s9, $0xb8;
	[tilespmem:$0x2A08] =	vst v63  }
0x26: {  	_ = 	snop  }
0x27: {  	[spmem:s1] =	stream.indirect.scatter.add.f32 [tilespmem:s10], [sflag:$0x1], $0x1, s12, s11, $0xb8;
	[tilespmem:$0x2A08] =	vst v63  }
0x28: {  	_ =	swait.ge [sflag:s13], $0x80  }
0x29: {  	s15 =	simm.s32 $0x4D;
	[sflag:s13] =	ssyncset.done $0x0  }
.LBB2_4:
0x2a: {  	p1 =	sne.s32 s15, $0x1;
	s15 =	sadd.s32 $0xFFFFFFFF, s15;
	[sflag:s13] =	ssyncadd.s32 $0xFFFFFF80  }
.Ltmp1:
0x2b: {  	(pc) =	sbr.rel @p1 .LBB2_4-.Ltmp1, $3  }
0x2c: {  	_ =	sdelay $0x1  }
0x2d: {  	_ =	swait.ge [sflag:s13], $0x80  }
0x2e: {  	[sflag:s13] =	ssyncset.done $0x0  }
0x2f: {  	[sflag:s13] =	ssyncadd.s32 $0xFFFFFF80  }
0x30: {  	_ =	swait.ge [sflag:s13], $0x10  }
0x31: {  	[sflag:s13] =	ssyncset.done $0x0  }
0x32: {  	s14 =	sadd.s32 $0x1, s14;
	[sflag:s13] =	ssyncadd.s32 $0xFFFFFFF0  }
0x33: {  	s15 =	simm.s32 @!p0 $0x1C02;
	p1 =	sne.s32 s14, s6;
	[bflag:$0x0] =	sbarrier.arrive $0xFFFF  }
0x34: {  	[hbm:s5], [sflag:s15] =	dma.local @!p0 [spmem:s7], $0x4E2  }
.Ltmp2:
0x35: {  	_ = 	snop;
	(pc) =	sbr.rel @p1 .LBB2_1-.Ltmp2, $4  }
0x36: {  	s15 =	simm.s32 @!p0 $0x2  }
0x37: {  	_ =	swait.ge @!p0 [sflag:s15], $0x4E2  }
0x38: {  	[sflag:s15] =	ssyncset.done @!p0 $0x0  }
0x39: {  	[sflag:s15] =	ssyncadd.s32 @!p0 $0xFFFFFB1E  }
0x3a: {  	_ =	sfence.sel $0x180000  }
0x3b: {  	[bflag:$0x0] =	sbarrier.arrive $0xFFFF  }
0x3c: {  	_ =	strace $0x90000047  }
0x3d: {  	s0 =	sadd.s32 @!p0 $0x100000, s0;
	[bflag:$0x2] =	sbarrier.arrive $0xFFFF  }
0x3e: {  	[sflag:s0] =	ssyncadd.tile.s32 @!p0 $0x1;
	_ =	shalt  }
.Lfunc_end2:
_tile_overlayer_lowered:
.L_overlay_start_2:
0x3f: {  	(tag) =	ssettag $0x2  }
0x40: {  	s0 =	rddreg [dreg:$0x0];
	s2 =	stileid.u32  }
0x41: {  	s1 =	rddreg [dreg:$0x1];
	p0 =	sne.s32 s2, $0x0  }
0x42: {  	s3 =	rddreg [dreg:$0x2];
	[bflag:$0x3] =	sbarrier.arrive $0xFFFF;
	s2 =	simm.s32 @!p0 $0x1C02  }
0x43: {  	[timem:s3], [sflag:s2] =	dma.local @!p0 [hbm:s0], s1  }
0x44: {  	s0 =	simm.s32 @!p0 $0x2  }
0x45: {  	_ =	swait.ge @!p0 [sflag:s0], s1  }
0x46: {  	s1 =	ssub.s32 @!p0 $0x0, s1;
	[sflag:s0] =	ssyncset.done @!p0 $0x0  }
0x47: {  	[sflag:s0] =	ssyncadd.s32 @!p0 s1  }
0x48: {  	[bflag:$0x3] =	sbarrier.arrive $0xFFFF  }
0x49: {  	_ =	shalt  }

// kernel: kernel.13.cloned.1.call-start
scs
__scs_entry_jumppad:
0x0: {  	(pc) =	sbr.rel $0x88, $3  }
0x1: {  	(tag) =	ssettag $0x0;
	lr =	simm.s32 $0x1  }
0x2: {  	[smem:$0x3F99] =	sst lr;
	_ =	strace $0xD0000000  }
0x3: {  	_ = 	snop  }
0x4: {  	_ = 	snop  }
0x5: {  	_ = 	snop  }
0x6: {  	_ = 	snop  }
0x7: {  	_ = 	snop  }
__scs_overlays_trampoline_lowered:
0x8: {  	[smem:$0x3FA8] =	sst s0  }
0x9: {  	[smem:$0x3FA9] =	sst s1  }
0xa: {  	[smem:$0x3FAA] =	sst s2  }
0xb: {  	[smem:$0x3FAB] =	sst s3  }
0xc: {  	[smem:$0x3FAC] =	sst s4  }
0xd: {  	[smem:$0x3FAD] =	sst s5  }
0xe: {  	[smem:$0x3FAE] =	sst s6  }
0xf: {  	[smem:$0x3FAF] =	sst s7  }
0x10: {  	[smem:$0x3FB0] =	sst s8  }
0x11: {  	[smem:$0x3FB1] =	sst s9;
	s0 =	simm.s32 @!p0 $0x0  }
0x12: {  	s1 =	sld [smem:$0x3F97];
	s0 =	simm.s32 @p0 $0x1  }
0x13: {  	[smem:$0x3FB2] =	sst s0;
	s0 =	simm.s32 @!p1 $0x0  }
0x14: {  	s2 =	sld [smem:$0x3F96];
	s0 =	simm.s32 @p1 $0x1  }
0x15: {  	[smem:$0x3FB3] =	sst s0;
	s0 =	simm.s32 @!p2 $0x0  }
0x16: {  	s3 =	sld [smem:$0x3FDB];
	s0 =	simm.s32 @p2 $0x1  }
0x17: {  	s4 =	simm.s32 $0x1BF5;
	[smem:$0x3FB5] =	sst s0  }
0x18: {  	s0 =	sld [smem:$0x3F98];
	_ =	swait.ge [sflag:s4], $0x0  }
0x19: {  	s7 =	sld [smem:$0x3F99]  }
0x1a: {  	s8 =	sadd.s32 $0xFFFFE003, lr  }
0x1b: {  	s9 =	sadd.s32 $0xFFFFFEF7, lr;
	s5 =	simm.s32 $0xFFFFFFFF;
	p2 =	slt.u32 s8, $0xFFFFF086  }
0x1c: {  	p1 =	slt.u32 s9, $0xF7A;
	s5 =	simm.s32 @!p2 $0x0  }
0x1d: {  	s5 =	simm.s32 @p1 $0x1;
	p0 =	seq.s32 s7, s2  }
0x1e: {  	s7 =	smul.u32 @!p0 $0xF7A, s2;
	p2 =	seq.s32 @!p0 s5, $0x0  }
0x1f: {  	s9 =	smul.u32 $0xF7A, s1;
	s8 =	simm.s32 @!p0 $0x1BF5;
	p2 =	por !p2, p0  }
0x20: {  	[sflag:s8] =	ssyncset.s32 @!p0 $0xFFFFF086;
	s6 =	sadd.s32 @!p0 s3, s7;
	s7 =	simm.s32 @!p0 $0x108  }
0x21: {  	s3 =	sadd.s32 s3, s9;
	s6 =	sadd.s32 @!p0 $0x88, s6;
	s7 =	simm.s32 @p2 $0x1082  }
0x22: {  	[simem:s7], [sflag:s8] =	dma.local @!p0 [hbm:s6], $0xF7A  }
0x23: {  	s9 =	sor.u32 $0xD0000000, s2;
	s6 =	simm.s32 $0x108;
	_ =	swait.ge @!p0 [sflag:s8], $0x0  }
0x24: {  	s3 =	sadd.s32 $0x88, s3;
	s6 =	simm.s32 @!p1 $0x1082;
	[sflag:s4] =	ssyncset.s32 $0xFFFFF086  }
0x25: {  	[simem:s6], [sflag:s4] =	dma.local [hbm:s3], $0xF7A  }
0x26: {  	[smem:$0x3F99] =	sst s1;
	(tag) =	ssettag s2;
	_ =	strace s9  }
0x27: {  	s1 =	sld [smem:$0x3FA9]  }
0x28: {  	s2 =	sld [smem:$0x3FAA]  }
0x29: {  	s4 =	sld [smem:$0x3FAC]  }
0x2a: {  	p0 =	seq.s32 s5, $0x0;
	s5 =	sld [smem:$0x3FAD]  }
0x2b: {  	s6 =	sld [smem:$0x3FAE]  }
0x2c: {  	s7 =	sld [smem:$0x3FAF]  }
0x2d: {  	s3 =	simm.s32 $0x108;
	s8 =	sld [smem:$0x3FB0]  }
0x2e: {  	s3 =	simm.s32 @!p0 $0x1082;
	s9 =	sld [smem:$0x3FB1]  }
0x2f: {  	lr =	sadd.s32 s0, s3;
	s0 =	sld [smem:$0x3FA8]  }
0x30: {  	s3 =	sld [smem:$0x3FAB]  }
0x31: {  	[smem:$0x3FB4] =	sst s10  }
0x32: {  	s10 =	sld [smem:$0x3FB2];
	_ =	sdelay $0x3  }
0x33: {  	p0 =	seq.s32 s10, $0x1;
	s10 =	sld [smem:$0x3FB4];
	_ =	sdelay $0x3  }
0x34: {  	[smem:$0x3FB4] =	sst s10  }
0x35: {  	s10 =	sld [smem:$0x3FB3];
	_ =	sdelay $0x3  }
0x36: {  	p1 =	seq.s32 s10, $0x1;
	s10 =	sld [smem:$0x3FB4];
	_ =	sdelay $0x3  }
0x37: {  	[smem:$0x3FB4] =	sst s10  }
0x38: {  	s10 =	sld [smem:$0x3FB5]  }
0x39: {  	_ = 	snop;
	(pc) =	sbr.ind lr, $3  }
0x3a: {  	_ = 	snop  }
0x3b: {  	_ = 	snop  }
0x3c: {  	p2 =	seq.s32 s10, $0x1;
	s10 =	sld [smem:$0x3FB4]  }
0x3d: {  	_ =	shalt  }
0x3e: {  	_ =	shalt  }
0x3f: {  	_ =	shalt  }
0x40: {  	_ =	shalt  }
0x41: {  	_ =	shalt  }
0x42: {  	_ =	shalt  }
0x43: {  	_ =	shalt  }
0x44: {  	_ =	shalt  }
0x45: {  	_ =	shalt  }
0x46: {  	_ =	shalt  }
0x47: {  	_ =	shalt  }
0x48: {  	_ =	shalt  }
0x49: {  	_ =	shalt  }
0x4a: {  	_ =	shalt  }
0x4b: {  	_ =	shalt  }
0x4c: {  	_ =	shalt  }
0x4d: {  	_ =	shalt  }
0x4e: {  	_ =	shalt  }
0x4f: {  	_ =	shalt  }
0x50: {  	_ =	shalt  }
0x51: {  	_ =	shalt  }
0x52: {  	_ =	shalt  }
0x53: {  	_ =	shalt  }
0x54: {  	_ =	shalt  }
0x55: {  	_ =	shalt  }
0x56: {  	_ =	shalt  }
0x57: {  	_ =	shalt  }
0x58: {  	_ =	shalt  }
0x59: {  	_ =	shalt  }
0x5a: {  	_ =	shalt  }
0x5b: {  	_ =	shalt  }
0x5c: {  	_ =	shalt  }
0x5d: {  	_ =	shalt  }
0x5e: {  	_ =	shalt  }
0x5f: {  	_ =	shalt  }
0x60: {  	_ =	shalt  }
0x61: {  	_ =	shalt  }
0x62: {  	_ =	shalt  }
0x63: {  	_ =	shalt  }
0x64: {  	_ =	shalt  }
0x65: {  	_ =	shalt  }
0x66: {  	_ =	shalt  }
0x67: {  	_ =	shalt  }
0x68: {  	_ =	shalt  }
0x69: {  	_ =	shalt  }
0x6a: {  	_ =	shalt  }
0x6b: {  	_ =	shalt  }
0x6c: {  	_ =	shalt  }
0x6d: {  	_ =	shalt  }
0x6e: {  	_ =	shalt  }
0x6f: {  	_ =	shalt  }
0x70: {  	_ =	shalt  }
0x71: {  	_ =	shalt  }
0x72: {  	_ =	shalt  }
0x73: {  	_ =	shalt  }
0x74: {  	_ =	shalt  }
0x75: {  	_ =	shalt  }
0x76: {  	_ =	shalt  }
0x77: {  	_ =	shalt  }
0x78: {  	_ =	shalt  }
0x79: {  	_ =	shalt  }
0x7a: {  	_ =	shalt  }
0x7b: {  	_ =	shalt  }
0x7c: {  	_ =	shalt  }
0x7d: {  	_ =	shalt  }
0x7e: {  	_ =	shalt  }
0x7f: {  	_ =	shalt  }
0x80: {  	_ =	shalt  }
0x81: {  	_ =	shalt  }
0x82: {  	_ =	shalt  }
0x83: {  	_ =	shalt  }
0x84: {  	_ =	shalt  }
0x85: {  	_ =	shalt  }
0x86: {  	_ =	shalt  }
0x87: {  	_ =	shalt  }
.Lfunc_end0:
.L_simem_size_0:
called_computation.1_lowered:
.L_overlay_start_0:
0x88: {  	s2 =	sld [smem:$0x3FD9]  }
0x89: {  	s3 =	sld [smem:$0x3FFE];
	_ =	sdelay $0x1  }
0x8a: {  	s1 =	srdreg.scid  }
0x8b: {  	s0 =	sand.u32 $0x1, s1  }
0x8c: {  	s17 =	sshll.u32 s0, $0xA;
	s2 =	sadd.s32 s3, s2  }
0x8d: {  	s2 =	sadd.s32 s2, s17  }
0x8e: {  	[smem:$0x3FC0] =	sst s2  }
0x8f: {  	_ = 	snop  }
0x90: {  	s2 =	sld [smem:$0x3FD0];
	(tm) =	ssettm $0x1  }
0x91: {  	s18 =	sld [smem:$0x3FFB];
	_ =	sdelay $0x3  }
0x92: {  	_ =	strace s18  }
0x93: {  	s3 =	sld [smem:$0x3FFC];
	_ =	sdelay $0x3  }
0x94: {  	_ =	strace s3  }
0x95: {  	s3 =	sld [smem:$0x3FFD];
	_ =	sdelay $0x3  }
0x96: {  	_ =	strace s3  }
0x97: {  	_ =	strace $0x8FFFFFFF  }
0x98: {  	s19 =	sld [smem:$0x3FDB];
	_ =	sdelay $0x1  }
0x99: {  	s4 =	simm.s32 $_scs_section_size  }
0x9a: {  	s5 =	simm.s32 $_size__tile_overlayer_lowered;
	s6 =	simm.s32 $_tile_overlayer_lowered  }
0x9b: {  	s22 =	simm.s32 $0x1BFF;
	s21 =	sshll.u32 s6, $0x1;
	s3 =	sadd.s32 s4, s19  }
0x9c: {  	s7 =	simm.s32 $0x0;
	s20 =	sshll.u32 s5, $0x1;
	s5 =	sadd.s32 s21, s3  }
0x9d: {  	[timem:s7], [sflag:s22] =	dma.local [hbm:s5], s20  }
0x9e: {  	_ =	swait.ge [sflag:s22], s20  }
0x9f: {  	s4 =	ssub.s32 $0x0, s20;
	[sflag:s22] =	ssyncset.done $0x0  }
0xa0: {  	[sflag:s22] =	ssyncadd.s32 s4;
	_ =	sdelay $0x1  }
0xa1: {  	s23 =	simm.s32 $0x1B8B  }
0xa2: {  	_ =	swait.ge [sflag:s23], $0x1  }
0xa3: {  	[sflag:s23] =	ssyncset.done $0x0  }
0xa4: {  	s25 =	simm.s32 $0x1B8E;
	s24 =	sld [smem:$0x3FFE];
	[sflag:s23] =	ssyncadd.s32 $0xFFFFFFFF  }
0xa5: {  	s26 =	simm.s32 $execute0_lowered;
	[smem:$0x3FD2] =	sst s25  }
0xa6: {  	s5 =	sshll.u32 s26, $0x1;
	_ =	strace $0x80000049;
	[dreg:$0x1] =	wrdreg $0xFFFFFFFF  }
0xa7: {  	s28 =	simm.s32 $_size_execute0_lowered;
	s3 =	sadd.s32 s3, s5;
	[dreg:$0x0] =	wrdreg $0x0  }
0xa8: {  	s5 =	sshll.u32 s28, $0x1;
	[dreg:$0x2] =	wrdreg s3  }
0xa9: {  	[dreg:$0x3] =	wrdreg s5  }
0xaa: {  	[dreg:$0x4] =	wrdreg $0xC0  }
0xab: {  	_ =	task [dreg:s7], $0x5FFFF  }
0xac: {  	[dreg:$0x1] =	wrdreg $0xFFFFFFFF  }
0xad: {  	[dreg:$0x0] =	wrdreg $0x60  }
0xae: {  	[dreg:$0x2] =	wrdreg s24  }
0xaf: {  	[dreg:$0x3] =	wrdreg s2  }
0xb0: {  	[dreg:$0x4] =	wrdreg $0x10E200  }
0xb1: {  	[dreg:$0x5] =	wrdreg $0x9  }
0xb2: {  	_ =	task.clear_ibuf [dreg:s7], $0x6FFFF;
	_ =	strace $0x90000049  }
0xb3: {  	s29 =	simm.s32 $0x9;
	_ =	strace $0x8000004B  }
0xb4: {  	_ =	swait.ge [sflag:s29], $0x1  }
0xb5: {  	[sflag:s29] =	ssyncadd.s32 $0xFFFFFFFF  }
0xb6: {  	_ =	strace $0x9000004B  }
0xb7: {  	_ =	sfence  }
0xb8: {  	s30 =	sld [smem:$0x0];
	_ =	sdelay $0x2  }
0xb9: {  	s31 =	sshll.u32 s1, $0xD;
	s1 =	sshrl.u32 s1, $0x2  }
0xba: {  	s3 =	sand.u32 $0x4000, s31;
	s1 =	sadd.s32 s1, s30  }
0xbb: {  	s0 =	sor.u32 s3, s0;
	s1 =	sshll.u32 s1, $0x11  }
0xbc: {  	s0 =	sor.u32 s1, s0  }
0xbd: {  	s0 =	sadd.s32 $0x8F2B, s0  }
0xbe: {  	[sflag:s0] =	ssyncadd.remote.s32 $0x1  }
0xbf: {  	_ =	sfence.sel $0xFFFF  }
0xc0: {  	[dreg:$0x0] =	wrdreg $0xFFFFFFFF;
	(pc) =	sbr.abs _section_cstart, $3  }
0xc1: {  	[dreg:$0x1] =	wrdreg $0xFFFFFFFF  }
0xc2: {  	_ =	task.clear_ibuf [dreg:s7], $0x2FFFF;
	_ =	strace $0x9FFFFFFF  }
0xc3: {  	(tm) =	ssettm $0x7FFFFFFF  }
tec
execute0_lowered:
.L_overlay_start_1:
0x0: {  	(tag) =	ssettag $0x1  }
0x1: {  	s0 =	rddreg [dreg:$0x0]  }
0x2: {  	s1 =	rddreg [dreg:$0x1]  }
0x3: {  	s2 =	rddreg [dreg:$0x2]  }
0x4: {  	s3 =	simm.s32 $0x0;
	s11 =	stileid.u32;
	s4 =	srdreg.scid  }
0x5: {  	s12 =	simm.s32 $0xD;
	s14 =	simm.s32 $0x80;
	s15 =	simm.s32 $0x4E20  }
0x6: {  	s16 =	simm.s32 $0x6E20;
	s18 =	simm.s32 $0x8E20;
	s20 =	simm.s32 $0xAE20  }
0x7: {  	s22 =	simm.s32 $0xCE20;
	s28 =	simm.s32 $0x3;
	s29 =	simm.s32 $0x4  }
0x8: {  	s30 =	simm.s32 $0x5;
	s31 =	simm.s32 $0x6;
	s13 =	simm.s32 $0x9  }
0x9: {  	s17 =	simm.s32 $0xA;
	s19 =	simm.s32 $0xB;
	s21 =	simm.s32 $0xC  }
0xa: {  	[smem:$0x7FF] =	sst s3;
	s5 =	smul.u32 $0xFA00, s11;
	s6 =	sand.u32 $0x1, s4  }
0xb: {  	s4 =	sadd.s32 $0x3200, s0;
	p0 =	sgt.u32 s11, $0x9;
	_ =	strace $0x8000004A  }
0xc: {  	s7 =	smul.u32 $0x9C400, s6;
	s8 =	sshll.u32 s6, $0x4;
	s6 =	ssub.s32 $0x2, s6  }
0xd: {  	s9 =	sshrl.u32 s5, $0x3;
	s8 =	sor.u32 s11, s8;
	s10 =	sshrl.u32 s6, $0x1  }
0xe: {  	s7 =	sadd.s32 s5, s7;
	s8 =	smul.u32 $0x2710, s8;
	s9 =	sadd.s32 s9, s0  }
0xf: {  	s6 =	ssub.s32 s6, s10;
	s7 =	sshrl.u32 s7, $0x3;
	s24 =	sadd.s32 $0x16C00, s9  }
0x10: {  	s26 =	smax.u32 s6, $0x1;
	s6 =	simm.s32 $0x0;
	s0 =	sadd.s32 s7, s0  }
0x11: {  	s23 =	sshrl.u32 s8, $0x3;
	s8 =	sadd.s32 s5, s2;
	[dreg:$0x4] =	wrdreg s24  }
0x12: {  	[dreg:$0x7] =	wrdreg s26;
	s24 =	simm.s32 $0xEE20;
	s26 =	simm.s32 $0x2  }
0x13: {  	s5 =	sadd.s32 s1, s23;
	s1 =	sshll.u32 @!p0 s11, $0x6;
	s0 =	sadd.s32 $0x2A600, s0  }
0x14: {  	s11 =	sshrl.u32 @!p0 s8, $0x3;
	s23 =	simm.s32 $0x10;
	s25 =	sadd.s32 $0x9C40, s5  }
0x15: {  	[dreg:$0x6] =	wrdreg s0;
	s10 =	sor.u32 @!p0 $0x1C0D, s1;
	s0 =	simm.s32 $0x7  }
0x16: {  	s1 =	simm.s32 $0x8;
	[dreg:$0x5] =	wrdreg s25;
	s25 =	simm.s32 $0x1  }
.LBB2_1:
0x17: {  	s7 =	rddreg [dreg:$0x4]  }
0x18: {  	[spmem:s11], [sflag:s10] =	dma.local @!p0 [hbm:s7], $0x1F40  }
0x19: {  	s7 =	simm.s32 @!p0 $0xD  }
0x1a: {  	_ =	swait.ge @!p0 [sflag:s7], $0x1F40  }
0x1b: {  	[sflag:s7] =	ssyncset.done @!p0 $0x0  }
0x1c: {  	[sflag:s7] =	ssyncadd.s32 @!p0 $0xFFFFE0C0  }
0x1d: {  	[tilespmem:s3], [sflag:$0xD] =	stream.linear.gather [hbm4b:s5+s3], $0x2710, $0x38;
	[tilespmem:$0x1AA60] =	vst v63  }
0x1e: {  	_ =	swait.ge [sflag:s12], $0x2710  }
0x1f: {  	[sflag:s12] =	ssyncset.done $0x0  }
0x20: {  	s8 =	simm.s32 $0x2710;
	s9 =	rddreg [dreg:$0x5];
	[sflag:s12] =	ssyncadd.s32 $0xFFFFD8F0  }
0x21: {  	[tilespmem:s8], [sflag:$0xD] =	stream.linear.gather [hbm4b:s9+s3], $0x2710, $0x38;
	[tilespmem:$0x1AA60] =	vst v63  }
0x22: {  	_ =	swait.ge [sflag:s12], $0x2710  }
0x23: {  	[sflag:s12] =	ssyncset.done $0x0  }
0x24: {  	[sflag:s12] =	ssyncadd.s32 $0xFFFFD8F0  }
0x25: {  	[bflag:$0x0] =	sbarrier.arrive $0xFFFF  }
0x26: {  	[tilespmem:s15], [sflag:$0x1] =	stream.indirect.gather [hbm4b:s4+s14], $0x40, s3, s14, $0xb8;
	[tilespmem:$0x1AA60] =	vst v63  }
0x27: {  	_ = 	snop  }
0x28: {  	[tilespmem:s16], [sflag:$0x2] =	stream.indirect.gather [hbm4b:s4+s14], $0x40, s14, s14, $0xb8;
	[tilespmem:$0x1AA60] =	vst v63  }
0x29: {  	s9 =	simm.s32 $0x100  }
0x2a: {  	[tilespmem:s18], [sflag:$0x3] =	stream.indirect.gather [hbm4b:s4+s14], $0x40, s9, s14, $0xb8;
	[tilespmem:$0x1AA60] =	vst v63  }
0x2b: {  	s8 =	simm.s32 $0x180  }
0x2c: {  	[tilespmem:s20], [sflag:$0x4] =	stream.indirect.gather [hbm4b:s4+s14], $0x40, s8, s14, $0xb8;
	[tilespmem:$0x1AA60] =	vst v63  }
0x2d: {  	s9 =	simm.s32 $0x200  }
0x2e: {  	[tilespmem:s22], [sflag:$0x5] =	stream.indirect.gather [hbm4b:s4+s14], $0x40, s9, s14, $0xb8;
	[tilespmem:$0x1AA60] =	vst v63  }
0x2f: {  	s8 =	simm.s32 $0x280  }
0x30: {  	[tilespmem:s24], [sflag:$0x6] =	stream.indirect.gather [hbm4b:s4+s14], $0x40, s8, s14, $0xb8;
	[tilespmem:$0x1AA60] =	vst v63  }
0x31: {  	_ =	swait.ge [sflag:s25], $0x2000  }
0x32: {  	[sflag:s25] =	ssyncset.done $0x0  }
0x33: {  	s9 =	simm.s32 $0x2710;
	[sflag:s25] =	ssyncadd.s32 $0xFFFFE000  }
0x34: {  	[spmem:s2] =	stream.indirect.scatter.add.f32 [tilespmem:s15], [sflag:$0x7], $0x40, s9, s14, $0xb8;
	[tilespmem:$0x1AA60] =	vst v63  }
0x35: {  	_ =	swait.ge [sflag:s26], $0x2000  }
0x36: {  	[sflag:s26] =	ssyncset.done $0x0  }
0x37: {  	s8 =	simm.s32 $0x2790;
	[sflag:s26] =	ssyncadd.s32 $0xFFFFE000  }
0x38: {  	[spmem:s2] =	stream.indirect.scatter.add.f32 [tilespmem:s16], [sflag:$0x8], $0x40, s8, s14, $0xb8;
	[tilespmem:$0x1AA60] =	vst v63  }
0x39: {  	_ =	swait.ge [sflag:s28], $0x2000  }
0x3a: {  	[sflag:s28] =	ssyncset.done $0x0  }
0x3b: {  	s9 =	simm.s32 $0x2810;
	[sflag:s28] =	ssyncadd.s32 $0xFFFFE000  }
0x3c: {  	[spmem:s2] =	stream.indirect.scatter.add.f32 [tilespmem:s18], [sflag:$0x9], $0x40, s9, s14, $0xb8;
	[tilespmem:$0x1AA60] =	vst v63  }
0x3d: {  	_ =	swait.ge [sflag:s29], $0x2000  }
0x3e: {  	[sflag:s29] =	ssyncset.done $0x0  }
0x3f: {  	s8 =	simm.s32 $0x2890;
	[sflag:s29] =	ssyncadd.s32 $0xFFFFE000  }
0x40: {  	[spmem:s2] =	stream.indirect.scatter.add.f32 [tilespmem:s20], [sflag:$0xA], $0x40, s8, s14, $0xb8;
	[tilespmem:$0x1AA60] =	vst v63  }
0x41: {  	_ =	swait.ge [sflag:s30], $0x2000  }
0x42: {  	[sflag:s30] =	ssyncset.done $0x0  }
0x43: {  	s9 =	simm.s32 $0x2910;
	[sflag:s30] =	ssyncadd.s32 $0xFFFFE000  }
0x44: {  	[spmem:s2] =	stream.indirect.scatter.add.f32 [tilespmem:s22], [sflag:$0xB], $0x40, s9, s14, $0xb8;
	[tilespmem:$0x1AA60] =	vst v63  }
0x45: {  	_ =	swait.ge [sflag:s31], $0x2000  }
0x46: {  	[sflag:s31] =	ssyncset.done $0x0  }
0x47: {  	s8 =	simm.s32 $0x2990;
	[sflag:s31] =	ssyncadd.s32 $0xFFFFE000  }
0x48: {  	[spmem:s2] =	stream.indirect.scatter.add.f32 [tilespmem:s24], [sflag:$0xC], $0x40, s8, s14, $0xb8;
	[tilespmem:$0x1AA60] =	vst v63  }
0x49: {  	_ =	swait.ge [sflag:s0], $0x2000  }
0x4a: {  	[sflag:s0] =	ssyncset.done $0x0  }
0x4b: {  	s9 =	simm.s32 $0x300;
	[sflag:s0] =	ssyncadd.s32 $0xFFFFE000  }
0x4c: {  	[tilespmem:s15], [sflag:$0x1] =	stream.indirect.gather [hbm4b:s4+s14], $0x40, s9, s14, $0xb8;
	[tilespmem:$0x1AA60] =	vst v63  }
0x4d: {  	_ =	swait.ge [sflag:s1], $0x2000  }
0x4e: {  	[sflag:s1] =	ssyncset.done $0x0  }
0x4f: {  	s8 =	simm.s32 $0x380;
	[sflag:s1] =	ssyncadd.s32 $0xFFFFE000  }
0x50: {  	[tilespmem:s16], [sflag:$0x2] =	stream.indirect.gather [hbm4b:s4+s14], $0x40, s8, s14, $0xb8;
	[tilespmem:$0x1AA60] =	vst v63  }
0x51: {  	_ =	swait.ge [sflag:s13], $0x2000  }
0x52: {  	[sflag:s13] =	ssyncset.done $0x0  }
0x53: {  	s9 =	simm.s32 $0x400;
	[sflag:s13] =	ssyncadd.s32 $0xFFFFE000  }
0x54: {  	[tilespmem:s18], [sflag:$0x3] =	stream.indirect.gather [hbm4b:s4+s14], $0x40, s9, s14, $0xb8;
	[tilespmem:$0x1AA60] =	vst v63  }
0x55: {  	_ =	swait.ge [sflag:s17], $0x2000  }
0x56: {  	[sflag:s17] =	ssyncset.done $0x0  }
0x57: {  	s8 =	simm.s32 $0x480;
	[sflag:s17] =	ssyncadd.s32 $0xFFFFE000  }
0x58: {  	[tilespmem:s20], [sflag:$0x4] =	stream.indirect.gather [hbm4b:s4+s14], $0x40, s8, s14, $0xb8;
	[tilespmem:$0x1AA60] =	vst v63  }
0x59: {  	_ =	swait.ge [sflag:s19], $0x2000  }
0x5a: {  	[sflag:s19] =	ssyncset.done $0x0  }
0x5b: {  	s9 =	simm.s32 $0x500;
	[sflag:s19] =	ssyncadd.s32 $0xFFFFE000  }
0x5c: {  	[tilespmem:s22], [sflag:$0x5] =	stream.indirect.gather [hbm4b:s4+s14], $0x40, s9, s14, $0xb8;
	[tilespmem:$0x1AA60] =	vst v63  }
0x5d: {  	_ =	swait.ge [sflag:s21], $0x2000  }
0x5e: {  	[sflag:s21] =	ssyncset.done $0x0  }
0x5f: {  	s7 =	simm.s32 $0xC00;
	s8 =	simm.s32 $0x580;
	[sflag:s21] =	ssyncadd.s32 $0xFFFFE000  }
.LBB2_2:
0x60: {  	[tilespmem:s24], [sflag:$0x6] =	stream.indirect.gather [hbm4b:s4+s14], $0x40, s8, s14, $0xb8;
	[tilespmem:$0x1AA60] =	vst v63  }
0x61: {  	s8 =	smov.u32 s7  }
0x62: {  	p1 =	sne.s32 s7, $0x8400;
	s7 =	sadd.s32 $0xC00, s7;
	_ =	swait.ge [sflag:s25], $0x2000  }
0x63: {  	s8 =	sshra.s32 s8, $0x2;
	[sflag:s25] =	ssyncset.done $0x0  }
0x64: {  	s9 =	sadd.s32 $0x2710, s8;
	[sflag:s25] =	ssyncadd.s32 $0xFFFFE000  }
0x65: {  	[spmem:s2] =	stream.indirect.scatter.add.f32 [tilespmem:s15], [sflag:$0x7], $0x40, s9, s14, $0xb8;
	[tilespmem:$0x1AA60] =	vst v63  }
0x66: {  	_ =	swait.ge [sflag:s26], $0x2000  }
0x67: {  	[sflag:s26] =	ssyncset.done $0x0  }
0x68: {  	s9 =	sadd.s32 $0x2790, s8;
	[sflag:s26] =	ssyncadd.s32 $0xFFFFE000  }
0x69: {  	[spmem:s2] =	stream.indirect.scatter.add.f32 [tilespmem:s16], [sflag:$0x8], $0x40, s9, s14, $0xb8;
	[tilespmem:$0x1AA60] =	vst v63  }
0x6a: {  	_ =	swait.ge [sflag:s28], $0x2000  }
0x6b: {  	[sflag:s28] =	ssyncset.done $0x0  }
0x6c: {  	s9 =	sadd.s32 $0x2810, s8;
	[sflag:s28] =	ssyncadd.s32 $0xFFFFE000  }
0x6d: {  	[spmem:s2] =	stream.indirect.scatter.add.f32 [tilespmem:s18], [sflag:$0x9], $0x40, s9, s14, $0xb8;
	[tilespmem:$0x1AA60] =	vst v63  }
0x6e: {  	_ =	swait.ge [sflag:s29], $0x2000  }
0x6f: {  	[sflag:s29] =	ssyncset.done $0x0  }
0x70: {  	s9 =	sadd.s32 $0x2890, s8;
	[sflag:s29] =	ssyncadd.s32 $0xFFFFE000  }
0x71: {  	[spmem:s2] =	stream.indirect.scatter.add.f32 [tilespmem:s20], [sflag:$0xA], $0x40, s9, s14, $0xb8;
	[tilespmem:$0x1AA60] =	vst v63  }
0x72: {  	_ =	swait.ge [sflag:s30], $0x2000  }
0x73: {  	[sflag:s30] =	ssyncset.done $0x0  }
0x74: {  	s9 =	sadd.s32 $0x2910, s8;
	[sflag:s30] =	ssyncadd.s32 $0xFFFFE000  }
0x75: {  	[spmem:s2] =	stream.indirect.scatter.add.f32 [tilespmem:s22], [sflag:$0xB], $0x40, s9, s14, $0xb8;
	[tilespmem:$0x1AA60] =	vst v63  }
0x76: {  	_ =	swait.ge [sflag:s31], $0x2000  }
0x77: {  	[sflag:s31] =	ssyncset.done $0x0  }
0x78: {  	s9 =	sadd.s32 $0x2990, s8;
	[sflag:s31] =	ssyncadd.s32 $0xFFFFE000  }
0x79: {  	[spmem:s2] =	stream.indirect.scatter.add.f32 [tilespmem:s24], [sflag:$0xC], $0x40, s9, s14, $0xb8;
	[tilespmem:$0x1AA60] =	vst v63  }
0x7a: {  	_ =	swait.ge [sflag:s0], $0x2000  }
0x7b: {  	[sflag:s0] =	ssyncset.done $0x0  }
0x7c: {  	s9 =	sadd.s32 $0x300, s8;
	[sflag:s0] =	ssyncadd.s32 $0xFFFFE000  }
0x7d: {  	[tilespmem:s15], [sflag:$0x1] =	stream.indirect.gather [hbm4b:s4+s14], $0x40, s9, s14, $0xb8;
	[tilespmem:$0x1AA60] =	vst v63  }
0x7e: {  	_ =	swait.ge [sflag:s1], $0x2000  }
0x7f: {  	[sflag:s1] =	ssyncset.done $0x0  }
0x80: {  	s9 =	sadd.s32 $0x380, s8;
	[sflag:s1] =	ssyncadd.s32 $0xFFFFE000  }
0x81: {  	[tilespmem:s16], [sflag:$0x2] =	stream.indirect.gather [hbm4b:s4+s14], $0x40, s9, s14, $0xb8;
	[tilespmem:$0x1AA60] =	vst v63  }
0x82: {  	_ =	swait.ge [sflag:s13], $0x2000  }
0x83: {  	[sflag:s13] =	ssyncset.done $0x0  }
0x84: {  	s9 =	sadd.s32 $0x400, s8;
	[sflag:s13] =	ssyncadd.s32 $0xFFFFE000  }
0x85: {  	[tilespmem:s18], [sflag:$0x3] =	stream.indirect.gather [hbm4b:s4+s14], $0x40, s9, s14, $0xb8;
	[tilespmem:$0x1AA60] =	vst v63  }
0x86: {  	_ =	swait.ge [sflag:s17], $0x2000  }
0x87: {  	[sflag:s17] =	ssyncset.done $0x0  }
0x88: {  	s9 =	sadd.s32 $0x480, s8;
	[sflag:s17] =	ssyncadd.s32 $0xFFFFE000  }
0x89: {  	[tilespmem:s20], [sflag:$0x4] =	stream.indirect.gather [hbm4b:s4+s14], $0x40, s9, s14, $0xb8;
	[tilespmem:$0x1AA60] =	vst v63  }
0x8a: {  	_ =	swait.ge [sflag:s19], $0x2000  }
0x8b: {  	[sflag:s19] =	ssyncset.done $0x0  }
.Ltmp0:
0x8c: {  	s9 =	sadd.s32 $0x500, s8;
	[sflag:s19] =	ssyncadd.s32 $0xFFFFE000;
	(pc) =	sbr.rel @p1 .LBB2_2-.Ltmp0, $4  }
0x8d: {  	[tilespmem:s22], [sflag:$0x5] =	stream.indirect.gather [hbm4b:s4+s14], $0x40, s9, s14, $0xb8;
	[tilespmem:$0x1AA60] =	vst v63  }
0x8e: {  	_ =	swait.ge [sflag:s21], $0x2000  }
0x8f: {  	[sflag:s21] =	ssyncset.done $0x0  }
0x90: {  	s8 =	sadd.s32 $0x580, s8;
	[sflag:s21] =	ssyncadd.s32 $0xFFFFE000  }
0x91: {  	[tilespmem:s24], [sflag:$0x6] =	stream.indirect.gather [hbm4b:s4+s14], $0x40, s8, s14, $0xb8;
	[tilespmem:$0x1AA60] =	vst v63  }
0x92: {  	_ =	swait.ge [sflag:s25], $0x2000  }
0x93: {  	[sflag:s25] =	ssyncset.done $0x0  }
0x94: {  	s7 =	simm.s32 $0x4B10;
	[sflag:s25] =	ssyncadd.s32 $0xFFFFE000  }
0x95: {  	[spmem:s2] =	stream.indirect.scatter.add.f32 [tilespmem:s15], [sflag:$0x7], $0x40, s7, s14, $0xb8;
	[tilespmem:$0x1AA60] =	vst v63  }
0x96: {  	_ =	swait.ge [sflag:s26], $0x2000  }
0x97: {  	[sflag:s26] =	ssyncset.done $0x0  }
0x98: {  	s8 =	simm.s32 $0x4B90;
	[sflag:s26] =	ssyncadd.s32 $0xFFFFE000  }
0x99: {  	[spmem:s2] =	stream.indirect.scatter.add.f32 [tilespmem:s16], [sflag:$0x8], $0x40, s8, s14, $0xb8;
	[tilespmem:$0x1AA60] =	vst v63  }
0x9a: {  	_ =	swait.ge [sflag:s28], $0x2000  }
0x9b: {  	[sflag:s28] =	ssyncset.done $0x0  }
0x9c: {  	s9 =	simm.s32 $0x4C10;
	[sflag:s28] =	ssyncadd.s32 $0xFFFFE000  }
0x9d: {  	[spmem:s2] =	stream.indirect.scatter.add.f32 [tilespmem:s18], [sflag:$0x9], $0x40, s9, s14, $0xb8;
	[tilespmem:$0x1AA60] =	vst v63  }
0x9e: {  	_ =	swait.ge [sflag:s29], $0x2000  }
0x9f: {  	[sflag:s29] =	ssyncset.done $0x0  }
0xa0: {  	s8 =	simm.s32 $0x4C90;
	[sflag:s29] =	ssyncadd.s32 $0xFFFFE000  }
0xa1: {  	[spmem:s2] =	stream.indirect.scatter.add.f32 [tilespmem:s20], [sflag:$0xA], $0x40, s8, s14, $0xb8;
	[tilespmem:$0x1AA60] =	vst v63  }
0xa2: {  	_ =	swait.ge [sflag:s30], $0x2000  }
0xa3: {  	[sflag:s30] =	ssyncset.done $0x0  }
0xa4: {  	s9 =	simm.s32 $0x4D10;
	[sflag:s30] =	ssyncadd.s32 $0xFFFFE000  }
0xa5: {  	[spmem:s2] =	stream.indirect.scatter.add.f32 [tilespmem:s22], [sflag:$0xB], $0x40, s9, s14, $0xb8;
	[tilespmem:$0x1AA60] =	vst v63  }
0xa6: {  	_ =	swait.ge [sflag:s31], $0x2000  }
0xa7: {  	[sflag:s31] =	ssyncset.done $0x0  }
0xa8: {  	s8 =	simm.s32 $0x4D90;
	[sflag:s31] =	ssyncadd.s32 $0xFFFFE000  }
0xa9: {  	[spmem:s2] =	stream.indirect.scatter.add.f32 [tilespmem:s24], [sflag:$0xC], $0x40, s8, s14, $0xb8;
	[tilespmem:$0x1AA60] =	vst v63  }
0xaa: {  	_ =	swait.ge [sflag:s0], $0x2000  }
0xab: {  	[sflag:s0] =	ssyncset.done $0x0  }
0xac: {  	[sflag:s0] =	ssyncadd.s32 $0xFFFFE000  }
0xad: {  	_ =	swait.ge [sflag:s1], $0x2000  }
0xae: {  	[sflag:s1] =	ssyncset.done $0x0  }
0xaf: {  	[sflag:s1] =	ssyncadd.s32 $0xFFFFE000  }
0xb0: {  	_ =	swait.ge [sflag:s13], $0x2000  }
0xb1: {  	[sflag:s13] =	ssyncset.done $0x0  }
0xb2: {  	[sflag:s13] =	ssyncadd.s32 $0xFFFFE000  }
0xb3: {  	_ =	swait.ge [sflag:s17], $0x2000  }
0xb4: {  	[sflag:s17] =	ssyncset.done $0x0  }
0xb5: {  	[sflag:s17] =	ssyncadd.s32 $0xFFFFE000  }
0xb6: {  	_ =	swait.ge [sflag:s19], $0x2000  }
0xb7: {  	[sflag:s19] =	ssyncset.done $0x0  }
0xb8: {  	[sflag:s19] =	ssyncadd.s32 $0xFFFFE000  }
0xb9: {  	_ =	swait.ge [sflag:s21], $0x2000  }
0xba: {  	[sflag:s21] =	ssyncset.done $0x0  }
0xbb: {  	s9 =	simm.s32 $0x2700;
	[sflag:s21] =	ssyncadd.s32 $0xFFFFE000  }
0xbc: {  	[tilespmem:s15], [sflag:$0x1] =	stream.indirect.gather [hbm4b:s4+s23], $0x40, s9, s23, $0xb8;
	[tilespmem:$0x1AA60] =	vst v63  }
0xbd: {  	_ =	swait.ge [sflag:s25], $0x400  }
0xbe: {  	[sflag:s25] =	ssyncset.done $0x0  }
0xbf: {  	s8 =	simm.s32 $0x4E10;
	[sflag:s25] =	ssyncadd.s32 $0xFFFFFC00  }
0xc0: {  	[spmem:s2] =	stream.indirect.scatter.add.f32 [tilespmem:s15], [sflag:$0x7], $0x40, s8, s23, $0xb8;
	[tilespmem:$0x1AA60] =	vst v63  }
0xc1: {  	_ =	swait.ge [sflag:s0], $0x400  }
0xc2: {  	[sflag:s0] =	ssyncset.done $0x0  }
0xc3: {  	[sflag:s0] =	ssyncadd.s32 $0xFFFFFC00  }
0xc4: {  	[bflag:$0x0] =	sbarrier.arrive $0xFFFF  }
0xc5: {  	s7 =	rddreg [dreg:$0x6]  }
0xc6: {  	[hbm:s7], [sflag:s10] =	dma.local @!p0 [spmem:s11], $0x1F40  }
0xc7: {  	s7 =	simm.s32 @!p0 $0xD  }
0xc8: {  	_ =	swait.ge @!p0 [sflag:s7], $0x1F40  }
0xc9: {  	s6 =	sadd.s32 $0x1, s6;
	s9 =	rddreg [dreg:$0x7]  }
0xca: {  	p1 =	sne.s32 s6, s9  }
.Ltmp1:
0xcb: {  	_ = 	snop;
	(pc) =	sbr.rel @p1 .LBB2_1-.Ltmp1, $3  }
0xcc: {  	_ =	sdelay $0x1  }
0xcd: {  	[sflag:s7] =	ssyncset.done @!p0 $0x0  }
0xce: {  	[sflag:s7] =	ssyncadd.s32 @!p0 $0xFFFFE0C0  }
0xcf: {  	_ =	sfence.sel $0x180000  }
0xd0: {  	[bflag:$0x0] =	sbarrier.arrive $0xFFFF  }
0xd1: {  	_ =	strace $0x9000004A  }
0xd2: {  	s0 =	stileid.u32;
	[bflag:$0x2] =	sbarrier.arrive $0xFFFF  }
0xd3: {  	p0 =	sne.s32 s0, $0x0;
	s0 =	rddreg [dreg:$0x3]  }
0xd4: {  	s0 =	sadd.s32 @!p0 $0x100000, s0  }
0xd5: {  	[sflag:s0] =	ssyncadd.tile.s32 @!p0 $0x1;
	_ =	shalt  }
.Lfunc_end2:
_tile_overlayer_lowered:
.L_overlay_start_2:
0xd6: {  	(tag) =	ssettag $0x2  }
0xd7: {  	s0 =	rddreg [dreg:$0x0];
	s2 =	stileid.u32  }
0xd8: {  	s1 =	rddreg [dreg:$0x1];
	p0 =	sne.s32 s2, $0x0  }
0xd9: {  	s3 =	rddreg [dreg:$0x2];
	[bflag:$0x3] =	sbarrier.arrive $0xFFFF;
	s2 =	simm.s32 @!p0 $0x1C0D  }
0xda: {  	[timem:s3], [sflag:s2] =	dma.local @!p0 [hbm:s0], s1  }
0xdb: {  	s0 =	simm.s32 @!p0 $0xD  }
0xdc: {  	_ =	swait.ge @!p0 [sflag:s0], s1  }
0xdd: {  	s1 =	ssub.s32 @!p0 $0x0, s1;
	[sflag:s0] =	ssyncset.done @!p0 $0x0  }
0xde: {  	[sflag:s0] =	ssyncadd.s32 @!p0 s1  }
0xdf: {  	[bflag:$0x3] =	sbarrier.arrive $0xFFFF  }
0xe0: {  	_ =	shalt  }

// kernel: kernel.16.cloned.1.call-start
scs
__scs_entry_jumppad:
0x0: {  	(pc) =	sbr.rel $0x88, $3  }
0x1: {  	(tag) =	ssettag $0x0;
	lr =	simm.s32 $0x1  }
0x2: {  	[smem:$0x3F99] =	sst lr;
	_ =	strace $0xD0000000  }
0x3: {  	_ = 	snop  }
0x4: {  	_ = 	snop  }
0x5: {  	_ = 	snop  }
0x6: {  	_ = 	snop  }
0x7: {  	_ = 	snop  }
__scs_overlays_trampoline_lowered:
0x8: {  	[smem:$0x3FA8] =	sst s0  }
0x9: {  	[smem:$0x3FA9] =	sst s1  }
0xa: {  	[smem:$0x3FAA] =	sst s2  }
0xb: {  	[smem:$0x3FAB] =	sst s3  }
0xc: {  	[smem:$0x3FAC] =	sst s4  }
0xd: {  	[smem:$0x3FAD] =	sst s5  }
0xe: {  	[smem:$0x3FAE] =	sst s6  }
0xf: {  	[smem:$0x3FAF] =	sst s7  }
0x10: {  	[smem:$0x3FB0] =	sst s8  }
0x11: {  	[smem:$0x3FB1] =	sst s9;
	s0 =	simm.s32 @!p0 $0x0  }
0x12: {  	s1 =	sld [smem:$0x3F97];
	s0 =	simm.s32 @p0 $0x1  }
0x13: {  	[smem:$0x3FB2] =	sst s0;
	s0 =	simm.s32 @!p1 $0x0  }
0x14: {  	s2 =	sld [smem:$0x3F96];
	s0 =	simm.s32 @p1 $0x1  }
0x15: {  	[smem:$0x3FB3] =	sst s0;
	s0 =	simm.s32 @!p2 $0x0  }
0x16: {  	s3 =	sld [smem:$0x3FDB];
	s0 =	simm.s32 @p2 $0x1  }
0x17: {  	s4 =	simm.s32 $0x1BF5;
	[smem:$0x3FB5] =	sst s0  }
0x18: {  	s0 =	sld [smem:$0x3F98];
	_ =	swait.ge [sflag:s4], $0x0  }
0x19: {  	s7 =	sld [smem:$0x3F99]  }
0x1a: {  	s8 =	sadd.s32 $0xFFFFE003, lr  }
0x1b: {  	s9 =	sadd.s32 $0xFFFFFEF7, lr;
	s5 =	simm.s32 $0xFFFFFFFF;
	p2 =	slt.u32 s8, $0xFFFFF086  }
0x1c: {  	p1 =	slt.u32 s9, $0xF7A;
	s5 =	simm.s32 @!p2 $0x0  }
0x1d: {  	s5 =	simm.s32 @p1 $0x1;
	p0 =	seq.s32 s7, s2  }
0x1e: {  	s7 =	smul.u32 @!p0 $0xF7A, s2;
	p2 =	seq.s32 @!p0 s5, $0x0  }
0x1f: {  	s9 =	smul.u32 $0xF7A, s1;
	s8 =	simm.s32 @!p0 $0x1BF5;
	p2 =	por !p2, p0  }
0x20: {  	[sflag:s8] =	ssyncset.s32 @!p0 $0xFFFFF086;
	s6 =	sadd.s32 @!p0 s3, s7;
	s7 =	simm.s32 @!p0 $0x108  }
0x21: {  	s3 =	sadd.s32 s3, s9;
	s6 =	sadd.s32 @!p0 $0x88, s6;
	s7 =	simm.s32 @p2 $0x1082  }
0x22: {  	[simem:s7], [sflag:s8] =	dma.local @!p0 [hbm:s6], $0xF7A  }
0x23: {  	s9 =	sor.u32 $0xD0000000, s2;
	s6 =	simm.s32 $0x108;
	_ =	swait.ge @!p0 [sflag:s8], $0x0  }
0x24: {  	s3 =	sadd.s32 $0x88, s3;
	s6 =	simm.s32 @!p1 $0x1082;
	[sflag:s4] =	ssyncset.s32 $0xFFFFF086  }
0x25: {  	[simem:s6], [sflag:s4] =	dma.local [hbm:s3], $0xF7A  }
0x26: {  	[smem:$0x3F99] =	sst s1;
	(tag) =	ssettag s2;
	_ =	strace s9  }
0x27: {  	s1 =	sld [smem:$0x3FA9]  }
0x28: {  	s2 =	sld [smem:$0x3FAA]  }
0x29: {  	s4 =	sld [smem:$0x3FAC]  }
0x2a: {  	p0 =	seq.s32 s5, $0x0;
	s5 =	sld [smem:$0x3FAD]  }
0x2b: {  	s6 =	sld [smem:$0x3FAE]  }
0x2c: {  	s7 =	sld [smem:$0x3FAF]  }
0x2d: {  	s3 =	simm.s32 $0x108;
	s8 =	sld [smem:$0x3FB0]  }
0x2e: {  	s3 =	simm.s32 @!p0 $0x1082;
	s9 =	sld [smem:$0x3FB1]  }
0x2f: {  	lr =	sadd.s32 s0, s3;
	s0 =	sld [smem:$0x3FA8]  }
0x30: {  	s3 =	sld [smem:$0x3FAB]  }
0x31: {  	[smem:$0x3FB4] =	sst s10  }
0x32: {  	s10 =	sld [smem:$0x3FB2];
	_ =	sdelay $0x3  }
0x33: {  	p0 =	seq.s32 s10, $0x1;
	s10 =	sld [smem:$0x3FB4];
	_ =	sdelay $0x3  }
0x34: {  	[smem:$0x3FB4] =	sst s10  }
0x35: {  	s10 =	sld [smem:$0x3FB3];
	_ =	sdelay $0x3  }
0x36: {  	p1 =	seq.s32 s10, $0x1;
	s10 =	sld [smem:$0x3FB4];
	_ =	sdelay $0x3  }
0x37: {  	[smem:$0x3FB4] =	sst s10  }
0x38: {  	s10 =	sld [smem:$0x3FB5]  }
0x39: {  	_ = 	snop;
	(pc) =	sbr.ind lr, $3  }
0x3a: {  	_ = 	snop  }
0x3b: {  	_ = 	snop  }
0x3c: {  	p2 =	seq.s32 s10, $0x1;
	s10 =	sld [smem:$0x3FB4]  }
0x3d: {  	_ =	shalt  }
0x3e: {  	_ =	shalt  }
0x3f: {  	_ =	shalt  }
0x40: {  	_ =	shalt  }
0x41: {  	_ =	shalt  }
0x42: {  	_ =	shalt  }
0x43: {  	_ =	shalt  }
0x44: {  	_ =	shalt  }
0x45: {  	_ =	shalt  }
0x46: {  	_ =	shalt  }
0x47: {  	_ =	shalt  }
0x48: {  	_ =	shalt  }
0x49: {  	_ =	shalt  }
0x4a: {  	_ =	shalt  }
0x4b: {  	_ =	shalt  }
0x4c: {  	_ =	shalt  }
0x4d: {  	_ =	shalt  }
0x4e: {  	_ =	shalt  }
0x4f: {  	_ =	shalt  }
0x50: {  	_ =	shalt  }
0x51: {  	_ =	shalt  }
0x52: {  	_ =	shalt  }
0x53: {  	_ =	shalt  }
0x54: {  	_ =	shalt  }
0x55: {  	_ =	shalt  }
0x56: {  	_ =	shalt  }
0x57: {  	_ =	shalt  }
0x58: {  	_ =	shalt  }
0x59: {  	_ =	shalt  }
0x5a: {  	_ =	shalt  }
0x5b: {  	_ =	shalt  }
0x5c: {  	_ =	shalt  }
0x5d: {  	_ =	shalt  }
0x5e: {  	_ =	shalt  }
0x5f: {  	_ =	shalt  }
0x60: {  	_ =	shalt  }
0x61: {  	_ =	shalt  }
0x62: {  	_ =	shalt  }
0x63: {  	_ =	shalt  }
0x64: {  	_ =	shalt  }
0x65: {  	_ =	shalt  }
0x66: {  	_ =	shalt  }
0x67: {  	_ =	shalt  }
0x68: {  	_ =	shalt  }
0x69: {  	_ =	shalt  }
0x6a: {  	_ =	shalt  }
0x6b: {  	_ =	shalt  }
0x6c: {  	_ =	shalt  }
0x6d: {  	_ =	shalt  }
0x6e: {  	_ =	shalt  }
0x6f: {  	_ =	shalt  }
0x70: {  	_ =	shalt  }
0x71: {  	_ =	shalt  }
0x72: {  	_ =	shalt  }
0x73: {  	_ =	shalt  }
0x74: {  	_ =	shalt  }
0x75: {  	_ =	shalt  }
0x76: {  	_ =	shalt  }
0x77: {  	_ =	shalt  }
0x78: {  	_ =	shalt  }
0x79: {  	_ =	shalt  }
0x7a: {  	_ =	shalt  }
0x7b: {  	_ =	shalt  }
0x7c: {  	_ =	shalt  }
0x7d: {  	_ =	shalt  }
0x7e: {  	_ =	shalt  }
0x7f: {  	_ =	shalt  }
0x80: {  	_ =	shalt  }
0x81: {  	_ =	shalt  }
0x82: {  	_ =	shalt  }
0x83: {  	_ =	shalt  }
0x84: {  	_ =	shalt  }
0x85: {  	_ =	shalt  }
0x86: {  	_ =	shalt  }
0x87: {  	_ =	shalt  }
.Lfunc_end0:
.L_simem_size_0:
called_computation.2_lowered:
.L_overlay_start_0:
0x88: {  	s2 =	sld [smem:$0x3FD9]  }
0x89: {  	s3 =	sld [smem:$0x3FFE];
	_ =	sdelay $0x1  }
0x8a: {  	s1 =	srdreg.scid  }
0x8b: {  	s0 =	sand.u32 $0x1, s1  }
0x8c: {  	s17 =	sshll.u32 s0, $0xA;
	s2 =	sadd.s32 s3, s2  }
0x8d: {  	s2 =	sadd.s32 s2, s17  }
0x8e: {  	[smem:$0x3FC0] =	sst s2  }
0x8f: {  	_ = 	snop  }
0x90: {  	s2 =	sld [smem:$0x3FD0];
	(tm) =	ssettm $0x1  }
0x91: {  	s18 =	sld [smem:$0x3FFB];
	_ =	sdelay $0x3  }
0x92: {  	_ =	strace s18  }
0x93: {  	s3 =	sld [smem:$0x3FFC];
	_ =	sdelay $0x3  }
0x94: {  	_ =	strace s3  }
0x95: {  	s3 =	sld [smem:$0x3FFD];
	_ =	sdelay $0x3  }
0x96: {  	_ =	strace s3  }
0x97: {  	_ =	strace $0x8FFFFFFF  }
0x98: {  	s19 =	sld [smem:$0x3FDB];
	_ =	sdelay $0x1  }
0x99: {  	s4 =	simm.s32 $_scs_section_size  }
0x9a: {  	s5 =	simm.s32 $_size__tile_overlayer_lowered;
	s6 =	simm.s32 $_tile_overlayer_lowered  }
0x9b: {  	s22 =	simm.s32 $0x1BFF;
	s21 =	sshll.u32 s6, $0x1;
	s3 =	sadd.s32 s4, s19  }
0x9c: {  	s7 =	simm.s32 $0x0;
	s20 =	sshll.u32 s5, $0x1;
	s5 =	sadd.s32 s21, s3  }
0x9d: {  	[timem:s7], [sflag:s22] =	dma.local [hbm:s5], s20  }
0x9e: {  	_ =	swait.ge [sflag:s22], s20  }
0x9f: {  	s4 =	ssub.s32 $0x0, s20;
	[sflag:s22] =	ssyncset.done $0x0  }
0xa0: {  	[sflag:s22] =	ssyncadd.s32 s4;
	_ =	sdelay $0x1  }
0xa1: {  	s23 =	simm.s32 $0x1B8B  }
0xa2: {  	_ =	swait.ge [sflag:s23], $0x1  }
0xa3: {  	[sflag:s23] =	ssyncset.done $0x0  }
0xa4: {  	s25 =	simm.s32 $0x1B8E;
	s24 =	sld [smem:$0x3FFE];
	[sflag:s23] =	ssyncadd.s32 $0xFFFFFFFF  }
0xa5: {  	s26 =	simm.s32 $execute0_lowered;
	[smem:$0x3FD2] =	sst s25  }
0xa6: {  	s5 =	sshll.u32 s26, $0x1;
	_ =	strace $0x8000004C;
	[dreg:$0x1] =	wrdreg $0xFFFFFFFF  }
0xa7: {  	s28 =	simm.s32 $_size_execute0_lowered;
	s3 =	sadd.s32 s3, s5;
	[dreg:$0x0] =	wrdreg $0x0  }
0xa8: {  	s5 =	sshll.u32 s28, $0x1;
	[dreg:$0x2] =	wrdreg s3  }
0xa9: {  	[dreg:$0x3] =	wrdreg s5  }
0xaa: {  	[dreg:$0x4] =	wrdreg $0xC0  }
0xab: {  	_ =	task [dreg:s7], $0x5FFFF  }
0xac: {  	[dreg:$0x1] =	wrdreg $0xFFFFFFFF  }
0xad: {  	[dreg:$0x0] =	wrdreg $0x60  }
0xae: {  	[dreg:$0x2] =	wrdreg s24  }
0xaf: {  	[dreg:$0x3] =	wrdreg s2  }
0xb0: {  	[dreg:$0x4] =	wrdreg $0x10E200  }
0xb1: {  	[dreg:$0x5] =	wrdreg $0x9  }
0xb2: {  	_ =	task.clear_ibuf [dreg:s7], $0x6FFFF;
	_ =	strace $0x9000004C  }
0xb3: {  	s29 =	simm.s32 $0x9;
	_ =	strace $0x8000004E  }
0xb4: {  	_ =	swait.ge [sflag:s29], $0x1  }
0xb5: {  	[sflag:s29] =	ssyncadd.s32 $0xFFFFFFFF  }
0xb6: {  	_ =	strace $0x9000004E  }
0xb7: {  	_ =	sfence  }
0xb8: {  	s30 =	sld [smem:$0x0];
	_ =	sdelay $0x2  }
0xb9: {  	s31 =	sshll.u32 s1, $0xD;
	s1 =	sshrl.u32 s1, $0x2  }
0xba: {  	s3 =	sand.u32 $0x4000, s31;
	s1 =	sadd.s32 s1, s30  }
0xbb: {  	s0 =	sor.u32 s3, s0;
	s1 =	sshll.u32 s1, $0x11  }
0xbc: {  	s0 =	sor.u32 s1, s0  }
0xbd: {  	s0 =	sadd.s32 $0x8F2B, s0  }
0xbe: {  	[sflag:s0] =	ssyncadd.remote.s32 $0x1  }
0xbf: {  	_ =	sfence.sel $0xFFFF  }
0xc0: {  	[dreg:$0x0] =	wrdreg $0xFFFFFFFF;
	(pc) =	sbr.abs _section_cstart, $3  }
0xc1: {  	[dreg:$0x1] =	wrdreg $0xFFFFFFFF  }
0xc2: {  	_ =	task.clear_ibuf [dreg:s7], $0x2FFFF;
	_ =	strace $0x9FFFFFFF  }
0xc3: {  	(tm) =	ssettm $0x7FFFFFFF  }
tec
execute0_lowered:
.L_overlay_start_1:
0x0: {  	(tag) =	ssettag $0x1  }
0x1: {  	s0 =	rddreg [dreg:$0x0]  }
0x2: {  	s1 =	rddreg [dreg:$0x1]  }
0x3: {  	s2 =	rddreg [dreg:$0x2]  }
0x4: {  	s3 =	simm.s32 $0x0;
	s11 =	stileid.u32;
	s4 =	srdreg.scid  }
0x5: {  	s12 =	simm.s32 $0xD;
	s14 =	simm.s32 $0x80;
	s15 =	simm.s32 $0x4E20  }
0x6: {  	s16 =	simm.s32 $0x6E20;
	s18 =	simm.s32 $0x8E20;
	s20 =	simm.s32 $0xAE20  }
0x7: {  	s22 =	simm.s32 $0xCE20;
	s28 =	simm.s32 $0x3;
	s29 =	simm.s32 $0x4  }
0x8: {  	s30 =	simm.s32 $0x5;
	s31 =	simm.s32 $0x6;
	s13 =	simm.s32 $0x9  }
0x9: {  	s17 =	simm.s32 $0xA;
	s19 =	simm.s32 $0xB;
	s21 =	simm.s32 $0xC  }
0xa: {  	[smem:$0x7FF] =	sst s3;
	s5 =	smul.u32 $0xFA00, s11;
	s6 =	sand.u32 $0x1, s4  }
0xb: {  	s4 =	sadd.s32 $0x3200, s0;
	p0 =	sgt.u32 s11, $0x9;
	_ =	strace $0x8000004D  }
0xc: {  	s7 =	smul.u32 $0x9C400, s6;
	s8 =	sshll.u32 s6, $0x4;
	s6 =	ssub.s32 $0x2, s6  }
0xd: {  	s9 =	sshrl.u32 s5, $0x3;
	s8 =	sor.u32 s11, s8;
	s10 =	sshrl.u32 s6, $0x1  }
0xe: {  	s7 =	sadd.s32 s5, s7;
	s8 =	smul.u32 $0x2710, s8;
	s9 =	sadd.s32 s9, s0  }
0xf: {  	s6 =	ssub.s32 s6, s10;
	s7 =	sshrl.u32 s7, $0x3;
	s24 =	sadd.s32 $0x16C00, s9  }
0x10: {  	s26 =	smax.u32 s6, $0x1;
	s6 =	simm.s32 $0x0;
	s0 =	sadd.s32 s7, s0  }
0x11: {  	s23 =	sshrl.u32 s8, $0x3;
	s8 =	sadd.s32 s5, s2;
	[dreg:$0x4] =	wrdreg s24  }
0x12: {  	[dreg:$0x7] =	wrdreg s26;
	s24 =	simm.s32 $0xEE20;
	s26 =	simm.s32 $0x2  }
0x13: {  	s5 =	sadd.s32 s1, s23;
	s1 =	sshll.u32 @!p0 s11, $0x6;
	s0 =	sadd.s32 $0x2A600, s0  }
0x14: {  	s11 =	sshrl.u32 @!p0 s8, $0x3;
	s23 =	simm.s32 $0x10;
	s25 =	sadd.s32 $0x9C40, s5  }
0x15: {  	[dreg:$0x6] =	wrdreg s0;
	s10 =	sor.u32 @!p0 $0x1C0D, s1;
	s0 =	simm.s32 $0x7  }
0x16: {  	s1 =	simm.s32 $0x8;
	[dreg:$0x5] =	wrdreg s25;
	s25 =	simm.s32 $0x1  }
.LBB2_1:
0x17: {  	s7 =	rddreg [dreg:$0x4]  }
0x18: {  	[spmem:s11], [sflag:s10] =	dma.local @!p0 [hbm:s7], $0x1F40  }
0x19: {  	s7 =	simm.s32 @!p0 $0xD  }
0x1a: {  	_ =	swait.ge @!p0 [sflag:s7], $0x1F40  }
0x1b: {  	[sflag:s7] =	ssyncset.done @!p0 $0x0  }
0x1c: {  	[sflag:s7] =	ssyncadd.s32 @!p0 $0xFFFFE0C0  }
0x1d: {  	[tilespmem:s3], [sflag:$0xD] =	stream.linear.gather [hbm4b:s5+s3], $0x2710, $0x38;
	[tilespmem:$0x1AA60] =	vst v63  }
0x1e: {  	_ =	swait.ge [sflag:s12], $0x2710  }
0x1f: {  	[sflag:s12] =	ssyncset.done $0x0  }
0x20: {  	s8 =	simm.s32 $0x2710;
	s9 =	rddreg [dreg:$0x5];
	[sflag:s12] =	ssyncadd.s32 $0xFFFFD8F0  }
0x21: {  	[tilespmem:s8], [sflag:$0xD] =	stream.linear.gather [hbm4b:s9+s3], $0x2710, $0x38;
	[tilespmem:$0x1AA60] =	vst v63  }
0x22: {  	_ =	swait.ge [sflag:s12], $0x2710  }
0x23: {  	[sflag:s12] =	ssyncset.done $0x0  }
0x24: {  	[sflag:s12] =	ssyncadd.s32 $0xFFFFD8F0  }
0x25: {  	[bflag:$0x0] =	sbarrier.arrive $0xFFFF  }
0x26: {  	[tilespmem:s15], [sflag:$0x1] =	stream.indirect.gather [hbm4b:s4+s14], $0x40, s3, s14, $0xb8;
	[tilespmem:$0x1AA60] =	vst v63  }
0x27: {  	_ = 	snop  }
0x28: {  	[tilespmem:s16], [sflag:$0x2] =	stream.indirect.gather [hbm4b:s4+s14], $0x40, s14, s14, $0xb8;
	[tilespmem:$0x1AA60] =	vst v63  }
0x29: {  	s9 =	simm.s32 $0x100  }
0x2a: {  	[tilespmem:s18], [sflag:$0x3] =	stream.indirect.gather [hbm4b:s4+s14], $0x40, s9, s14, $0xb8;
	[tilespmem:$0x1AA60] =	vst v63  }
0x2b: {  	s8 =	simm.s32 $0x180  }
0x2c: {  	[tilespmem:s20], [sflag:$0x4] =	stream.indirect.gather [hbm4b:s4+s14], $0x40, s8, s14, $0xb8;
	[tilespmem:$0x1AA60] =	vst v63  }
0x2d: {  	s9 =	simm.s32 $0x200  }
0x2e: {  	[tilespmem:s22], [sflag:$0x5] =	stream.indirect.gather [hbm4b:s4+s14], $0x40, s9, s14, $0xb8;
	[tilespmem:$0x1AA60] =	vst v63  }
0x2f: {  	s8 =	simm.s32 $0x280  }
0x30: {  	[tilespmem:s24], [sflag:$0x6] =	stream.indirect.gather [hbm4b:s4+s14], $0x40, s8, s14, $0xb8;
	[tilespmem:$0x1AA60] =	vst v63  }
0x31: {  	_ =	swait.ge [sflag:s25], $0x2000  }
0x32: {  	[sflag:s25] =	ssyncset.done $0x0  }
0x33: {  	s9 =	simm.s32 $0x2710;
	[sflag:s25] =	ssyncadd.s32 $0xFFFFE000  }
0x34: {  	[spmem:s2] =	stream.indirect.scatter.add.f32 [tilespmem:s15], [sflag:$0x7], $0x40, s9, s14, $0xb8;
	[tilespmem:$0x1AA60] =	vst v63  }
0x35: {  	_ =	swait.ge [sflag:s26], $0x2000  }
0x36: {  	[sflag:s26] =	ssyncset.done $0x0  }
0x37: {  	s8 =	simm.s32 $0x2790;
	[sflag:s26] =	ssyncadd.s32 $0xFFFFE000  }
0x38: {  	[spmem:s2] =	stream.indirect.scatter.add.f32 [tilespmem:s16], [sflag:$0x8], $0x40, s8, s14, $0xb8;
	[tilespmem:$0x1AA60] =	vst v63  }
0x39: {  	_ =	swait.ge [sflag:s28], $0x2000  }
0x3a: {  	[sflag:s28] =	ssyncset.done $0x0  }
0x3b: {  	s9 =	simm.s32 $0x2810;
	[sflag:s28] =	ssyncadd.s32 $0xFFFFE000  }
0x3c: {  	[spmem:s2] =	stream.indirect.scatter.add.f32 [tilespmem:s18], [sflag:$0x9], $0x40, s9, s14, $0xb8;
	[tilespmem:$0x1AA60] =	vst v63  }
0x3d: {  	_ =	swait.ge [sflag:s29], $0x2000  }
0x3e: {  	[sflag:s29] =	ssyncset.done $0x0  }
0x3f: {  	s8 =	simm.s32 $0x2890;
	[sflag:s29] =	ssyncadd.s32 $0xFFFFE000  }
0x40: {  	[spmem:s2] =	stream.indirect.scatter.add.f32 [tilespmem:s20], [sflag:$0xA], $0x40, s8, s14, $0xb8;
	[tilespmem:$0x1AA60] =	vst v63  }
0x41: {  	_ =	swait.ge [sflag:s30], $0x2000  }
0x42: {  	[sflag:s30] =	ssyncset.done $0x0  }
0x43: {  	s9 =	simm.s32 $0x2910;
	[sflag:s30] =	ssyncadd.s32 $0xFFFFE000  }
0x44: {  	[spmem:s2] =	stream.indirect.scatter.add.f32 [tilespmem:s22], [sflag:$0xB], $0x40, s9, s14, $0xb8;
	[tilespmem:$0x1AA60] =	vst v63  }
0x45: {  	_ =	swait.ge [sflag:s31], $0x2000  }
0x46: {  	[sflag:s31] =	ssyncset.done $0x0  }
0x47: {  	s8 =	simm.s32 $0x2990;
	[sflag:s31] =	ssyncadd.s32 $0xFFFFE000  }
0x48: {  	[spmem:s2] =	stream.indirect.scatter.add.f32 [tilespmem:s24], [sflag:$0xC], $0x40, s8, s14, $0xb8;
	[tilespmem:$0x1AA60] =	vst v63  }
0x49: {  	_ =	swait.ge [sflag:s0], $0x2000  }
0x4a: {  	[sflag:s0] =	ssyncset.done $0x0  }
0x4b: {  	s9 =	simm.s32 $0x300;
	[sflag:s0] =	ssyncadd.s32 $0xFFFFE000  }
0x4c: {  	[tilespmem:s15], [sflag:$0x1] =	stream.indirect.gather [hbm4b:s4+s14], $0x40, s9, s14, $0xb8;
	[tilespmem:$0x1AA60] =	vst v63  }
0x4d: {  	_ =	swait.ge [sflag:s1], $0x2000  }
0x4e: {  	[sflag:s1] =	ssyncset.done $0x0  }
0x4f: {  	s8 =	simm.s32 $0x380;
	[sflag:s1] =	ssyncadd.s32 $0xFFFFE000  }
0x50: {  	[tilespmem:s16], [sflag:$0x2] =	stream.indirect.gather [hbm4b:s4+s14], $0x40, s8, s14, $0xb8;
	[tilespmem:$0x1AA60] =	vst v63  }
0x51: {  	_ =	swait.ge [sflag:s13], $0x2000  }
0x52: {  	[sflag:s13] =	ssyncset.done $0x0  }
0x53: {  	s9 =	simm.s32 $0x400;
	[sflag:s13] =	ssyncadd.s32 $0xFFFFE000  }
0x54: {  	[tilespmem:s18], [sflag:$0x3] =	stream.indirect.gather [hbm4b:s4+s14], $0x40, s9, s14, $0xb8;
	[tilespmem:$0x1AA60] =	vst v63  }
0x55: {  	_ =	swait.ge [sflag:s17], $0x2000  }
0x56: {  	[sflag:s17] =	ssyncset.done $0x0  }
0x57: {  	s8 =	simm.s32 $0x480;
	[sflag:s17] =	ssyncadd.s32 $0xFFFFE000  }
0x58: {  	[tilespmem:s20], [sflag:$0x4] =	stream.indirect.gather [hbm4b:s4+s14], $0x40, s8, s14, $0xb8;
	[tilespmem:$0x1AA60] =	vst v63  }
0x59: {  	_ =	swait.ge [sflag:s19], $0x2000  }
0x5a: {  	[sflag:s19] =	ssyncset.done $0x0  }
0x5b: {  	s9 =	simm.s32 $0x500;
	[sflag:s19] =	ssyncadd.s32 $0xFFFFE000  }
0x5c: {  	[tilespmem:s22], [sflag:$0x5] =	stream.indirect.gather [hbm4b:s4+s14], $0x40, s9, s14, $0xb8;
	[tilespmem:$0x1AA60] =	vst v63  }
0x5d: {  	_ =	swait.ge [sflag:s21], $0x2000  }
0x5e: {  	[sflag:s21] =	ssyncset.done $0x0  }
0x5f: {  	s7 =	simm.s32 $0xC00;
	s8 =	simm.s32 $0x580;
	[sflag:s21] =	ssyncadd.s32 $0xFFFFE000  }
.LBB2_2:
0x60: {  	[tilespmem:s24], [sflag:$0x6] =	stream.indirect.gather [hbm4b:s4+s14], $0x40, s8, s14, $0xb8;
	[tilespmem:$0x1AA60] =	vst v63  }
0x61: {  	s8 =	smov.u32 s7  }
0x62: {  	p1 =	sne.s32 s7, $0x8400;
	s7 =	sadd.s32 $0xC00, s7;
	_ =	swait.ge [sflag:s25], $0x2000  }
0x63: {  	s8 =	sshra.s32 s8, $0x2;
	[sflag:s25] =	ssyncset.done $0x0  }
0x64: {  	s9 =	sadd.s32 $0x2710, s8;
	[sflag:s25] =	ssyncadd.s32 $0xFFFFE000  }
0x65: {  	[spmem:s2] =	stream.indirect.scatter.add.f32 [tilespmem:s15], [sflag:$0x7], $0x40, s9, s14, $0xb8;
	[tilespmem:$0x1AA60] =	vst v63  }
0x66: {  	_ =	swait.ge [sflag:s26], $0x2000  }
0x67: {  	[sflag:s26] =	ssyncset.done $0x0  }
0x68: {  	s9 =	sadd.s32 $0x2790, s8;
	[sflag:s26] =	ssyncadd.s32 $0xFFFFE000  }
0x69: {  	[spmem:s2] =	stream.indirect.scatter.add.f32 [tilespmem:s16], [sflag:$0x8], $0x40, s9, s14, $0xb8;
	[tilespmem:$0x1AA60] =	vst v63  }
0x6a: {  	_ =	swait.ge [sflag:s28], $0x2000  }
0x6b: {  	[sflag:s28] =	ssyncset.done $0x0  }
0x6c: {  	s9 =	sadd.s32 $0x2810, s8;
	[sflag:s28] =	ssyncadd.s32 $0xFFFFE000  }
0x6d: {  	[spmem:s2] =	stream.indirect.scatter.add.f32 [tilespmem:s18], [sflag:$0x9], $0x40, s9, s14, $0xb8;
	[tilespmem:$0x1AA60] =	vst v63  }
0x6e: {  	_ =	swait.ge [sflag:s29], $0x2000  }
0x6f: {  	[sflag:s29] =	ssyncset.done $0x0  }
0x70: {  	s9 =	sadd.s32 $0x2890, s8;
	[sflag:s29] =	ssyncadd.s32 $0xFFFFE000  }
0x71: {  	[spmem:s2] =	stream.indirect.scatter.add.f32 [tilespmem:s20], [sflag:$0xA], $0x40, s9, s14, $0xb8;
	[tilespmem:$0x1AA60] =	vst v63  }
0x72: {  	_ =	swait.ge [sflag:s30], $0x2000  }
0x73: {  	[sflag:s30] =	ssyncset.done $0x0  }
0x74: {  	s9 =	sadd.s32 $0x2910, s8;
	[sflag:s30] =	ssyncadd.s32 $0xFFFFE000  }
0x75: {  	[spmem:s2] =	stream.indirect.scatter.add.f32 [tilespmem:s22], [sflag:$0xB], $0x40, s9, s14, $0xb8;
	[tilespmem:$0x1AA60] =	vst v63  }
0x76: {  	_ =	swait.ge [sflag:s31], $0x2000  }
0x77: {  	[sflag:s31] =	ssyncset.done $0x0  }
0x78: {  	s9 =	sadd.s32 $0x2990, s8;
	[sflag:s31] =	ssyncadd.s32 $0xFFFFE000  }
0x79: {  	[spmem:s2] =	stream.indirect.scatter.add.f32 [tilespmem:s24], [sflag:$0xC], $0x40, s9, s14, $0xb8;
	[tilespmem:$0x1AA60] =	vst v63  }
0x7a: {  	_ =	swait.ge [sflag:s0], $0x2000  }
0x7b: {  	[sflag:s0] =	ssyncset.done $0x0  }
0x7c: {  	s9 =	sadd.s32 $0x300, s8;
	[sflag:s0] =	ssyncadd.s32 $0xFFFFE000  }
0x7d: {  	[tilespmem:s15], [sflag:$0x1] =	stream.indirect.gather [hbm4b:s4+s14], $0x40, s9, s14, $0xb8;
	[tilespmem:$0x1AA60] =	vst v63  }
0x7e: {  	_ =	swait.ge [sflag:s1], $0x2000  }
0x7f: {  	[sflag:s1] =	ssyncset.done $0x0  }
0x80: {  	s9 =	sadd.s32 $0x380, s8;
	[sflag:s1] =	ssyncadd.s32 $0xFFFFE000  }
0x81: {  	[tilespmem:s16], [sflag:$0x2] =	stream.indirect.gather [hbm4b:s4+s14], $0x40, s9, s14, $0xb8;
	[tilespmem:$0x1AA60] =	vst v63  }
0x82: {  	_ =	swait.ge [sflag:s13], $0x2000  }
0x83: {  	[sflag:s13] =	ssyncset.done $0x0  }
0x84: {  	s9 =	sadd.s32 $0x400, s8;
	[sflag:s13] =	ssyncadd.s32 $0xFFFFE000  }
0x85: {  	[tilespmem:s18], [sflag:$0x3] =	stream.indirect.gather [hbm4b:s4+s14], $0x40, s9, s14, $0xb8;
	[tilespmem:$0x1AA60] =	vst v63  }
0x86: {  	_ =	swait.ge [sflag:s17], $0x2000  }
0x87: {  	[sflag:s17] =	ssyncset.done $0x0  }
0x88: {  	s9 =	sadd.s32 $0x480, s8;
	[sflag:s17] =	ssyncadd.s32 $0xFFFFE000  }
0x89: {  	[tilespmem:s20], [sflag:$0x4] =	stream.indirect.gather [hbm4b:s4+s14], $0x40, s9, s14, $0xb8;
	[tilespmem:$0x1AA60] =	vst v63  }
0x8a: {  	_ =	swait.ge [sflag:s19], $0x2000  }
0x8b: {  	[sflag:s19] =	ssyncset.done $0x0  }
.Ltmp0:
0x8c: {  	s9 =	sadd.s32 $0x500, s8;
	[sflag:s19] =	ssyncadd.s32 $0xFFFFE000;
	(pc) =	sbr.rel @p1 .LBB2_2-.Ltmp0, $4  }
0x8d: {  	[tilespmem:s22], [sflag:$0x5] =	stream.indirect.gather [hbm4b:s4+s14], $0x40, s9, s14, $0xb8;
	[tilespmem:$0x1AA60] =	vst v63  }
0x8e: {  	_ =	swait.ge [sflag:s21], $0x2000  }
0x8f: {  	[sflag:s21] =	ssyncset.done $0x0  }
0x90: {  	s8 =	sadd.s32 $0x580, s8;
	[sflag:s21] =	ssyncadd.s32 $0xFFFFE000  }
0x91: {  	[tilespmem:s24], [sflag:$0x6] =	stream.indirect.gather [hbm4b:s4+s14], $0x40, s8, s14, $0xb8;
	[tilespmem:$0x1AA60] =	vst v63  }
0x92: {  	_ =	swait.ge [sflag:s25], $0x2000  }
0x93: {  	[sflag:s25] =	ssyncset.done $0x0  }
0x94: {  	s7 =	simm.s32 $0x4B10;
	[sflag:s25] =	ssyncadd.s32 $0xFFFFE000  }
0x95: {  	[spmem:s2] =	stream.indirect.scatter.add.f32 [tilespmem:s15], [sflag:$0x7], $0x40, s7, s14, $0xb8;
	[tilespmem:$0x1AA60] =	vst v63  }
0x96: {  	_ =	swait.ge [sflag:s26], $0x2000  }
0x97: {  	[sflag:s26] =	ssyncset.done $0x0  }
0x98: {  	s8 =	simm.s32 $0x4B90;
	[sflag:s26] =	ssyncadd.s32 $0xFFFFE000  }
0x99: {  	[spmem:s2] =	stream.indirect.scatter.add.f32 [tilespmem:s16], [sflag:$0x8], $0x40, s8, s14, $0xb8;
	[tilespmem:$0x1AA60] =	vst v63  }
0x9a: {  	_ =	swait.ge [sflag:s28], $0x2000  }
0x9b: {  	[sflag:s28] =	ssyncset.done $0x0  }
0x9c: {  	s9 =	simm.s32 $0x4C10;
	[sflag:s28] =	ssyncadd.s32 $0xFFFFE000  }
0x9d: {  	[spmem:s2] =	stream.indirect.scatter.add.f32 [tilespmem:s18], [sflag:$0x9], $0x40, s9, s14, $0xb8;
	[tilespmem:$0x1AA60] =	vst v63  }
0x9e: {  	_ =	swait.ge [sflag:s29], $0x2000  }
0x9f: {  	[sflag:s29] =	ssyncset.done $0x0  }
0xa0: {  	s8 =	simm.s32 $0x4C90;
	[sflag:s29] =	ssyncadd.s32 $0xFFFFE000  }
0xa1: {  	[spmem:s2] =	stream.indirect.scatter.add.f32 [tilespmem:s20], [sflag:$0xA], $0x40, s8, s14, $0xb8;
	[tilespmem:$0x1AA60] =	vst v63  }
0xa2: {  	_ =	swait.ge [sflag:s30], $0x2000  }
0xa3: {  	[sflag:s30] =	ssyncset.done $0x0  }
0xa4: {  	s9 =	simm.s32 $0x4D10;
	[sflag:s30] =	ssyncadd.s32 $0xFFFFE000  }
0xa5: {  	[spmem:s2] =	stream.indirect.scatter.add.f32 [tilespmem:s22], [sflag:$0xB], $0x40, s9, s14, $0xb8;
	[tilespmem:$0x1AA60] =	vst v63  }
0xa6: {  	_ =	swait.ge [sflag:s31], $0x2000  }
0xa7: {  	[sflag:s31] =	ssyncset.done $0x0  }
0xa8: {  	s8 =	simm.s32 $0x4D90;
	[sflag:s31] =	ssyncadd.s32 $0xFFFFE000  }
0xa9: {  	[spmem:s2] =	stream.indirect.scatter.add.f32 [tilespmem:s24], [sflag:$0xC], $0x40, s8, s14, $0xb8;
	[tilespmem:$0x1AA60] =	vst v63  }
0xaa: {  	_ =	swait.ge [sflag:s0], $0x2000  }
0xab: {  	[sflag:s0] =	ssyncset.done $0x0  }
0xac: {  	[sflag:s0] =	ssyncadd.s32 $0xFFFFE000  }
0xad: {  	_ =	swait.ge [sflag:s1], $0x2000  }
0xae: {  	[sflag:s1] =	ssyncset.done $0x0  }
0xaf: {  	[sflag:s1] =	ssyncadd.s32 $0xFFFFE000  }
0xb0: {  	_ =	swait.ge [sflag:s13], $0x2000  }
0xb1: {  	[sflag:s13] =	ssyncset.done $0x0  }
0xb2: {  	[sflag:s13] =	ssyncadd.s32 $0xFFFFE000  }
0xb3: {  	_ =	swait.ge [sflag:s17], $0x2000  }
0xb4: {  	[sflag:s17] =	ssyncset.done $0x0  }
0xb5: {  	[sflag:s17] =	ssyncadd.s32 $0xFFFFE000  }
0xb6: {  	_ =	swait.ge [sflag:s19], $0x2000  }
0xb7: {  	[sflag:s19] =	ssyncset.done $0x0  }
0xb8: {  	[sflag:s19] =	ssyncadd.s32 $0xFFFFE000  }
0xb9: {  	_ =	swait.ge [sflag:s21], $0x2000  }
0xba: {  	[sflag:s21] =	ssyncset.done $0x0  }
0xbb: {  	s9 =	simm.s32 $0x2700;
	[sflag:s21] =	ssyncadd.s32 $0xFFFFE000  }
0xbc: {  	[tilespmem:s15], [sflag:$0x1] =	stream.indirect.gather [hbm4b:s4+s23], $0x40, s9, s23, $0xb8;
	[tilespmem:$0x1AA60] =	vst v63  }
0xbd: {  	_ =	swait.ge [sflag:s25], $0x400  }
0xbe: {  	[sflag:s25] =	ssyncset.done $0x0  }
0xbf: {  	s8 =	simm.s32 $0x4E10;
	[sflag:s25] =	ssyncadd.s32 $0xFFFFFC00  }
0xc0: {  	[spmem:s2] =	stream.indirect.scatter.add.f32 [tilespmem:s15], [sflag:$0x7], $0x40, s8, s23, $0xb8;
	[tilespmem:$0x1AA60] =	vst v63  }
0xc1: {  	_ =	swait.ge [sflag:s0], $0x400  }
0xc2: {  	[sflag:s0] =	ssyncset.done $0x0  }
0xc3: {  	[sflag:s0] =	ssyncadd.s32 $0xFFFFFC00  }
0xc4: {  	[bflag:$0x0] =	sbarrier.arrive $0xFFFF  }
0xc5: {  	s7 =	rddreg [dreg:$0x6]  }
0xc6: {  	[hbm:s7], [sflag:s10] =	dma.local @!p0 [spmem:s11], $0x1F40  }
0xc7: {  	s7 =	simm.s32 @!p0 $0xD  }
0xc8: {  	_ =	swait.ge @!p0 [sflag:s7], $0x1F40  }
0xc9: {  	s6 =	sadd.s32 $0x1, s6;
	s9 =	rddreg [dreg:$0x7]  }
0xca: {  	p1 =	sne.s32 s6, s9  }
.Ltmp1:
0xcb: {  	_ = 	snop;
	(pc) =	sbr.rel @p1 .LBB2_1-.Ltmp1, $3  }
0xcc: {  	_ =	sdelay $0x1  }
0xcd: {  	[sflag:s7] =	ssyncset.done @!p0 $0x0  }
0xce: {  	[sflag:s7] =	ssyncadd.s32 @!p0 $0xFFFFE0C0  }
0xcf: {  	_ =	sfence.sel $0x180000  }
0xd0: {  	[bflag:$0x0] =	sbarrier.arrive $0xFFFF  }
0xd1: {  	_ =	strace $0x9000004D  }
0xd2: {  	s0 =	stileid.u32;
	[bflag:$0x2] =	sbarrier.arrive $0xFFFF  }
0xd3: {  	p0 =	sne.s32 s0, $0x0;
	s0 =	rddreg [dreg:$0x3]  }
0xd4: {  	s0 =	sadd.s32 @!p0 $0x100000, s0  }
0xd5: {  	[sflag:s0] =	ssyncadd.tile.s32 @!p0 $0x1;
	_ =	shalt  }
.Lfunc_end2:
_tile_overlayer_lowered:
.L_overlay_start_2:
0xd6: {  	(tag) =	ssettag $0x2  }
0xd7: {  	s0 =	rddreg [dreg:$0x0];
	s2 =	stileid.u32  }
0xd8: {  	s1 =	rddreg [dreg:$0x1];
	p0 =	sne.s32 s2, $0x0  }
0xd9: {  	s3 =	rddreg [dreg:$0x2];
	[bflag:$0x3] =	sbarrier.arrive $0xFFFF;
	s2 =	simm.s32 @!p0 $0x1C0D  }
0xda: {  	[timem:s3], [sflag:s2] =	dma.local @!p0 [hbm:s0], s1  }
0xdb: {  	s0 =	simm.s32 @!p0 $0xD  }
0xdc: {  	_ =	swait.ge @!p0 [sflag:s0], s1  }
0xdd: {  	s1 =	ssub.s32 @!p0 $0x0, s1;
	[sflag:s0] =	ssyncset.done @!p0 $0x0  }
0xde: {  	[sflag:s0] =	ssyncadd.s32 @!p0 s1  }
0xdf: {  	[bflag:$0x3] =	sbarrier.arrive $0xFFFF  }
0xe0: {  	_ =	shalt  }

// kernel: kernel.19.cloned.1.call-start
scs
__scs_entry_jumppad:
0x0: {  	(pc) =	sbr.rel $0x88, $3  }
0x1: {  	(tag) =	ssettag $0x0;
	lr =	simm.s32 $0x1  }
0x2: {  	[smem:$0x3F99] =	sst lr;
	_ =	strace $0xD0000000  }
0x3: {  	_ = 	snop  }
0x4: {  	_ = 	snop  }
0x5: {  	_ = 	snop  }
0x6: {  	_ = 	snop  }
0x7: {  	_ = 	snop  }
__scs_overlays_trampoline_lowered:
0x8: {  	[smem:$0x3FA8] =	sst s0  }
0x9: {  	[smem:$0x3FA9] =	sst s1  }
0xa: {  	[smem:$0x3FAA] =	sst s2  }
0xb: {  	[smem:$0x3FAB] =	sst s3  }
0xc: {  	[smem:$0x3FAC] =	sst s4  }
0xd: {  	[smem:$0x3FAD] =	sst s5  }
0xe: {  	[smem:$0x3FAE] =	sst s6  }
0xf: {  	[smem:$0x3FAF] =	sst s7  }
0x10: {  	[smem:$0x3FB0] =	sst s8  }
0x11: {  	[smem:$0x3FB1] =	sst s9;
	s0 =	simm.s32 @!p0 $0x0  }
0x12: {  	s1 =	sld [smem:$0x3F97];
	s0 =	simm.s32 @p0 $0x1  }
0x13: {  	[smem:$0x3FB2] =	sst s0;
	s0 =	simm.s32 @!p1 $0x0  }
0x14: {  	s2 =	sld [smem:$0x3F96];
	s0 =	simm.s32 @p1 $0x1  }
0x15: {  	[smem:$0x3FB3] =	sst s0;
	s0 =	simm.s32 @!p2 $0x0  }
0x16: {  	s3 =	sld [smem:$0x3FDB];
	s0 =	simm.s32 @p2 $0x1  }
0x17: {  	s4 =	simm.s32 $0x1BF5;
	[smem:$0x3FB5] =	sst s0  }
0x18: {  	s0 =	sld [smem:$0x3F98];
	_ =	swait.ge [sflag:s4], $0x0  }
0x19: {  	s7 =	sld [smem:$0x3F99]  }
0x1a: {  	s8 =	sadd.s32 $0xFFFFE003, lr  }
0x1b: {  	s9 =	sadd.s32 $0xFFFFFEF7, lr;
	s5 =	simm.s32 $0xFFFFFFFF;
	p2 =	slt.u32 s8, $0xFFFFF086  }
0x1c: {  	p1 =	slt.u32 s9, $0xF7A;
	s5 =	simm.s32 @!p2 $0x0  }
0x1d: {  	s5 =	simm.s32 @p1 $0x1;
	p0 =	seq.s32 s7, s2  }
0x1e: {  	s7 =	smul.u32 @!p0 $0xF7A, s2;
	p2 =	seq.s32 @!p0 s5, $0x0  }
0x1f: {  	s9 =	smul.u32 $0xF7A, s1;
	s8 =	simm.s32 @!p0 $0x1BF5;
	p2 =	por !p2, p0  }
0x20: {  	[sflag:s8] =	ssyncset.s32 @!p0 $0xFFFFF086;
	s6 =	sadd.s32 @!p0 s3, s7;
	s7 =	simm.s32 @!p0 $0x108  }
0x21: {  	s3 =	sadd.s32 s3, s9;
	s6 =	sadd.s32 @!p0 $0x88, s6;
	s7 =	simm.s32 @p2 $0x1082  }
0x22: {  	[simem:s7], [sflag:s8] =	dma.local @!p0 [hbm:s6], $0xF7A  }
0x23: {  	s9 =	sor.u32 $0xD0000000, s2;
	s6 =	simm.s32 $0x108;
	_ =	swait.ge @!p0 [sflag:s8], $0x0  }
0x24: {  	s3 =	sadd.s32 $0x88, s3;
	s6 =	simm.s32 @!p1 $0x1082;
	[sflag:s4] =	ssyncset.s32 $0xFFFFF086  }
0x25: {  	[simem:s6], [sflag:s4] =	dma.local [hbm:s3], $0xF7A  }
0x26: {  	[smem:$0x3F99] =	sst s1;
	(tag) =	ssettag s2;
	_ =	strace s9  }
0x27: {  	s1 =	sld [smem:$0x3FA9]  }
0x28: {  	s2 =	sld [smem:$0x3FAA]  }
0x29: {  	s4 =	sld [smem:$0x3FAC]  }
0x2a: {  	p0 =	seq.s32 s5, $0x0;
	s5 =	sld [smem:$0x3FAD]  }
0x2b: {  	s6 =	sld [smem:$0x3FAE]  }
0x2c: {  	s7 =	sld [smem:$0x3FAF]  }
0x2d: {  	s3 =	simm.s32 $0x108;
	s8 =	sld [smem:$0x3FB0]  }
0x2e: {  	s3 =	simm.s32 @!p0 $0x1082;
	s9 =	sld [smem:$0x3FB1]  }
0x2f: {  	lr =	sadd.s32 s0, s3;
	s0 =	sld [smem:$0x3FA8]  }
0x30: {  	s3 =	sld [smem:$0x3FAB]  }
0x31: {  	[smem:$0x3FB4] =	sst s10  }
0x32: {  	s10 =	sld [smem:$0x3FB2];
	_ =	sdelay $0x3  }
0x33: {  	p0 =	seq.s32 s10, $0x1;
	s10 =	sld [smem:$0x3FB4];
	_ =	sdelay $0x3  }
0x34: {  	[smem:$0x3FB4] =	sst s10  }
0x35: {  	s10 =	sld [smem:$0x3FB3];
	_ =	sdelay $0x3  }
0x36: {  	p1 =	seq.s32 s10, $0x1;
	s10 =	sld [smem:$0x3FB4];
	_ =	sdelay $0x3  }
0x37: {  	[smem:$0x3FB4] =	sst s10  }
0x38: {  	s10 =	sld [smem:$0x3FB5]  }
0x39: {  	_ = 	snop;
	(pc) =	sbr.ind lr, $3  }
0x3a: {  	_ = 	snop  }
0x3b: {  	_ = 	snop  }
0x3c: {  	p2 =	seq.s32 s10, $0x1;
	s10 =	sld [smem:$0x3FB4]  }
0x3d: {  	_ =	shalt  }
0x3e: {  	_ =	shalt  }
0x3f: {  	_ =	shalt  }
0x40: {  	_ =	shalt  }
0x41: {  	_ =	shalt  }
0x42: {  	_ =	shalt  }
0x43: {  	_ =	shalt  }
0x44: {  	_ =	shalt  }
0x45: {  	_ =	shalt  }
0x46: {  	_ =	shalt  }
0x47: {  	_ =	shalt  }
0x48: {  	_ =	shalt  }
0x49: {  	_ =	shalt  }
0x4a: {  	_ =	shalt  }
0x4b: {  	_ =	shalt  }
0x4c: {  	_ =	shalt  }
0x4d: {  	_ =	shalt  }
0x4e: {  	_ =	shalt  }
0x4f: {  	_ =	shalt  }
0x50: {  	_ =	shalt  }
0x51: {  	_ =	shalt  }
0x52: {  	_ =	shalt  }
0x53: {  	_ =	shalt  }
0x54: {  	_ =	shalt  }
0x55: {  	_ =	shalt  }
0x56: {  	_ =	shalt  }
0x57: {  	_ =	shalt  }
0x58: {  	_ =	shalt  }
0x59: {  	_ =	shalt  }
0x5a: {  	_ =	shalt  }
0x5b: {  	_ =	shalt  }
0x5c: {  	_ =	shalt  }
0x5d: {  	_ =	shalt  }
0x5e: {  	_ =	shalt  }
0x5f: {  	_ =	shalt  }
0x60: {  	_ =	shalt  }
0x61: {  	_ =	shalt  }
0x62: {  	_ =	shalt  }
0x63: {  	_ =	shalt  }
0x64: {  	_ =	shalt  }
0x65: {  	_ =	shalt  }
0x66: {  	_ =	shalt  }
0x67: {  	_ =	shalt  }
0x68: {  	_ =	shalt  }
0x69: {  	_ =	shalt  }
0x6a: {  	_ =	shalt  }
0x6b: {  	_ =	shalt  }
0x6c: {  	_ =	shalt  }
0x6d: {  	_ =	shalt  }
0x6e: {  	_ =	shalt  }
0x6f: {  	_ =	shalt  }
0x70: {  	_ =	shalt  }
0x71: {  	_ =	shalt  }
0x72: {  	_ =	shalt  }
0x73: {  	_ =	shalt  }
0x74: {  	_ =	shalt  }
0x75: {  	_ =	shalt  }
0x76: {  	_ =	shalt  }
0x77: {  	_ =	shalt  }
0x78: {  	_ =	shalt  }
0x79: {  	_ =	shalt  }
0x7a: {  	_ =	shalt  }
0x7b: {  	_ =	shalt  }
0x7c: {  	_ =	shalt  }
0x7d: {  	_ =	shalt  }
0x7e: {  	_ =	shalt  }
0x7f: {  	_ =	shalt  }
0x80: {  	_ =	shalt  }
0x81: {  	_ =	shalt  }
0x82: {  	_ =	shalt  }
0x83: {  	_ =	shalt  }
0x84: {  	_ =	shalt  }
0x85: {  	_ =	shalt  }
0x86: {  	_ =	shalt  }
0x87: {  	_ =	shalt  }
.Lfunc_end0:
.L_simem_size_0:
called_computation.3_lowered:
.L_overlay_start_0:
0x88: {  	s2 =	sld [smem:$0x3FD9]  }
0x89: {  	s3 =	sld [smem:$0x3FFE];
	_ =	sdelay $0x1  }
0x8a: {  	s1 =	srdreg.scid  }
0x8b: {  	s0 =	sand.u32 $0x1, s1  }
0x8c: {  	s17 =	sshll.u32 s0, $0xA;
	s2 =	sadd.s32 s3, s2  }
0x8d: {  	s2 =	sadd.s32 s2, s17  }
0x8e: {  	[smem:$0x3FC0] =	sst s2  }
0x8f: {  	_ = 	snop  }
0x90: {  	s2 =	sld [smem:$0x3FD0];
	(tm) =	ssettm $0x1  }
0x91: {  	s18 =	sld [smem:$0x3FFB];
	_ =	sdelay $0x3  }
0x92: {  	_ =	strace s18  }
0x93: {  	s3 =	sld [smem:$0x3FFC];
	_ =	sdelay $0x3  }
0x94: {  	_ =	strace s3  }
0x95: {  	s3 =	sld [smem:$0x3FFD];
	_ =	sdelay $0x3  }
0x96: {  	_ =	strace s3  }
0x97: {  	_ =	strace $0x8FFFFFFF  }
0x98: {  	s19 =	sld [smem:$0x3FDB];
	_ =	sdelay $0x1  }
0x99: {  	s4 =	simm.s32 $_scs_section_size  }
0x9a: {  	s5 =	simm.s32 $_size__tile_overlayer_lowered;
	s6 =	simm.s32 $_tile_overlayer_lowered  }
0x9b: {  	s22 =	simm.s32 $0x1BFF;
	s21 =	sshll.u32 s6, $0x1;
	s3 =	sadd.s32 s4, s19  }
0x9c: {  	s7 =	simm.s32 $0x0;
	s20 =	sshll.u32 s5, $0x1;
	s5 =	sadd.s32 s21, s3  }
0x9d: {  	[timem:s7], [sflag:s22] =	dma.local [hbm:s5], s20  }
0x9e: {  	_ =	swait.ge [sflag:s22], s20  }
0x9f: {  	s4 =	ssub.s32 $0x0, s20;
	[sflag:s22] =	ssyncset.done $0x0  }
0xa0: {  	[sflag:s22] =	ssyncadd.s32 s4;
	_ =	sdelay $0x1  }
0xa1: {  	s23 =	simm.s32 $0x1B8B  }
0xa2: {  	_ =	swait.ge [sflag:s23], $0x1  }
0xa3: {  	[sflag:s23] =	ssyncset.done $0x0  }
0xa4: {  	s25 =	simm.s32 $0x1B8E;
	s24 =	sld [smem:$0x3FFE];
	[sflag:s23] =	ssyncadd.s32 $0xFFFFFFFF  }
0xa5: {  	s26 =	simm.s32 $execute0_lowered;
	[smem:$0x3FD2] =	sst s25  }
0xa6: {  	s5 =	sshll.u32 s26, $0x1;
	_ =	strace $0x8000004F;
	[dreg:$0x1] =	wrdreg $0xFFFFFFFF  }
0xa7: {  	s28 =	simm.s32 $_size_execute0_lowered;
	s3 =	sadd.s32 s3, s5;
	[dreg:$0x0] =	wrdreg $0x0  }
0xa8: {  	s5 =	sshll.u32 s28, $0x1;
	[dreg:$0x2] =	wrdreg s3  }
0xa9: {  	[dreg:$0x3] =	wrdreg s5  }
0xaa: {  	[dreg:$0x4] =	wrdreg $0xC0  }
0xab: {  	_ =	task [dreg:s7], $0x5FFFF  }
0xac: {  	[dreg:$0x1] =	wrdreg $0xFFFFFFFF  }
0xad: {  	[dreg:$0x0] =	wrdreg $0x60  }
0xae: {  	[dreg:$0x2] =	wrdreg s24  }
0xaf: {  	[dreg:$0x3] =	wrdreg s2  }
0xb0: {  	[dreg:$0x4] =	wrdreg $0x10E200  }
0xb1: {  	[dreg:$0x5] =	wrdreg $0x9  }
0xb2: {  	_ =	task.clear_ibuf [dreg:s7], $0x6FFFF;
	_ =	strace $0x9000004F  }
0xb3: {  	s29 =	simm.s32 $0x9;
	_ =	strace $0x80000051  }
0xb4: {  	_ =	swait.ge [sflag:s29], $0x1  }
0xb5: {  	[sflag:s29] =	ssyncadd.s32 $0xFFFFFFFF  }
0xb6: {  	_ =	strace $0x90000051  }
0xb7: {  	_ =	sfence  }
0xb8: {  	s30 =	sld [smem:$0x0];
	_ =	sdelay $0x2  }
0xb9: {  	s31 =	sshll.u32 s1, $0xD;
	s1 =	sshrl.u32 s1, $0x2  }
0xba: {  	s3 =	sand.u32 $0x4000, s31;
	s1 =	sadd.s32 s1, s30  }
0xbb: {  	s0 =	sor.u32 s3, s0;
	s1 =	sshll.u32 s1, $0x11  }
0xbc: {  	s0 =	sor.u32 s1, s0  }
0xbd: {  	s0 =	sadd.s32 $0x8F2B, s0  }
0xbe: {  	[sflag:s0] =	ssyncadd.remote.s32 $0x1  }
0xbf: {  	_ =	sfence.sel $0xFFFF  }
0xc0: {  	[dreg:$0x0] =	wrdreg $0xFFFFFFFF;
	(pc) =	sbr.abs _section_cstart, $3  }
0xc1: {  	[dreg:$0x1] =	wrdreg $0xFFFFFFFF  }
0xc2: {  	_ =	task.clear_ibuf [dreg:s7], $0x2FFFF;
	_ =	strace $0x9FFFFFFF  }
0xc3: {  	(tm) =	ssettm $0x7FFFFFFF  }
tec
execute0_lowered:
.L_overlay_start_1:
0x0: {  	(tag) =	ssettag $0x1  }
0x1: {  	s0 =	rddreg [dreg:$0x0]  }
0x2: {  	s1 =	rddreg [dreg:$0x1]  }
0x3: {  	s2 =	rddreg [dreg:$0x2]  }
0x4: {  	s3 =	simm.s32 $0x0;
	s11 =	stileid.u32;
	s4 =	srdreg.scid  }
0x5: {  	s12 =	simm.s32 $0xD;
	s14 =	simm.s32 $0x80;
	s15 =	simm.s32 $0x4E20  }
0x6: {  	s16 =	simm.s32 $0x6E20;
	s18 =	simm.s32 $0x8E20;
	s20 =	simm.s32 $0xAE20  }
0x7: {  	s22 =	simm.s32 $0xCE20;
	s28 =	simm.s32 $0x3;
	s29 =	simm.s32 $0x4  }
0x8: {  	s30 =	simm.s32 $0x5;
	s31 =	simm.s32 $0x6;
	s13 =	simm.s32 $0x9  }
0x9: {  	s17 =	simm.s32 $0xA;
	s19 =	simm.s32 $0xB;
	s21 =	simm.s32 $0xC  }
0xa: {  	[smem:$0x7FF] =	sst s3;
	s5 =	smul.u32 $0xFA00, s11;
	s6 =	sand.u32 $0x1, s4  }
0xb: {  	s4 =	sadd.s32 $0x3200, s0;
	p0 =	sgt.u32 s11, $0x9;
	_ =	strace $0x80000050  }
0xc: {  	s7 =	smul.u32 $0x9C400, s6;
	s8 =	sshll.u32 s6, $0x4;
	s6 =	ssub.s32 $0x2, s6  }
0xd: {  	s9 =	sshrl.u32 s5, $0x3;
	s8 =	sor.u32 s11, s8;
	s10 =	sshrl.u32 s6, $0x1  }
0xe: {  	s7 =	sadd.s32 s5, s7;
	s8 =	smul.u32 $0x2710, s8;
	s9 =	sadd.s32 s9, s0  }
0xf: {  	s6 =	ssub.s32 s6, s10;
	s7 =	sshrl.u32 s7, $0x3;
	s24 =	sadd.s32 $0x16C00, s9  }
0x10: {  	s26 =	smax.u32 s6, $0x1;
	s6 =	simm.s32 $0x0;
	s0 =	sadd.s32 s7, s0  }
0x11: {  	s23 =	sshrl.u32 s8, $0x3;
	s8 =	sadd.s32 s5, s2;
	[dreg:$0x4] =	wrdreg s24  }
0x12: {  	[dreg:$0x7] =	wrdreg s26;
	s24 =	simm.s32 $0xEE20;
	s26 =	simm.s32 $0x2  }
0x13: {  	s5 =	sadd.s32 s1, s23;
	s1 =	sshll.u32 @!p0 s11, $0x6;
	s0 =	sadd.s32 $0x2A600, s0  }
0x14: {  	s11 =	sshrl.u32 @!p0 s8, $0x3;
	s23 =	simm.s32 $0x10;
	s25 =	sadd.s32 $0x9C40, s5  }
0x15: {  	[dreg:$0x6] =	wrdreg s0;
	s10 =	sor.u32 @!p0 $0x1C0D, s1;
	s0 =	simm.s32 $0x7  }
0x16: {  	s1 =	simm.s32 $0x8;
	[dreg:$0x5] =	wrdreg s25;
	s25 =	simm.s32 $0x1  }
.LBB2_1:
0x17: {  	s7 =	rddreg [dreg:$0x4]  }
0x18: {  	[spmem:s11], [sflag:s10] =	dma.local @!p0 [hbm:s7], $0x1F40  }
0x19: {  	s7 =	simm.s32 @!p0 $0xD  }
0x1a: {  	_ =	swait.ge @!p0 [sflag:s7], $0x1F40  }
0x1b: {  	[sflag:s7] =	ssyncset.done @!p0 $0x0  }
0x1c: {  	[sflag:s7] =	ssyncadd.s32 @!p0 $0xFFFFE0C0  }
0x1d: {  	[tilespmem:s3], [sflag:$0xD] =	stream.linear.gather [hbm4b:s5+s3], $0x2710, $0x38;
	[tilespmem:$0x1AA60] =	vst v63  }
0x1e: {  	_ =	swait.ge [sflag:s12], $0x2710  }
0x1f: {  	[sflag:s12] =	ssyncset.done $0x0  }
0x20: {  	s8 =	simm.s32 $0x2710;
	s9 =	rddreg [dreg:$0x5];
	[sflag:s12] =	ssyncadd.s32 $0xFFFFD8F0  }
0x21: {  	[tilespmem:s8], [sflag:$0xD] =	stream.linear.gather [hbm4b:s9+s3], $0x2710, $0x38;
	[tilespmem:$0x1AA60] =	vst v63  }
0x22: {  	_ =	swait.ge [sflag:s12], $0x2710  }
0x23: {  	[sflag:s12] =	ssyncset.done $0x0  }
0x24: {  	[sflag:s12] =	ssyncadd.s32 $0xFFFFD8F0  }
0x25: {  	[bflag:$0x0] =	sbarrier.arrive $0xFFFF  }
0x26: {  	[tilespmem:s15], [sflag:$0x1] =	stream.indirect.gather [hbm4b:s4+s14], $0x40, s3, s14, $0xb8;
	[tilespmem:$0x1AA60] =	vst v63  }
0x27: {  	_ = 	snop  }
0x28: {  	[tilespmem:s16], [sflag:$0x2] =	stream.indirect.gather [hbm4b:s4+s14], $0x40, s14, s14, $0xb8;
	[tilespmem:$0x1AA60] =	vst v63  }
0x29: {  	s9 =	simm.s32 $0x100  }
0x2a: {  	[tilespmem:s18], [sflag:$0x3] =	stream.indirect.gather [hbm4b:s4+s14], $0x40, s9, s14, $0xb8;
	[tilespmem:$0x1AA60] =	vst v63  }
0x2b: {  	s8 =	simm.s32 $0x180  }
0x2c: {  	[tilespmem:s20], [sflag:$0x4] =	stream.indirect.gather [hbm4b:s4+s14], $0x40, s8, s14, $0xb8;
	[tilespmem:$0x1AA60] =	vst v63  }
0x2d: {  	s9 =	simm.s32 $0x200  }
0x2e: {  	[tilespmem:s22], [sflag:$0x5] =	stream.indirect.gather [hbm4b:s4+s14], $0x40, s9, s14, $0xb8;
	[tilespmem:$0x1AA60] =	vst v63  }
0x2f: {  	s8 =	simm.s32 $0x280  }
0x30: {  	[tilespmem:s24], [sflag:$0x6] =	stream.indirect.gather [hbm4b:s4+s14], $0x40, s8, s14, $0xb8;
	[tilespmem:$0x1AA60] =	vst v63  }
0x31: {  	_ =	swait.ge [sflag:s25], $0x2000  }
0x32: {  	[sflag:s25] =	ssyncset.done $0x0  }
0x33: {  	s9 =	simm.s32 $0x2710;
	[sflag:s25] =	ssyncadd.s32 $0xFFFFE000  }
0x34: {  	[spmem:s2] =	stream.indirect.scatter.add.f32 [tilespmem:s15], [sflag:$0x7], $0x40, s9, s14, $0xb8;
	[tilespmem:$0x1AA60] =	vst v63  }
0x35: {  	_ =	swait.ge [sflag:s26], $0x2000  }
0x36: {  	[sflag:s26] =	ssyncset.done $0x0  }
0x37: {  	s8 =	simm.s32 $0x2790;
	[sflag:s26] =	ssyncadd.s32 $0xFFFFE000  }
0x38: {  	[spmem:s2] =	stream.indirect.scatter.add.f32 [tilespmem:s16], [sflag:$0x8], $0x40, s8, s14, $0xb8;
	[tilespmem:$0x1AA60] =	vst v63  }
0x39: {  	_ =	swait.ge [sflag:s28], $0x2000  }
0x3a: {  	[sflag:s28] =	ssyncset.done $0x0  }
0x3b: {  	s9 =	simm.s32 $0x2810;
	[sflag:s28] =	ssyncadd.s32 $0xFFFFE000  }
0x3c: {  	[spmem:s2] =	stream.indirect.scatter.add.f32 [tilespmem:s18], [sflag:$0x9], $0x40, s9, s14, $0xb8;
	[tilespmem:$0x1AA60] =	vst v63  }
0x3d: {  	_ =	swait.ge [sflag:s29], $0x2000  }
0x3e: {  	[sflag:s29] =	ssyncset.done $0x0  }
0x3f: {  	s8 =	simm.s32 $0x2890;
	[sflag:s29] =	ssyncadd.s32 $0xFFFFE000  }
0x40: {  	[spmem:s2] =	stream.indirect.scatter.add.f32 [tilespmem:s20], [sflag:$0xA], $0x40, s8, s14, $0xb8;
	[tilespmem:$0x1AA60] =	vst v63  }
0x41: {  	_ =	swait.ge [sflag:s30], $0x2000  }
0x42: {  	[sflag:s30] =	ssyncset.done $0x0  }
0x43: {  	s9 =	simm.s32 $0x2910;
	[sflag:s30] =	ssyncadd.s32 $0xFFFFE000  }
0x44: {  	[spmem:s2] =	stream.indirect.scatter.add.f32 [tilespmem:s22], [sflag:$0xB], $0x40, s9, s14, $0xb8;
	[tilespmem:$0x1AA60] =	vst v63  }
0x45: {  	_ =	swait.ge [sflag:s31], $0x2000  }
0x46: {  	[sflag:s31] =	ssyncset.done $0x0  }
0x47: {  	s8 =	simm.s32 $0x2990;
	[sflag:s31] =	ssyncadd.s32 $0xFFFFE000  }
0x48: {  	[spmem:s2] =	stream.indirect.scatter.add.f32 [tilespmem:s24], [sflag:$0xC], $0x40, s8, s14, $0xb8;
	[tilespmem:$0x1AA60] =	vst v63  }
0x49: {  	_ =	swait.ge [sflag:s0], $0x2000  }
0x4a: {  	[sflag:s0] =	ssyncset.done $0x0  }
0x4b: {  	s9 =	simm.s32 $0x300;
	[sflag:s0] =	ssyncadd.s32 $0xFFFFE000  }
0x4c: {  	[tilespmem:s15], [sflag:$0x1] =	stream.indirect.gather [hbm4b:s4+s14], $0x40, s9, s14, $0xb8;
	[tilespmem:$0x1AA60] =	vst v63  }
0x4d: {  	_ =	swait.ge [sflag:s1], $0x2000  }
0x4e: {  	[sflag:s1] =	ssyncset.done $0x0  }
0x4f: {  	s8 =	simm.s32 $0x380;
	[sflag:s1] =	ssyncadd.s32 $0xFFFFE000  }
0x50: {  	[tilespmem:s16], [sflag:$0x2] =	stream.indirect.gather [hbm4b:s4+s14], $0x40, s8, s14, $0xb8;
	[tilespmem:$0x1AA60] =	vst v63  }
0x51: {  	_ =	swait.ge [sflag:s13], $0x2000  }
0x52: {  	[sflag:s13] =	ssyncset.done $0x0  }
0x53: {  	s9 =	simm.s32 $0x400;
	[sflag:s13] =	ssyncadd.s32 $0xFFFFE000  }
0x54: {  	[tilespmem:s18], [sflag:$0x3] =	stream.indirect.gather [hbm4b:s4+s14], $0x40, s9, s14, $0xb8;
	[tilespmem:$0x1AA60] =	vst v63  }
0x55: {  	_ =	swait.ge [sflag:s17], $0x2000  }
0x56: {  	[sflag:s17] =	ssyncset.done $0x0  }
0x57: {  	s8 =	simm.s32 $0x480;
	[sflag:s17] =	ssyncadd.s32 $0xFFFFE000  }
0x58: {  	[tilespmem:s20], [sflag:$0x4] =	stream.indirect.gather [hbm4b:s4+s14], $0x40, s8, s14, $0xb8;
	[tilespmem:$0x1AA60] =	vst v63  }
0x59: {  	_ =	swait.ge [sflag:s19], $0x2000  }
0x5a: {  	[sflag:s19] =	ssyncset.done $0x0  }
0x5b: {  	s9 =	simm.s32 $0x500;
	[sflag:s19] =	ssyncadd.s32 $0xFFFFE000  }
0x5c: {  	[tilespmem:s22], [sflag:$0x5] =	stream.indirect.gather [hbm4b:s4+s14], $0x40, s9, s14, $0xb8;
	[tilespmem:$0x1AA60] =	vst v63  }
0x5d: {  	_ =	swait.ge [sflag:s21], $0x2000  }
0x5e: {  	[sflag:s21] =	ssyncset.done $0x0  }
0x5f: {  	s7 =	simm.s32 $0xC00;
	s8 =	simm.s32 $0x580;
	[sflag:s21] =	ssyncadd.s32 $0xFFFFE000  }
.LBB2_2:
0x60: {  	[tilespmem:s24], [sflag:$0x6] =	stream.indirect.gather [hbm4b:s4+s14], $0x40, s8, s14, $0xb8;
	[tilespmem:$0x1AA60] =	vst v63  }
0x61: {  	s8 =	smov.u32 s7  }
0x62: {  	p1 =	sne.s32 s7, $0x8400;
	s7 =	sadd.s32 $0xC00, s7;
	_ =	swait.ge [sflag:s25], $0x2000  }
0x63: {  	s8 =	sshra.s32 s8, $0x2;
	[sflag:s25] =	ssyncset.done $0x0  }
0x64: {  	s9 =	sadd.s32 $0x2710, s8;
	[sflag:s25] =	ssyncadd.s32 $0xFFFFE000  }
0x65: {  	[spmem:s2] =	stream.indirect.scatter.add.f32 [tilespmem:s15], [sflag:$0x7], $0x40, s9, s14, $0xb8;
	[tilespmem:$0x1AA60] =	vst v63  }
0x66: {  	_ =	swait.ge [sflag:s26], $0x2000  }
0x67: {  	[sflag:s26] =	ssyncset.done $0x0  }
0x68: {  	s9 =	sadd.s32 $0x2790, s8;
	[sflag:s26] =	ssyncadd.s32 $0xFFFFE000  }
0x69: {  	[spmem:s2] =	stream.indirect.scatter.add.f32 [tilespmem:s16], [sflag:$0x8], $0x40, s9, s14, $0xb8;
	[tilespmem:$0x1AA60] =	vst v63  }
0x6a: {  	_ =	swait.ge [sflag:s28], $0x2000  }
0x6b: {  	[sflag:s28] =	ssyncset.done $0x0  }
0x6c: {  	s9 =	sadd.s32 $0x2810, s8;
	[sflag:s28] =	ssyncadd.s32 $0xFFFFE000  }
0x6d: {  	[spmem:s2] =	stream.indirect.scatter.add.f32 [tilespmem:s18], [sflag:$0x9], $0x40, s9, s14, $0xb8;
	[tilespmem:$0x1AA60] =	vst v63  }
0x6e: {  	_ =	swait.ge [sflag:s29], $0x2000  }
0x6f: {  	[sflag:s29] =	ssyncset.done $0x0  }
0x70: {  	s9 =	sadd.s32 $0x2890, s8;
	[sflag:s29] =	ssyncadd.s32 $0xFFFFE000  }
0x71: {  	[spmem:s2] =	stream.indirect.scatter.add.f32 [tilespmem:s20], [sflag:$0xA], $0x40, s9, s14, $0xb8;
	[tilespmem:$0x1AA60] =	vst v63  }
0x72: {  	_ =	swait.ge [sflag:s30], $0x2000  }
0x73: {  	[sflag:s30] =	ssyncset.done $0x0  }
0x74: {  	s9 =	sadd.s32 $0x2910, s8;
	[sflag:s30] =	ssyncadd.s32 $0xFFFFE000  }
0x75: {  	[spmem:s2] =	stream.indirect.scatter.add.f32 [tilespmem:s22], [sflag:$0xB], $0x40, s9, s14, $0xb8;
	[tilespmem:$0x1AA60] =	vst v63  }
0x76: {  	_ =	swait.ge [sflag:s31], $0x2000  }
0x77: {  	[sflag:s31] =	ssyncset.done $0x0  }
0x78: {  	s9 =	sadd.s32 $0x2990, s8;
	[sflag:s31] =	ssyncadd.s32 $0xFFFFE000  }
0x79: {  	[spmem:s2] =	stream.indirect.scatter.add.f32 [tilespmem:s24], [sflag:$0xC], $0x40, s9, s14, $0xb8;
	[tilespmem:$0x1AA60] =	vst v63  }
0x7a: {  	_ =	swait.ge [sflag:s0], $0x2000  }
0x7b: {  	[sflag:s0] =	ssyncset.done $0x0  }
0x7c: {  	s9 =	sadd.s32 $0x300, s8;
	[sflag:s0] =	ssyncadd.s32 $0xFFFFE000  }
0x7d: {  	[tilespmem:s15], [sflag:$0x1] =	stream.indirect.gather [hbm4b:s4+s14], $0x40, s9, s14, $0xb8;
	[tilespmem:$0x1AA60] =	vst v63  }
0x7e: {  	_ =	swait.ge [sflag:s1], $0x2000  }
0x7f: {  	[sflag:s1] =	ssyncset.done $0x0  }
0x80: {  	s9 =	sadd.s32 $0x380, s8;
	[sflag:s1] =	ssyncadd.s32 $0xFFFFE000  }
0x81: {  	[tilespmem:s16], [sflag:$0x2] =	stream.indirect.gather [hbm4b:s4+s14], $0x40, s9, s14, $0xb8;
	[tilespmem:$0x1AA60] =	vst v63  }
0x82: {  	_ =	swait.ge [sflag:s13], $0x2000  }
0x83: {  	[sflag:s13] =	ssyncset.done $0x0  }
0x84: {  	s9 =	sadd.s32 $0x400, s8;
	[sflag:s13] =	ssyncadd.s32 $0xFFFFE000  }
0x85: {  	[tilespmem:s18], [sflag:$0x3] =	stream.indirect.gather [hbm4b:s4+s14], $0x40, s9, s14, $0xb8;
	[tilespmem:$0x1AA60] =	vst v63  }
0x86: {  	_ =	swait.ge [sflag:s17], $0x2000  }
0x87: {  	[sflag:s17] =	ssyncset.done $0x0  }
0x88: {  	s9 =	sadd.s32 $0x480, s8;
	[sflag:s17] =	ssyncadd.s32 $0xFFFFE000  }
0x89: {  	[tilespmem:s20], [sflag:$0x4] =	stream.indirect.gather [hbm4b:s4+s14], $0x40, s9, s14, $0xb8;
	[tilespmem:$0x1AA60] =	vst v63  }
0x8a: {  	_ =	swait.ge [sflag:s19], $0x2000  }
0x8b: {  	[sflag:s19] =	ssyncset.done $0x0  }
.Ltmp0:
0x8c: {  	s9 =	sadd.s32 $0x500, s8;
	[sflag:s19] =	ssyncadd.s32 $0xFFFFE000;
	(pc) =	sbr.rel @p1 .LBB2_2-.Ltmp0, $4  }
0x8d: {  	[tilespmem:s22], [sflag:$0x5] =	stream.indirect.gather [hbm4b:s4+s14], $0x40, s9, s14, $0xb8;
	[tilespmem:$0x1AA60] =	vst v63  }
0x8e: {  	_ =	swait.ge [sflag:s21], $0x2000  }
0x8f: {  	[sflag:s21] =	ssyncset.done $0x0  }
0x90: {  	s8 =	sadd.s32 $0x580, s8;
	[sflag:s21] =	ssyncadd.s32 $0xFFFFE000  }
0x91: {  	[tilespmem:s24], [sflag:$0x6] =	stream.indirect.gather [hbm4b:s4+s14], $0x40, s8, s14, $0xb8;
	[tilespmem:$0x1AA60] =	vst v63  }
0x92: {  	_ =	swait.ge [sflag:s25], $0x2000  }
0x93: {  	[sflag:s25] =	ssyncset.done $0x0  }
0x94: {  	s7 =	simm.s32 $0x4B10;
	[sflag:s25] =	ssyncadd.s32 $0xFFFFE000  }
0x95: {  	[spmem:s2] =	stream.indirect.scatter.add.f32 [tilespmem:s15], [sflag:$0x7], $0x40, s7, s14, $0xb8;
	[tilespmem:$0x1AA60] =	vst v63  }
0x96: {  	_ =	swait.ge [sflag:s26], $0x2000  }
0x97: {  	[sflag:s26] =	ssyncset.done $0x0  }
0x98: {  	s8 =	simm.s32 $0x4B90;
	[sflag:s26] =	ssyncadd.s32 $0xFFFFE000  }
0x99: {  	[spmem:s2] =	stream.indirect.scatter.add.f32 [tilespmem:s16], [sflag:$0x8], $0x40, s8, s14, $0xb8;
	[tilespmem:$0x1AA60] =	vst v63  }
0x9a: {  	_ =	swait.ge [sflag:s28], $0x2000  }
0x9b: {  	[sflag:s28] =	ssyncset.done $0x0  }
0x9c: {  	s9 =	simm.s32 $0x4C10;
	[sflag:s28] =	ssyncadd.s32 $0xFFFFE000  }
0x9d: {  	[spmem:s2] =	stream.indirect.scatter.add.f32 [tilespmem:s18], [sflag:$0x9], $0x40, s9, s14, $0xb8;
	[tilespmem:$0x1AA60] =	vst v63  }
0x9e: {  	_ =	swait.ge [sflag:s29], $0x2000  }
0x9f: {  	[sflag:s29] =	ssyncset.done $0x0  }
0xa0: {  	s8 =	simm.s32 $0x4C90;
	[sflag:s29] =	ssyncadd.s32 $0xFFFFE000  }
0xa1: {  	[spmem:s2] =	stream.indirect.scatter.add.f32 [tilespmem:s20], [sflag:$0xA], $0x40, s8, s14, $0xb8;
	[tilespmem:$0x1AA60] =	vst v63  }
0xa2: {  	_ =	swait.ge [sflag:s30], $0x2000  }
0xa3: {  	[sflag:s30] =	ssyncset.done $0x0  }
0xa4: {  	s9 =	simm.s32 $0x4D10;
	[sflag:s30] =	ssyncadd.s32 $0xFFFFE000  }
0xa5: {  	[spmem:s2] =	stream.indirect.scatter.add.f32 [tilespmem:s22], [sflag:$0xB], $0x40, s9, s14, $0xb8;
	[tilespmem:$0x1AA60] =	vst v63  }
0xa6: {  	_ =	swait.ge [sflag:s31], $0x2000  }
0xa7: {  	[sflag:s31] =	ssyncset.done $0x0  }
0xa8: {  	s8 =	simm.s32 $0x4D90;
	[sflag:s31] =	ssyncadd.s32 $0xFFFFE000  }
0xa9: {  	[spmem:s2] =	stream.indirect.scatter.add.f32 [tilespmem:s24], [sflag:$0xC], $0x40, s8, s14, $0xb8;
	[tilespmem:$0x1AA60] =	vst v63  }
0xaa: {  	_ =	swait.ge [sflag:s0], $0x2000  }
0xab: {  	[sflag:s0] =	ssyncset.done $0x0  }
0xac: {  	[sflag:s0] =	ssyncadd.s32 $0xFFFFE000  }
0xad: {  	_ =	swait.ge [sflag:s1], $0x2000  }
0xae: {  	[sflag:s1] =	ssyncset.done $0x0  }
0xaf: {  	[sflag:s1] =	ssyncadd.s32 $0xFFFFE000  }
0xb0: {  	_ =	swait.ge [sflag:s13], $0x2000  }
0xb1: {  	[sflag:s13] =	ssyncset.done $0x0  }
0xb2: {  	[sflag:s13] =	ssyncadd.s32 $0xFFFFE000  }
0xb3: {  	_ =	swait.ge [sflag:s17], $0x2000  }
0xb4: {  	[sflag:s17] =	ssyncset.done $0x0  }
0xb5: {  	[sflag:s17] =	ssyncadd.s32 $0xFFFFE000  }
0xb6: {  	_ =	swait.ge [sflag:s19], $0x2000  }
0xb7: {  	[sflag:s19] =	ssyncset.done $0x0  }
0xb8: {  	[sflag:s19] =	ssyncadd.s32 $0xFFFFE000  }
0xb9: {  	_ =	swait.ge [sflag:s21], $0x2000  }
0xba: {  	[sflag:s21] =	ssyncset.done $0x0  }
0xbb: {  	s9 =	simm.s32 $0x2700;
	[sflag:s21] =	ssyncadd.s32 $0xFFFFE000  }
0xbc: {  	[tilespmem:s15], [sflag:$0x1] =	stream.indirect.gather [hbm4b:s4+s23], $0x40, s9, s23, $0xb8;
	[tilespmem:$0x1AA60] =	vst v63  }
0xbd: {  	_ =	swait.ge [sflag:s25], $0x400  }
0xbe: {  	[sflag:s25] =	ssyncset.done $0x0  }
0xbf: {  	s8 =	simm.s32 $0x4E10;
	[sflag:s25] =	ssyncadd.s32 $0xFFFFFC00  }
0xc0: {  	[spmem:s2] =	stream.indirect.scatter.add.f32 [tilespmem:s15], [sflag:$0x7], $0x40, s8, s23, $0xb8;
	[tilespmem:$0x1AA60] =	vst v63  }
0xc1: {  	_ =	swait.ge [sflag:s0], $0x400  }
0xc2: {  	[sflag:s0] =	ssyncset.done $0x0  }
0xc3: {  	[sflag:s0] =	ssyncadd.s32 $0xFFFFFC00  }
0xc4: {  	[bflag:$0x0] =	sbarrier.arrive $0xFFFF  }
0xc5: {  	s7 =	rddreg [dreg:$0x6]  }
0xc6: {  	[hbm:s7], [sflag:s10] =	dma.local @!p0 [spmem:s11], $0x1F40  }
0xc7: {  	s7 =	simm.s32 @!p0 $0xD  }
0xc8: {  	_ =	swait.ge @!p0 [sflag:s7], $0x1F40  }
0xc9: {  	s6 =	sadd.s32 $0x1, s6;
	s9 =	rddreg [dreg:$0x7]  }
0xca: {  	p1 =	sne.s32 s6, s9  }
.Ltmp1:
0xcb: {  	_ = 	snop;
	(pc) =	sbr.rel @p1 .LBB2_1-.Ltmp1, $3  }
0xcc: {  	_ =	sdelay $0x1  }
0xcd: {  	[sflag:s7] =	ssyncset.done @!p0 $0x0  }
0xce: {  	[sflag:s7] =	ssyncadd.s32 @!p0 $0xFFFFE0C0  }
0xcf: {  	_ =	sfence.sel $0x180000  }
0xd0: {  	[bflag:$0x0] =	sbarrier.arrive $0xFFFF  }
0xd1: {  	_ =	strace $0x90000050  }
0xd2: {  	s0 =	stileid.u32;
	[bflag:$0x2] =	sbarrier.arrive $0xFFFF  }
0xd3: {  	p0 =	sne.s32 s0, $0x0;
	s0 =	rddreg [dreg:$0x3]  }
0xd4: {  	s0 =	sadd.s32 @!p0 $0x100000, s0  }
0xd5: {  	[sflag:s0] =	ssyncadd.tile.s32 @!p0 $0x1;
	_ =	shalt  }
.Lfunc_end2:
_tile_overlayer_lowered:
.L_overlay_start_2:
0xd6: {  	(tag) =	ssettag $0x2  }
0xd7: {  	s0 =	rddreg [dreg:$0x0];
	s2 =	stileid.u32  }
0xd8: {  	s1 =	rddreg [dreg:$0x1];
	p0 =	sne.s32 s2, $0x0  }
0xd9: {  	s3 =	rddreg [dreg:$0x2];
	[bflag:$0x3] =	sbarrier.arrive $0xFFFF;
	s2 =	simm.s32 @!p0 $0x1C0D  }
0xda: {  	[timem:s3], [sflag:s2] =	dma.local @!p0 [hbm:s0], s1  }
0xdb: {  	s0 =	simm.s32 @!p0 $0xD  }
0xdc: {  	_ =	swait.ge @!p0 [sflag:s0], s1  }
0xdd: {  	s1 =	ssub.s32 @!p0 $0x0, s1;
	[sflag:s0] =	ssyncset.done @!p0 $0x0  }
0xde: {  	[sflag:s0] =	ssyncadd.s32 @!p0 s1  }
0xdf: {  	[bflag:$0x3] =	sbarrier.arrive $0xFFFF  }
0xe0: {  	_ =	shalt  }

</sc_bundles>
